<compile_context>
chip_gen: v7x
topology: tpu7x:2x2x1
jax: 0.10.2.dev20260603
libtpu: 0.0.44.dev20260713+nightly
codegen_flags: <defaults>
</compile_context>

<pallas_src>
import functools

import jax
import jax.numpy as jnp
from jax import lax
from jax.experimental import pallas as pl
from jax.experimental.pallas import tpu as pltpu
from jax.experimental.pallas import tpu_sc as plsc

N = 10000
K = 16
NB = 8
NCLS = 40

NPAD = 10240
QA = 512
NA = NPAD // QA
W = 256
MAXW = NPAD
QC = 512
NCHUNK = NPAD // QC

NWORK = 32
SC_CW = 128
SC_CH = (K * NPAD) // (NWORK * SC_CW)

BIG = 1e30
BIGI = 2**30


def _knn_body(lo_ref, nt_ref, st_ref, posT_ref, posp_ref, batq_ref,
              nn_ref, d_ref):
    c = pl.program_id(0)
    qx = posT_ref[0:1, pl.ds(c * QA, QA)]
    qy = posT_ref[1:2, pl.ds(c * QA, QA)]
    qz = posT_ref[2:3, pl.ds(c * QA, QA)]
    qb = posT_ref[3:4, pl.ds(c * QA, QA)]
    ri = lax.broadcasted_iota(jnp.int32, (1, QA), 1) + c * QA
    sub = lax.broadcasted_iota(jnp.int32, (W, 1), 0)
    lo_t = lo_ref[c]
    nt = nt_ref[c]

    def fill(t, carry):
        off = pl.multiple_of(t * W, W)
        gb = pl.multiple_of((lo_t + t) * W, W)
        cx = posp_ref[pl.ds(gb, W), 0:1]
        cy = posp_ref[pl.ds(gb, W), 1:2]
        cz = posp_ref[pl.ds(gb, W), 2:3]
        cb = batq_ref[pl.ds(gb, W), 0:1]
        d = (cx - qx) ** 2 + (cy - qy) ** 2 + (cz - qz) ** 2
        bad = (cb != qb) | ((gb + sub) == ri)
        d_ref[pl.ds(off, W), :] = jnp.where(bad, BIG, d)
        return carry

    lax.fori_loop(0, nt, fill, 0)

    s = jnp.zeros((1, QA), jnp.int32)
    e = jnp.zeros((1, QA), jnp.int32)
    for u in range(NB + 1):
        sel = qb == jnp.float32(u)
        s = jnp.where(sel, st_ref[u], s)
        e = jnp.where(sel, st_ref[u + 1], e)
    v = e - s - 1

    def scan(th, jp):
        def body(t, carry):
            m, j = carry
            off = pl.multiple_of(t * W, W)
            gb = pl.multiple_of((lo_t + t) * W, W)
            gcol = gb + sub
            d = d_ref[pl.ds(off, W), :]
            done = (d < th) | ((d == th) & (gcol <= jp))
            dm = jnp.where(done, BIG, d)
            tmin = jnp.min(dm, axis=0, keepdims=True)
            targ = jnp.min(jnp.where(dm == tmin, gcol, BIGI), axis=0,
                           keepdims=True)
            upd = (tmin < m) | ((tmin == m) & (targ < j))
            return jnp.where(upd, tmin, m), jnp.where(upd, targ, j)
        return lax.fori_loop(0, nt, body,
                             (jnp.full((1, QA), BIG),
                              jnp.full((1, QA), BIGI, jnp.int32)))

    rows = []
    th = jnp.full((1, QA), -1.0)
    jp = jnp.full((1, QA), BIGI, jnp.int32)
    for k in range(K):
        th, jp = scan(th, jp)
        mk = k - v
        fb = jnp.where(mk < s, mk, jnp.where(mk == s, ri, e + mk - s - 1))
        rows.append(jnp.where(k < v, jp, fb))
    nn_ref[...] = jnp.concatenate(rows, axis=0)


def _knn_call(lo_t, nt, starts, posT, posp, batqf):
    grid_spec = pltpu.PrefetchScalarGridSpec(
        num_scalar_prefetch=3,
        grid=(NA,),
        in_specs=[
            pl.BlockSpec((8, NPAD), lambda c, *_: (0, 0)),
            pl.BlockSpec((NPAD, 3), lambda c, *_: (0, 0)),
            pl.BlockSpec((NPAD, 1), lambda c, *_: (0, 0)),
        ],
        out_specs=pl.BlockSpec((K, QA), lambda c, *_: (0, c)),
        scratch_shapes=[pltpu.VMEM((MAXW, QA), jnp.float32)],
    )
    return pl.pallas_call(
        _knn_body,
        grid_spec=grid_spec,
        out_shape=jax.ShapeDtypeStruct((K, NPAD), jnp.int32),
        compiler_params=pltpu.CompilerParams(
            dimension_semantics=("arbitrary",)),
    )(lo_t, nt, starts, posT, posp, batqf)


def _prep_body(posq_ref, nq_ref, w1a_ref, a1_ref, b1_ref):
    b1 = jnp.zeros((QC, 32), jnp.float32)
    a1 = jnp.zeros((QC, 32), jnp.float32)
    for cc in range(3):
        b1 = b1 + posq_ref[:, cc:cc + 1] * w1a_ref[3 + cc:4 + cc, :]
        a1 = a1 + nq_ref[:, cc:cc + 1] * w1a_ref[cc:cc + 1, :]
    b1_ref[...] = b1
    a1_ref[...] = a1 + b1


def _prep_call(posp, norp, w1a):
    return pl.pallas_call(
        _prep_body,
        grid=(NCHUNK,),
        in_specs=[
            pl.BlockSpec((QC, 3), lambda c: (c, 0)),
            pl.BlockSpec((QC, 3), lambda c: (c, 0)),
            pl.BlockSpec((6, 32), lambda c: (0, 0)),
        ],
        out_specs=[
            pl.BlockSpec((QC, 32), lambda c: (c, 0)),
            pl.BlockSpec((QC, 32), lambda c: (c, 0)),
        ],
        out_shape=[
            jax.ShapeDtypeStruct((NPAD, 32), jnp.float32),
            jax.ShapeDtypeStruct((NPAD, 32), jnp.float32),
        ],
        compiler_params=pltpu.CompilerParams(
            dimension_semantics=("arbitrary",)),
    )(posp, norp, w1a)


def _sc_gather(table, idx3):
    mesh = plsc.VectorSubcoreMesh(core_axis_name="c", subcore_axis_name="s")

    @functools.partial(
        pl.kernel,
        mesh=mesh,
        compiler_params=pltpu.CompilerParams(use_tc_tiling_on_sc=False),
        out_type=jax.ShapeDtypeStruct((NWORK * SC_CH * SC_CW, 32),
                                      jnp.float32),
        scratch_types=[
            pltpu.VMEM((SC_CH, SC_CW), jnp.int32),
            pltpu.VMEM((SC_CW, 32), jnp.float32),
            pltpu.VMEM((SC_CW, 32), jnp.float32),
            pltpu.SemaphoreType.DMA,
            pltpu.SemaphoreType.DMA,
        ],
    )
    def gath(table_hbm, idx_hbm, out_hbm, idx_v, rows_a, rows_b, sa, sb):
        wid = lax.axis_index("s") * 2 + lax.axis_index("c")
        pltpu.sync_copy(idx_hbm.at[wid], idx_v)
        base = wid * (SC_CH * SC_CW)

        pltpu.async_copy(table_hbm.at[idx_v.at[0]], rows_a, sa)

        def step(i, carry):
            ja = 2 * i
            pltpu.make_async_copy(table_hbm.at[idx_v.at[ja]], rows_a,
                                  sa).wait()
            pltpu.async_copy(table_hbm.at[idx_v.at[ja + 1]], rows_b, sb)
            pltpu.sync_copy(rows_a,
                            out_hbm.at[pl.ds(base + ja * SC_CW, SC_CW)])
            pltpu.make_async_copy(table_hbm.at[idx_v.at[ja + 1]], rows_b,
                                  sb).wait()

            @pl.when(ja + 2 < SC_CH)
            def _():
                pltpu.async_copy(table_hbm.at[idx_v.at[ja + 2]], rows_a, sa)

            pltpu.sync_copy(rows_b,
                            out_hbm.at[pl.ds(base + (ja + 1) * SC_CW, SC_CW)])
            return carry

        lax.fori_loop(0, SC_CH // 2, step, 0)

    return gath(table, idx3)


def _conv1_body(g1_ref, b1v_ref, posq_ref, w1b_ref, b1a_ref, b1b_ref,
                w2ax_ref, w2ap_ref, a2_ref, b2_ref):
    b1 = b1v_ref[...]
    acc = jnp.full((QC, 32), -BIG)
    for k in range(K):
        h = jnp.maximum(g1_ref[k] - b1 + b1a_ref[...], 0.0)
        z = jnp.dot(h, w1b_ref[...], preferred_element_type=jnp.float32)
        acc = jnp.maximum(acc, z)
    x1 = jnp.maximum(acc + b1b_ref[...], 0.0)
    b2 = jnp.zeros((QC, 32), jnp.float32)
    for cc in range(3):
        b2 = b2 + posq_ref[:, cc:cc + 1] * w2ap_ref[cc:cc + 1, :]
    a2_ref[...] = jnp.dot(x1, w2ax_ref[...],
                          preferred_element_type=jnp.float32) + b2
    b2_ref[...] = b2


def _conv1_call(g1, b1, posp, w1b, b1a, b1b, w2ax, w2ap):
    return pl.pallas_call(
        _conv1_body,
        grid=(NCHUNK,),
        in_specs=[
            pl.BlockSpec((K, QC, 32), lambda c: (0, c, 0)),
            pl.BlockSpec((QC, 32), lambda c: (c, 0)),
            pl.BlockSpec((QC, 3), lambda c: (c, 0)),
            pl.BlockSpec((32, 32), lambda c: (0, 0)),
            pl.BlockSpec((1, 32), lambda c: (0, 0)),
            pl.BlockSpec((1, 32), lambda c: (0, 0)),
            pl.BlockSpec((32, 32), lambda c: (0, 0)),
            pl.BlockSpec((3, 32), lambda c: (0, 0)),
        ],
        out_specs=[
            pl.BlockSpec((QC, 32), lambda c: (c, 0)),
            pl.BlockSpec((QC, 32), lambda c: (c, 0)),
        ],
        out_shape=[
            jax.ShapeDtypeStruct((NPAD, 32), jnp.float32),
            jax.ShapeDtypeStruct((NPAD, 32), jnp.float32),
        ],
        compiler_params=pltpu.CompilerParams(
            dimension_semantics=("arbitrary",)),
    )(g1, b1, posp, w1b, b1a, b1b, w2ax, w2ap)


def _conv2_body(g2_ref, b2v_ref, batq_ref, w2b_ref, b2a_ref, b2b_ref,
                wc_ref, bc_ref, out_ref, gacc):
    c = pl.program_id(0)
    b2 = b2v_ref[...]
    acc = jnp.full((QC, 32), -BIG)
    for k in range(K):
        h = jnp.maximum(g2_ref[k] - b2 + b2a_ref[...], 0.0)
        z = jnp.dot(h, w2b_ref[...], preferred_element_type=jnp.float32)
        acc = jnp.maximum(acc, z)
    x2 = jnp.maximum(acc + b2b_ref[...], 0.0)

    @pl.when(c == 0)
    def _():
        gacc[...] = jnp.full((NB, 32), -BIG)

    bq = batq_ref[...]
    for u in range(NB):
        m = jnp.max(jnp.where(bq == u, x2, -BIG), axis=0, keepdims=True)
        gacc[u:u + 1, :] = jnp.maximum(gacc[u:u + 1, :], m)

    @pl.when(c == NCHUNK - 1)
    def _():
        g = jnp.maximum(gacc[...], 0.0)
        out_ref[...] = jnp.dot(g, wc_ref[...],
                               preferred_element_type=jnp.float32) + bc_ref[...]


def _conv2_call(g2, b2, batqi, w2b, b2a, b2b, wc, bc):
    return pl.pallas_call(
        _conv2_body,
        grid=(NCHUNK,),
        in_specs=[
            pl.BlockSpec((K, QC, 32), lambda c: (0, c, 0)),
            pl.BlockSpec((QC, 32), lambda c: (c, 0)),
            pl.BlockSpec((QC, 1), lambda c: (c, 0)),
            pl.BlockSpec((32, 32), lambda c: (0, 0)),
            pl.BlockSpec((1, 32), lambda c: (0, 0)),
            pl.BlockSpec((1, 32), lambda c: (0, 0)),
            pl.BlockSpec((32, NCLS), lambda c: (0, 0)),
            pl.BlockSpec((1, NCLS), lambda c: (0, 0)),
        ],
        out_specs=pl.BlockSpec((NB, NCLS), lambda c: (0, 0)),
        out_shape=jax.ShapeDtypeStruct((NB, NCLS), jnp.float32),
        scratch_shapes=[pltpu.VMEM((NB, 32), jnp.float32)],
        compiler_params=pltpu.CompilerParams(
            dimension_semantics=("arbitrary",)),
    )(g2, b2, batqi, w2b, b2a, b2b, wc, bc)


def kernel(pos, normal, batch, w1a, b1a, w1b, b1b, w2a, b2a, w2b, b2b, wc, bc):
    pad = NPAD - N
    bat = batch.astype(jnp.int32)
    batp = jnp.concatenate([bat, jnp.full((pad,), NB, jnp.int32)])
    posp = jnp.concatenate([pos, jnp.zeros((pad, 3), jnp.float32)])
    norp = jnp.concatenate([normal, jnp.zeros((pad, 3), jnp.float32)])

    starts = jnp.searchsorted(
        batp, jnp.arange(NB + 2, dtype=jnp.int32)).astype(jnp.int32)

    bq2 = batp.reshape(NA, QA)
    lo = starts[bq2[:, 0]]
    hi = starts[bq2[:, -1] + 1]
    lo_t = lo // W
    nt = (hi - lo_t * W + W - 1) // W

    batf = batp.astype(jnp.float32)
    posT = jnp.zeros((8, NPAD), jnp.float32)
    posT = posT.at[0:3, :].set(posp.T).at[3, :].set(batf)
    batqf = batf.reshape(NPAD, 1)

    nn_km = _knn_call(lo_t, nt, starts, posT, posp, batqf)
    a1, b1 = _prep_call(posp, norp, w1a)

    idx3 = nn_km.reshape(NWORK, SC_CH, SC_CW)

    g1 = _sc_gather(a1, idx3).reshape(K, NPAD, 32)
    a2, b2 = _conv1_call(g1, b1, posp, w1b, b1a.reshape(1, 32),
                         b1b.reshape(1, 32), w2a[:32], w2a[32:])
    g2 = _sc_gather(a2, idx3).reshape(K, NPAD, 32)
    return _conv2_call(g2, b2, batp.reshape(NPAD, 1), w2b,
                       b2a.reshape(1, 32), b2b.reshape(1, 32),
                       wc, bc.reshape(1, NCLS))

# --- scband reference (transcript-rebuilt; emitter-appended) ---
"""Pipeline reference for scband-ppfnet-71983651880996 (READ-ONLY COPY).

The authoritative reference and input builder live on the scoring server;
editing this copy changes nothing except your own understanding.
"""

import jax, jax.numpy as jnp
import numpy as np

N = 10000
K = 16
NB = 8
NC = 40


def knn_graph(pos, batch, k):
    n = pos.shape[0]
    chunk = 2000
    neigh = []
    for s in range(0, n, chunk):
        q = pos[s:s + chunk]
        qb = batch[s:s + chunk]
        d = jnp.sum((q[:, None, :] - pos[None, :, :]) ** 2, axis=-1)
        d = jnp.where(qb[:, None] == batch[None, :], d, jnp.inf)
        r = jnp.arange(q.shape[0])
        d = d.at[r, s + r].set(jnp.inf)  # loop=False: exclude self
        _, idx = jax.lax.top_k(-d, k)
        neigh.append(idx)
    nn_idx = jnp.concatenate(neigh, axis=0)  # [n, k] neighbor (source) ids
    src = nn_idx.reshape(-1)
    dst = jnp.repeat(jnp.arange(n), k)
    return jnp.stack([src, dst], axis=0)


def mlp2layer(h, wa, ba, wb, bb):
    h = jnp.maximum(h @ wa + ba, 0.0)
    return h @ wb + bb


def ppf_conv(x, pos, normal, edge_index, wa, ba, wb, bb):
    src, dst = edge_index[0], edge_index[1]
    rel = pos[src] - pos[dst]                      # [E, 3] relative position (n_dims)
    feat = normal[src] if x is None else x[src]    # x=None -> use normals (in_channels=3)
    msg = jnp.concatenate([feat, rel], axis=1)
    h = mlp2layer(msg, wa, ba, wb, bb)             # [E, 32]
    out = jax.ops.segment_max(h, dst, num_segments=pos.shape[0])
    out = jnp.where(jnp.isfinite(out), out, 0.0)
    return out


def setup_inputs(seed: int = 0) -> dict:
    key = jax.random.key(seed)
    ks = jax.random.split(key, 16)
    pos = jax.random.normal(ks[0], (N, 3), dtype=jnp.float32)
    normal = jax.random.normal(ks[1], (N, 3), dtype=jnp.float32)
    batch = jnp.sort(jax.random.randint(ks[2], (N,), 0, NB))
    inp = {
        'pos': pos,
        'normal': normal,
        'batch': batch,
        'w1a': jax.random.normal(ks[3], (6, 32), dtype=jnp.float32) * 0.1,
        'b1a': jnp.zeros((32,), dtype=jnp.float32),
        'w1b': jax.random.normal(ks[4], (32, 32), dtype=jnp.float32) * 0.1,
        'b1b': jnp.zeros((32,), dtype=jnp.float32),
        'w2a': jax.random.normal(ks[5], (35, 32), dtype=jnp.float32) * 0.1,
        'b2a': jnp.zeros((32,), dtype=jnp.float32),
        'w2b': jax.random.normal(ks[6], (32, 32), dtype=jnp.float32) * 0.1,
        'b2b': jnp.zeros((32,), dtype=jnp.float32),
        'wc': jax.random.normal(ks[7], (32, NC), dtype=jnp.float32) * 0.1,
        'bc': jnp.zeros((NC,), dtype=jnp.float32),
    }
    return inp


def reference(pos, normal, batch, w1a, b1a, w1b, b1b, w2a, b2a, w2b, b2b, wc, bc):
    edge_index = knn_graph(pos, batch, K)
    x = ppf_conv(None, pos, normal, edge_index, w1a, b1a, w1b, b1b)
    x = jnp.maximum(x, 0.0)
    x = ppf_conv(x, pos, normal, edge_index, w2a, b2a, w2b, b2b)
    x = jnp.maximum(x, 0.0)
    g = jax.ops.segment_max(x, batch, num_segments=NB)   # global_max_pool
    g = jnp.where(jnp.isfinite(g), g, 0.0)
    return g @ wc + bc

if __name__ == "__main__":
    import jax
    _d = setup_inputs()
    print(jax.jit(kernel)(*tuple(_d.values())))

</pallas_src>

<mosaic_0001>
#map = affine_map<(d0, d1) -> (0, 0)>
#map1 = affine_map<(d0, d1) -> (0, 0, 0)>
module attributes {stable_mosaic.version = 14 : i64} {
  func.func @gath(%arg0: i32, %arg1: i32, %arg2: memref<10240x32xf32, #tpu.memory_space<hbm>>, %arg3: memref<32x40x128xi32, #tpu.memory_space<hbm>>, %arg4: memref<163840x32xf32, #tpu.memory_space<hbm>>, %arg5: memref<40x128xi32, #tpu.memory_space<vmem>>, %arg6: memref<128x32xf32, #tpu.memory_space<vmem>>, %arg7: memref<128x32xf32, #tpu.memory_space<vmem>>, %arg8: memref<!tpu.dma_semaphore, #tpu.memory_space<semaphore_mem>>, %arg9: memref<!tpu.dma_semaphore, #tpu.memory_space<semaphore_mem>>) attributes {dimension_semantics = [#tpu.dimension_semantics<core_parallel>, #tpu.dimension_semantics<subcore_parallel>], iteration_bounds = array<i64: 2, 16>, scalar_prefetch = 0 : i64, scratch_operands = 5 : i64, tpu.core_type = #tpu.core_type<sc_vector_subcore>, window_params = [{transform_indices = #map}, {transform_indices = #map1}, {transform_indices = #map}]} {
    %mul3A = arith.constant 2 : i32
    %mul3A_0 = arith.muli %arg1, %mul3A : i32
    %add3A = arith.addi %mul3A_0, %arg0 : i32
    "tpu.region"() ({
      %run_scoped3A = tpu.sem_alloc : memref<!tpu.dma_semaphore, #tpu.memory_space<semaphore_mem>>
      %dma_start3A_14 = arith.constant 0 : i32
      %dma_start3A_15 = arith.constant 0 : i32
      %dma_start3A_16 = tpu.memref_slice %arg3[%add3A, %dma_start3A_14, %dma_start3A_15] : memref<32x40x128xi32, #tpu.memory_space<hbm>> -> memref<1x40x128xi32, #tpu.memory_space<hbm>>
      %dma_start3A_17 = tpu.memref_squeeze %dma_start3A_16 : memref<1x40x128xi32, #tpu.memory_space<hbm>> -> memref<40x128xi32, #tpu.memory_space<hbm>>
      %dma_start3A_18 = arith.constant 0 : i32
      %dma_start3A_19 = arith.constant 0 : i32
      %dma_start3A_20 = tpu.memref_slice %arg3[%add3A, %dma_start3A_18, %dma_start3A_19] : memref<32x40x128xi32, #tpu.memory_space<hbm>> -> memref<1x40x128xi32, #tpu.memory_space<hbm>>
      %dma_start3A_21 = tpu.memref_squeeze %dma_start3A_20 : memref<1x40x128xi32, #tpu.memory_space<hbm>> -> memref<40x128xi32, #tpu.memory_space<hbm>>
      tpu.enqueue_dma source(%dma_start3A_21 : memref<40x128xi32, #tpu.memory_space<hbm>>) target(%arg5 : memref<40x128xi32, #tpu.memory_space<vmem>>) target_semaphore(%run_scoped3A : memref<!tpu.dma_semaphore, #tpu.memory_space<semaphore_mem>>)
      %dma_wait3A = arith.constant 0 : i32
      %dma_wait3A_22 = arith.constant 0 : i32
      %dma_wait3A_23 = tpu.memref_slice %arg3[%add3A, %dma_wait3A, %dma_wait3A_22] : memref<32x40x128xi32, #tpu.memory_space<hbm>> -> memref<1x40x128xi32, #tpu.memory_space<hbm>>
      %dma_wait3A_24 = tpu.memref_squeeze %dma_wait3A_23 : memref<1x40x128xi32, #tpu.memory_space<hbm>> -> memref<40x128xi32, #tpu.memory_space<hbm>>
      %dma_wait3A_25 = arith.constant 0 : i32
      %dma_wait3A_26 = arith.constant 0 : i32
      %dma_wait3A_27 = tpu.memref_slice %arg3[%add3A, %dma_wait3A_25, %dma_wait3A_26] : memref<32x40x128xi32, #tpu.memory_space<hbm>> -> memref<1x40x128xi32, #tpu.memory_space<hbm>>
      %dma_wait3A_28 = tpu.memref_squeeze %dma_wait3A_27 : memref<1x40x128xi32, #tpu.memory_space<hbm>> -> memref<40x128xi32, #tpu.memory_space<hbm>>
      tpu.wait_dma2 semaphore(%run_scoped3A : memref<!tpu.dma_semaphore, #tpu.memory_space<semaphore_mem>>) src(%dma_wait3A_28 : memref<40x128xi32, #tpu.memory_space<hbm>>) dst(%arg5 : memref<40x128xi32, #tpu.memory_space<vmem>>)
      tpu.yield
    }) : () -> ()
    %mul3A_1 = arith.constant 5120 : i32
    %mul3A_2 = arith.muli %add3A, %mul3A_1 : i32
    %dma_start3A = arith.constant 0 : i32
    %dma_start3A_3 = arith.constant 0 : i32
    %dma_start3A_4 = tpu.memref_slice %arg5[%dma_start3A, %dma_start3A_3] : memref<40x128xi32, #tpu.memory_space<vmem>> -> memref<1x128xi32, #tpu.memory_space<vmem>>
    %dma_start3A_5 = tpu.memref_squeeze %dma_start3A_4 : memref<1x128xi32, #tpu.memory_space<vmem>> -> memref<128xi32, #tpu.memory_space<vmem>>
    %dma_start3A_6 = arith.constant 0 : i32
    %dma_start3A_7 = arith.constant 0 : i32
    %dma_start3A_8 = tpu.memref_slice %arg2[%dma_start3A_6, %dma_start3A_7] : memref<10240x32xf32, #tpu.memory_space<hbm>> -> memref<10240x32xf32, #tpu.memory_space<hbm>>
    tpu.enqueue_indirect_dma source(%dma_start3A_8 : memref<10240x32xf32, #tpu.memory_space<hbm>>) target(%arg6 : memref<128x32xf32, #tpu.memory_space<vmem>>) offsets(%dma_start3A_5 : memref<128xi32, #tpu.memory_space<vmem>>) semaphore(%arg8 : memref<!tpu.dma_semaphore, #tpu.memory_space<semaphore_mem>>)
    %scan3A = arith.constant 0 : i32
    %scan3A_9 = arith.constant 0 : i32
    %scan3A_10 = arith.constant 20 : i32
    %scan3A_11 = arith.addi %scan3A_9, %scan3A_10 : i32
    %scan3A_12 = arith.constant 1 : i32
    scf.for %scan3A_14 = %scan3A_9 to %scan3A_11 step %scan3A_12  : i32 {
      %mul3A_15 = arith.constant 2 : i32
      %mul3A_16 = arith.muli %mul3A_15, %scan3A_14 : i32
      %dma_wait3A = arith.constant 0 : i32
      %dma_wait3A_17 = tpu.memref_slice %arg5[%mul3A_16, %dma_wait3A] : memref<40x128xi32, #tpu.memory_space<vmem>> -> memref<1x128xi32, #tpu.memory_space<vmem>>
      %dma_wait3A_18 = tpu.memref_squeeze %dma_wait3A_17 : memref<1x128xi32, #tpu.memory_space<vmem>> -> memref<128xi32, #tpu.memory_space<vmem>>
      %dma_wait3A_19 = arith.constant 0 : i32
      %dma_wait3A_20 = arith.constant 0 : i32
      %dma_wait3A_21 = tpu.memref_slice %arg2[%dma_wait3A_19, %dma_wait3A_20] : memref<10240x32xf32, #tpu.memory_space<hbm>> -> memref<10240x32xf32, #tpu.memory_space<hbm>>
      tpu.wait_indirect_dma semaphore(%arg8 : memref<!tpu.dma_semaphore, #tpu.memory_space<semaphore_mem>>) src(%dma_wait3A_21 : memref<10240x32xf32, #tpu.memory_space<hbm>>) dst(%arg6 : memref<128x32xf32, #tpu.memory_space<vmem>>)
      %add3A_22 = arith.constant 1 : i32
      %add3A_23 = arith.addi %mul3A_16, %add3A_22 : i32
      %dma_start3A_24 = arith.constant 0 : i32
      %dma_start3A_25 = tpu.memref_slice %arg5[%add3A_23, %dma_start3A_24] : memref<40x128xi32, #tpu.memory_space<vmem>> -> memref<1x128xi32, #tpu.memory_space<vmem>>
      %dma_start3A_26 = tpu.memref_squeeze %dma_start3A_25 : memref<1x128xi32, #tpu.memory_space<vmem>> -> memref<128xi32, #tpu.memory_space<vmem>>
      %dma_start3A_27 = arith.constant 0 : i32
      %dma_start3A_28 = arith.constant 0 : i32
      %dma_start3A_29 = tpu.memref_slice %arg2[%dma_start3A_27, %dma_start3A_28] : memref<10240x32xf32, #tpu.memory_space<hbm>> -> memref<10240x32xf32, #tpu.memory_space<hbm>>
      tpu.enqueue_indirect_dma source(%dma_start3A_29 : memref<10240x32xf32, #tpu.memory_space<hbm>>) target(%arg7 : memref<128x32xf32, #tpu.memory_space<vmem>>) offsets(%dma_start3A_26 : memref<128xi32, #tpu.memory_space<vmem>>) semaphore(%arg9 : memref<!tpu.dma_semaphore, #tpu.memory_space<semaphore_mem>>)
      %mul3A_30 = arith.constant 128 : i32
      %mul3A_31 = arith.muli %mul3A_16, %mul3A_30 : i32
      %add3A_32 = arith.addi %mul3A_2, %mul3A_31 : i32
      "tpu.region"() ({
        %run_scoped3A = tpu.sem_alloc : memref<!tpu.dma_semaphore, #tpu.memory_space<semaphore_mem>>
        %dma_start3A_50 = arith.constant 0 : i32
        %dma_start3A_51 = tpu.memref_slice %arg4[%add3A_32, %dma_start3A_50] : memref<163840x32xf32, #tpu.memory_space<hbm>> -> memref<128x32xf32, #tpu.memory_space<hbm>>
        %dma_start3A_52 = arith.constant 0 : i32
        %dma_start3A_53 = tpu.memref_slice %arg4[%add3A_32, %dma_start3A_52] : memref<163840x32xf32, #tpu.memory_space<hbm>> -> memref<128x32xf32, #tpu.memory_space<hbm>>
        tpu.enqueue_dma source(%arg6 : memref<128x32xf32, #tpu.memory_space<vmem>>) target(%dma_start3A_53 : memref<128x32xf32, #tpu.memory_space<hbm>>) target_semaphore(%run_scoped3A : memref<!tpu.dma_semaphore, #tpu.memory_space<semaphore_mem>>)
        %dma_wait3A_54 = arith.constant 0 : i32
        %dma_wait3A_55 = tpu.memref_slice %arg4[%add3A_32, %dma_wait3A_54] : memref<163840x32xf32, #tpu.memory_space<hbm>> -> memref<128x32xf32, #tpu.memory_space<hbm>>
        %dma_wait3A_56 = arith.constant 0 : i32
        %dma_wait3A_57 = tpu.memref_slice %arg4[%add3A_32, %dma_wait3A_56] : memref<163840x32xf32, #tpu.memory_space<hbm>> -> memref<128x32xf32, #tpu.memory_space<hbm>>
        tpu.wait_dma2 semaphore(%run_scoped3A : memref<!tpu.dma_semaphore, #tpu.memory_space<semaphore_mem>>) src(%arg6 : memref<128x32xf32, #tpu.memory_space<vmem>>) dst(%dma_wait3A_57 : memref<128x32xf32, #tpu.memory_space<hbm>>)
        tpu.yield
      }) : () -> ()
      %add3A_33 = arith.constant 1 : i32
      %add3A_34 = arith.addi %mul3A_16, %add3A_33 : i32
      %dma_wait3A_35 = arith.constant 0 : i32
      %dma_wait3A_36 = tpu.memref_slice %arg5[%add3A_34, %dma_wait3A_35] : memref<40x128xi32, #tpu.memory_space<vmem>> -> memref<1x128xi32, #tpu.memory_space<vmem>>
      %dma_wait3A_37 = tpu.memref_squeeze %dma_wait3A_36 : memref<1x128xi32, #tpu.memory_space<vmem>> -> memref<128xi32, #tpu.memory_space<vmem>>
      %dma_wait3A_38 = arith.constant 0 : i32
      %dma_wait3A_39 = arith.constant 0 : i32
      %dma_wait3A_40 = tpu.memref_slice %arg2[%dma_wait3A_38, %dma_wait3A_39] : memref<10240x32xf32, #tpu.memory_space<hbm>> -> memref<10240x32xf32, #tpu.memory_space<hbm>>
      tpu.wait_indirect_dma semaphore(%arg9 : memref<!tpu.dma_semaphore, #tpu.memory_space<semaphore_mem>>) src(%dma_wait3A_40 : memref<10240x32xf32, #tpu.memory_space<hbm>>) dst(%arg7 : memref<128x32xf32, #tpu.memory_space<vmem>>)
      %add3A_41 = arith.constant 2 : i32
      %add3A_42 = arith.addi %mul3A_16, %add3A_41 : i32
      %lt3A = arith.constant 40 : i32
      %lt3A_43 = arith.cmpi slt, %add3A_42, %lt3A : i32
      %convert_element_type3A = arith.extui %lt3A_43 : i1 to i32
      %cond3A = arith.constant 0 : i32
      %cond3A_44 = arith.cmpi ne, %convert_element_type3A, %cond3A : i32
      scf.if %cond3A_44 {
        %add3A_50 = arith.constant 2 : i32
        %add3A_51 = arith.addi %mul3A_16, %add3A_50 : i32
        %dma_start3A_52 = arith.constant 0 : i32
        %dma_start3A_53 = tpu.memref_slice %arg5[%add3A_51, %dma_start3A_52] : memref<40x128xi32, #tpu.memory_space<vmem>> -> memref<1x128xi32, #tpu.memory_space<vmem>>
        %dma_start3A_54 = tpu.memref_squeeze %dma_start3A_53 : memref<1x128xi32, #tpu.memory_space<vmem>> -> memref<128xi32, #tpu.memory_space<vmem>>
        %dma_start3A_55 = arith.constant 0 : i32
        %dma_start3A_56 = arith.constant 0 : i32
        %dma_start3A_57 = tpu.memref_slice %arg2[%dma_start3A_55, %dma_start3A_56] : memref<10240x32xf32, #tpu.memory_space<hbm>> -> memref<10240x32xf32, #tpu.memory_space<hbm>>
        tpu.enqueue_indirect_dma source(%dma_start3A_57 : memref<10240x32xf32, #tpu.memory_space<hbm>>) target(%arg6 : memref<128x32xf32, #tpu.memory_space<vmem>>) offsets(%dma_start3A_54 : memref<128xi32, #tpu.memory_space<vmem>>) semaphore(%arg8 : memref<!tpu.dma_semaphore, #tpu.memory_space<semaphore_mem>>)
      } else {
      }
      %add3A_45 = arith.constant 1 : i32
      %add3A_46 = arith.addi %mul3A_16, %add3A_45 : i32
      %mul3A_47 = arith.constant 128 : i32
      %mul3A_48 = arith.muli %add3A_46, %mul3A_47 : i32
      %add3A_49 = arith.addi %mul3A_2, %mul3A_48 : i32
      "tpu.region"() ({
        %run_scoped3A = tpu.sem_alloc : memref<!tpu.dma_semaphore, #tpu.memory_space<semaphore_mem>>
        %dma_start3A_50 = arith.constant 0 : i32
        %dma_start3A_51 = tpu.memref_slice %arg4[%add3A_49, %dma_start3A_50] : memref<163840x32xf32, #tpu.memory_space<hbm>> -> memref<128x32xf32, #tpu.memory_space<hbm>>
        %dma_start3A_52 = arith.constant 0 : i32
        %dma_start3A_53 = tpu.memref_slice %arg4[%add3A_49, %dma_start3A_52] : memref<163840x32xf32, #tpu.memory_space<hbm>> -> memref<128x32xf32, #tpu.memory_space<hbm>>
        tpu.enqueue_dma source(%arg7 : memref<128x32xf32, #tpu.memory_space<vmem>>) target(%dma_start3A_53 : memref<128x32xf32, #tpu.memory_space<hbm>>) target_semaphore(%run_scoped3A : memref<!tpu.dma_semaphore, #tpu.memory_space<semaphore_mem>>)
        %dma_wait3A_54 = arith.constant 0 : i32
        %dma_wait3A_55 = tpu.memref_slice %arg4[%add3A_49, %dma_wait3A_54] : memref<163840x32xf32, #tpu.memory_space<hbm>> -> memref<128x32xf32, #tpu.memory_space<hbm>>
        %dma_wait3A_56 = arith.constant 0 : i32
        %dma_wait3A_57 = tpu.memref_slice %arg4[%add3A_49, %dma_wait3A_56] : memref<163840x32xf32, #tpu.memory_space<hbm>> -> memref<128x32xf32, #tpu.memory_space<hbm>>
        tpu.wait_dma2 semaphore(%run_scoped3A : memref<!tpu.dma_semaphore, #tpu.memory_space<semaphore_mem>>) src(%arg7 : memref<128x32xf32, #tpu.memory_space<vmem>>) dst(%dma_wait3A_57 : memref<128x32xf32, #tpu.memory_space<hbm>>)
        tpu.yield
      }) : () -> ()
    }
    %scan3A_13 = arith.constant 20 : i32
    return
  }
}

#map = affine_map<(d0, d1) -> (0, 0)>
#map1 = affine_map<(d0, d1) -> (0, 0, 0)>
module attributes {stable_mosaic.version = 14 : i64} {
  func.func @gath(%arg0: i32, %arg1: i32, %arg2: memref<10240x32xf32, #tpu.memory_space<hbm>>, %arg3: memref<32x40x128xi32, #tpu.memory_space<hbm>>, %arg4: memref<163840x32xf32, #tpu.memory_space<hbm>>, %arg5: memref<40x128xi32, #tpu.memory_space<vmem>>, %arg6: memref<128x32xf32, #tpu.memory_space<vmem>>, %arg7: memref<128x32xf32, #tpu.memory_space<vmem>>, %arg8: memref<!tpu.dma_semaphore, #tpu.memory_space<semaphore_mem>>, %arg9: memref<!tpu.dma_semaphore, #tpu.memory_space<semaphore_mem>>) attributes {dimension_semantics = [#tpu.dimension_semantics<core_parallel>, #tpu.dimension_semantics<subcore_parallel>], iteration_bounds = array<i64: 2, 16>, scalar_prefetch = 0 : i64, scratch_operands = 5 : i64, tpu.core_type = #tpu.core_type<sc_vector_subcore>, window_params = [{transform_indices = #map}, {transform_indices = #map1}, {transform_indices = #map}]} {
    %mul3A = arith.constant 2 : i32
    %mul3A_0 = arith.muli %arg1, %mul3A : i32
    %add3A = arith.addi %mul3A_0, %arg0 : i32
    "tpu.region"() ({
      %run_scoped3A = tpu.sem_alloc : memref<!tpu.dma_semaphore, #tpu.memory_space<semaphore_mem>>
      %dma_start3A_14 = arith.constant 0 : i32
      %dma_start3A_15 = arith.constant 0 : i32
      %dma_start3A_16 = tpu.memref_slice %arg3[%add3A, %dma_start3A_14, %dma_start3A_15] : memref<32x40x128xi32, #tpu.memory_space<hbm>> -> memref<1x40x128xi32, #tpu.memory_space<hbm>>
      %dma_start3A_17 = tpu.memref_squeeze %dma_start3A_16 : memref<1x40x128xi32, #tpu.memory_space<hbm>> -> memref<40x128xi32, #tpu.memory_space<hbm>>
      %dma_start3A_18 = arith.constant 0 : i32
      %dma_start3A_19 = arith.constant 0 : i32
      %dma_start3A_20 = tpu.memref_slice %arg3[%add3A, %dma_start3A_18, %dma_start3A_19] : memref<32x40x128xi32, #tpu.memory_space<hbm>> -> memref<1x40x128xi32, #tpu.memory_space<hbm>>
      %dma_start3A_21 = tpu.memref_squeeze %dma_start3A_20 : memref<1x40x128xi32, #tpu.memory_space<hbm>> -> memref<40x128xi32, #tpu.memory_space<hbm>>
      tpu.enqueue_dma source(%dma_start3A_21 : memref<40x128xi32, #tpu.memory_space<hbm>>) target(%arg5 : memref<40x128xi32, #tpu.memory_space<vmem>>) target_semaphore(%run_scoped3A : memref<!tpu.dma_semaphore, #tpu.memory_space<semaphore_mem>>)
      %dma_wait3A = arith.constant 0 : i32
      %dma_wait3A_22 = arith.constant 0 : i32
      %dma_wait3A_23 = tpu.memref_slice %arg3[%add3A, %dma_wait3A, %dma_wait3A_22] : memref<32x40x128xi32, #tpu.memory_space<hbm>> -> memref<1x40x128xi32, #tpu.memory_space<hbm>>
      %dma_wait3A_24 = tpu.memref_squeeze %dma_wait3A_23 : memref<1x40x128xi32, #tpu.memory_space<hbm>> -> memref<40x128xi32, #tpu.memory_space<hbm>>
      %dma_wait3A_25 = arith.constant 0 : i32
      %dma_wait3A_26 = arith.constant 0 : i32
      %dma_wait3A_27 = tpu.memref_slice %arg3[%add3A, %dma_wait3A_25, %dma_wait3A_26] : memref<32x40x128xi32, #tpu.memory_space<hbm>> -> memref<1x40x128xi32, #tpu.memory_space<hbm>>
      %dma_wait3A_28 = tpu.memref_squeeze %dma_wait3A_27 : memref<1x40x128xi32, #tpu.memory_space<hbm>> -> memref<40x128xi32, #tpu.memory_space<hbm>>
      tpu.wait_dma2 semaphore(%run_scoped3A : memref<!tpu.dma_semaphore, #tpu.memory_space<semaphore_mem>>) src(%dma_wait3A_28 : memref<40x128xi32, #tpu.memory_space<hbm>>) dst(%arg5 : memref<40x128xi32, #tpu.memory_space<vmem>>)
      tpu.yield
    }) : () -> ()
    %mul3A_1 = arith.constant 5120 : i32
    %mul3A_2 = arith.muli %add3A, %mul3A_1 : i32
    %dma_start3A = arith.constant 0 : i32
    %dma_start3A_3 = arith.constant 0 : i32
    %dma_start3A_4 = tpu.memref_slice %arg5[%dma_start3A, %dma_start3A_3] : memref<40x128xi32, #tpu.memory_space<vmem>> -> memref<1x128xi32, #tpu.memory_space<vmem>>
    %dma_start3A_5 = tpu.memref_squeeze %dma_start3A_4 : memref<1x128xi32, #tpu.memory_space<vmem>> -> memref<128xi32, #tpu.memory_space<vmem>>
    %dma_start3A_6 = arith.constant 0 : i32
    %dma_start3A_7 = arith.constant 0 : i32
    %dma_start3A_8 = tpu.memref_slice %arg2[%dma_start3A_6, %dma_start3A_7] : memref<10240x32xf32, #tpu.memory_space<hbm>> -> memref<10240x32xf32, #tpu.memory_space<hbm>>
    tpu.enqueue_indirect_dma source(%dma_start3A_8 : memref<10240x32xf32, #tpu.memory_space<hbm>>) target(%arg6 : memref<128x32xf32, #tpu.memory_space<vmem>>) offsets(%dma_start3A_5 : memref<128xi32, #tpu.memory_space<vmem>>) semaphore(%arg8 : memref<!tpu.dma_semaphore, #tpu.memory_space<semaphore_mem>>)
    %scan3A = arith.constant 0 : i32
    %scan3A_9 = arith.constant 0 : i32
    %scan3A_10 = arith.constant 20 : i32
    %scan3A_11 = arith.addi %scan3A_9, %scan3A_10 : i32
    %scan3A_12 = arith.constant 1 : i32
    scf.for %scan3A_14 = %scan3A_9 to %scan3A_11 step %scan3A_12  : i32 {
      %mul3A_15 = arith.constant 2 : i32
      %mul3A_16 = arith.muli %mul3A_15, %scan3A_14 : i32
      %dma_wait3A = arith.constant 0 : i32
      %dma_wait3A_17 = tpu.memref_slice %arg5[%mul3A_16, %dma_wait3A] : memref<40x128xi32, #tpu.memory_space<vmem>> -> memref<1x128xi32, #tpu.memory_space<vmem>>
      %dma_wait3A_18 = tpu.memref_squeeze %dma_wait3A_17 : memref<1x128xi32, #tpu.memory_space<vmem>> -> memref<128xi32, #tpu.memory_space<vmem>>
      %dma_wait3A_19 = arith.constant 0 : i32
      %dma_wait3A_20 = arith.constant 0 : i32
      %dma_wait3A_21 = tpu.memref_slice %arg2[%dma_wait3A_19, %dma_wait3A_20] : memref<10240x32xf32, #tpu.memory_space<hbm>> -> memref<10240x32xf32, #tpu.memory_space<hbm>>
      tpu.wait_indirect_dma semaphore(%arg8 : memref<!tpu.dma_semaphore, #tpu.memory_space<semaphore_mem>>) src(%dma_wait3A_21 : memref<10240x32xf32, #tpu.memory_space<hbm>>) dst(%arg6 : memref<128x32xf32, #tpu.memory_space<vmem>>)
      %add3A_22 = arith.constant 1 : i32
      %add3A_23 = arith.addi %mul3A_16, %add3A_22 : i32
      %dma_start3A_24 = arith.constant 0 : i32
      %dma_start3A_25 = tpu.memref_slice %arg5[%add3A_23, %dma_start3A_24] : memref<40x128xi32, #tpu.memory_space<vmem>> -> memref<1x128xi32, #tpu.memory_space<vmem>>
      %dma_start3A_26 = tpu.memref_squeeze %dma_start3A_25 : memref<1x128xi32, #tpu.memory_space<vmem>> -> memref<128xi32, #tpu.memory_space<vmem>>
      %dma_start3A_27 = arith.constant 0 : i32
      %dma_start3A_28 = arith.constant 0 : i32
      %dma_start3A_29 = tpu.memref_slice %arg2[%dma_start3A_27, %dma_start3A_28] : memref<10240x32xf32, #tpu.memory_space<hbm>> -> memref<10240x32xf32, #tpu.memory_space<hbm>>
      tpu.enqueue_indirect_dma source(%dma_start3A_29 : memref<10240x32xf32, #tpu.memory_space<hbm>>) target(%arg7 : memref<128x32xf32, #tpu.memory_space<vmem>>) offsets(%dma_start3A_26 : memref<128xi32, #tpu.memory_space<vmem>>) semaphore(%arg9 : memref<!tpu.dma_semaphore, #tpu.memory_space<semaphore_mem>>)
      %mul3A_30 = arith.constant 128 : i32
      %mul3A_31 = arith.muli %mul3A_16, %mul3A_30 : i32
      %add3A_32 = arith.addi %mul3A_2, %mul3A_31 : i32
      "tpu.region"() ({
        %run_scoped3A = tpu.sem_alloc : memref<!tpu.dma_semaphore, #tpu.memory_space<semaphore_mem>>
        %dma_start3A_50 = arith.constant 0 : i32
        %dma_start3A_51 = tpu.memref_slice %arg4[%add3A_32, %dma_start3A_50] : memref<163840x32xf32, #tpu.memory_space<hbm>> -> memref<128x32xf32, #tpu.memory_space<hbm>>
        %dma_start3A_52 = arith.constant 0 : i32
        %dma_start3A_53 = tpu.memref_slice %arg4[%add3A_32, %dma_start3A_52] : memref<163840x32xf32, #tpu.memory_space<hbm>> -> memref<128x32xf32, #tpu.memory_space<hbm>>
        tpu.enqueue_dma source(%arg6 : memref<128x32xf32, #tpu.memory_space<vmem>>) target(%dma_start3A_53 : memref<128x32xf32, #tpu.memory_space<hbm>>) target_semaphore(%run_scoped3A : memref<!tpu.dma_semaphore, #tpu.memory_space<semaphore_mem>>)
        %dma_wait3A_54 = arith.constant 0 : i32
        %dma_wait3A_55 = tpu.memref_slice %arg4[%add3A_32, %dma_wait3A_54] : memref<163840x32xf32, #tpu.memory_space<hbm>> -> memref<128x32xf32, #tpu.memory_space<hbm>>
        %dma_wait3A_56 = arith.constant 0 : i32
        %dma_wait3A_57 = tpu.memref_slice %arg4[%add3A_32, %dma_wait3A_56] : memref<163840x32xf32, #tpu.memory_space<hbm>> -> memref<128x32xf32, #tpu.memory_space<hbm>>
        tpu.wait_dma2 semaphore(%run_scoped3A : memref<!tpu.dma_semaphore, #tpu.memory_space<semaphore_mem>>) src(%arg6 : memref<128x32xf32, #tpu.memory_space<vmem>>) dst(%dma_wait3A_57 : memref<128x32xf32, #tpu.memory_space<hbm>>)
        tpu.yield
      }) : () -> ()
      %add3A_33 = arith.constant 1 : i32
      %add3A_34 = arith.addi %mul3A_16, %add3A_33 : i32
      %dma_wait3A_35 = arith.constant 0 : i32
      %dma_wait3A_36 = tpu.memref_slice %arg5[%add3A_34, %dma_wait3A_35] : memref<40x128xi32, #tpu.memory_space<vmem>> -> memref<1x128xi32, #tpu.memory_space<vmem>>
      %dma_wait3A_37 = tpu.memref_squeeze %dma_wait3A_36 : memref<1x128xi32, #tpu.memory_space<vmem>> -> memref<128xi32, #tpu.memory_space<vmem>>
      %dma_wait3A_38 = arith.constant 0 : i32
      %dma_wait3A_39 = arith.constant 0 : i32
      %dma_wait3A_40 = tpu.memref_slice %arg2[%dma_wait3A_38, %dma_wait3A_39] : memref<10240x32xf32, #tpu.memory_space<hbm>> -> memref<10240x32xf32, #tpu.memory_space<hbm>>
      tpu.wait_indirect_dma semaphore(%arg9 : memref<!tpu.dma_semaphore, #tpu.memory_space<semaphore_mem>>) src(%dma_wait3A_40 : memref<10240x32xf32, #tpu.memory_space<hbm>>) dst(%arg7 : memref<128x32xf32, #tpu.memory_space<vmem>>)
      %add3A_41 = arith.constant 2 : i32
      %add3A_42 = arith.addi %mul3A_16, %add3A_41 : i32
      %lt3A = arith.constant 40 : i32
      %lt3A_43 = arith.cmpi slt, %add3A_42, %lt3A : i32
      %convert_element_type3A = arith.extui %lt3A_43 : i1 to i32
      %cond3A = arith.constant 0 : i32
      %cond3A_44 = arith.cmpi ne, %convert_element_type3A, %cond3A : i32
      scf.if %cond3A_44 {
        %add3A_50 = arith.constant 2 : i32
        %add3A_51 = arith.addi %mul3A_16, %add3A_50 : i32
        %dma_start3A_52 = arith.constant 0 : i32
        %dma_start3A_53 = tpu.memref_slice %arg5[%add3A_51, %dma_start3A_52] : memref<40x128xi32, #tpu.memory_space<vmem>> -> memref<1x128xi32, #tpu.memory_space<vmem>>
        %dma_start3A_54 = tpu.memref_squeeze %dma_start3A_53 : memref<1x128xi32, #tpu.memory_space<vmem>> -> memref<128xi32, #tpu.memory_space<vmem>>
        %dma_start3A_55 = arith.constant 0 : i32
        %dma_start3A_56 = arith.constant 0 : i32
        %dma_start3A_57 = tpu.memref_slice %arg2[%dma_start3A_55, %dma_start3A_56] : memref<10240x32xf32, #tpu.memory_space<hbm>> -> memref<10240x32xf32, #tpu.memory_space<hbm>>
        tpu.enqueue_indirect_dma source(%dma_start3A_57 : memref<10240x32xf32, #tpu.memory_space<hbm>>) target(%arg6 : memref<128x32xf32, #tpu.memory_space<vmem>>) offsets(%dma_start3A_54 : memref<128xi32, #tpu.memory_space<vmem>>) semaphore(%arg8 : memref<!tpu.dma_semaphore, #tpu.memory_space<semaphore_mem>>)
      } else {
      }
      %add3A_45 = arith.constant 1 : i32
      %add3A_46 = arith.addi %mul3A_16, %add3A_45 : i32
      %mul3A_47 = arith.constant 128 : i32
      %mul3A_48 = arith.muli %add3A_46, %mul3A_47 : i32
      %add3A_49 = arith.addi %mul3A_2, %mul3A_48 : i32
      "tpu.region"() ({
        %run_scoped3A = tpu.sem_alloc : memref<!tpu.dma_semaphore, #tpu.memory_space<semaphore_mem>>
        %dma_start3A_50 = arith.constant 0 : i32
        %dma_start3A_51 = tpu.memref_slice %arg4[%add3A_49, %dma_start3A_50] : memref<163840x32xf32, #tpu.memory_space<hbm>> -> memref<128x32xf32, #tpu.memory_space<hbm>>
        %dma_start3A_52 = arith.constant 0 : i32
        %dma_start3A_53 = tpu.memref_slice %arg4[%add3A_49, %dma_start3A_52] : memref<163840x32xf32, #tpu.memory_space<hbm>> -> memref<128x32xf32, #tpu.memory_space<hbm>>
        tpu.enqueue_dma source(%arg7 : memref<128x32xf32, #tpu.memory_space<vmem>>) target(%dma_start3A_53 : memref<128x32xf32, #tpu.memory_space<hbm>>) target_semaphore(%run_scoped3A : memref<!tpu.dma_semaphore, #tpu.memory_space<semaphore_mem>>)
        %dma_wait3A_54 = arith.constant 0 : i32
        %dma_wait3A_55 = tpu.memref_slice %arg4[%add3A_49, %dma_wait3A_54] : memref<163840x32xf32, #tpu.memory_space<hbm>> -> memref<128x32xf32, #tpu.memory_space<hbm>>
        %dma_wait3A_56 = arith.constant 0 : i32
        %dma_wait3A_57 = tpu.memref_slice %arg4[%add3A_49, %dma_wait3A_56] : memref<163840x32xf32, #tpu.memory_space<hbm>> -> memref<128x32xf32, #tpu.memory_space<hbm>>
        tpu.wait_dma2 semaphore(%run_scoped3A : memref<!tpu.dma_semaphore, #tpu.memory_space<semaphore_mem>>) src(%arg7 : memref<128x32xf32, #tpu.memory_space<vmem>>) dst(%dma_wait3A_57 : memref<128x32xf32, #tpu.memory_space<hbm>>)
        tpu.yield
      }) : () -> ()
    }
    %scan3A_13 = arith.constant 20 : i32
    return
  }
}

module attributes {stable_mosaic.version = 14 : i64} {
  func.func @_knn_body(%arg0: i32, %arg1: memref<20xi32, #tpu.memory_space<smem>>, %arg2: memref<20xi32, #tpu.memory_space<smem>>, %arg3: memref<10xi32, #tpu.memory_space<smem>>, %arg4: memref<8x10240xf32, #tpu.memory_space<vmem>>, %arg5: memref<10240x3xf32, #tpu.memory_space<vmem>>, %arg6: memref<10240x1xf32, #tpu.memory_space<vmem>>, %arg7: memref<16x512xi32, #tpu.memory_space<vmem>>, %arg8: memref<10240x512xf32, #tpu.memory_space<vmem>>) attributes {dimension_semantics = [#tpu.dimension_semantics<arbitrary>], iteration_bounds = array<i64: 20>, scalar_prefetch = 3 : i64, scratch_operands = 1 : i64, tpu.core_type = #tpu.core_type<tc>, window_params = [{pipeline_mode = #tpu.pipeline_mode<synchronous>, transform_indices = @transform_0, window_bounds = array<i64: 8, 10240>}, {pipeline_mode = #tpu.pipeline_mode<synchronous>, transform_indices = @transform_1, window_bounds = array<i64: 10240, 3>}, {pipeline_mode = #tpu.pipeline_mode<synchronous>, transform_indices = @transform_2, window_bounds = array<i64: 10240, 1>}, {transform_indices = @transform_3, window_bounds = array<i64: 16, 512>}]} {
    %mul3A = arith.constant 512 : i32
    %mul3A_0 = arith.muli %arg0, %mul3A : i32
    %get3A = arith.constant 0 : index
    %get3A_1 = arith.index_cast %mul3A_0 : i32 to index
    %get3A_2 = vector.load %arg4[%get3A, %get3A_1] : memref<8x10240xf32, #tpu.memory_space<vmem>>, vector<1x512xf32>
    %mul3A_3 = arith.constant 512 : i32
    %mul3A_4 = arith.muli %arg0, %mul3A_3 : i32
    %get3A_5 = arith.constant 1 : index
    %get3A_6 = arith.index_cast %mul3A_4 : i32 to index
    %get3A_7 = vector.load %arg4[%get3A_5, %get3A_6] : memref<8x10240xf32, #tpu.memory_space<vmem>>, vector<1x512xf32>
    %mul3A_8 = arith.constant 512 : i32
    %mul3A_9 = arith.muli %arg0, %mul3A_8 : i32
    %get3A_10 = arith.constant 2 : index
    %get3A_11 = arith.index_cast %mul3A_9 : i32 to index
    %get3A_12 = vector.load %arg4[%get3A_10, %get3A_11] : memref<8x10240xf32, #tpu.memory_space<vmem>>, vector<1x512xf32>
    %mul3A_13 = arith.constant 512 : i32
    %mul3A_14 = arith.muli %arg0, %mul3A_13 : i32
    %get3A_15 = arith.constant 3 : index
    %get3A_16 = arith.index_cast %mul3A_14 : i32 to index
    %get3A_17 = vector.load %arg4[%get3A_15, %get3A_16] : memref<8x10240xf32, #tpu.memory_space<vmem>>, vector<1x512xf32>
    %iota3A = tpu.iota {dimensions = array<i32: 1>} : vector<1x512xi32>
    %mul3A_18 = arith.constant 512 : i32
    %mul3A_19 = arith.muli %arg0, %mul3A_18 : i32
    %add3A = vector.broadcast %mul3A_19 : i32 to vector<1x512xi32>
    %add3A_20 = arith.addi %iota3A, %add3A : vector<1x512xi32>
    %iota3A_21 = tpu.iota {dimensions = array<i32: 0>} : vector<256x1xi32>
    %get3A_22 = arith.index_cast %arg0 : i32 to index
    %get3A_23 = memref.load %arg1[%get3A_22] : memref<20xi32, #tpu.memory_space<smem>>
    %get3A_24 = arith.index_cast %arg0 : i32 to index
    %get3A_25 = memref.load %arg2[%get3A_24] : memref<20xi32, #tpu.memory_space<smem>>
    %while3A = arith.constant 0 : i32
    %while3A_26 = arith.constant 0 : i32
    %while3A_27 = arith.subi %get3A_25, %while3A_26 : i32
    %while3A_28 = arith.addi %while3A_26, %while3A_27 : i32
    %while3A_29 = arith.constant 1 : i32
    %while3A_30 = arith.divsi %while3A_27, %while3A_29 : i32
    %while3A_31 = arith.muli %while3A_30, %while3A_29 : i32
    %while3A_32 = arith.addi %while3A_26, %while3A_31 : i32
    %while3A_33 = arith.constant 1 : i32
    scf.for %while3A_638 = %while3A_26 to %while3A_32 step %while3A_33  : i32 {
      %mul3A_639 = arith.constant 256 : i32
      %mul3A_640 = arith.muli %while3A_638, %mul3A_639 : i32
      %multiple_of3A = tpu.assume_multiple %mul3A_640, 256 : i32
      %add3A_641 = arith.addi %get3A_23, %while3A_638 : i32
      %mul3A_642 = arith.constant 256 : i32
      %mul3A_643 = arith.muli %add3A_641, %mul3A_642 : i32
      %multiple_of3A_644 = tpu.assume_multiple %mul3A_643, 256 : i32
      %get3A_645 = arith.index_cast %multiple_of3A_644 : i32 to index
      %get3A_646 = arith.constant 0 : index
      %get3A_647 = vector.load %arg5[%get3A_645, %get3A_646] : memref<10240x3xf32, #tpu.memory_space<vmem>>, vector<256x1xf32>
      %get3A_648 = arith.index_cast %multiple_of3A_644 : i32 to index
      %get3A_649 = arith.constant 1 : index
      %get3A_650 = vector.load %arg5[%get3A_648, %get3A_649] : memref<10240x3xf32, #tpu.memory_space<vmem>>, vector<256x1xf32>
      %get3A_651 = arith.index_cast %multiple_of3A_644 : i32 to index
      %get3A_652 = arith.constant 2 : index
      %get3A_653 = vector.load %arg5[%get3A_651, %get3A_652] : memref<10240x3xf32, #tpu.memory_space<vmem>>, vector<256x1xf32>
      %get3A_654 = arith.index_cast %multiple_of3A_644 : i32 to index
      %get3A_655 = arith.constant 0 : index
      %get3A_656 = vector.load %arg6[%get3A_654, %get3A_655] : memref<10240x1xf32, #tpu.memory_space<vmem>>, vector<256x1xf32>
      %sub3A_657 = vector.broadcast %get3A_647 : vector<256x1xf32> to vector<256x512xf32>
      %sub3A_658 = vector.broadcast %get3A_2 : vector<1x512xf32> to vector<256x512xf32>
      %sub3A_659 = arith.subf %sub3A_657, %sub3A_658 : vector<256x512xf32>
      %integer_pow3A = arith.mulf %sub3A_659, %sub3A_659 : vector<256x512xf32>
      %sub3A_660 = vector.broadcast %get3A_650 : vector<256x1xf32> to vector<256x512xf32>
      %sub3A_661 = vector.broadcast %get3A_7 : vector<1x512xf32> to vector<256x512xf32>
      %sub3A_662 = arith.subf %sub3A_660, %sub3A_661 : vector<256x512xf32>
      %integer_pow3A_663 = arith.mulf %sub3A_662, %sub3A_662 : vector<256x512xf32>
      %add3A_664 = arith.addf %integer_pow3A, %integer_pow3A_663 : vector<256x512xf32>
      %sub3A_665 = vector.broadcast %get3A_653 : vector<256x1xf32> to vector<256x512xf32>
      %sub3A_666 = vector.broadcast %get3A_12 : vector<1x512xf32> to vector<256x512xf32>
      %sub3A_667 = arith.subf %sub3A_665, %sub3A_666 : vector<256x512xf32>
      %integer_pow3A_668 = arith.mulf %sub3A_667, %sub3A_667 : vector<256x512xf32>
      %add3A_669 = arith.addf %add3A_664, %integer_pow3A_668 : vector<256x512xf32>
      %ne3A = vector.broadcast %get3A_656 : vector<256x1xf32> to vector<256x512xf32>
      %ne3A_670 = vector.broadcast %get3A_17 : vector<1x512xf32> to vector<256x512xf32>
      %ne3A_671 = arith.cmpf one, %ne3A, %ne3A_670 : vector<256x512xf32>
      %add3A_672 = vector.broadcast %multiple_of3A_644 : i32 to vector<256x1xi32>
      %add3A_673 = arith.addi %add3A_672, %iota3A_21 : vector<256x1xi32>
      %eq3A_674 = vector.broadcast %add3A_673 : vector<256x1xi32> to vector<256x512xi32>
      %eq3A_675 = vector.broadcast %add3A_20 : vector<1x512xi32> to vector<256x512xi32>
      %eq3A_676 = arith.cmpi eq, %eq3A_674, %eq3A_675 : vector<256x512xi32>
      %or3A = arith.ori %ne3A_671, %eq3A_676 : vector<256x512xi1>
      %jit3A = arith.constant 1.000000e+30 : f32
      %broadcast_in_dim3A_677 = vector.broadcast %jit3A : f32 to vector<256x512xf32>
      %select_n3A_678 = arith.select %or3A, %broadcast_in_dim3A_677, %add3A_669 : vector<256x512xi1>, vector<256x512xf32>
      %swap3A_679 = arith.index_cast %multiple_of3A : i32 to index
      %swap3A_680 = arith.constant 0 : index
      %swap3A_681 = vector.load %arg8[%swap3A_679, %swap3A_680] : memref<10240x512xf32, #tpu.memory_space<vmem>>, vector<256x512xf32>
      tpu.vector_store %arg8[%swap3A_679, %swap3A_680], %select_n3A_678 {strides = array<i32>} : memref<10240x512xf32, #tpu.memory_space<vmem>>, vector<256x512xf32>,
    }
    %while3A_34 = arith.constant 1 : i32
    scf.for %while3A_638 = %while3A_32 to %while3A_28 step %while3A_34  : i32 {
      %mul3A_639 = arith.constant 256 : i32
      %mul3A_640 = arith.muli %while3A_638, %mul3A_639 : i32
      %multiple_of3A = tpu.assume_multiple %mul3A_640, 256 : i32
      %add3A_641 = arith.addi %get3A_23, %while3A_638 : i32
      %mul3A_642 = arith.constant 256 : i32
      %mul3A_643 = arith.muli %add3A_641, %mul3A_642 : i32
      %multiple_of3A_644 = tpu.assume_multiple %mul3A_643, 256 : i32
      %get3A_645 = arith.index_cast %multiple_of3A_644 : i32 to index
      %get3A_646 = arith.constant 0 : index
      %get3A_647 = vector.load %arg5[%get3A_645, %get3A_646] : memref<10240x3xf32, #tpu.memory_space<vmem>>, vector<256x1xf32>
      %get3A_648 = arith.index_cast %multiple_of3A_644 : i32 to index
      %get3A_649 = arith.constant 1 : index
      %get3A_650 = vector.load %arg5[%get3A_648, %get3A_649] : memref<10240x3xf32, #tpu.memory_space<vmem>>, vector<256x1xf32>
      %get3A_651 = arith.index_cast %multiple_of3A_644 : i32 to index
      %get3A_652 = arith.constant 2 : index
      %get3A_653 = vector.load %arg5[%get3A_651, %get3A_652] : memref<10240x3xf32, #tpu.memory_space<vmem>>, vector<256x1xf32>
      %get3A_654 = arith.index_cast %multiple_of3A_644 : i32 to index
      %get3A_655 = arith.constant 0 : index
      %get3A_656 = vector.load %arg6[%get3A_654, %get3A_655] : memref<10240x1xf32, #tpu.memory_space<vmem>>, vector<256x1xf32>
      %sub3A_657 = vector.broadcast %get3A_647 : vector<256x1xf32> to vector<256x512xf32>
      %sub3A_658 = vector.broadcast %get3A_2 : vector<1x512xf32> to vector<256x512xf32>
      %sub3A_659 = arith.subf %sub3A_657, %sub3A_658 : vector<256x512xf32>
      %integer_pow3A = arith.mulf %sub3A_659, %sub3A_659 : vector<256x512xf32>
      %sub3A_660 = vector.broadcast %get3A_650 : vector<256x1xf32> to vector<256x512xf32>
      %sub3A_661 = vector.broadcast %get3A_7 : vector<1x512xf32> to vector<256x512xf32>
      %sub3A_662 = arith.subf %sub3A_660, %sub3A_661 : vector<256x512xf32>
      %integer_pow3A_663 = arith.mulf %sub3A_662, %sub3A_662 : vector<256x512xf32>
      %add3A_664 = arith.addf %integer_pow3A, %integer_pow3A_663 : vector<256x512xf32>
      %sub3A_665 = vector.broadcast %get3A_653 : vector<256x1xf32> to vector<256x512xf32>
      %sub3A_666 = vector.broadcast %get3A_12 : vector<1x512xf32> to vector<256x512xf32>
      %sub3A_667 = arith.subf %sub3A_665, %sub3A_666 : vector<256x512xf32>
      %integer_pow3A_668 = arith.mulf %sub3A_667, %sub3A_667 : vector<256x512xf32>
      %add3A_669 = arith.addf %add3A_664, %integer_pow3A_668 : vector<256x512xf32>
      %ne3A = vector.broadcast %get3A_656 : vector<256x1xf32> to vector<256x512xf32>
      %ne3A_670 = vector.broadcast %get3A_17 : vector<1x512xf32> to vector<256x512xf32>
      %ne3A_671 = arith.cmpf one, %ne3A, %ne3A_670 : vector<256x512xf32>
      %add3A_672 = vector.broadcast %multiple_of3A_644 : i32 to vector<256x1xi32>
      %add3A_673 = arith.addi %add3A_672, %iota3A_21 : vector<256x1xi32>
      %eq3A_674 = vector.broadcast %add3A_673 : vector<256x1xi32> to vector<256x512xi32>
      %eq3A_675 = vector.broadcast %add3A_20 : vector<1x512xi32> to vector<256x512xi32>
      %eq3A_676 = arith.cmpi eq, %eq3A_674, %eq3A_675 : vector<256x512xi32>
      %or3A = arith.ori %ne3A_671, %eq3A_676 : vector<256x512xi1>
      %jit3A = arith.constant 1.000000e+30 : f32
      %broadcast_in_dim3A_677 = vector.broadcast %jit3A : f32 to vector<256x512xf32>
      %select_n3A_678 = arith.select %or3A, %broadcast_in_dim3A_677, %add3A_669 : vector<256x512xi1>, vector<256x512xf32>
      %swap3A_679 = arith.index_cast %multiple_of3A : i32 to index
      %swap3A_680 = arith.constant 0 : index
      %swap3A_681 = vector.load %arg8[%swap3A_679, %swap3A_680] : memref<10240x512xf32, #tpu.memory_space<vmem>>, vector<256x512xf32>
      tpu.vector_store %arg8[%swap3A_679, %swap3A_680], %select_n3A_678 {strides = array<i32>} : memref<10240x512xf32, #tpu.memory_space<vmem>>, vector<256x512xf32>,
    }
    %broadcast_in_dim3A = arith.constant 0 : i32
    %broadcast_in_dim3A_35 = vector.broadcast %broadcast_in_dim3A : i32 to vector<1x512xi32>
    %broadcast_in_dim3A_36 = arith.constant 0 : i32
    %broadcast_in_dim3A_37 = vector.broadcast %broadcast_in_dim3A_36 : i32 to vector<1x512xi32>
    %eq3A = arith.constant 0.000000e+00 : f32
    %eq3A_38 = vector.broadcast %eq3A : f32 to vector<1x512xf32>
    %eq3A_39 = arith.cmpf oeq, %get3A_17, %eq3A_38 : vector<1x512xf32>
    %get3A_40 = arith.constant 0 : index
    %get3A_41 = memref.load %arg3[%get3A_40] : memref<10xi32, #tpu.memory_space<smem>>
    %broadcast_in_dim3A_42 = vector.broadcast %get3A_41 : i32 to vector<1x512xi32>
    %select_n3A = arith.select %eq3A_39, %broadcast_in_dim3A_42, %broadcast_in_dim3A_35 : vector<1x512xi1>, vector<1x512xi32>
    %get3A_43 = arith.constant 1 : index
    %get3A_44 = memref.load %arg3[%get3A_43] : memref<10xi32, #tpu.memory_space<smem>>
    %broadcast_in_dim3A_45 = vector.broadcast %get3A_44 : i32 to vector<1x512xi32>
    %select_n3A_46 = arith.select %eq3A_39, %broadcast_in_dim3A_45, %broadcast_in_dim3A_37 : vector<1x512xi1>, vector<1x512xi32>
    %eq3A_47 = arith.constant 1.000000e+00 : f32
    %eq3A_48 = vector.broadcast %eq3A_47 : f32 to vector<1x512xf32>
    %eq3A_49 = arith.cmpf oeq, %get3A_17, %eq3A_48 : vector<1x512xf32>
    %get3A_50 = arith.constant 1 : index
    %get3A_51 = memref.load %arg3[%get3A_50] : memref<10xi32, #tpu.memory_space<smem>>
    %broadcast_in_dim3A_52 = vector.broadcast %get3A_51 : i32 to vector<1x512xi32>
    %select_n3A_53 = arith.select %eq3A_49, %broadcast_in_dim3A_52, %select_n3A : vector<1x512xi1>, vector<1x512xi32>
    %get3A_54 = arith.constant 2 : index
    %get3A_55 = memref.load %arg3[%get3A_54] : memref<10xi32, #tpu.memory_space<smem>>
    %broadcast_in_dim3A_56 = vector.broadcast %get3A_55 : i32 to vector<1x512xi32>
    %select_n3A_57 = arith.select %eq3A_49, %broadcast_in_dim3A_56, %select_n3A_46 : vector<1x512xi1>, vector<1x512xi32>
    %eq3A_58 = arith.constant 2.000000e+00 : f32
    %eq3A_59 = vector.broadcast %eq3A_58 : f32 to vector<1x512xf32>
    %eq3A_60 = arith.cmpf oeq, %get3A_17, %eq3A_59 : vector<1x512xf32>
    %get3A_61 = arith.constant 2 : index
    %get3A_62 = memref.load %arg3[%get3A_61] : memref<10xi32, #tpu.memory_space<smem>>
    %broadcast_in_dim3A_63 = vector.broadcast %get3A_62 : i32 to vector<1x512xi32>
    %select_n3A_64 = arith.select %eq3A_60, %broadcast_in_dim3A_63, %select_n3A_53 : vector<1x512xi1>, vector<1x512xi32>
    %get3A_65 = arith.constant 3 : index
    %get3A_66 = memref.load %arg3[%get3A_65] : memref<10xi32, #tpu.memory_space<smem>>
    %broadcast_in_dim3A_67 = vector.broadcast %get3A_66 : i32 to vector<1x512xi32>
    %select_n3A_68 = arith.select %eq3A_60, %broadcast_in_dim3A_67, %select_n3A_57 : vector<1x512xi1>, vector<1x512xi32>
    %eq3A_69 = arith.constant 3.000000e+00 : f32
    %eq3A_70 = vector.broadcast %eq3A_69 : f32 to vector<1x512xf32>
    %eq3A_71 = arith.cmpf oeq, %get3A_17, %eq3A_70 : vector<1x512xf32>
    %get3A_72 = arith.constant 3 : index
    %get3A_73 = memref.load %arg3[%get3A_72] : memref<10xi32, #tpu.memory_space<smem>>
    %broadcast_in_dim3A_74 = vector.broadcast %get3A_73 : i32 to vector<1x512xi32>
    %select_n3A_75 = arith.select %eq3A_71, %broadcast_in_dim3A_74, %select_n3A_64 : vector<1x512xi1>, vector<1x512xi32>
    %get3A_76 = arith.constant 4 : index
    %get3A_77 = memref.load %arg3[%get3A_76] : memref<10xi32, #tpu.memory_space<smem>>
    %broadcast_in_dim3A_78 = vector.broadcast %get3A_77 : i32 to vector<1x512xi32>
    %select_n3A_79 = arith.select %eq3A_71, %broadcast_in_dim3A_78, %select_n3A_68 : vector<1x512xi1>, vector<1x512xi32>
    %eq3A_80 = arith.constant 4.000000e+00 : f32
    %eq3A_81 = vector.broadcast %eq3A_80 : f32 to vector<1x512xf32>
    %eq3A_82 = arith.cmpf oeq, %get3A_17, %eq3A_81 : vector<1x512xf32>
    %get3A_83 = arith.constant 4 : index
    %get3A_84 = memref.load %arg3[%get3A_83] : memref<10xi32, #tpu.memory_space<smem>>
    %broadcast_in_dim3A_85 = vector.broadcast %get3A_84 : i32 to vector<1x512xi32>
    %select_n3A_86 = arith.select %eq3A_82, %broadcast_in_dim3A_85, %select_n3A_75 : vector<1x512xi1>, vector<1x512xi32>
    %get3A_87 = arith.constant 5 : index
    %get3A_88 = memref.load %arg3[%get3A_87] : memref<10xi32, #tpu.memory_space<smem>>
    %broadcast_in_dim3A_89 = vector.broadcast %get3A_88 : i32 to vector<1x512xi32>
    %select_n3A_90 = arith.select %eq3A_82, %broadcast_in_dim3A_89, %select_n3A_79 : vector<1x512xi1>, vector<1x512xi32>
    %eq3A_91 = arith.constant 5.000000e+00 : f32
    %eq3A_92 = vector.broadcast %eq3A_91 : f32 to vector<1x512xf32>
    %eq3A_93 = arith.cmpf oeq, %get3A_17, %eq3A_92 : vector<1x512xf32>
    %get3A_94 = arith.constant 5 : index
    %get3A_95 = memref.load %arg3[%get3A_94] : memref<10xi32, #tpu.memory_space<smem>>
    %broadcast_in_dim3A_96 = vector.broadcast %get3A_95 : i32 to vector<1x512xi32>
    %select_n3A_97 = arith.select %eq3A_93, %broadcast_in_dim3A_96, %select_n3A_86 : vector<1x512xi1>, vector<1x512xi32>
    %get3A_98 = arith.constant 6 : index
    %get3A_99 = memref.load %arg3[%get3A_98] : memref<10xi32, #tpu.memory_space<smem>>
    %broadcast_in_dim3A_100 = vector.broadcast %get3A_99 : i32 to vector<1x512xi32>
    %select_n3A_101 = arith.select %eq3A_93, %broadcast_in_dim3A_100, %select_n3A_90 : vector<1x512xi1>, vector<1x512xi32>
    %eq3A_102 = arith.constant 6.000000e+00 : f32
    %eq3A_103 = vector.broadcast %eq3A_102 : f32 to vector<1x512xf32>
    %eq3A_104 = arith.cmpf oeq, %get3A_17, %eq3A_103 : vector<1x512xf32>
    %get3A_105 = arith.constant 6 : index
    %get3A_106 = memref.load %arg3[%get3A_105] : memref<10xi32, #tpu.memory_space<smem>>
    %broadcast_in_dim3A_107 = vector.broadcast %get3A_106 : i32 to vector<1x512xi32>
    %select_n3A_108 = arith.select %eq3A_104, %broadcast_in_dim3A_107, %select_n3A_97 : vector<1x512xi1>, vector<1x512xi32>
    %get3A_109 = arith.constant 7 : index
    %get3A_110 = memref.load %arg3[%get3A_109] : memref<10xi32, #tpu.memory_space<smem>>
    %broadcast_in_dim3A_111 = vector.broadcast %get3A_110 : i32 to vector<1x512xi32>
    %select_n3A_112 = arith.select %eq3A_104, %broadcast_in_dim3A_111, %select_n3A_101 : vector<1x512xi1>, vector<1x512xi32>
    %eq3A_113 = arith.constant 7.000000e+00 : f32
    %eq3A_114 = vector.broadcast %eq3A_113 : f32 to vector<1x512xf32>
    %eq3A_115 = arith.cmpf oeq, %get3A_17, %eq3A_114 : vector<1x512xf32>
    %get3A_116 = arith.constant 7 : index
    %get3A_117 = memref.load %arg3[%get3A_116] : memref<10xi32, #tpu.memory_space<smem>>
    %broadcast_in_dim3A_118 = vector.broadcast %get3A_117 : i32 to vector<1x512xi32>
    %select_n3A_119 = arith.select %eq3A_115, %broadcast_in_dim3A_118, %select_n3A_108 : vector<1x512xi1>, vector<1x512xi32>
    %get3A_120 = arith.constant 8 : index
    %get3A_121 = memref.load %arg3[%get3A_120] : memref<10xi32, #tpu.memory_space<smem>>
    %broadcast_in_dim3A_122 = vector.broadcast %get3A_121 : i32 to vector<1x512xi32>
    %select_n3A_123 = arith.select %eq3A_115, %broadcast_in_dim3A_122, %select_n3A_112 : vector<1x512xi1>, vector<1x512xi32>
    %eq3A_124 = arith.constant 8.000000e+00 : f32
    %eq3A_125 = vector.broadcast %eq3A_124 : f32 to vector<1x512xf32>
    %eq3A_126 = arith.cmpf oeq, %get3A_17, %eq3A_125 : vector<1x512xf32>
    %get3A_127 = arith.constant 8 : index
    %get3A_128 = memref.load %arg3[%get3A_127] : memref<10xi32, #tpu.memory_space<smem>>
    %broadcast_in_dim3A_129 = vector.broadcast %get3A_128 : i32 to vector<1x512xi32>
    %select_n3A_130 = arith.select %eq3A_126, %broadcast_in_dim3A_129, %select_n3A_119 : vector<1x512xi1>, vector<1x512xi32>
    %get3A_131 = arith.constant 9 : index
    %get3A_132 = memref.load %arg3[%get3A_131] : memref<10xi32, #tpu.memory_space<smem>>
    %broadcast_in_dim3A_133 = vector.broadcast %get3A_132 : i32 to vector<1x512xi32>
    %select_n3A_134 = arith.select %eq3A_126, %broadcast_in_dim3A_133, %select_n3A_123 : vector<1x512xi1>, vector<1x512xi32>
    %sub3A = arith.subi %select_n3A_134, %select_n3A_130 : vector<1x512xi32>
    %sub3A_135 = arith.constant 1 : i32
    %sub3A_136 = vector.broadcast %sub3A_135 : i32 to vector<1x512xi32>
    %sub3A_137 = arith.subi %sub3A, %sub3A_136 : vector<1x512xi32>
    %broadcast_in_dim3A_138 = arith.constant -1.000000e+00 : f32
    %broadcast_in_dim3A_139 = vector.broadcast %broadcast_in_dim3A_138 : f32 to vector<1x512xf32>
    %broadcast_in_dim3A_140 = arith.constant 1073741824 : i32
    %broadcast_in_dim3A_141 = vector.broadcast %broadcast_in_dim3A_140 : i32 to vector<1x512xi32>
    %broadcast_in_dim3A_142 = arith.constant 1.000000e+30 : f32
    %broadcast_in_dim3A_143 = vector.broadcast %broadcast_in_dim3A_142 : f32 to vector<1x512xf32>
    %broadcast_in_dim3A_144 = arith.constant 1073741824 : i32
    %broadcast_in_dim3A_145 = vector.broadcast %broadcast_in_dim3A_144 : i32 to vector<1x512xi32>
    %while3A_146 = arith.constant 0 : i32
    %while3A_147 = arith.subi %get3A_25, %while3A_146 : i32
    %while3A_148 = arith.addi %while3A_146, %while3A_147 : i32
    %while3A_149 = arith.constant 1 : i32
    %while3A_150 = arith.divsi %while3A_147, %while3A_149 : i32
    %while3A_151 = arith.muli %while3A_150, %while3A_149 : i32
    %while3A_152 = arith.addi %while3A_146, %while3A_151 : i32
    %while3A_153 = arith.constant 1 : i32
    %while3A_154:2 = scf.for %while3A_638 = %while3A_146 to %while3A_152 step %while3A_153 iter_args(%while3A_639 = %broadcast_in_dim3A_143, %while3A_640 = %broadcast_in_dim3A_145) -> (vector<1x512xf32>, vector<1x512xi32>)  : i32 {
      %mul3A_641 = arith.constant 256 : i32
      %mul3A_642 = arith.muli %while3A_638, %mul3A_641 : i32
      %multiple_of3A = tpu.assume_multiple %mul3A_642, 256 : i32
      %add3A_643 = arith.addi %get3A_23, %while3A_638 : i32
      %mul3A_644 = arith.constant 256 : i32
      %mul3A_645 = arith.muli %add3A_643, %mul3A_644 : i32
      %multiple_of3A_646 = tpu.assume_multiple %mul3A_645, 256 : i32
      %add3A_647 = vector.broadcast %multiple_of3A_646 : i32 to vector<256x1xi32>
      %add3A_648 = arith.addi %add3A_647, %iota3A_21 : vector<256x1xi32>
      %get3A_649 = arith.index_cast %multiple_of3A : i32 to index
      %get3A_650 = arith.constant 0 : index
      %get3A_651 = vector.load %arg8[%get3A_649, %get3A_650] : memref<10240x512xf32, #tpu.memory_space<vmem>>, vector<256x512xf32>
      %lt3A_652 = vector.broadcast %broadcast_in_dim3A_139 : vector<1x512xf32> to vector<256x512xf32>
      %lt3A_653 = arith.cmpf olt, %get3A_651, %lt3A_652 : vector<256x512xf32>
      %eq3A_654 = vector.broadcast %broadcast_in_dim3A_139 : vector<1x512xf32> to vector<256x512xf32>
      %eq3A_655 = arith.cmpf oeq, %get3A_651, %eq3A_654 : vector<256x512xf32>
      %le3A = vector.broadcast %add3A_648 : vector<256x1xi32> to vector<256x512xi32>
      %le3A_656 = vector.broadcast %broadcast_in_dim3A_141 : vector<1x512xi32> to vector<256x512xi32>
      %le3A_657 = arith.cmpi sle, %le3A, %le3A_656 : vector<256x512xi32>
      %and3A = arith.andi %eq3A_655, %le3A_657 : vector<256x512xi1>
      %or3A = arith.ori %lt3A_653, %and3A : vector<256x512xi1>
      %jit3A = arith.constant 1.000000e+30 : f32
      %broadcast_in_dim3A_658 = vector.broadcast %jit3A : f32 to vector<256x512xf32>
      %select_n3A_659 = arith.select %or3A, %broadcast_in_dim3A_658, %get3A_651 : vector<256x512xi1>, vector<256x512xf32>
      %reduce_min3A = arith.constant dense<0x7F800000> : vector<512xf32>
      %reduce_min3A_660 = vector.multi_reduction <minimumf>, %select_n3A_659, %reduce_min3A [0] : vector<256x512xf32> to vector<512xf32>
      %broadcast_in_dim3A_661 = vector.shape_cast %reduce_min3A_660 : vector<512xf32> to vector<1x512xf32>
      %eq3A_662 = vector.broadcast %broadcast_in_dim3A_661 : vector<1x512xf32> to vector<256x512xf32>
      %eq3A_663 = arith.cmpf oeq, %select_n3A_659, %eq3A_662 : vector<256x512xf32>
      %jit3A_664 = arith.constant 1073741824 : i32
      %broadcast_in_dim3A_665 = vector.shape_cast %add3A_648 : vector<256x1xi32> to vector<256x1xi32>
      %broadcast_in_dim3A_666 = vector.broadcast %broadcast_in_dim3A_665 : vector<256x1xi32> to vector<256x512xi32>
      %broadcast_in_dim3A_667 = vector.broadcast %jit3A_664 : i32 to vector<256x512xi32>
      %select_n3A_668 = arith.select %eq3A_663, %broadcast_in_dim3A_666, %broadcast_in_dim3A_667 : vector<256x512xi1>, vector<256x512xi32>
      %reduce_min3A_669 = arith.constant dense<2147483647> : vector<512xi32>
      %reduce_min3A_670 = vector.multi_reduction <minsi>, %select_n3A_668, %reduce_min3A_669 [0] : vector<256x512xi32> to vector<512xi32>
      %broadcast_in_dim3A_671 = vector.shape_cast %reduce_min3A_670 : vector<512xi32> to vector<1x512xi32>
      %lt3A_672 = arith.cmpf olt, %broadcast_in_dim3A_661, %while3A_639 : vector<1x512xf32>
      %eq3A_673 = arith.cmpf oeq, %broadcast_in_dim3A_661, %while3A_639 : vector<1x512xf32>
      %lt3A_674 = arith.cmpi slt, %broadcast_in_dim3A_671, %while3A_640 : vector<1x512xi32>
      %and3A_675 = arith.andi %eq3A_673, %lt3A_674 : vector<1x512xi1>
      %or3A_676 = arith.ori %lt3A_672, %and3A_675 : vector<1x512xi1>
      %select_n3A_677 = arith.select %or3A_676, %broadcast_in_dim3A_661, %while3A_639 : vector<1x512xi1>, vector<1x512xf32>
      %select_n3A_678 = arith.select %or3A_676, %broadcast_in_dim3A_671, %while3A_640 : vector<1x512xi1>, vector<1x512xi32>
      scf.yield %select_n3A_677, %select_n3A_678 : vector<1x512xf32>, vector<1x512xi32>
    }
    %while3A_155 = arith.constant 1 : i32
    %while3A_156:2 = scf.for %while3A_638 = %while3A_152 to %while3A_148 step %while3A_155 iter_args(%while3A_639 = %while3A_154#0, %while3A_640 = %while3A_154#1) -> (vector<1x512xf32>, vector<1x512xi32>)  : i32 {
      %mul3A_641 = arith.constant 256 : i32
      %mul3A_642 = arith.muli %while3A_638, %mul3A_641 : i32
      %multiple_of3A = tpu.assume_multiple %mul3A_642, 256 : i32
      %add3A_643 = arith.addi %get3A_23, %while3A_638 : i32
      %mul3A_644 = arith.constant 256 : i32
      %mul3A_645 = arith.muli %add3A_643, %mul3A_644 : i32
      %multiple_of3A_646 = tpu.assume_multiple %mul3A_645, 256 : i32
      %add3A_647 = vector.broadcast %multiple_of3A_646 : i32 to vector<256x1xi32>
      %add3A_648 = arith.addi %add3A_647, %iota3A_21 : vector<256x1xi32>
      %get3A_649 = arith.index_cast %multiple_of3A : i32 to index
      %get3A_650 = arith.constant 0 : index
      %get3A_651 = vector.load %arg8[%get3A_649, %get3A_650] : memref<10240x512xf32, #tpu.memory_space<vmem>>, vector<256x512xf32>
      %lt3A_652 = vector.broadcast %broadcast_in_dim3A_139 : vector<1x512xf32> to vector<256x512xf32>
      %lt3A_653 = arith.cmpf olt, %get3A_651, %lt3A_652 : vector<256x512xf32>
      %eq3A_654 = vector.broadcast %broadcast_in_dim3A_139 : vector<1x512xf32> to vector<256x512xf32>
      %eq3A_655 = arith.cmpf oeq, %get3A_651, %eq3A_654 : vector<256x512xf32>
      %le3A = vector.broadcast %add3A_648 : vector<256x1xi32> to vector<256x512xi32>
      %le3A_656 = vector.broadcast %broadcast_in_dim3A_141 : vector<1x512xi32> to vector<256x512xi32>
      %le3A_657 = arith.cmpi sle, %le3A, %le3A_656 : vector<256x512xi32>
      %and3A = arith.andi %eq3A_655, %le3A_657 : vector<256x512xi1>
      %or3A = arith.ori %lt3A_653, %and3A : vector<256x512xi1>
      %jit3A = arith.constant 1.000000e+30 : f32
      %broadcast_in_dim3A_658 = vector.broadcast %jit3A : f32 to vector<256x512xf32>
      %select_n3A_659 = arith.select %or3A, %broadcast_in_dim3A_658, %get3A_651 : vector<256x512xi1>, vector<256x512xf32>
      %reduce_min3A = arith.constant dense<0x7F800000> : vector<512xf32>
      %reduce_min3A_660 = vector.multi_reduction <minimumf>, %select_n3A_659, %reduce_min3A [0] : vector<256x512xf32> to vector<512xf32>
      %broadcast_in_dim3A_661 = vector.shape_cast %reduce_min3A_660 : vector<512xf32> to vector<1x512xf32>
      %eq3A_662 = vector.broadcast %broadcast_in_dim3A_661 : vector<1x512xf32> to vector<256x512xf32>
      %eq3A_663 = arith.cmpf oeq, %select_n3A_659, %eq3A_662 : vector<256x512xf32>
      %jit3A_664 = arith.constant 1073741824 : i32
      %broadcast_in_dim3A_665 = vector.shape_cast %add3A_648 : vector<256x1xi32> to vector<256x1xi32>
      %broadcast_in_dim3A_666 = vector.broadcast %broadcast_in_dim3A_665 : vector<256x1xi32> to vector<256x512xi32>
      %broadcast_in_dim3A_667 = vector.broadcast %jit3A_664 : i32 to vector<256x512xi32>
      %select_n3A_668 = arith.select %eq3A_663, %broadcast_in_dim3A_666, %broadcast_in_dim3A_667 : vector<256x512xi1>, vector<256x512xi32>
      %reduce_min3A_669 = arith.constant dense<2147483647> : vector<512xi32>
      %reduce_min3A_670 = vector.multi_reduction <minsi>, %select_n3A_668, %reduce_min3A_669 [0] : vector<256x512xi32> to vector<512xi32>
      %broadcast_in_dim3A_671 = vector.shape_cast %reduce_min3A_670 : vector<512xi32> to vector<1x512xi32>
      %lt3A_672 = arith.cmpf olt, %broadcast_in_dim3A_661, %while3A_639 : vector<1x512xf32>
      %eq3A_673 = arith.cmpf oeq, %broadcast_in_dim3A_661, %while3A_639 : vector<1x512xf32>
      %lt3A_674 = arith.cmpi slt, %broadcast_in_dim3A_671, %while3A_640 : vector<1x512xi32>
      %and3A_675 = arith.andi %eq3A_673, %lt3A_674 : vector<1x512xi1>
      %or3A_676 = arith.ori %lt3A_672, %and3A_675 : vector<1x512xi1>
      %select_n3A_677 = arith.select %or3A_676, %broadcast_in_dim3A_661, %while3A_639 : vector<1x512xi1>, vector<1x512xf32>
      %select_n3A_678 = arith.select %or3A_676, %broadcast_in_dim3A_671, %while3A_640 : vector<1x512xi1>, vector<1x512xi32>
      scf.yield %select_n3A_677, %select_n3A_678 : vector<1x512xf32>, vector<1x512xi32>
    }
    %sub3A_157 = arith.constant 0 : i32
    %sub3A_158 = vector.broadcast %sub3A_157 : i32 to vector<1x512xi32>
    %sub3A_159 = arith.subi %sub3A_158, %sub3A_137 : vector<1x512xi32>
    %lt3A = arith.cmpi slt, %sub3A_159, %select_n3A_130 : vector<1x512xi32>
    %eq3A_160 = arith.cmpi eq, %sub3A_159, %select_n3A_130 : vector<1x512xi32>
    %add3A_161 = arith.addi %select_n3A_134, %sub3A_159 : vector<1x512xi32>
    %sub3A_162 = arith.subi %add3A_161, %select_n3A_130 : vector<1x512xi32>
    %sub3A_163 = arith.constant 1 : i32
    %sub3A_164 = vector.broadcast %sub3A_163 : i32 to vector<1x512xi32>
    %sub3A_165 = arith.subi %sub3A_162, %sub3A_164 : vector<1x512xi32>
    %select_n3A_166 = arith.select %eq3A_160, %add3A_20, %sub3A_165 : vector<1x512xi1>, vector<1x512xi32>
    %select_n3A_167 = arith.select %lt3A, %sub3A_159, %select_n3A_166 : vector<1x512xi1>, vector<1x512xi32>
    %gt3A = arith.constant 0 : i32
    %gt3A_168 = vector.broadcast %gt3A : i32 to vector<1x512xi32>
    %gt3A_169 = arith.cmpi sgt, %sub3A_137, %gt3A_168 : vector<1x512xi32>
    %select_n3A_170 = arith.select %gt3A_169, %while3A_156#1, %select_n3A_167 : vector<1x512xi1>, vector<1x512xi32>
    %broadcast_in_dim3A_171 = arith.constant 1.000000e+30 : f32
    %broadcast_in_dim3A_172 = vector.broadcast %broadcast_in_dim3A_171 : f32 to vector<1x512xf32>
    %broadcast_in_dim3A_173 = arith.constant 1073741824 : i32
    %broadcast_in_dim3A_174 = vector.broadcast %broadcast_in_dim3A_173 : i32 to vector<1x512xi32>
    %while3A_175 = arith.constant 0 : i32
    %while3A_176 = arith.subi %get3A_25, %while3A_175 : i32
    %while3A_177 = arith.addi %while3A_175, %while3A_176 : i32
    %while3A_178 = arith.constant 1 : i32
    %while3A_179 = arith.divsi %while3A_176, %while3A_178 : i32
    %while3A_180 = arith.muli %while3A_179, %while3A_178 : i32
    %while3A_181 = arith.addi %while3A_175, %while3A_180 : i32
    %while3A_182 = arith.constant 1 : i32
    %while3A_183:2 = scf.for %while3A_638 = %while3A_175 to %while3A_181 step %while3A_182 iter_args(%while3A_639 = %broadcast_in_dim3A_172, %while3A_640 = %broadcast_in_dim3A_174) -> (vector<1x512xf32>, vector<1x512xi32>)  : i32 {
      %mul3A_641 = arith.constant 256 : i32
      %mul3A_642 = arith.muli %while3A_638, %mul3A_641 : i32
      %multiple_of3A = tpu.assume_multiple %mul3A_642, 256 : i32
      %add3A_643 = arith.addi %get3A_23, %while3A_638 : i32
      %mul3A_644 = arith.constant 256 : i32
      %mul3A_645 = arith.muli %add3A_643, %mul3A_644 : i32
      %multiple_of3A_646 = tpu.assume_multiple %mul3A_645, 256 : i32
      %add3A_647 = vector.broadcast %multiple_of3A_646 : i32 to vector<256x1xi32>
      %add3A_648 = arith.addi %add3A_647, %iota3A_21 : vector<256x1xi32>
      %get3A_649 = arith.index_cast %multiple_of3A : i32 to index
      %get3A_650 = arith.constant 0 : index
      %get3A_651 = vector.load %arg8[%get3A_649, %get3A_650] : memref<10240x512xf32, #tpu.memory_space<vmem>>, vector<256x512xf32>
      %lt3A_652 = vector.broadcast %while3A_156#0 : vector<1x512xf32> to vector<256x512xf32>
      %lt3A_653 = arith.cmpf olt, %get3A_651, %lt3A_652 : vector<256x512xf32>
      %eq3A_654 = vector.broadcast %while3A_156#0 : vector<1x512xf32> to vector<256x512xf32>
      %eq3A_655 = arith.cmpf oeq, %get3A_651, %eq3A_654 : vector<256x512xf32>
      %le3A = vector.broadcast %add3A_648 : vector<256x1xi32> to vector<256x512xi32>
      %le3A_656 = vector.broadcast %while3A_156#1 : vector<1x512xi32> to vector<256x512xi32>
      %le3A_657 = arith.cmpi sle, %le3A, %le3A_656 : vector<256x512xi32>
      %and3A = arith.andi %eq3A_655, %le3A_657 : vector<256x512xi1>
      %or3A = arith.ori %lt3A_653, %and3A : vector<256x512xi1>
      %jit3A = arith.constant 1.000000e+30 : f32
      %broadcast_in_dim3A_658 = vector.broadcast %jit3A : f32 to vector<256x512xf32>
      %select_n3A_659 = arith.select %or3A, %broadcast_in_dim3A_658, %get3A_651 : vector<256x512xi1>, vector<256x512xf32>
      %reduce_min3A = arith.constant dense<0x7F800000> : vector<512xf32>
      %reduce_min3A_660 = vector.multi_reduction <minimumf>, %select_n3A_659, %reduce_min3A [0] : vector<256x512xf32> to vector<512xf32>
      %broadcast_in_dim3A_661 = vector.shape_cast %reduce_min3A_660 : vector<512xf32> to vector<1x512xf32>
      %eq3A_662 = vector.broadcast %broadcast_in_dim3A_661 : vector<1x512xf32> to vector<256x512xf32>
      %eq3A_663 = arith.cmpf oeq, %select_n3A_659, %eq3A_662 : vector<256x512xf32>
      %jit3A_664 = arith.constant 1073741824 : i32
      %broadcast_in_dim3A_665 = vector.shape_cast %add3A_648 : vector<256x1xi32> to vector<256x1xi32>
      %broadcast_in_dim3A_666 = vector.broadcast %broadcast_in_dim3A_665 : vector<256x1xi32> to vector<256x512xi32>
      %broadcast_in_dim3A_667 = vector.broadcast %jit3A_664 : i32 to vector<256x512xi32>
      %select_n3A_668 = arith.select %eq3A_663, %broadcast_in_dim3A_666, %broadcast_in_dim3A_667 : vector<256x512xi1>, vector<256x512xi32>
      %reduce_min3A_669 = arith.constant dense<2147483647> : vector<512xi32>
      %reduce_min3A_670 = vector.multi_reduction <minsi>, %select_n3A_668, %reduce_min3A_669 [0] : vector<256x512xi32> to vector<512xi32>
      %broadcast_in_dim3A_671 = vector.shape_cast %reduce_min3A_670 : vector<512xi32> to vector<1x512xi32>
      %lt3A_672 = arith.cmpf olt, %broadcast_in_dim3A_661, %while3A_639 : vector<1x512xf32>
      %eq3A_673 = arith.cmpf oeq, %broadcast_in_dim3A_661, %while3A_639 : vector<1x512xf32>
      %lt3A_674 = arith.cmpi slt, %broadcast_in_dim3A_671, %while3A_640 : vector<1x512xi32>
      %and3A_675 = arith.andi %eq3A_673, %lt3A_674 : vector<1x512xi1>
      %or3A_676 = arith.ori %lt3A_672, %and3A_675 : vector<1x512xi1>
      %select_n3A_677 = arith.select %or3A_676, %broadcast_in_dim3A_661, %while3A_639 : vector<1x512xi1>, vector<1x512xf32>
      %select_n3A_678 = arith.select %or3A_676, %broadcast_in_dim3A_671, %while3A_640 : vector<1x512xi1>, vector<1x512xi32>
      scf.yield %select_n3A_677, %select_n3A_678 : vector<1x512xf32>, vector<1x512xi32>
    }
    %while3A_184 = arith.constant 1 : i32
    %while3A_185:2 = scf.for %while3A_638 = %while3A_181 to %while3A_177 step %while3A_184 iter_args(%while3A_639 = %while3A_183#0, %while3A_640 = %while3A_183#1) -> (vector<1x512xf32>, vector<1x512xi32>)  : i32 {
      %mul3A_641 = arith.constant 256 : i32
      %mul3A_642 = arith.muli %while3A_638, %mul3A_641 : i32
      %multiple_of3A = tpu.assume_multiple %mul3A_642, 256 : i32
      %add3A_643 = arith.addi %get3A_23, %while3A_638 : i32
      %mul3A_644 = arith.constant 256 : i32
      %mul3A_645 = arith.muli %add3A_643, %mul3A_644 : i32
      %multiple_of3A_646 = tpu.assume_multiple %mul3A_645, 256 : i32
      %add3A_647 = vector.broadcast %multiple_of3A_646 : i32 to vector<256x1xi32>
      %add3A_648 = arith.addi %add3A_647, %iota3A_21 : vector<256x1xi32>
      %get3A_649 = arith.index_cast %multiple_of3A : i32 to index
      %get3A_650 = arith.constant 0 : index
      %get3A_651 = vector.load %arg8[%get3A_649, %get3A_650] : memref<10240x512xf32, #tpu.memory_space<vmem>>, vector<256x512xf32>
      %lt3A_652 = vector.broadcast %while3A_156#0 : vector<1x512xf32> to vector<256x512xf32>
      %lt3A_653 = arith.cmpf olt, %get3A_651, %lt3A_652 : vector<256x512xf32>
      %eq3A_654 = vector.broadcast %while3A_156#0 : vector<1x512xf32> to vector<256x512xf32>
      %eq3A_655 = arith.cmpf oeq, %get3A_651, %eq3A_654 : vector<256x512xf32>
      %le3A = vector.broadcast %add3A_648 : vector<256x1xi32> to vector<256x512xi32>
      %le3A_656 = vector.broadcast %while3A_156#1 : vector<1x512xi32> to vector<256x512xi32>
      %le3A_657 = arith.cmpi sle, %le3A, %le3A_656 : vector<256x512xi32>
      %and3A = arith.andi %eq3A_655, %le3A_657 : vector<256x512xi1>
      %or3A = arith.ori %lt3A_653, %and3A : vector<256x512xi1>
      %jit3A = arith.constant 1.000000e+30 : f32
      %broadcast_in_dim3A_658 = vector.broadcast %jit3A : f32 to vector<256x512xf32>
      %select_n3A_659 = arith.select %or3A, %broadcast_in_dim3A_658, %get3A_651 : vector<256x512xi1>, vector<256x512xf32>
      %reduce_min3A = arith.constant dense<0x7F800000> : vector<512xf32>
      %reduce_min3A_660 = vector.multi_reduction <minimumf>, %select_n3A_659, %reduce_min3A [0] : vector<256x512xf32> to vector<512xf32>
      %broadcast_in_dim3A_661 = vector.shape_cast %reduce_min3A_660 : vector<512xf32> to vector<1x512xf32>
      %eq3A_662 = vector.broadcast %broadcast_in_dim3A_661 : vector<1x512xf32> to vector<256x512xf32>
      %eq3A_663 = arith.cmpf oeq, %select_n3A_659, %eq3A_662 : vector<256x512xf32>
      %jit3A_664 = arith.constant 1073741824 : i32
      %broadcast_in_dim3A_665 = vector.shape_cast %add3A_648 : vector<256x1xi32> to vector<256x1xi32>
      %broadcast_in_dim3A_666 = vector.broadcast %broadcast_in_dim3A_665 : vector<256x1xi32> to vector<256x512xi32>
      %broadcast_in_dim3A_667 = vector.broadcast %jit3A_664 : i32 to vector<256x512xi32>
      %select_n3A_668 = arith.select %eq3A_663, %broadcast_in_dim3A_666, %broadcast_in_dim3A_667 : vector<256x512xi1>, vector<256x512xi32>
      %reduce_min3A_669 = arith.constant dense<2147483647> : vector<512xi32>
      %reduce_min3A_670 = vector.multi_reduction <minsi>, %select_n3A_668, %reduce_min3A_669 [0] : vector<256x512xi32> to vector<512xi32>
      %broadcast_in_dim3A_671 = vector.shape_cast %reduce_min3A_670 : vector<512xi32> to vector<1x512xi32>
      %lt3A_672 = arith.cmpf olt, %broadcast_in_dim3A_661, %while3A_639 : vector<1x512xf32>
      %eq3A_673 = arith.cmpf oeq, %broadcast_in_dim3A_661, %while3A_639 : vector<1x512xf32>
      %lt3A_674 = arith.cmpi slt, %broadcast_in_dim3A_671, %while3A_640 : vector<1x512xi32>
      %and3A_675 = arith.andi %eq3A_673, %lt3A_674 : vector<1x512xi1>
      %or3A_676 = arith.ori %lt3A_672, %and3A_675 : vector<1x512xi1>
      %select_n3A_677 = arith.select %or3A_676, %broadcast_in_dim3A_661, %while3A_639 : vector<1x512xi1>, vector<1x512xf32>
      %select_n3A_678 = arith.select %or3A_676, %broadcast_in_dim3A_671, %while3A_640 : vector<1x512xi1>, vector<1x512xi32>
      scf.yield %select_n3A_677, %select_n3A_678 : vector<1x512xf32>, vector<1x512xi32>
    }
    %sub3A_186 = arith.constant 1 : i32
    %sub3A_187 = vector.broadcast %sub3A_186 : i32 to vector<1x512xi32>
    %sub3A_188 = arith.subi %sub3A_187, %sub3A_137 : vector<1x512xi32>
    %lt3A_189 = arith.cmpi slt, %sub3A_188, %select_n3A_130 : vector<1x512xi32>
    %eq3A_190 = arith.cmpi eq, %sub3A_188, %select_n3A_130 : vector<1x512xi32>
    %add3A_191 = arith.addi %select_n3A_134, %sub3A_188 : vector<1x512xi32>
    %sub3A_192 = arith.subi %add3A_191, %select_n3A_130 : vector<1x512xi32>
    %sub3A_193 = arith.constant 1 : i32
    %sub3A_194 = vector.broadcast %sub3A_193 : i32 to vector<1x512xi32>
    %sub3A_195 = arith.subi %sub3A_192, %sub3A_194 : vector<1x512xi32>
    %select_n3A_196 = arith.select %eq3A_190, %add3A_20, %sub3A_195 : vector<1x512xi1>, vector<1x512xi32>
    %select_n3A_197 = arith.select %lt3A_189, %sub3A_188, %select_n3A_196 : vector<1x512xi1>, vector<1x512xi32>
    %gt3A_198 = arith.constant 1 : i32
    %gt3A_199 = vector.broadcast %gt3A_198 : i32 to vector<1x512xi32>
    %gt3A_200 = arith.cmpi sgt, %sub3A_137, %gt3A_199 : vector<1x512xi32>
    %select_n3A_201 = arith.select %gt3A_200, %while3A_185#1, %select_n3A_197 : vector<1x512xi1>, vector<1x512xi32>
    %broadcast_in_dim3A_202 = arith.constant 1.000000e+30 : f32
    %broadcast_in_dim3A_203 = vector.broadcast %broadcast_in_dim3A_202 : f32 to vector<1x512xf32>
    %broadcast_in_dim3A_204 = arith.constant 1073741824 : i32
    %broadcast_in_dim3A_205 = vector.broadcast %broadcast_in_dim3A_204 : i32 to vector<1x512xi32>
    %while3A_206 = arith.constant 0 : i32
    %while3A_207 = arith.subi %get3A_25, %while3A_206 : i32
    %while3A_208 = arith.addi %while3A_206, %while3A_207 : i32
    %while3A_209 = arith.constant 1 : i32
    %while3A_210 = arith.divsi %while3A_207, %while3A_209 : i32
    %while3A_211 = arith.muli %while3A_210, %while3A_209 : i32
    %while3A_212 = arith.addi %while3A_206, %while3A_211 : i32
    %while3A_213 = arith.constant 1 : i32
    %while3A_214:2 = scf.for %while3A_638 = %while3A_206 to %while3A_212 step %while3A_213 iter_args(%while3A_639 = %broadcast_in_dim3A_203, %while3A_640 = %broadcast_in_dim3A_205) -> (vector<1x512xf32>, vector<1x512xi32>)  : i32 {
      %mul3A_641 = arith.constant 256 : i32
      %mul3A_642 = arith.muli %while3A_638, %mul3A_641 : i32
      %multiple_of3A = tpu.assume_multiple %mul3A_642, 256 : i32
      %add3A_643 = arith.addi %get3A_23, %while3A_638 : i32
      %mul3A_644 = arith.constant 256 : i32
      %mul3A_645 = arith.muli %add3A_643, %mul3A_644 : i32
      %multiple_of3A_646 = tpu.assume_multiple %mul3A_645, 256 : i32
      %add3A_647 = vector.broadcast %multiple_of3A_646 : i32 to vector<256x1xi32>
      %add3A_648 = arith.addi %add3A_647, %iota3A_21 : vector<256x1xi32>
      %get3A_649 = arith.index_cast %multiple_of3A : i32 to index
      %get3A_650 = arith.constant 0 : index
      %get3A_651 = vector.load %arg8[%get3A_649, %get3A_650] : memref<10240x512xf32, #tpu.memory_space<vmem>>, vector<256x512xf32>
      %lt3A_652 = vector.broadcast %while3A_185#0 : vector<1x512xf32> to vector<256x512xf32>
      %lt3A_653 = arith.cmpf olt, %get3A_651, %lt3A_652 : vector<256x512xf32>
      %eq3A_654 = vector.broadcast %while3A_185#0 : vector<1x512xf32> to vector<256x512xf32>
      %eq3A_655 = arith.cmpf oeq, %get3A_651, %eq3A_654 : vector<256x512xf32>
      %le3A = vector.broadcast %add3A_648 : vector<256x1xi32> to vector<256x512xi32>
      %le3A_656 = vector.broadcast %while3A_185#1 : vector<1x512xi32> to vector<256x512xi32>
      %le3A_657 = arith.cmpi sle, %le3A, %le3A_656 : vector<256x512xi32>
      %and3A = arith.andi %eq3A_655, %le3A_657 : vector<256x512xi1>
      %or3A = arith.ori %lt3A_653, %and3A : vector<256x512xi1>
      %jit3A = arith.constant 1.000000e+30 : f32
      %broadcast_in_dim3A_658 = vector.broadcast %jit3A : f32 to vector<256x512xf32>
      %select_n3A_659 = arith.select %or3A, %broadcast_in_dim3A_658, %get3A_651 : vector<256x512xi1>, vector<256x512xf32>
      %reduce_min3A = arith.constant dense<0x7F800000> : vector<512xf32>
      %reduce_min3A_660 = vector.multi_reduction <minimumf>, %select_n3A_659, %reduce_min3A [0] : vector<256x512xf32> to vector<512xf32>
      %broadcast_in_dim3A_661 = vector.shape_cast %reduce_min3A_660 : vector<512xf32> to vector<1x512xf32>
      %eq3A_662 = vector.broadcast %broadcast_in_dim3A_661 : vector<1x512xf32> to vector<256x512xf32>
      %eq3A_663 = arith.cmpf oeq, %select_n3A_659, %eq3A_662 : vector<256x512xf32>
      %jit3A_664 = arith.constant 1073741824 : i32
      %broadcast_in_dim3A_665 = vector.shape_cast %add3A_648 : vector<256x1xi32> to vector<256x1xi32>
      %broadcast_in_dim3A_666 = vector.broadcast %broadcast_in_dim3A_665 : vector<256x1xi32> to vector<256x512xi32>
      %broadcast_in_dim3A_667 = vector.broadcast %jit3A_664 : i32 to vector<256x512xi32>
      %select_n3A_668 = arith.select %eq3A_663, %broadcast_in_dim3A_666, %broadcast_in_dim3A_667 : vector<256x512xi1>, vector<256x512xi32>
      %reduce_min3A_669 = arith.constant dense<2147483647> : vector<512xi32>
      %reduce_min3A_670 = vector.multi_reduction <minsi>, %select_n3A_668, %reduce_min3A_669 [0] : vector<256x512xi32> to vector<512xi32>
      %broadcast_in_dim3A_671 = vector.shape_cast %reduce_min3A_670 : vector<512xi32> to vector<1x512xi32>
      %lt3A_672 = arith.cmpf olt, %broadcast_in_dim3A_661, %while3A_639 : vector<1x512xf32>
      %eq3A_673 = arith.cmpf oeq, %broadcast_in_dim3A_661, %while3A_639 : vector<1x512xf32>
      %lt3A_674 = arith.cmpi slt, %broadcast_in_dim3A_671, %while3A_640 : vector<1x512xi32>
      %and3A_675 = arith.andi %eq3A_673, %lt3A_674 : vector<1x512xi1>
      %or3A_676 = arith.ori %lt3A_672, %and3A_675 : vector<1x512xi1>
      %select_n3A_677 = arith.select %or3A_676, %broadcast_in_dim3A_661, %while3A_639 : vector<1x512xi1>, vector<1x512xf32>
      %select_n3A_678 = arith.select %or3A_676, %broadcast_in_dim3A_671, %while3A_640 : vector<1x512xi1>, vector<1x512xi32>
      scf.yield %select_n3A_677, %select_n3A_678 : vector<1x512xf32>, vector<1x512xi32>
    }
    %while3A_215 = arith.constant 1 : i32
    %while3A_216:2 = scf.for %while3A_638 = %while3A_212 to %while3A_208 step %while3A_215 iter_args(%while3A_639 = %while3A_214#0, %while3A_640 = %while3A_214#1) -> (vector<1x512xf32>, vector<1x512xi32>)  : i32 {
      %mul3A_641 = arith.constant 256 : i32
      %mul3A_642 = arith.muli %while3A_638, %mul3A_641 : i32
      %multiple_of3A = tpu.assume_multiple %mul3A_642, 256 : i32
      %add3A_643 = arith.addi %get3A_23, %while3A_638 : i32
      %mul3A_644 = arith.constant 256 : i32
      %mul3A_645 = arith.muli %add3A_643, %mul3A_644 : i32
      %multiple_of3A_646 = tpu.assume_multiple %mul3A_645, 256 : i32
      %add3A_647 = vector.broadcast %multiple_of3A_646 : i32 to vector<256x1xi32>
      %add3A_648 = arith.addi %add3A_647, %iota3A_21 : vector<256x1xi32>
      %get3A_649 = arith.index_cast %multiple_of3A : i32 to index
      %get3A_650 = arith.constant 0 : index
      %get3A_651 = vector.load %arg8[%get3A_649, %get3A_650] : memref<10240x512xf32, #tpu.memory_space<vmem>>, vector<256x512xf32>
      %lt3A_652 = vector.broadcast %while3A_185#0 : vector<1x512xf32> to vector<256x512xf32>
      %lt3A_653 = arith.cmpf olt, %get3A_651, %lt3A_652 : vector<256x512xf32>
      %eq3A_654 = vector.broadcast %while3A_185#0 : vector<1x512xf32> to vector<256x512xf32>
      %eq3A_655 = arith.cmpf oeq, %get3A_651, %eq3A_654 : vector<256x512xf32>
      %le3A = vector.broadcast %add3A_648 : vector<256x1xi32> to vector<256x512xi32>
      %le3A_656 = vector.broadcast %while3A_185#1 : vector<1x512xi32> to vector<256x512xi32>
      %le3A_657 = arith.cmpi sle, %le3A, %le3A_656 : vector<256x512xi32>
      %and3A = arith.andi %eq3A_655, %le3A_657 : vector<256x512xi1>
      %or3A = arith.ori %lt3A_653, %and3A : vector<256x512xi1>
      %jit3A = arith.constant 1.000000e+30 : f32
      %broadcast_in_dim3A_658 = vector.broadcast %jit3A : f32 to vector<256x512xf32>
      %select_n3A_659 = arith.select %or3A, %broadcast_in_dim3A_658, %get3A_651 : vector<256x512xi1>, vector<256x512xf32>
      %reduce_min3A = arith.constant dense<0x7F800000> : vector<512xf32>
      %reduce_min3A_660 = vector.multi_reduction <minimumf>, %select_n3A_659, %reduce_min3A [0] : vector<256x512xf32> to vector<512xf32>
      %broadcast_in_dim3A_661 = vector.shape_cast %reduce_min3A_660 : vector<512xf32> to vector<1x512xf32>
      %eq3A_662 = vector.broadcast %broadcast_in_dim3A_661 : vector<1x512xf32> to vector<256x512xf32>
      %eq3A_663 = arith.cmpf oeq, %select_n3A_659, %eq3A_662 : vector<256x512xf32>
      %jit3A_664 = arith.constant 1073741824 : i32
      %broadcast_in_dim3A_665 = vector.shape_cast %add3A_648 : vector<256x1xi32> to vector<256x1xi32>
      %broadcast_in_dim3A_666 = vector.broadcast %broadcast_in_dim3A_665 : vector<256x1xi32> to vector<256x512xi32>
      %broadcast_in_dim3A_667 = vector.broadcast %jit3A_664 : i32 to vector<256x512xi32>
      %select_n3A_668 = arith.select %eq3A_663, %broadcast_in_dim3A_666, %broadcast_in_dim3A_667 : vector<256x512xi1>, vector<256x512xi32>
      %reduce_min3A_669 = arith.constant dense<2147483647> : vector<512xi32>
      %reduce_min3A_670 = vector.multi_reduction <minsi>, %select_n3A_668, %reduce_min3A_669 [0] : vector<256x512xi32> to vector<512xi32>
      %broadcast_in_dim3A_671 = vector.shape_cast %reduce_min3A_670 : vector<512xi32> to vector<1x512xi32>
      %lt3A_672 = arith.cmpf olt, %broadcast_in_dim3A_661, %while3A_639 : vector<1x512xf32>
      %eq3A_673 = arith.cmpf oeq, %broadcast_in_dim3A_661, %while3A_639 : vector<1x512xf32>
      %lt3A_674 = arith.cmpi slt, %broadcast_in_dim3A_671, %while3A_640 : vector<1x512xi32>
      %and3A_675 = arith.andi %eq3A_673, %lt3A_674 : vector<1x512xi1>
      %or3A_676 = arith.ori %lt3A_672, %and3A_675 : vector<1x512xi1>
      %select_n3A_677 = arith.select %or3A_676, %broadcast_in_dim3A_661, %while3A_639 : vector<1x512xi1>, vector<1x512xf32>
      %select_n3A_678 = arith.select %or3A_676, %broadcast_in_dim3A_671, %while3A_640 : vector<1x512xi1>, vector<1x512xi32>
      scf.yield %select_n3A_677, %select_n3A_678 : vector<1x512xf32>, vector<1x512xi32>
    }
    %sub3A_217 = arith.constant 2 : i32
    %sub3A_218 = vector.broadcast %sub3A_217 : i32 to vector<1x512xi32>
    %sub3A_219 = arith.subi %sub3A_218, %sub3A_137 : vector<1x512xi32>
    %lt3A_220 = arith.cmpi slt, %sub3A_219, %select_n3A_130 : vector<1x512xi32>
    %eq3A_221 = arith.cmpi eq, %sub3A_219, %select_n3A_130 : vector<1x512xi32>
    %add3A_222 = arith.addi %select_n3A_134, %sub3A_219 : vector<1x512xi32>
    %sub3A_223 = arith.subi %add3A_222, %select_n3A_130 : vector<1x512xi32>
    %sub3A_224 = arith.constant 1 : i32
    %sub3A_225 = vector.broadcast %sub3A_224 : i32 to vector<1x512xi32>
    %sub3A_226 = arith.subi %sub3A_223, %sub3A_225 : vector<1x512xi32>
    %select_n3A_227 = arith.select %eq3A_221, %add3A_20, %sub3A_226 : vector<1x512xi1>, vector<1x512xi32>
    %select_n3A_228 = arith.select %lt3A_220, %sub3A_219, %select_n3A_227 : vector<1x512xi1>, vector<1x512xi32>
    %gt3A_229 = arith.constant 2 : i32
    %gt3A_230 = vector.broadcast %gt3A_229 : i32 to vector<1x512xi32>
    %gt3A_231 = arith.cmpi sgt, %sub3A_137, %gt3A_230 : vector<1x512xi32>
    %select_n3A_232 = arith.select %gt3A_231, %while3A_216#1, %select_n3A_228 : vector<1x512xi1>, vector<1x512xi32>
    %broadcast_in_dim3A_233 = arith.constant 1.000000e+30 : f32
    %broadcast_in_dim3A_234 = vector.broadcast %broadcast_in_dim3A_233 : f32 to vector<1x512xf32>
    %broadcast_in_dim3A_235 = arith.constant 1073741824 : i32
    %broadcast_in_dim3A_236 = vector.broadcast %broadcast_in_dim3A_235 : i32 to vector<1x512xi32>
    %while3A_237 = arith.constant 0 : i32
    %while3A_238 = arith.subi %get3A_25, %while3A_237 : i32
    %while3A_239 = arith.addi %while3A_237, %while3A_238 : i32
    %while3A_240 = arith.constant 1 : i32
    %while3A_241 = arith.divsi %while3A_238, %while3A_240 : i32
    %while3A_242 = arith.muli %while3A_241, %while3A_240 : i32
    %while3A_243 = arith.addi %while3A_237, %while3A_242 : i32
    %while3A_244 = arith.constant 1 : i32
    %while3A_245:2 = scf.for %while3A_638 = %while3A_237 to %while3A_243 step %while3A_244 iter_args(%while3A_639 = %broadcast_in_dim3A_234, %while3A_640 = %broadcast_in_dim3A_236) -> (vector<1x512xf32>, vector<1x512xi32>)  : i32 {
      %mul3A_641 = arith.constant 256 : i32
      %mul3A_642 = arith.muli %while3A_638, %mul3A_641 : i32
      %multiple_of3A = tpu.assume_multiple %mul3A_642, 256 : i32
      %add3A_643 = arith.addi %get3A_23, %while3A_638 : i32
      %mul3A_644 = arith.constant 256 : i32
      %mul3A_645 = arith.muli %add3A_643, %mul3A_644 : i32
      %multiple_of3A_646 = tpu.assume_multiple %mul3A_645, 256 : i32
      %add3A_647 = vector.broadcast %multiple_of3A_646 : i32 to vector<256x1xi32>
      %add3A_648 = arith.addi %add3A_647, %iota3A_21 : vector<256x1xi32>
      %get3A_649 = arith.index_cast %multiple_of3A : i32 to index
      %get3A_650 = arith.constant 0 : index
      %get3A_651 = vector.load %arg8[%get3A_649, %get3A_650] : memref<10240x512xf32, #tpu.memory_space<vmem>>, vector<256x512xf32>
      %lt3A_652 = vector.broadcast %while3A_216#0 : vector<1x512xf32> to vector<256x512xf32>
      %lt3A_653 = arith.cmpf olt, %get3A_651, %lt3A_652 : vector<256x512xf32>
      %eq3A_654 = vector.broadcast %while3A_216#0 : vector<1x512xf32> to vector<256x512xf32>
      %eq3A_655 = arith.cmpf oeq, %get3A_651, %eq3A_654 : vector<256x512xf32>
      %le3A = vector.broadcast %add3A_648 : vector<256x1xi32> to vector<256x512xi32>
      %le3A_656 = vector.broadcast %while3A_216#1 : vector<1x512xi32> to vector<256x512xi32>
      %le3A_657 = arith.cmpi sle, %le3A, %le3A_656 : vector<256x512xi32>
      %and3A = arith.andi %eq3A_655, %le3A_657 : vector<256x512xi1>
      %or3A = arith.ori %lt3A_653, %and3A : vector<256x512xi1>
      %jit3A = arith.constant 1.000000e+30 : f32
      %broadcast_in_dim3A_658 = vector.broadcast %jit3A : f32 to vector<256x512xf32>
      %select_n3A_659 = arith.select %or3A, %broadcast_in_dim3A_658, %get3A_651 : vector<256x512xi1>, vector<256x512xf32>
      %reduce_min3A = arith.constant dense<0x7F800000> : vector<512xf32>
      %reduce_min3A_660 = vector.multi_reduction <minimumf>, %select_n3A_659, %reduce_min3A [0] : vector<256x512xf32> to vector<512xf32>
      %broadcast_in_dim3A_661 = vector.shape_cast %reduce_min3A_660 : vector<512xf32> to vector<1x512xf32>
      %eq3A_662 = vector.broadcast %broadcast_in_dim3A_661 : vector<1x512xf32> to vector<256x512xf32>
      %eq3A_663 = arith.cmpf oeq, %select_n3A_659, %eq3A_662 : vector<256x512xf32>
      %jit3A_664 = arith.constant 1073741824 : i32
      %broadcast_in_dim3A_665 = vector.shape_cast %add3A_648 : vector<256x1xi32> to vector<256x1xi32>
      %broadcast_in_dim3A_666 = vector.broadcast %broadcast_in_dim3A_665 : vector<256x1xi32> to vector<256x512xi32>
      %broadcast_in_dim3A_667 = vector.broadcast %jit3A_664 : i32 to vector<256x512xi32>
      %select_n3A_668 = arith.select %eq3A_663, %broadcast_in_dim3A_666, %broadcast_in_dim3A_667 : vector<256x512xi1>, vector<256x512xi32>
      %reduce_min3A_669 = arith.constant dense<2147483647> : vector<512xi32>
      %reduce_min3A_670 = vector.multi_reduction <minsi>, %select_n3A_668, %reduce_min3A_669 [0] : vector<256x512xi32> to vector<512xi32>
      %broadcast_in_dim3A_671 = vector.shape_cast %reduce_min3A_670 : vector<512xi32> to vector<1x512xi32>
      %lt3A_672 = arith.cmpf olt, %broadcast_in_dim3A_661, %while3A_639 : vector<1x512xf32>
      %eq3A_673 = arith.cmpf oeq, %broadcast_in_dim3A_661, %while3A_639 : vector<1x512xf32>
      %lt3A_674 = arith.cmpi slt, %broadcast_in_dim3A_671, %while3A_640 : vector<1x512xi32>
      %and3A_675 = arith.andi %eq3A_673, %lt3A_674 : vector<1x512xi1>
      %or3A_676 = arith.ori %lt3A_672, %and3A_675 : vector<1x512xi1>
      %select_n3A_677 = arith.select %or3A_676, %broadcast_in_dim3A_661, %while3A_639 : vector<1x512xi1>, vector<1x512xf32>
      %select_n3A_678 = arith.select %or3A_676, %broadcast_in_dim3A_671, %while3A_640 : vector<1x512xi1>, vector<1x512xi32>
      scf.yield %select_n3A_677, %select_n3A_678 : vector<1x512xf32>, vector<1x512xi32>
    }
    %while3A_246 = arith.constant 1 : i32
    %while3A_247:2 = scf.for %while3A_638 = %while3A_243 to %while3A_239 step %while3A_246 iter_args(%while3A_639 = %while3A_245#0, %while3A_640 = %while3A_245#1) -> (vector<1x512xf32>, vector<1x512xi32>)  : i32 {
      %mul3A_641 = arith.constant 256 : i32
      %mul3A_642 = arith.muli %while3A_638, %mul3A_641 : i32
      %multiple_of3A = tpu.assume_multiple %mul3A_642, 256 : i32
      %add3A_643 = arith.addi %get3A_23, %while3A_638 : i32
      %mul3A_644 = arith.constant 256 : i32
      %mul3A_645 = arith.muli %add3A_643, %mul3A_644 : i32
      %multiple_of3A_646 = tpu.assume_multiple %mul3A_645, 256 : i32
      %add3A_647 = vector.broadcast %multiple_of3A_646 : i32 to vector<256x1xi32>
      %add3A_648 = arith.addi %add3A_647, %iota3A_21 : vector<256x1xi32>
      %get3A_649 = arith.index_cast %multiple_of3A : i32 to index
      %get3A_650 = arith.constant 0 : index
      %get3A_651 = vector.load %arg8[%get3A_649, %get3A_650] : memref<10240x512xf32, #tpu.memory_space<vmem>>, vector<256x512xf32>
      %lt3A_652 = vector.broadcast %while3A_216#0 : vector<1x512xf32> to vector<256x512xf32>
      %lt3A_653 = arith.cmpf olt, %get3A_651, %lt3A_652 : vector<256x512xf32>
      %eq3A_654 = vector.broadcast %while3A_216#0 : vector<1x512xf32> to vector<256x512xf32>
      %eq3A_655 = arith.cmpf oeq, %get3A_651, %eq3A_654 : vector<256x512xf32>
      %le3A = vector.broadcast %add3A_648 : vector<256x1xi32> to vector<256x512xi32>
      %le3A_656 = vector.broadcast %while3A_216#1 : vector<1x512xi32> to vector<256x512xi32>
      %le3A_657 = arith.cmpi sle, %le3A, %le3A_656 : vector<256x512xi32>
      %and3A = arith.andi %eq3A_655, %le3A_657 : vector<256x512xi1>
      %or3A = arith.ori %lt3A_653, %and3A : vector<256x512xi1>
      %jit3A = arith.constant 1.000000e+30 : f32
      %broadcast_in_dim3A_658 = vector.broadcast %jit3A : f32 to vector<256x512xf32>
      %select_n3A_659 = arith.select %or3A, %broadcast_in_dim3A_658, %get3A_651 : vector<256x512xi1>, vector<256x512xf32>
      %reduce_min3A = arith.constant dense<0x7F800000> : vector<512xf32>
      %reduce_min3A_660 = vector.multi_reduction <minimumf>, %select_n3A_659, %reduce_min3A [0] : vector<256x512xf32> to vector<512xf32>
      %broadcast_in_dim3A_661 = vector.shape_cast %reduce_min3A_660 : vector<512xf32> to vector<1x512xf32>
      %eq3A_662 = vector.broadcast %broadcast_in_dim3A_661 : vector<1x512xf32> to vector<256x512xf32>
      %eq3A_663 = arith.cmpf oeq, %select_n3A_659, %eq3A_662 : vector<256x512xf32>
      %jit3A_664 = arith.constant 1073741824 : i32
      %broadcast_in_dim3A_665 = vector.shape_cast %add3A_648 : vector<256x1xi32> to vector<256x1xi32>
      %broadcast_in_dim3A_666 = vector.broadcast %broadcast_in_dim3A_665 : vector<256x1xi32> to vector<256x512xi32>
      %broadcast_in_dim3A_667 = vector.broadcast %jit3A_664 : i32 to vector<256x512xi32>
      %select_n3A_668 = arith.select %eq3A_663, %broadcast_in_dim3A_666, %broadcast_in_dim3A_667 : vector<256x512xi1>, vector<256x512xi32>
      %reduce_min3A_669 = arith.constant dense<2147483647> : vector<512xi32>
      %reduce_min3A_670 = vector.multi_reduction <minsi>, %select_n3A_668, %reduce_min3A_669 [0] : vector<256x512xi32> to vector<512xi32>
      %broadcast_in_dim3A_671 = vector.shape_cast %reduce_min3A_670 : vector<512xi32> to vector<1x512xi32>
      %lt3A_672 = arith.cmpf olt, %broadcast_in_dim3A_661, %while3A_639 : vector<1x512xf32>
      %eq3A_673 = arith.cmpf oeq, %broadcast_in_dim3A_661, %while3A_639 : vector<1x512xf32>
      %lt3A_674 = arith.cmpi slt, %broadcast_in_dim3A_671, %while3A_640 : vector<1x512xi32>
      %and3A_675 = arith.andi %eq3A_673, %lt3A_674 : vector<1x512xi1>
      %or3A_676 = arith.ori %lt3A_672, %and3A_675 : vector<1x512xi1>
      %select_n3A_677 = arith.select %or3A_676, %broadcast_in_dim3A_661, %while3A_639 : vector<1x512xi1>, vector<1x512xf32>
      %select_n3A_678 = arith.select %or3A_676, %broadcast_in_dim3A_671, %while3A_640 : vector<1x512xi1>, vector<1x512xi32>
      scf.yield %select_n3A_677, %select_n3A_678 : vector<1x512xf32>, vector<1x512xi32>
    }
    %sub3A_248 = arith.constant 3 : i32
    %sub3A_249 = vector.broadcast %sub3A_248 : i32 to vector<1x512xi32>
    %sub3A_250 = arith.subi %sub3A_249, %sub3A_137 : vector<1x512xi32>
    %lt3A_251 = arith.cmpi slt, %sub3A_250, %select_n3A_130 : vector<1x512xi32>
    %eq3A_252 = arith.cmpi eq, %sub3A_250, %select_n3A_130 : vector<1x512xi32>
    %add3A_253 = arith.addi %select_n3A_134, %sub3A_250 : vector<1x512xi32>
    %sub3A_254 = arith.subi %add3A_253, %select_n3A_130 : vector<1x512xi32>
    %sub3A_255 = arith.constant 1 : i32
    %sub3A_256 = vector.broadcast %sub3A_255 : i32 to vector<1x512xi32>
    %sub3A_257 = arith.subi %sub3A_254, %sub3A_256 : vector<1x512xi32>
    %select_n3A_258 = arith.select %eq3A_252, %add3A_20, %sub3A_257 : vector<1x512xi1>, vector<1x512xi32>
    %select_n3A_259 = arith.select %lt3A_251, %sub3A_250, %select_n3A_258 : vector<1x512xi1>, vector<1x512xi32>
    %gt3A_260 = arith.constant 3 : i32
    %gt3A_261 = vector.broadcast %gt3A_260 : i32 to vector<1x512xi32>
    %gt3A_262 = arith.cmpi sgt, %sub3A_137, %gt3A_261 : vector<1x512xi32>
    %select_n3A_263 = arith.select %gt3A_262, %while3A_247#1, %select_n3A_259 : vector<1x512xi1>, vector<1x512xi32>
    %broadcast_in_dim3A_264 = arith.constant 1.000000e+30 : f32
    %broadcast_in_dim3A_265 = vector.broadcast %broadcast_in_dim3A_264 : f32 to vector<1x512xf32>
    %broadcast_in_dim3A_266 = arith.constant 1073741824 : i32
    %broadcast_in_dim3A_267 = vector.broadcast %broadcast_in_dim3A_266 : i32 to vector<1x512xi32>
    %while3A_268 = arith.constant 0 : i32
    %while3A_269 = arith.subi %get3A_25, %while3A_268 : i32
    %while3A_270 = arith.addi %while3A_268, %while3A_269 : i32
    %while3A_271 = arith.constant 1 : i32
    %while3A_272 = arith.divsi %while3A_269, %while3A_271 : i32
    %while3A_273 = arith.muli %while3A_272, %while3A_271 : i32
    %while3A_274 = arith.addi %while3A_268, %while3A_273 : i32
    %while3A_275 = arith.constant 1 : i32
    %while3A_276:2 = scf.for %while3A_638 = %while3A_268 to %while3A_274 step %while3A_275 iter_args(%while3A_639 = %broadcast_in_dim3A_265, %while3A_640 = %broadcast_in_dim3A_267) -> (vector<1x512xf32>, vector<1x512xi32>)  : i32 {
      %mul3A_641 = arith.constant 256 : i32
      %mul3A_642 = arith.muli %while3A_638, %mul3A_641 : i32
      %multiple_of3A = tpu.assume_multiple %mul3A_642, 256 : i32
      %add3A_643 = arith.addi %get3A_23, %while3A_638 : i32
      %mul3A_644 = arith.constant 256 : i32
      %mul3A_645 = arith.muli %add3A_643, %mul3A_644 : i32
      %multiple_of3A_646 = tpu.assume_multiple %mul3A_645, 256 : i32
      %add3A_647 = vector.broadcast %multiple_of3A_646 : i32 to vector<256x1xi32>
      %add3A_648 = arith.addi %add3A_647, %iota3A_21 : vector<256x1xi32>
      %get3A_649 = arith.index_cast %multiple_of3A : i32 to index
      %get3A_650 = arith.constant 0 : index
      %get3A_651 = vector.load %arg8[%get3A_649, %get3A_650] : memref<10240x512xf32, #tpu.memory_space<vmem>>, vector<256x512xf32>
      %lt3A_652 = vector.broadcast %while3A_247#0 : vector<1x512xf32> to vector<256x512xf32>
      %lt3A_653 = arith.cmpf olt, %get3A_651, %lt3A_652 : vector<256x512xf32>
      %eq3A_654 = vector.broadcast %while3A_247#0 : vector<1x512xf32> to vector<256x512xf32>
      %eq3A_655 = arith.cmpf oeq, %get3A_651, %eq3A_654 : vector<256x512xf32>
      %le3A = vector.broadcast %add3A_648 : vector<256x1xi32> to vector<256x512xi32>
      %le3A_656 = vector.broadcast %while3A_247#1 : vector<1x512xi32> to vector<256x512xi32>
      %le3A_657 = arith.cmpi sle, %le3A, %le3A_656 : vector<256x512xi32>
      %and3A = arith.andi %eq3A_655, %le3A_657 : vector<256x512xi1>
      %or3A = arith.ori %lt3A_653, %and3A : vector<256x512xi1>
      %jit3A = arith.constant 1.000000e+30 : f32
      %broadcast_in_dim3A_658 = vector.broadcast %jit3A : f32 to vector<256x512xf32>
      %select_n3A_659 = arith.select %or3A, %broadcast_in_dim3A_658, %get3A_651 : vector<256x512xi1>, vector<256x512xf32>
      %reduce_min3A = arith.constant dense<0x7F800000> : vector<512xf32>
      %reduce_min3A_660 = vector.multi_reduction <minimumf>, %select_n3A_659, %reduce_min3A [0] : vector<256x512xf32> to vector<512xf32>
      %broadcast_in_dim3A_661 = vector.shape_cast %reduce_min3A_660 : vector<512xf32> to vector<1x512xf32>
      %eq3A_662 = vector.broadcast %broadcast_in_dim3A_661 : vector<1x512xf32> to vector<256x512xf32>
      %eq3A_663 = arith.cmpf oeq, %select_n3A_659, %eq3A_662 : vector<256x512xf32>
      %jit3A_664 = arith.constant 1073741824 : i32
      %broadcast_in_dim3A_665 = vector.shape_cast %add3A_648 : vector<256x1xi32> to vector<256x1xi32>
      %broadcast_in_dim3A_666 = vector.broadcast %broadcast_in_dim3A_665 : vector<256x1xi32> to vector<256x512xi32>
      %broadcast_in_dim3A_667 = vector.broadcast %jit3A_664 : i32 to vector<256x512xi32>
      %select_n3A_668 = arith.select %eq3A_663, %broadcast_in_dim3A_666, %broadcast_in_dim3A_667 : vector<256x512xi1>, vector<256x512xi32>
      %reduce_min3A_669 = arith.constant dense<2147483647> : vector<512xi32>
      %reduce_min3A_670 = vector.multi_reduction <minsi>, %select_n3A_668, %reduce_min3A_669 [0] : vector<256x512xi32> to vector<512xi32>
      %broadcast_in_dim3A_671 = vector.shape_cast %reduce_min3A_670 : vector<512xi32> to vector<1x512xi32>
      %lt3A_672 = arith.cmpf olt, %broadcast_in_dim3A_661, %while3A_639 : vector<1x512xf32>
      %eq3A_673 = arith.cmpf oeq, %broadcast_in_dim3A_661, %while3A_639 : vector<1x512xf32>
      %lt3A_674 = arith.cmpi slt, %broadcast_in_dim3A_671, %while3A_640 : vector<1x512xi32>
      %and3A_675 = arith.andi %eq3A_673, %lt3A_674 : vector<1x512xi1>
      %or3A_676 = arith.ori %lt3A_672, %and3A_675 : vector<1x512xi1>
      %select_n3A_677 = arith.select %or3A_676, %broadcast_in_dim3A_661, %while3A_639 : vector<1x512xi1>, vector<1x512xf32>
      %select_n3A_678 = arith.select %or3A_676, %broadcast_in_dim3A_671, %while3A_640 : vector<1x512xi1>, vector<1x512xi32>
      scf.yield %select_n3A_677, %select_n3A_678 : vector<1x512xf32>, vector<1x512xi32>
    }
    %while3A_277 = arith.constant 1 : i32
    %while3A_278:2 = scf.for %while3A_638 = %while3A_274 to %while3A_270 step %while3A_277 iter_args(%while3A_639 = %while3A_276#0, %while3A_640 = %while3A_276#1) -> (vector<1x512xf32>, vector<1x512xi32>)  : i32 {
      %mul3A_641 = arith.constant 256 : i32
      %mul3A_642 = arith.muli %while3A_638, %mul3A_641 : i32
      %multiple_of3A = tpu.assume_multiple %mul3A_642, 256 : i32
      %add3A_643 = arith.addi %get3A_23, %while3A_638 : i32
      %mul3A_644 = arith.constant 256 : i32
      %mul3A_645 = arith.muli %add3A_643, %mul3A_644 : i32
      %multiple_of3A_646 = tpu.assume_multiple %mul3A_645, 256 : i32
      %add3A_647 = vector.broadcast %multiple_of3A_646 : i32 to vector<256x1xi32>
      %add3A_648 = arith.addi %add3A_647, %iota3A_21 : vector<256x1xi32>
      %get3A_649 = arith.index_cast %multiple_of3A : i32 to index
      %get3A_650 = arith.constant 0 : index
      %get3A_651 = vector.load %arg8[%get3A_649, %get3A_650] : memref<10240x512xf32, #tpu.memory_space<vmem>>, vector<256x512xf32>
      %lt3A_652 = vector.broadcast %while3A_247#0 : vector<1x512xf32> to vector<256x512xf32>
      %lt3A_653 = arith.cmpf olt, %get3A_651, %lt3A_652 : vector<256x512xf32>
      %eq3A_654 = vector.broadcast %while3A_247#0 : vector<1x512xf32> to vector<256x512xf32>
      %eq3A_655 = arith.cmpf oeq, %get3A_651, %eq3A_654 : vector<256x512xf32>
      %le3A = vector.broadcast %add3A_648 : vector<256x1xi32> to vector<256x512xi32>
      %le3A_656 = vector.broadcast %while3A_247#1 : vector<1x512xi32> to vector<256x512xi32>
      %le3A_657 = arith.cmpi sle, %le3A, %le3A_656 : vector<256x512xi32>
      %and3A = arith.andi %eq3A_655, %le3A_657 : vector<256x512xi1>
      %or3A = arith.ori %lt3A_653, %and3A : vector<256x512xi1>
      %jit3A = arith.constant 1.000000e+30 : f32
      %broadcast_in_dim3A_658 = vector.broadcast %jit3A : f32 to vector<256x512xf32>
      %select_n3A_659 = arith.select %or3A, %broadcast_in_dim3A_658, %get3A_651 : vector<256x512xi1>, vector<256x512xf32>
      %reduce_min3A = arith.constant dense<0x7F800000> : vector<512xf32>
      %reduce_min3A_660 = vector.multi_reduction <minimumf>, %select_n3A_659, %reduce_min3A [0] : vector<256x512xf32> to vector<512xf32>
      %broadcast_in_dim3A_661 = vector.shape_cast %reduce_min3A_660 : vector<512xf32> to vector<1x512xf32>
      %eq3A_662 = vector.broadcast %broadcast_in_dim3A_661 : vector<1x512xf32> to vector<256x512xf32>
      %eq3A_663 = arith.cmpf oeq, %select_n3A_659, %eq3A_662 : vector<256x512xf32>
      %jit3A_664 = arith.constant 1073741824 : i32
      %broadcast_in_dim3A_665 = vector.shape_cast %add3A_648 : vector<256x1xi32> to vector<256x1xi32>
      %broadcast_in_dim3A_666 = vector.broadcast %broadcast_in_dim3A_665 : vector<256x1xi32> to vector<256x512xi32>
      %broadcast_in_dim3A_667 = vector.broadcast %jit3A_664 : i32 to vector<256x512xi32>
      %select_n3A_668 = arith.select %eq3A_663, %broadcast_in_dim3A_666, %broadcast_in_dim3A_667 : vector<256x512xi1>, vector<256x512xi32>
      %reduce_min3A_669 = arith.constant dense<2147483647> : vector<512xi32>
      %reduce_min3A_670 = vector.multi_reduction <minsi>, %select_n3A_668, %reduce_min3A_669 [0] : vector<256x512xi32> to vector<512xi32>
      %broadcast_in_dim3A_671 = vector.shape_cast %reduce_min3A_670 : vector<512xi32> to vector<1x512xi32>
      %lt3A_672 = arith.cmpf olt, %broadcast_in_dim3A_661, %while3A_639 : vector<1x512xf32>
      %eq3A_673 = arith.cmpf oeq, %broadcast_in_dim3A_661, %while3A_639 : vector<1x512xf32>
      %lt3A_674 = arith.cmpi slt, %broadcast_in_dim3A_671, %while3A_640 : vector<1x512xi32>
      %and3A_675 = arith.andi %eq3A_673, %lt3A_674 : vector<1x512xi1>
      %or3A_676 = arith.ori %lt3A_672, %and3A_675 : vector<1x512xi1>
      %select_n3A_677 = arith.select %or3A_676, %broadcast_in_dim3A_661, %while3A_639 : vector<1x512xi1>, vector<1x512xf32>
      %select_n3A_678 = arith.select %or3A_676, %broadcast_in_dim3A_671, %while3A_640 : vector<1x512xi1>, vector<1x512xi32>
      scf.yield %select_n3A_677, %select_n3A_678 : vector<1x512xf32>, vector<1x512xi32>
    }
    %sub3A_279 = arith.constant 4 : i32
    %sub3A_280 = vector.broadcast %sub3A_279 : i32 to vector<1x512xi32>
    %sub3A_281 = arith.subi %sub3A_280, %sub3A_137 : vector<1x512xi32>
    %lt3A_282 = arith.cmpi slt, %sub3A_281, %select_n3A_130 : vector<1x512xi32>
    %eq3A_283 = arith.cmpi eq, %sub3A_281, %select_n3A_130 : vector<1x512xi32>
    %add3A_284 = arith.addi %select_n3A_134, %sub3A_281 : vector<1x512xi32>
    %sub3A_285 = arith.subi %add3A_284, %select_n3A_130 : vector<1x512xi32>
    %sub3A_286 = arith.constant 1 : i32
    %sub3A_287 = vector.broadcast %sub3A_286 : i32 to vector<1x512xi32>
    %sub3A_288 = arith.subi %sub3A_285, %sub3A_287 : vector<1x512xi32>
    %select_n3A_289 = arith.select %eq3A_283, %add3A_20, %sub3A_288 : vector<1x512xi1>, vector<1x512xi32>
    %select_n3A_290 = arith.select %lt3A_282, %sub3A_281, %select_n3A_289 : vector<1x512xi1>, vector<1x512xi32>
    %gt3A_291 = arith.constant 4 : i32
    %gt3A_292 = vector.broadcast %gt3A_291 : i32 to vector<1x512xi32>
    %gt3A_293 = arith.cmpi sgt, %sub3A_137, %gt3A_292 : vector<1x512xi32>
    %select_n3A_294 = arith.select %gt3A_293, %while3A_278#1, %select_n3A_290 : vector<1x512xi1>, vector<1x512xi32>
    %broadcast_in_dim3A_295 = arith.constant 1.000000e+30 : f32
    %broadcast_in_dim3A_296 = vector.broadcast %broadcast_in_dim3A_295 : f32 to vector<1x512xf32>
    %broadcast_in_dim3A_297 = arith.constant 1073741824 : i32
    %broadcast_in_dim3A_298 = vector.broadcast %broadcast_in_dim3A_297 : i32 to vector<1x512xi32>
    %while3A_299 = arith.constant 0 : i32
    %while3A_300 = arith.subi %get3A_25, %while3A_299 : i32
    %while3A_301 = arith.addi %while3A_299, %while3A_300 : i32
    %while3A_302 = arith.constant 1 : i32
    %while3A_303 = arith.divsi %while3A_300, %while3A_302 : i32
    %while3A_304 = arith.muli %while3A_303, %while3A_302 : i32
    %while3A_305 = arith.addi %while3A_299, %while3A_304 : i32
    %while3A_306 = arith.constant 1 : i32
    %while3A_307:2 = scf.for %while3A_638 = %while3A_299 to %while3A_305 step %while3A_306 iter_args(%while3A_639 = %broadcast_in_dim3A_296, %while3A_640 = %broadcast_in_dim3A_298) -> (vector<1x512xf32>, vector<1x512xi32>)  : i32 {
      %mul3A_641 = arith.constant 256 : i32
      %mul3A_642 = arith.muli %while3A_638, %mul3A_641 : i32
      %multiple_of3A = tpu.assume_multiple %mul3A_642, 256 : i32
      %add3A_643 = arith.addi %get3A_23, %while3A_638 : i32
      %mul3A_644 = arith.constant 256 : i32
      %mul3A_645 = arith.muli %add3A_643, %mul3A_644 : i32
      %multiple_of3A_646 = tpu.assume_multiple %mul3A_645, 256 : i32
      %add3A_647 = vector.broadcast %multiple_of3A_646 : i32 to vector<256x1xi32>
      %add3A_648 = arith.addi %add3A_647, %iota3A_21 : vector<256x1xi32>
      %get3A_649 = arith.index_cast %multiple_of3A : i32 to index
      %get3A_650 = arith.constant 0 : index
      %get3A_651 = vector.load %arg8[%get3A_649, %get3A_650] : memref<10240x512xf32, #tpu.memory_space<vmem>>, vector<256x512xf32>
      %lt3A_652 = vector.broadcast %while3A_278#0 : vector<1x512xf32> to vector<256x512xf32>
      %lt3A_653 = arith.cmpf olt, %get3A_651, %lt3A_652 : vector<256x512xf32>
      %eq3A_654 = vector.broadcast %while3A_278#0 : vector<1x512xf32> to vector<256x512xf32>
      %eq3A_655 = arith.cmpf oeq, %get3A_651, %eq3A_654 : vector<256x512xf32>
      %le3A = vector.broadcast %add3A_648 : vector<256x1xi32> to vector<256x512xi32>
      %le3A_656 = vector.broadcast %while3A_278#1 : vector<1x512xi32> to vector<256x512xi32>
      %le3A_657 = arith.cmpi sle, %le3A, %le3A_656 : vector<256x512xi32>
      %and3A = arith.andi %eq3A_655, %le3A_657 : vector<256x512xi1>
      %or3A = arith.ori %lt3A_653, %and3A : vector<256x512xi1>
      %jit3A = arith.constant 1.000000e+30 : f32
      %broadcast_in_dim3A_658 = vector.broadcast %jit3A : f32 to vector<256x512xf32>
      %select_n3A_659 = arith.select %or3A, %broadcast_in_dim3A_658, %get3A_651 : vector<256x512xi1>, vector<256x512xf32>
      %reduce_min3A = arith.constant dense<0x7F800000> : vector<512xf32>
      %reduce_min3A_660 = vector.multi_reduction <minimumf>, %select_n3A_659, %reduce_min3A [0] : vector<256x512xf32> to vector<512xf32>
      %broadcast_in_dim3A_661 = vector.shape_cast %reduce_min3A_660 : vector<512xf32> to vector<1x512xf32>
      %eq3A_662 = vector.broadcast %broadcast_in_dim3A_661 : vector<1x512xf32> to vector<256x512xf32>
      %eq3A_663 = arith.cmpf oeq, %select_n3A_659, %eq3A_662 : vector<256x512xf32>
      %jit3A_664 = arith.constant 1073741824 : i32
      %broadcast_in_dim3A_665 = vector.shape_cast %add3A_648 : vector<256x1xi32> to vector<256x1xi32>
      %broadcast_in_dim3A_666 = vector.broadcast %broadcast_in_dim3A_665 : vector<256x1xi32> to vector<256x512xi32>
      %broadcast_in_dim3A_667 = vector.broadcast %jit3A_664 : i32 to vector<256x512xi32>
      %select_n3A_668 = arith.select %eq3A_663, %broadcast_in_dim3A_666, %broadcast_in_dim3A_667 : vector<256x512xi1>, vector<256x512xi32>
      %reduce_min3A_669 = arith.constant dense<2147483647> : vector<512xi32>
      %reduce_min3A_670 = vector.multi_reduction <minsi>, %select_n3A_668, %reduce_min3A_669 [0] : vector<256x512xi32> to vector<512xi32>
      %broadcast_in_dim3A_671 = vector.shape_cast %reduce_min3A_670 : vector<512xi32> to vector<1x512xi32>
      %lt3A_672 = arith.cmpf olt, %broadcast_in_dim3A_661, %while3A_639 : vector<1x512xf32>
      %eq3A_673 = arith.cmpf oeq, %broadcast_in_dim3A_661, %while3A_639 : vector<1x512xf32>
      %lt3A_674 = arith.cmpi slt, %broadcast_in_dim3A_671, %while3A_640 : vector<1x512xi32>
      %and3A_675 = arith.andi %eq3A_673, %lt3A_674 : vector<1x512xi1>
      %or3A_676 = arith.ori %lt3A_672, %and3A_675 : vector<1x512xi1>
      %select_n3A_677 = arith.select %or3A_676, %broadcast_in_dim3A_661, %while3A_639 : vector<1x512xi1>, vector<1x512xf32>
      %select_n3A_678 = arith.select %or3A_676, %broadcast_in_dim3A_671, %while3A_640 : vector<1x512xi1>, vector<1x512xi32>
      scf.yield %select_n3A_677, %select_n3A_678 : vector<1x512xf32>, vector<1x512xi32>
    }
    %while3A_308 = arith.constant 1 : i32
    %while3A_309:2 = scf.for %while3A_638 = %while3A_305 to %while3A_301 step %while3A_308 iter_args(%while3A_639 = %while3A_307#0, %while3A_640 = %while3A_307#1) -> (vector<1x512xf32>, vector<1x512xi32>)  : i32 {
      %mul3A_641 = arith.constant 256 : i32
      %mul3A_642 = arith.muli %while3A_638, %mul3A_641 : i32
      %multiple_of3A = tpu.assume_multiple %mul3A_642, 256 : i32
      %add3A_643 = arith.addi %get3A_23, %while3A_638 : i32
      %mul3A_644 = arith.constant 256 : i32
      %mul3A_645 = arith.muli %add3A_643, %mul3A_644 : i32
      %multiple_of3A_646 = tpu.assume_multiple %mul3A_645, 256 : i32
      %add3A_647 = vector.broadcast %multiple_of3A_646 : i32 to vector<256x1xi32>
      %add3A_648 = arith.addi %add3A_647, %iota3A_21 : vector<256x1xi32>
      %get3A_649 = arith.index_cast %multiple_of3A : i32 to index
      %get3A_650 = arith.constant 0 : index
      %get3A_651 = vector.load %arg8[%get3A_649, %get3A_650] : memref<10240x512xf32, #tpu.memory_space<vmem>>, vector<256x512xf32>
      %lt3A_652 = vector.broadcast %while3A_278#0 : vector<1x512xf32> to vector<256x512xf32>
      %lt3A_653 = arith.cmpf olt, %get3A_651, %lt3A_652 : vector<256x512xf32>
      %eq3A_654 = vector.broadcast %while3A_278#0 : vector<1x512xf32> to vector<256x512xf32>
      %eq3A_655 = arith.cmpf oeq, %get3A_651, %eq3A_654 : vector<256x512xf32>
      %le3A = vector.broadcast %add3A_648 : vector<256x1xi32> to vector<256x512xi32>
      %le3A_656 = vector.broadcast %while3A_278#1 : vector<1x512xi32> to vector<256x512xi32>
      %le3A_657 = arith.cmpi sle, %le3A, %le3A_656 : vector<256x512xi32>
      %and3A = arith.andi %eq3A_655, %le3A_657 : vector<256x512xi1>
      %or3A = arith.ori %lt3A_653, %and3A : vector<256x512xi1>
      %jit3A = arith.constant 1.000000e+30 : f32
      %broadcast_in_dim3A_658 = vector.broadcast %jit3A : f32 to vector<256x512xf32>
      %select_n3A_659 = arith.select %or3A, %broadcast_in_dim3A_658, %get3A_651 : vector<256x512xi1>, vector<256x512xf32>
      %reduce_min3A = arith.constant dense<0x7F800000> : vector<512xf32>
      %reduce_min3A_660 = vector.multi_reduction <minimumf>, %select_n3A_659, %reduce_min3A [0] : vector<256x512xf32> to vector<512xf32>
      %broadcast_in_dim3A_661 = vector.shape_cast %reduce_min3A_660 : vector<512xf32> to vector<1x512xf32>
      %eq3A_662 = vector.broadcast %broadcast_in_dim3A_661 : vector<1x512xf32> to vector<256x512xf32>
      %eq3A_663 = arith.cmpf oeq, %select_n3A_659, %eq3A_662 : vector<256x512xf32>
      %jit3A_664 = arith.constant 1073741824 : i32
      %broadcast_in_dim3A_665 = vector.shape_cast %add3A_648 : vector<256x1xi32> to vector<256x1xi32>
      %broadcast_in_dim3A_666 = vector.broadcast %broadcast_in_dim3A_665 : vector<256x1xi32> to vector<256x512xi32>
      %broadcast_in_dim3A_667 = vector.broadcast %jit3A_664 : i32 to vector<256x512xi32>
      %select_n3A_668 = arith.select %eq3A_663, %broadcast_in_dim3A_666, %broadcast_in_dim3A_667 : vector<256x512xi1>, vector<256x512xi32>
      %reduce_min3A_669 = arith.constant dense<2147483647> : vector<512xi32>
      %reduce_min3A_670 = vector.multi_reduction <minsi>, %select_n3A_668, %reduce_min3A_669 [0] : vector<256x512xi32> to vector<512xi32>
      %broadcast_in_dim3A_671 = vector.shape_cast %reduce_min3A_670 : vector<512xi32> to vector<1x512xi32>
      %lt3A_672 = arith.cmpf olt, %broadcast_in_dim3A_661, %while3A_639 : vector<1x512xf32>
      %eq3A_673 = arith.cmpf oeq, %broadcast_in_dim3A_661, %while3A_639 : vector<1x512xf32>
      %lt3A_674 = arith.cmpi slt, %broadcast_in_dim3A_671, %while3A_640 : vector<1x512xi32>
      %and3A_675 = arith.andi %eq3A_673, %lt3A_674 : vector<1x512xi1>
      %or3A_676 = arith.ori %lt3A_672, %and3A_675 : vector<1x512xi1>
      %select_n3A_677 = arith.select %or3A_676, %broadcast_in_dim3A_661, %while3A_639 : vector<1x512xi1>, vector<1x512xf32>
      %select_n3A_678 = arith.select %or3A_676, %broadcast_in_dim3A_671, %while3A_640 : vector<1x512xi1>, vector<1x512xi32>
      scf.yield %select_n3A_677, %select_n3A_678 : vector<1x512xf32>, vector<1x512xi32>
    }
    %sub3A_310 = arith.constant 5 : i32
    %sub3A_311 = vector.broadcast %sub3A_310 : i32 to vector<1x512xi32>
    %sub3A_312 = arith.subi %sub3A_311, %sub3A_137 : vector<1x512xi32>
    %lt3A_313 = arith.cmpi slt, %sub3A_312, %select_n3A_130 : vector<1x512xi32>
    %eq3A_314 = arith.cmpi eq, %sub3A_312, %select_n3A_130 : vector<1x512xi32>
    %add3A_315 = arith.addi %select_n3A_134, %sub3A_312 : vector<1x512xi32>
    %sub3A_316 = arith.subi %add3A_315, %select_n3A_130 : vector<1x512xi32>
    %sub3A_317 = arith.constant 1 : i32
    %sub3A_318 = vector.broadcast %sub3A_317 : i32 to vector<1x512xi32>
    %sub3A_319 = arith.subi %sub3A_316, %sub3A_318 : vector<1x512xi32>
    %select_n3A_320 = arith.select %eq3A_314, %add3A_20, %sub3A_319 : vector<1x512xi1>, vector<1x512xi32>
    %select_n3A_321 = arith.select %lt3A_313, %sub3A_312, %select_n3A_320 : vector<1x512xi1>, vector<1x512xi32>
    %gt3A_322 = arith.constant 5 : i32
    %gt3A_323 = vector.broadcast %gt3A_322 : i32 to vector<1x512xi32>
    %gt3A_324 = arith.cmpi sgt, %sub3A_137, %gt3A_323 : vector<1x512xi32>
    %select_n3A_325 = arith.select %gt3A_324, %while3A_309#1, %select_n3A_321 : vector<1x512xi1>, vector<1x512xi32>
    %broadcast_in_dim3A_326 = arith.constant 1.000000e+30 : f32
    %broadcast_in_dim3A_327 = vector.broadcast %broadcast_in_dim3A_326 : f32 to vector<1x512xf32>
    %broadcast_in_dim3A_328 = arith.constant 1073741824 : i32
    %broadcast_in_dim3A_329 = vector.broadcast %broadcast_in_dim3A_328 : i32 to vector<1x512xi32>
    %while3A_330 = arith.constant 0 : i32
    %while3A_331 = arith.subi %get3A_25, %while3A_330 : i32
    %while3A_332 = arith.addi %while3A_330, %while3A_331 : i32
    %while3A_333 = arith.constant 1 : i32
    %while3A_334 = arith.divsi %while3A_331, %while3A_333 : i32
    %while3A_335 = arith.muli %while3A_334, %while3A_333 : i32
    %while3A_336 = arith.addi %while3A_330, %while3A_335 : i32
    %while3A_337 = arith.constant 1 : i32
    %while3A_338:2 = scf.for %while3A_638 = %while3A_330 to %while3A_336 step %while3A_337 iter_args(%while3A_639 = %broadcast_in_dim3A_327, %while3A_640 = %broadcast_in_dim3A_329) -> (vector<1x512xf32>, vector<1x512xi32>)  : i32 {
      %mul3A_641 = arith.constant 256 : i32
      %mul3A_642 = arith.muli %while3A_638, %mul3A_641 : i32
      %multiple_of3A = tpu.assume_multiple %mul3A_642, 256 : i32
      %add3A_643 = arith.addi %get3A_23, %while3A_638 : i32
      %mul3A_644 = arith.constant 256 : i32
      %mul3A_645 = arith.muli %add3A_643, %mul3A_644 : i32
      %multiple_of3A_646 = tpu.assume_multiple %mul3A_645, 256 : i32
      %add3A_647 = vector.broadcast %multiple_of3A_646 : i32 to vector<256x1xi32>
      %add3A_648 = arith.addi %add3A_647, %iota3A_21 : vector<256x1xi32>
      %get3A_649 = arith.index_cast %multiple_of3A : i32 to index
      %get3A_650 = arith.constant 0 : index
      %get3A_651 = vector.load %arg8[%get3A_649, %get3A_650] : memref<10240x512xf32, #tpu.memory_space<vmem>>, vector<256x512xf32>
      %lt3A_652 = vector.broadcast %while3A_309#0 : vector<1x512xf32> to vector<256x512xf32>
      %lt3A_653 = arith.cmpf olt, %get3A_651, %lt3A_652 : vector<256x512xf32>
      %eq3A_654 = vector.broadcast %while3A_309#0 : vector<1x512xf32> to vector<256x512xf32>
      %eq3A_655 = arith.cmpf oeq, %get3A_651, %eq3A_654 : vector<256x512xf32>
      %le3A = vector.broadcast %add3A_648 : vector<256x1xi32> to vector<256x512xi32>
      %le3A_656 = vector.broadcast %while3A_309#1 : vector<1x512xi32> to vector<256x512xi32>
      %le3A_657 = arith.cmpi sle, %le3A, %le3A_656 : vector<256x512xi32>
      %and3A = arith.andi %eq3A_655, %le3A_657 : vector<256x512xi1>
      %or3A = arith.ori %lt3A_653, %and3A : vector<256x512xi1>
      %jit3A = arith.constant 1.000000e+30 : f32
      %broadcast_in_dim3A_658 = vector.broadcast %jit3A : f32 to vector<256x512xf32>
      %select_n3A_659 = arith.select %or3A, %broadcast_in_dim3A_658, %get3A_651 : vector<256x512xi1>, vector<256x512xf32>
      %reduce_min3A = arith.constant dense<0x7F800000> : vector<512xf32>
      %reduce_min3A_660 = vector.multi_reduction <minimumf>, %select_n3A_659, %reduce_min3A [0] : vector<256x512xf32> to vector<512xf32>
      %broadcast_in_dim3A_661 = vector.shape_cast %reduce_min3A_660 : vector<512xf32> to vector<1x512xf32>
      %eq3A_662 = vector.broadcast %broadcast_in_dim3A_661 : vector<1x512xf32> to vector<256x512xf32>
      %eq3A_663 = arith.cmpf oeq, %select_n3A_659, %eq3A_662 : vector<256x512xf32>
      %jit3A_664 = arith.constant 1073741824 : i32
      %broadcast_in_dim3A_665 = vector.shape_cast %add3A_648 : vector<256x1xi32> to vector<256x1xi32>
      %broadcast_in_dim3A_666 = vector.broadcast %broadcast_in_dim3A_665 : vector<256x1xi32> to vector<256x512xi32>
      %broadcast_in_dim3A_667 = vector.broadcast %jit3A_664 : i32 to vector<256x512xi32>
      %select_n3A_668 = arith.select %eq3A_663, %broadcast_in_dim3A_666, %broadcast_in_dim3A_667 : vector<256x512xi1>, vector<256x512xi32>
      %reduce_min3A_669 = arith.constant dense<2147483647> : vector<512xi32>
      %reduce_min3A_670 = vector.multi_reduction <minsi>, %select_n3A_668, %reduce_min3A_669 [0] : vector<256x512xi32> to vector<512xi32>
      %broadcast_in_dim3A_671 = vector.shape_cast %reduce_min3A_670 : vector<512xi32> to vector<1x512xi32>
      %lt3A_672 = arith.cmpf olt, %broadcast_in_dim3A_661, %while3A_639 : vector<1x512xf32>
      %eq3A_673 = arith.cmpf oeq, %broadcast_in_dim3A_661, %while3A_639 : vector<1x512xf32>
      %lt3A_674 = arith.cmpi slt, %broadcast_in_dim3A_671, %while3A_640 : vector<1x512xi32>
      %and3A_675 = arith.andi %eq3A_673, %lt3A_674 : vector<1x512xi1>
      %or3A_676 = arith.ori %lt3A_672, %and3A_675 : vector<1x512xi1>
      %select_n3A_677 = arith.select %or3A_676, %broadcast_in_dim3A_661, %while3A_639 : vector<1x512xi1>, vector<1x512xf32>
      %select_n3A_678 = arith.select %or3A_676, %broadcast_in_dim3A_671, %while3A_640 : vector<1x512xi1>, vector<1x512xi32>
      scf.yield %select_n3A_677, %select_n3A_678 : vector<1x512xf32>, vector<1x512xi32>
    }
    %while3A_339 = arith.constant 1 : i32
    %while3A_340:2 = scf.for %while3A_638 = %while3A_336 to %while3A_332 step %while3A_339 iter_args(%while3A_639 = %while3A_338#0, %while3A_640 = %while3A_338#1) -> (vector<1x512xf32>, vector<1x512xi32>)  : i32 {
      %mul3A_641 = arith.constant 256 : i32
      %mul3A_642 = arith.muli %while3A_638, %mul3A_641 : i32
      %multiple_of3A = tpu.assume_multiple %mul3A_642, 256 : i32
      %add3A_643 = arith.addi %get3A_23, %while3A_638 : i32
      %mul3A_644 = arith.constant 256 : i32
      %mul3A_645 = arith.muli %add3A_643, %mul3A_644 : i32
      %multiple_of3A_646 = tpu.assume_multiple %mul3A_645, 256 : i32
      %add3A_647 = vector.broadcast %multiple_of3A_646 : i32 to vector<256x1xi32>
      %add3A_648 = arith.addi %add3A_647, %iota3A_21 : vector<256x1xi32>
      %get3A_649 = arith.index_cast %multiple_of3A : i32 to index
      %get3A_650 = arith.constant 0 : index
      %get3A_651 = vector.load %arg8[%get3A_649, %get3A_650] : memref<10240x512xf32, #tpu.memory_space<vmem>>, vector<256x512xf32>
      %lt3A_652 = vector.broadcast %while3A_309#0 : vector<1x512xf32> to vector<256x512xf32>
      %lt3A_653 = arith.cmpf olt, %get3A_651, %lt3A_652 : vector<256x512xf32>
      %eq3A_654 = vector.broadcast %while3A_309#0 : vector<1x512xf32> to vector<256x512xf32>
      %eq3A_655 = arith.cmpf oeq, %get3A_651, %eq3A_654 : vector<256x512xf32>
      %le3A = vector.broadcast %add3A_648 : vector<256x1xi32> to vector<256x512xi32>
      %le3A_656 = vector.broadcast %while3A_309#1 : vector<1x512xi32> to vector<256x512xi32>
      %le3A_657 = arith.cmpi sle, %le3A, %le3A_656 : vector<256x512xi32>
      %and3A = arith.andi %eq3A_655, %le3A_657 : vector<256x512xi1>
      %or3A = arith.ori %lt3A_653, %and3A : vector<256x512xi1>
      %jit3A = arith.constant 1.000000e+30 : f32
      %broadcast_in_dim3A_658 = vector.broadcast %jit3A : f32 to vector<256x512xf32>
      %select_n3A_659 = arith.select %or3A, %broadcast_in_dim3A_658, %get3A_651 : vector<256x512xi1>, vector<256x512xf32>
      %reduce_min3A = arith.constant dense<0x7F800000> : vector<512xf32>
      %reduce_min3A_660 = vector.multi_reduction <minimumf>, %select_n3A_659, %reduce_min3A [0] : vector<256x512xf32> to vector<512xf32>
      %broadcast_in_dim3A_661 = vector.shape_cast %reduce_min3A_660 : vector<512xf32> to vector<1x512xf32>
      %eq3A_662 = vector.broadcast %broadcast_in_dim3A_661 : vector<1x512xf32> to vector<256x512xf32>
      %eq3A_663 = arith.cmpf oeq, %select_n3A_659, %eq3A_662 : vector<256x512xf32>
      %jit3A_664 = arith.constant 1073741824 : i32
      %broadcast_in_dim3A_665 = vector.shape_cast %add3A_648 : vector<256x1xi32> to vector<256x1xi32>
      %broadcast_in_dim3A_666 = vector.broadcast %broadcast_in_dim3A_665 : vector<256x1xi32> to vector<256x512xi32>
      %broadcast_in_dim3A_667 = vector.broadcast %jit3A_664 : i32 to vector<256x512xi32>
      %select_n3A_668 = arith.select %eq3A_663, %broadcast_in_dim3A_666, %broadcast_in_dim3A_667 : vector<256x512xi1>, vector<256x512xi32>
      %reduce_min3A_669 = arith.constant dense<2147483647> : vector<512xi32>
      %reduce_min3A_670 = vector.multi_reduction <minsi>, %select_n3A_668, %reduce_min3A_669 [0] : vector<256x512xi32> to vector<512xi32>
      %broadcast_in_dim3A_671 = vector.shape_cast %reduce_min3A_670 : vector<512xi32> to vector<1x512xi32>
      %lt3A_672 = arith.cmpf olt, %broadcast_in_dim3A_661, %while3A_639 : vector<1x512xf32>
      %eq3A_673 = arith.cmpf oeq, %broadcast_in_dim3A_661, %while3A_639 : vector<1x512xf32>
      %lt3A_674 = arith.cmpi slt, %broadcast_in_dim3A_671, %while3A_640 : vector<1x512xi32>
      %and3A_675 = arith.andi %eq3A_673, %lt3A_674 : vector<1x512xi1>
      %or3A_676 = arith.ori %lt3A_672, %and3A_675 : vector<1x512xi1>
      %select_n3A_677 = arith.select %or3A_676, %broadcast_in_dim3A_661, %while3A_639 : vector<1x512xi1>, vector<1x512xf32>
      %select_n3A_678 = arith.select %or3A_676, %broadcast_in_dim3A_671, %while3A_640 : vector<1x512xi1>, vector<1x512xi32>
      scf.yield %select_n3A_677, %select_n3A_678 : vector<1x512xf32>, vector<1x512xi32>
    }
    %sub3A_341 = arith.constant 6 : i32
    %sub3A_342 = vector.broadcast %sub3A_341 : i32 to vector<1x512xi32>
    %sub3A_343 = arith.subi %sub3A_342, %sub3A_137 : vector<1x512xi32>
    %lt3A_344 = arith.cmpi slt, %sub3A_343, %select_n3A_130 : vector<1x512xi32>
    %eq3A_345 = arith.cmpi eq, %sub3A_343, %select_n3A_130 : vector<1x512xi32>
    %add3A_346 = arith.addi %select_n3A_134, %sub3A_343 : vector<1x512xi32>
    %sub3A_347 = arith.subi %add3A_346, %select_n3A_130 : vector<1x512xi32>
    %sub3A_348 = arith.constant 1 : i32
    %sub3A_349 = vector.broadcast %sub3A_348 : i32 to vector<1x512xi32>
    %sub3A_350 = arith.subi %sub3A_347, %sub3A_349 : vector<1x512xi32>
    %select_n3A_351 = arith.select %eq3A_345, %add3A_20, %sub3A_350 : vector<1x512xi1>, vector<1x512xi32>
    %select_n3A_352 = arith.select %lt3A_344, %sub3A_343, %select_n3A_351 : vector<1x512xi1>, vector<1x512xi32>
    %gt3A_353 = arith.constant 6 : i32
    %gt3A_354 = vector.broadcast %gt3A_353 : i32 to vector<1x512xi32>
    %gt3A_355 = arith.cmpi sgt, %sub3A_137, %gt3A_354 : vector<1x512xi32>
    %select_n3A_356 = arith.select %gt3A_355, %while3A_340#1, %select_n3A_352 : vector<1x512xi1>, vector<1x512xi32>
    %broadcast_in_dim3A_357 = arith.constant 1.000000e+30 : f32
    %broadcast_in_dim3A_358 = vector.broadcast %broadcast_in_dim3A_357 : f32 to vector<1x512xf32>
    %broadcast_in_dim3A_359 = arith.constant 1073741824 : i32
    %broadcast_in_dim3A_360 = vector.broadcast %broadcast_in_dim3A_359 : i32 to vector<1x512xi32>
    %while3A_361 = arith.constant 0 : i32
    %while3A_362 = arith.subi %get3A_25, %while3A_361 : i32
    %while3A_363 = arith.addi %while3A_361, %while3A_362 : i32
    %while3A_364 = arith.constant 1 : i32
    %while3A_365 = arith.divsi %while3A_362, %while3A_364 : i32
    %while3A_366 = arith.muli %while3A_365, %while3A_364 : i32
    %while3A_367 = arith.addi %while3A_361, %while3A_366 : i32
    %while3A_368 = arith.constant 1 : i32
    %while3A_369:2 = scf.for %while3A_638 = %while3A_361 to %while3A_367 step %while3A_368 iter_args(%while3A_639 = %broadcast_in_dim3A_358, %while3A_640 = %broadcast_in_dim3A_360) -> (vector<1x512xf32>, vector<1x512xi32>)  : i32 {
      %mul3A_641 = arith.constant 256 : i32
      %mul3A_642 = arith.muli %while3A_638, %mul3A_641 : i32
      %multiple_of3A = tpu.assume_multiple %mul3A_642, 256 : i32
      %add3A_643 = arith.addi %get3A_23, %while3A_638 : i32
      %mul3A_644 = arith.constant 256 : i32
      %mul3A_645 = arith.muli %add3A_643, %mul3A_644 : i32
      %multiple_of3A_646 = tpu.assume_multiple %mul3A_645, 256 : i32
      %add3A_647 = vector.broadcast %multiple_of3A_646 : i32 to vector<256x1xi32>
      %add3A_648 = arith.addi %add3A_647, %iota3A_21 : vector<256x1xi32>
      %get3A_649 = arith.index_cast %multiple_of3A : i32 to index
      %get3A_650 = arith.constant 0 : index
      %get3A_651 = vector.load %arg8[%get3A_649, %get3A_650] : memref<10240x512xf32, #tpu.memory_space<vmem>>, vector<256x512xf32>
      %lt3A_652 = vector.broadcast %while3A_340#0 : vector<1x512xf32> to vector<256x512xf32>
      %lt3A_653 = arith.cmpf olt, %get3A_651, %lt3A_652 : vector<256x512xf32>
      %eq3A_654 = vector.broadcast %while3A_340#0 : vector<1x512xf32> to vector<256x512xf32>
      %eq3A_655 = arith.cmpf oeq, %get3A_651, %eq3A_654 : vector<256x512xf32>
      %le3A = vector.broadcast %add3A_648 : vector<256x1xi32> to vector<256x512xi32>
      %le3A_656 = vector.broadcast %while3A_340#1 : vector<1x512xi32> to vector<256x512xi32>
      %le3A_657 = arith.cmpi sle, %le3A, %le3A_656 : vector<256x512xi32>
      %and3A = arith.andi %eq3A_655, %le3A_657 : vector<256x512xi1>
      %or3A = arith.ori %lt3A_653, %and3A : vector<256x512xi1>
      %jit3A = arith.constant 1.000000e+30 : f32
      %broadcast_in_dim3A_658 = vector.broadcast %jit3A : f32 to vector<256x512xf32>
      %select_n3A_659 = arith.select %or3A, %broadcast_in_dim3A_658, %get3A_651 : vector<256x512xi1>, vector<256x512xf32>
      %reduce_min3A = arith.constant dense<0x7F800000> : vector<512xf32>
      %reduce_min3A_660 = vector.multi_reduction <minimumf>, %select_n3A_659, %reduce_min3A [0] : vector<256x512xf32> to vector<512xf32>
      %broadcast_in_dim3A_661 = vector.shape_cast %reduce_min3A_660 : vector<512xf32> to vector<1x512xf32>
      %eq3A_662 = vector.broadcast %broadcast_in_dim3A_661 : vector<1x512xf32> to vector<256x512xf32>
      %eq3A_663 = arith.cmpf oeq, %select_n3A_659, %eq3A_662 : vector<256x512xf32>
      %jit3A_664 = arith.constant 1073741824 : i32
      %broadcast_in_dim3A_665 = vector.shape_cast %add3A_648 : vector<256x1xi32> to vector<256x1xi32>
      %broadcast_in_dim3A_666 = vector.broadcast %broadcast_in_dim3A_665 : vector<256x1xi32> to vector<256x512xi32>
      %broadcast_in_dim3A_667 = vector.broadcast %jit3A_664 : i32 to vector<256x512xi32>
      %select_n3A_668 = arith.select %eq3A_663, %broadcast_in_dim3A_666, %broadcast_in_dim3A_667 : vector<256x512xi1>, vector<256x512xi32>
      %reduce_min3A_669 = arith.constant dense<2147483647> : vector<512xi32>
      %reduce_min3A_670 = vector.multi_reduction <minsi>, %select_n3A_668, %reduce_min3A_669 [0] : vector<256x512xi32> to vector<512xi32>
      %broadcast_in_dim3A_671 = vector.shape_cast %reduce_min3A_670 : vector<512xi32> to vector<1x512xi32>
      %lt3A_672 = arith.cmpf olt, %broadcast_in_dim3A_661, %while3A_639 : vector<1x512xf32>
      %eq3A_673 = arith.cmpf oeq, %broadcast_in_dim3A_661, %while3A_639 : vector<1x512xf32>
      %lt3A_674 = arith.cmpi slt, %broadcast_in_dim3A_671, %while3A_640 : vector<1x512xi32>
      %and3A_675 = arith.andi %eq3A_673, %lt3A_674 : vector<1x512xi1>
      %or3A_676 = arith.ori %lt3A_672, %and3A_675 : vector<1x512xi1>
      %select_n3A_677 = arith.select %or3A_676, %broadcast_in_dim3A_661, %while3A_639 : vector<1x512xi1>, vector<1x512xf32>
      %select_n3A_678 = arith.select %or3A_676, %broadcast_in_dim3A_671, %while3A_640 : vector<1x512xi1>, vector<1x512xi32>
      scf.yield %select_n3A_677, %select_n3A_678 : vector<1x512xf32>, vector<1x512xi32>
    }
    %while3A_370 = arith.constant 1 : i32
    %while3A_371:2 = scf.for %while3A_638 = %while3A_367 to %while3A_363 step %while3A_370 iter_args(%while3A_639 = %while3A_369#0, %while3A_640 = %while3A_369#1) -> (vector<1x512xf32>, vector<1x512xi32>)  : i32 {
      %mul3A_641 = arith.constant 256 : i32
      %mul3A_642 = arith.muli %while3A_638, %mul3A_641 : i32
      %multiple_of3A = tpu.assume_multiple %mul3A_642, 256 : i32
      %add3A_643 = arith.addi %get3A_23, %while3A_638 : i32
      %mul3A_644 = arith.constant 256 : i32
      %mul3A_645 = arith.muli %add3A_643, %mul3A_644 : i32
      %multiple_of3A_646 = tpu.assume_multiple %mul3A_645, 256 : i32
      %add3A_647 = vector.broadcast %multiple_of3A_646 : i32 to vector<256x1xi32>
      %add3A_648 = arith.addi %add3A_647, %iota3A_21 : vector<256x1xi32>
      %get3A_649 = arith.index_cast %multiple_of3A : i32 to index
      %get3A_650 = arith.constant 0 : index
      %get3A_651 = vector.load %arg8[%get3A_649, %get3A_650] : memref<10240x512xf32, #tpu.memory_space<vmem>>, vector<256x512xf32>
      %lt3A_652 = vector.broadcast %while3A_340#0 : vector<1x512xf32> to vector<256x512xf32>
      %lt3A_653 = arith.cmpf olt, %get3A_651, %lt3A_652 : vector<256x512xf32>
      %eq3A_654 = vector.broadcast %while3A_340#0 : vector<1x512xf32> to vector<256x512xf32>
      %eq3A_655 = arith.cmpf oeq, %get3A_651, %eq3A_654 : vector<256x512xf32>
      %le3A = vector.broadcast %add3A_648 : vector<256x1xi32> to vector<256x512xi32>
      %le3A_656 = vector.broadcast %while3A_340#1 : vector<1x512xi32> to vector<256x512xi32>
      %le3A_657 = arith.cmpi sle, %le3A, %le3A_656 : vector<256x512xi32>
      %and3A = arith.andi %eq3A_655, %le3A_657 : vector<256x512xi1>
      %or3A = arith.ori %lt3A_653, %and3A : vector<256x512xi1>
      %jit3A = arith.constant 1.000000e+30 : f32
      %broadcast_in_dim3A_658 = vector.broadcast %jit3A : f32 to vector<256x512xf32>
      %select_n3A_659 = arith.select %or3A, %broadcast_in_dim3A_658, %get3A_651 : vector<256x512xi1>, vector<256x512xf32>
      %reduce_min3A = arith.constant dense<0x7F800000> : vector<512xf32>
      %reduce_min3A_660 = vector.multi_reduction <minimumf>, %select_n3A_659, %reduce_min3A [0] : vector<256x512xf32> to vector<512xf32>
      %broadcast_in_dim3A_661 = vector.shape_cast %reduce_min3A_660 : vector<512xf32> to vector<1x512xf32>
      %eq3A_662 = vector.broadcast %broadcast_in_dim3A_661 : vector<1x512xf32> to vector<256x512xf32>
      %eq3A_663 = arith.cmpf oeq, %select_n3A_659, %eq3A_662 : vector<256x512xf32>
      %jit3A_664 = arith.constant 1073741824 : i32
      %broadcast_in_dim3A_665 = vector.shape_cast %add3A_648 : vector<256x1xi32> to vector<256x1xi32>
      %broadcast_in_dim3A_666 = vector.broadcast %broadcast_in_dim3A_665 : vector<256x1xi32> to vector<256x512xi32>
      %broadcast_in_dim3A_667 = vector.broadcast %jit3A_664 : i32 to vector<256x512xi32>
      %select_n3A_668 = arith.select %eq3A_663, %broadcast_in_dim3A_666, %broadcast_in_dim3A_667 : vector<256x512xi1>, vector<256x512xi32>
      %reduce_min3A_669 = arith.constant dense<2147483647> : vector<512xi32>
      %reduce_min3A_670 = vector.multi_reduction <minsi>, %select_n3A_668, %reduce_min3A_669 [0] : vector<256x512xi32> to vector<512xi32>
      %broadcast_in_dim3A_671 = vector.shape_cast %reduce_min3A_670 : vector<512xi32> to vector<1x512xi32>
      %lt3A_672 = arith.cmpf olt, %broadcast_in_dim3A_661, %while3A_639 : vector<1x512xf32>
      %eq3A_673 = arith.cmpf oeq, %broadcast_in_dim3A_661, %while3A_639 : vector<1x512xf32>
      %lt3A_674 = arith.cmpi slt, %broadcast_in_dim3A_671, %while3A_640 : vector<1x512xi32>
      %and3A_675 = arith.andi %eq3A_673, %lt3A_674 : vector<1x512xi1>
      %or3A_676 = arith.ori %lt3A_672, %and3A_675 : vector<1x512xi1>
      %select_n3A_677 = arith.select %or3A_676, %broadcast_in_dim3A_661, %while3A_639 : vector<1x512xi1>, vector<1x512xf32>
      %select_n3A_678 = arith.select %or3A_676, %broadcast_in_dim3A_671, %while3A_640 : vector<1x512xi1>, vector<1x512xi32>
      scf.yield %select_n3A_677, %select_n3A_678 : vector<1x512xf32>, vector<1x512xi32>
    }
    %sub3A_372 = arith.constant 7 : i32
    %sub3A_373 = vector.broadcast %sub3A_372 : i32 to vector<1x512xi32>
    %sub3A_374 = arith.subi %sub3A_373, %sub3A_137 : vector<1x512xi32>
    %lt3A_375 = arith.cmpi slt, %sub3A_374, %select_n3A_130 : vector<1x512xi32>
    %eq3A_376 = arith.cmpi eq, %sub3A_374, %select_n3A_130 : vector<1x512xi32>
    %add3A_377 = arith.addi %select_n3A_134, %sub3A_374 : vector<1x512xi32>
    %sub3A_378 = arith.subi %add3A_377, %select_n3A_130 : vector<1x512xi32>
    %sub3A_379 = arith.constant 1 : i32
    %sub3A_380 = vector.broadcast %sub3A_379 : i32 to vector<1x512xi32>
    %sub3A_381 = arith.subi %sub3A_378, %sub3A_380 : vector<1x512xi32>
    %select_n3A_382 = arith.select %eq3A_376, %add3A_20, %sub3A_381 : vector<1x512xi1>, vector<1x512xi32>
    %select_n3A_383 = arith.select %lt3A_375, %sub3A_374, %select_n3A_382 : vector<1x512xi1>, vector<1x512xi32>
    %gt3A_384 = arith.constant 7 : i32
    %gt3A_385 = vector.broadcast %gt3A_384 : i32 to vector<1x512xi32>
    %gt3A_386 = arith.cmpi sgt, %sub3A_137, %gt3A_385 : vector<1x512xi32>
    %select_n3A_387 = arith.select %gt3A_386, %while3A_371#1, %select_n3A_383 : vector<1x512xi1>, vector<1x512xi32>
    %broadcast_in_dim3A_388 = arith.constant 1.000000e+30 : f32
    %broadcast_in_dim3A_389 = vector.broadcast %broadcast_in_dim3A_388 : f32 to vector<1x512xf32>
    %broadcast_in_dim3A_390 = arith.constant 1073741824 : i32
    %broadcast_in_dim3A_391 = vector.broadcast %broadcast_in_dim3A_390 : i32 to vector<1x512xi32>
    %while3A_392 = arith.constant 0 : i32
    %while3A_393 = arith.subi %get3A_25, %while3A_392 : i32
    %while3A_394 = arith.addi %while3A_392, %while3A_393 : i32
    %while3A_395 = arith.constant 1 : i32
    %while3A_396 = arith.divsi %while3A_393, %while3A_395 : i32
    %while3A_397 = arith.muli %while3A_396, %while3A_395 : i32
    %while3A_398 = arith.addi %while3A_392, %while3A_397 : i32
    %while3A_399 = arith.constant 1 : i32
    %while3A_400:2 = scf.for %while3A_638 = %while3A_392 to %while3A_398 step %while3A_399 iter_args(%while3A_639 = %broadcast_in_dim3A_389, %while3A_640 = %broadcast_in_dim3A_391) -> (vector<1x512xf32>, vector<1x512xi32>)  : i32 {
      %mul3A_641 = arith.constant 256 : i32
      %mul3A_642 = arith.muli %while3A_638, %mul3A_641 : i32
      %multiple_of3A = tpu.assume_multiple %mul3A_642, 256 : i32
      %add3A_643 = arith.addi %get3A_23, %while3A_638 : i32
      %mul3A_644 = arith.constant 256 : i32
      %mul3A_645 = arith.muli %add3A_643, %mul3A_644 : i32
      %multiple_of3A_646 = tpu.assume_multiple %mul3A_645, 256 : i32
      %add3A_647 = vector.broadcast %multiple_of3A_646 : i32 to vector<256x1xi32>
      %add3A_648 = arith.addi %add3A_647, %iota3A_21 : vector<256x1xi32>
      %get3A_649 = arith.index_cast %multiple_of3A : i32 to index
      %get3A_650 = arith.constant 0 : index
      %get3A_651 = vector.load %arg8[%get3A_649, %get3A_650] : memref<10240x512xf32, #tpu.memory_space<vmem>>, vector<256x512xf32>
      %lt3A_652 = vector.broadcast %while3A_371#0 : vector<1x512xf32> to vector<256x512xf32>
      %lt3A_653 = arith.cmpf olt, %get3A_651, %lt3A_652 : vector<256x512xf32>
      %eq3A_654 = vector.broadcast %while3A_371#0 : vector<1x512xf32> to vector<256x512xf32>
      %eq3A_655 = arith.cmpf oeq, %get3A_651, %eq3A_654 : vector<256x512xf32>
      %le3A = vector.broadcast %add3A_648 : vector<256x1xi32> to vector<256x512xi32>
      %le3A_656 = vector.broadcast %while3A_371#1 : vector<1x512xi32> to vector<256x512xi32>
      %le3A_657 = arith.cmpi sle, %le3A, %le3A_656 : vector<256x512xi32>
      %and3A = arith.andi %eq3A_655, %le3A_657 : vector<256x512xi1>
      %or3A = arith.ori %lt3A_653, %and3A : vector<256x512xi1>
      %jit3A = arith.constant 1.000000e+30 : f32
      %broadcast_in_dim3A_658 = vector.broadcast %jit3A : f32 to vector<256x512xf32>
      %select_n3A_659 = arith.select %or3A, %broadcast_in_dim3A_658, %get3A_651 : vector<256x512xi1>, vector<256x512xf32>
      %reduce_min3A = arith.constant dense<0x7F800000> : vector<512xf32>
      %reduce_min3A_660 = vector.multi_reduction <minimumf>, %select_n3A_659, %reduce_min3A [0] : vector<256x512xf32> to vector<512xf32>
      %broadcast_in_dim3A_661 = vector.shape_cast %reduce_min3A_660 : vector<512xf32> to vector<1x512xf32>
      %eq3A_662 = vector.broadcast %broadcast_in_dim3A_661 : vector<1x512xf32> to vector<256x512xf32>
      %eq3A_663 = arith.cmpf oeq, %select_n3A_659, %eq3A_662 : vector<256x512xf32>
      %jit3A_664 = arith.constant 1073741824 : i32
      %broadcast_in_dim3A_665 = vector.shape_cast %add3A_648 : vector<256x1xi32> to vector<256x1xi32>
      %broadcast_in_dim3A_666 = vector.broadcast %broadcast_in_dim3A_665 : vector<256x1xi32> to vector<256x512xi32>
      %broadcast_in_dim3A_667 = vector.broadcast %jit3A_664 : i32 to vector<256x512xi32>
      %select_n3A_668 = arith.select %eq3A_663, %broadcast_in_dim3A_666, %broadcast_in_dim3A_667 : vector<256x512xi1>, vector<256x512xi32>
      %reduce_min3A_669 = arith.constant dense<2147483647> : vector<512xi32>
      %reduce_min3A_670 = vector.multi_reduction <minsi>, %select_n3A_668, %reduce_min3A_669 [0] : vector<256x512xi32> to vector<512xi32>
      %broadcast_in_dim3A_671 = vector.shape_cast %reduce_min3A_670 : vector<512xi32> to vector<1x512xi32>
      %lt3A_672 = arith.cmpf olt, %broadcast_in_dim3A_661, %while3A_639 : vector<1x512xf32>
      %eq3A_673 = arith.cmpf oeq, %broadcast_in_dim3A_661, %while3A_639 : vector<1x512xf32>
      %lt3A_674 = arith.cmpi slt, %broadcast_in_dim3A_671, %while3A_640 : vector<1x512xi32>
      %and3A_675 = arith.andi %eq3A_673, %lt3A_674 : vector<1x512xi1>
      %or3A_676 = arith.ori %lt3A_672, %and3A_675 : vector<1x512xi1>
      %select_n3A_677 = arith.select %or3A_676, %broadcast_in_dim3A_661, %while3A_639 : vector<1x512xi1>, vector<1x512xf32>
      %select_n3A_678 = arith.select %or3A_676, %broadcast_in_dim3A_671, %while3A_640 : vector<1x512xi1>, vector<1x512xi32>
      scf.yield %select_n3A_677, %select_n3A_678 : vector<1x512xf32>, vector<1x512xi32>
    }
    %while3A_401 = arith.constant 1 : i32
    %while3A_402:2 = scf.for %while3A_638 = %while3A_398 to %while3A_394 step %while3A_401 iter_args(%while3A_639 = %while3A_400#0, %while3A_640 = %while3A_400#1) -> (vector<1x512xf32>, vector<1x512xi32>)  : i32 {
      %mul3A_641 = arith.constant 256 : i32
      %mul3A_642 = arith.muli %while3A_638, %mul3A_641 : i32
      %multiple_of3A = tpu.assume_multiple %mul3A_642, 256 : i32
      %add3A_643 = arith.addi %get3A_23, %while3A_638 : i32
      %mul3A_644 = arith.constant 256 : i32
      %mul3A_645 = arith.muli %add3A_643, %mul3A_644 : i32
      %multiple_of3A_646 = tpu.assume_multiple %mul3A_645, 256 : i32
      %add3A_647 = vector.broadcast %multiple_of3A_646 : i32 to vector<256x1xi32>
      %add3A_648 = arith.addi %add3A_647, %iota3A_21 : vector<256x1xi32>
      %get3A_649 = arith.index_cast %multiple_of3A : i32 to index
      %get3A_650 = arith.constant 0 : index
      %get3A_651 = vector.load %arg8[%get3A_649, %get3A_650] : memref<10240x512xf32, #tpu.memory_space<vmem>>, vector<256x512xf32>
      %lt3A_652 = vector.broadcast %while3A_371#0 : vector<1x512xf32> to vector<256x512xf32>
      %lt3A_653 = arith.cmpf olt, %get3A_651, %lt3A_652 : vector<256x512xf32>
      %eq3A_654 = vector.broadcast %while3A_371#0 : vector<1x512xf32> to vector<256x512xf32>
      %eq3A_655 = arith.cmpf oeq, %get3A_651, %eq3A_654 : vector<256x512xf32>
      %le3A = vector.broadcast %add3A_648 : vector<256x1xi32> to vector<256x512xi32>
      %le3A_656 = vector.broadcast %while3A_371#1 : vector<1x512xi32> to vector<256x512xi32>
      %le3A_657 = arith.cmpi sle, %le3A, %le3A_656 : vector<256x512xi32>
      %and3A = arith.andi %eq3A_655, %le3A_657 : vector<256x512xi1>
      %or3A = arith.ori %lt3A_653, %and3A : vector<256x512xi1>
      %jit3A = arith.constant 1.000000e+30 : f32
      %broadcast_in_dim3A_658 = vector.broadcast %jit3A : f32 to vector<256x512xf32>
      %select_n3A_659 = arith.select %or3A, %broadcast_in_dim3A_658, %get3A_651 : vector<256x512xi1>, vector<256x512xf32>
      %reduce_min3A = arith.constant dense<0x7F800000> : vector<512xf32>
      %reduce_min3A_660 = vector.multi_reduction <minimumf>, %select_n3A_659, %reduce_min3A [0] : vector<256x512xf32> to vector<512xf32>
      %broadcast_in_dim3A_661 = vector.shape_cast %reduce_min3A_660 : vector<512xf32> to vector<1x512xf32>
      %eq3A_662 = vector.broadcast %broadcast_in_dim3A_661 : vector<1x512xf32> to vector<256x512xf32>
      %eq3A_663 = arith.cmpf oeq, %select_n3A_659, %eq3A_662 : vector<256x512xf32>
      %jit3A_664 = arith.constant 1073741824 : i32
      %broadcast_in_dim3A_665 = vector.shape_cast %add3A_648 : vector<256x1xi32> to vector<256x1xi32>
      %broadcast_in_dim3A_666 = vector.broadcast %broadcast_in_dim3A_665 : vector<256x1xi32> to vector<256x512xi32>
      %broadcast_in_dim3A_667 = vector.broadcast %jit3A_664 : i32 to vector<256x512xi32>
      %select_n3A_668 = arith.select %eq3A_663, %broadcast_in_dim3A_666, %broadcast_in_dim3A_667 : vector<256x512xi1>, vector<256x512xi32>
      %reduce_min3A_669 = arith.constant dense<2147483647> : vector<512xi32>
      %reduce_min3A_670 = vector.multi_reduction <minsi>, %select_n3A_668, %reduce_min3A_669 [0] : vector<256x512xi32> to vector<512xi32>
      %broadcast_in_dim3A_671 = vector.shape_cast %reduce_min3A_670 : vector<512xi32> to vector<1x512xi32>
      %lt3A_672 = arith.cmpf olt, %broadcast_in_dim3A_661, %while3A_639 : vector<1x512xf32>
      %eq3A_673 = arith.cmpf oeq, %broadcast_in_dim3A_661, %while3A_639 : vector<1x512xf32>
      %lt3A_674 = arith.cmpi slt, %broadcast_in_dim3A_671, %while3A_640 : vector<1x512xi32>
      %and3A_675 = arith.andi %eq3A_673, %lt3A_674 : vector<1x512xi1>
      %or3A_676 = arith.ori %lt3A_672, %and3A_675 : vector<1x512xi1>
      %select_n3A_677 = arith.select %or3A_676, %broadcast_in_dim3A_661, %while3A_639 : vector<1x512xi1>, vector<1x512xf32>
      %select_n3A_678 = arith.select %or3A_676, %broadcast_in_dim3A_671, %while3A_640 : vector<1x512xi1>, vector<1x512xi32>
      scf.yield %select_n3A_677, %select_n3A_678 : vector<1x512xf32>, vector<1x512xi32>
    }
    %sub3A_403 = arith.constant 8 : i32
    %sub3A_404 = vector.broadcast %sub3A_403 : i32 to vector<1x512xi32>
    %sub3A_405 = arith.subi %sub3A_404, %sub3A_137 : vector<1x512xi32>
    %lt3A_406 = arith.cmpi slt, %sub3A_405, %select_n3A_130 : vector<1x512xi32>
    %eq3A_407 = arith.cmpi eq, %sub3A_405, %select_n3A_130 : vector<1x512xi32>
    %add3A_408 = arith.addi %select_n3A_134, %sub3A_405 : vector<1x512xi32>
    %sub3A_409 = arith.subi %add3A_408, %select_n3A_130 : vector<1x512xi32>
    %sub3A_410 = arith.constant 1 : i32
    %sub3A_411 = vector.broadcast %sub3A_410 : i32 to vector<1x512xi32>
    %sub3A_412 = arith.subi %sub3A_409, %sub3A_411 : vector<1x512xi32>
    %select_n3A_413 = arith.select %eq3A_407, %add3A_20, %sub3A_412 : vector<1x512xi1>, vector<1x512xi32>
    %select_n3A_414 = arith.select %lt3A_406, %sub3A_405, %select_n3A_413 : vector<1x512xi1>, vector<1x512xi32>
    %gt3A_415 = arith.constant 8 : i32
    %gt3A_416 = vector.broadcast %gt3A_415 : i32 to vector<1x512xi32>
    %gt3A_417 = arith.cmpi sgt, %sub3A_137, %gt3A_416 : vector<1x512xi32>
    %select_n3A_418 = arith.select %gt3A_417, %while3A_402#1, %select_n3A_414 : vector<1x512xi1>, vector<1x512xi32>
    %broadcast_in_dim3A_419 = arith.constant 1.000000e+30 : f32
    %broadcast_in_dim3A_420 = vector.broadcast %broadcast_in_dim3A_419 : f32 to vector<1x512xf32>
    %broadcast_in_dim3A_421 = arith.constant 1073741824 : i32
    %broadcast_in_dim3A_422 = vector.broadcast %broadcast_in_dim3A_421 : i32 to vector<1x512xi32>
    %while3A_423 = arith.constant 0 : i32
    %while3A_424 = arith.subi %get3A_25, %while3A_423 : i32
    %while3A_425 = arith.addi %while3A_423, %while3A_424 : i32
    %while3A_426 = arith.constant 1 : i32
    %while3A_427 = arith.divsi %while3A_424, %while3A_426 : i32
    %while3A_428 = arith.muli %while3A_427, %while3A_426 : i32
    %while3A_429 = arith.addi %while3A_423, %while3A_428 : i32
    %while3A_430 = arith.constant 1 : i32
    %while3A_431:2 = scf.for %while3A_638 = %while3A_423 to %while3A_429 step %while3A_430 iter_args(%while3A_639 = %broadcast_in_dim3A_420, %while3A_640 = %broadcast_in_dim3A_422) -> (vector<1x512xf32>, vector<1x512xi32>)  : i32 {
      %mul3A_641 = arith.constant 256 : i32
      %mul3A_642 = arith.muli %while3A_638, %mul3A_641 : i32
      %multiple_of3A = tpu.assume_multiple %mul3A_642, 256 : i32
      %add3A_643 = arith.addi %get3A_23, %while3A_638 : i32
      %mul3A_644 = arith.constant 256 : i32
      %mul3A_645 = arith.muli %add3A_643, %mul3A_644 : i32
      %multiple_of3A_646 = tpu.assume_multiple %mul3A_645, 256 : i32
      %add3A_647 = vector.broadcast %multiple_of3A_646 : i32 to vector<256x1xi32>
      %add3A_648 = arith.addi %add3A_647, %iota3A_21 : vector<256x1xi32>
      %get3A_649 = arith.index_cast %multiple_of3A : i32 to index
      %get3A_650 = arith.constant 0 : index
      %get3A_651 = vector.load %arg8[%get3A_649, %get3A_650] : memref<10240x512xf32, #tpu.memory_space<vmem>>, vector<256x512xf32>
      %lt3A_652 = vector.broadcast %while3A_402#0 : vector<1x512xf32> to vector<256x512xf32>
      %lt3A_653 = arith.cmpf olt, %get3A_651, %lt3A_652 : vector<256x512xf32>
      %eq3A_654 = vector.broadcast %while3A_402#0 : vector<1x512xf32> to vector<256x512xf32>
      %eq3A_655 = arith.cmpf oeq, %get3A_651, %eq3A_654 : vector<256x512xf32>
      %le3A = vector.broadcast %add3A_648 : vector<256x1xi32> to vector<256x512xi32>
      %le3A_656 = vector.broadcast %while3A_402#1 : vector<1x512xi32> to vector<256x512xi32>
      %le3A_657 = arith.cmpi sle, %le3A, %le3A_656 : vector<256x512xi32>
      %and3A = arith.andi %eq3A_655, %le3A_657 : vector<256x512xi1>
      %or3A = arith.ori %lt3A_653, %and3A : vector<256x512xi1>
      %jit3A = arith.constant 1.000000e+30 : f32
      %broadcast_in_dim3A_658 = vector.broadcast %jit3A : f32 to vector<256x512xf32>
      %select_n3A_659 = arith.select %or3A, %broadcast_in_dim3A_658, %get3A_651 : vector<256x512xi1>, vector<256x512xf32>
      %reduce_min3A = arith.constant dense<0x7F800000> : vector<512xf32>
      %reduce_min3A_660 = vector.multi_reduction <minimumf>, %select_n3A_659, %reduce_min3A [0] : vector<256x512xf32> to vector<512xf32>
      %broadcast_in_dim3A_661 = vector.shape_cast %reduce_min3A_660 : vector<512xf32> to vector<1x512xf32>
      %eq3A_662 = vector.broadcast %broadcast_in_dim3A_661 : vector<1x512xf32> to vector<256x512xf32>
      %eq3A_663 = arith.cmpf oeq, %select_n3A_659, %eq3A_662 : vector<256x512xf32>
      %jit3A_664 = arith.constant 1073741824 : i32
      %broadcast_in_dim3A_665 = vector.shape_cast %add3A_648 : vector<256x1xi32> to vector<256x1xi32>
      %broadcast_in_dim3A_666 = vector.broadcast %broadcast_in_dim3A_665 : vector<256x1xi32> to vector<256x512xi32>
      %broadcast_in_dim3A_667 = vector.broadcast %jit3A_664 : i32 to vector<256x512xi32>
      %select_n3A_668 = arith.select %eq3A_663, %broadcast_in_dim3A_666, %broadcast_in_dim3A_667 : vector<256x512xi1>, vector<256x512xi32>
      %reduce_min3A_669 = arith.constant dense<2147483647> : vector<512xi32>
      %reduce_min3A_670 = vector.multi_reduction <minsi>, %select_n3A_668, %reduce_min3A_669 [0] : vector<256x512xi32> to vector<512xi32>
      %broadcast_in_dim3A_671 = vector.shape_cast %reduce_min3A_670 : vector<512xi32> to vector<1x512xi32>
      %lt3A_672 = arith.cmpf olt, %broadcast_in_dim3A_661, %while3A_639 : vector<1x512xf32>
      %eq3A_673 = arith.cmpf oeq, %broadcast_in_dim3A_661, %while3A_639 : vector<1x512xf32>
      %lt3A_674 = arith.cmpi slt, %broadcast_in_dim3A_671, %while3A_640 : vector<1x512xi32>
      %and3A_675 = arith.andi %eq3A_673, %lt3A_674 : vector<1x512xi1>
      %or3A_676 = arith.ori %lt3A_672, %and3A_675 : vector<1x512xi1>
      %select_n3A_677 = arith.select %or3A_676, %broadcast_in_dim3A_661, %while3A_639 : vector<1x512xi1>, vector<1x512xf32>
      %select_n3A_678 = arith.select %or3A_676, %broadcast_in_dim3A_671, %while3A_640 : vector<1x512xi1>, vector<1x512xi32>
      scf.yield %select_n3A_677, %select_n3A_678 : vector<1x512xf32>, vector<1x512xi32>
    }
    %while3A_432 = arith.constant 1 : i32
    %while3A_433:2 = scf.for %while3A_638 = %while3A_429 to %while3A_425 step %while3A_432 iter_args(%while3A_639 = %while3A_431#0, %while3A_640 = %while3A_431#1) -> (vector<1x512xf32>, vector<1x512xi32>)  : i32 {
      %mul3A_641 = arith.constant 256 : i32
      %mul3A_642 = arith.muli %while3A_638, %mul3A_641 : i32
      %multiple_of3A = tpu.assume_multiple %mul3A_642, 256 : i32
      %add3A_643 = arith.addi %get3A_23, %while3A_638 : i32
      %mul3A_644 = arith.constant 256 : i32
      %mul3A_645 = arith.muli %add3A_643, %mul3A_644 : i32
      %multiple_of3A_646 = tpu.assume_multiple %mul3A_645, 256 : i32
      %add3A_647 = vector.broadcast %multiple_of3A_646 : i32 to vector<256x1xi32>
      %add3A_648 = arith.addi %add3A_647, %iota3A_21 : vector<256x1xi32>
      %get3A_649 = arith.index_cast %multiple_of3A : i32 to index
      %get3A_650 = arith.constant 0 : index
      %get3A_651 = vector.load %arg8[%get3A_649, %get3A_650] : memref<10240x512xf32, #tpu.memory_space<vmem>>, vector<256x512xf32>
      %lt3A_652 = vector.broadcast %while3A_402#0 : vector<1x512xf32> to vector<256x512xf32>
      %lt3A_653 = arith.cmpf olt, %get3A_651, %lt3A_652 : vector<256x512xf32>
      %eq3A_654 = vector.broadcast %while3A_402#0 : vector<1x512xf32> to vector<256x512xf32>
      %eq3A_655 = arith.cmpf oeq, %get3A_651, %eq3A_654 : vector<256x512xf32>
      %le3A = vector.broadcast %add3A_648 : vector<256x1xi32> to vector<256x512xi32>
      %le3A_656 = vector.broadcast %while3A_402#1 : vector<1x512xi32> to vector<256x512xi32>
      %le3A_657 = arith.cmpi sle, %le3A, %le3A_656 : vector<256x512xi32>
      %and3A = arith.andi %eq3A_655, %le3A_657 : vector<256x512xi1>
      %or3A = arith.ori %lt3A_653, %and3A : vector<256x512xi1>
      %jit3A = arith.constant 1.000000e+30 : f32
      %broadcast_in_dim3A_658 = vector.broadcast %jit3A : f32 to vector<256x512xf32>
      %select_n3A_659 = arith.select %or3A, %broadcast_in_dim3A_658, %get3A_651 : vector<256x512xi1>, vector<256x512xf32>
      %reduce_min3A = arith.constant dense<0x7F800000> : vector<512xf32>
      %reduce_min3A_660 = vector.multi_reduction <minimumf>, %select_n3A_659, %reduce_min3A [0] : vector<256x512xf32> to vector<512xf32>
      %broadcast_in_dim3A_661 = vector.shape_cast %reduce_min3A_660 : vector<512xf32> to vector<1x512xf32>
      %eq3A_662 = vector.broadcast %broadcast_in_dim3A_661 : vector<1x512xf32> to vector<256x512xf32>
      %eq3A_663 = arith.cmpf oeq, %select_n3A_659, %eq3A_662 : vector<256x512xf32>
      %jit3A_664 = arith.constant 1073741824 : i32
      %broadcast_in_dim3A_665 = vector.shape_cast %add3A_648 : vector<256x1xi32> to vector<256x1xi32>
      %broadcast_in_dim3A_666 = vector.broadcast %broadcast_in_dim3A_665 : vector<256x1xi32> to vector<256x512xi32>
      %broadcast_in_dim3A_667 = vector.broadcast %jit3A_664 : i32 to vector<256x512xi32>
      %select_n3A_668 = arith.select %eq3A_663, %broadcast_in_dim3A_666, %broadcast_in_dim3A_667 : vector<256x512xi1>, vector<256x512xi32>
      %reduce_min3A_669 = arith.constant dense<2147483647> : vector<512xi32>
      %reduce_min3A_670 = vector.multi_reduction <minsi>, %select_n3A_668, %reduce_min3A_669 [0] : vector<256x512xi32> to vector<512xi32>
      %broadcast_in_dim3A_671 = vector.shape_cast %reduce_min3A_670 : vector<512xi32> to vector<1x512xi32>
      %lt3A_672 = arith.cmpf olt, %broadcast_in_dim3A_661, %while3A_639 : vector<1x512xf32>
      %eq3A_673 = arith.cmpf oeq, %broadcast_in_dim3A_661, %while3A_639 : vector<1x512xf32>
      %lt3A_674 = arith.cmpi slt, %broadcast_in_dim3A_671, %while3A_640 : vector<1x512xi32>
      %and3A_675 = arith.andi %eq3A_673, %lt3A_674 : vector<1x512xi1>
      %or3A_676 = arith.ori %lt3A_672, %and3A_675 : vector<1x512xi1>
      %select_n3A_677 = arith.select %or3A_676, %broadcast_in_dim3A_661, %while3A_639 : vector<1x512xi1>, vector<1x512xf32>
      %select_n3A_678 = arith.select %or3A_676, %broadcast_in_dim3A_671, %while3A_640 : vector<1x512xi1>, vector<1x512xi32>
      scf.yield %select_n3A_677, %select_n3A_678 : vector<1x512xf32>, vector<1x512xi32>
    }
    %sub3A_434 = arith.constant 9 : i32
    %sub3A_435 = vector.broadcast %sub3A_434 : i32 to vector<1x512xi32>
    %sub3A_436 = arith.subi %sub3A_435, %sub3A_137 : vector<1x512xi32>
    %lt3A_437 = arith.cmpi slt, %sub3A_436, %select_n3A_130 : vector<1x512xi32>
    %eq3A_438 = arith.cmpi eq, %sub3A_436, %select_n3A_130 : vector<1x512xi32>
    %add3A_439 = arith.addi %select_n3A_134, %sub3A_436 : vector<1x512xi32>
    %sub3A_440 = arith.subi %add3A_439, %select_n3A_130 : vector<1x512xi32>
    %sub3A_441 = arith.constant 1 : i32
    %sub3A_442 = vector.broadcast %sub3A_441 : i32 to vector<1x512xi32>
    %sub3A_443 = arith.subi %sub3A_440, %sub3A_442 : vector<1x512xi32>
    %select_n3A_444 = arith.select %eq3A_438, %add3A_20, %sub3A_443 : vector<1x512xi1>, vector<1x512xi32>
    %select_n3A_445 = arith.select %lt3A_437, %sub3A_436, %select_n3A_444 : vector<1x512xi1>, vector<1x512xi32>
    %gt3A_446 = arith.constant 9 : i32
    %gt3A_447 = vector.broadcast %gt3A_446 : i32 to vector<1x512xi32>
    %gt3A_448 = arith.cmpi sgt, %sub3A_137, %gt3A_447 : vector<1x512xi32>
    %select_n3A_449 = arith.select %gt3A_448, %while3A_433#1, %select_n3A_445 : vector<1x512xi1>, vector<1x512xi32>
    %broadcast_in_dim3A_450 = arith.constant 1.000000e+30 : f32
    %broadcast_in_dim3A_451 = vector.broadcast %broadcast_in_dim3A_450 : f32 to vector<1x512xf32>
    %broadcast_in_dim3A_452 = arith.constant 1073741824 : i32
    %broadcast_in_dim3A_453 = vector.broadcast %broadcast_in_dim3A_452 : i32 to vector<1x512xi32>
    %while3A_454 = arith.constant 0 : i32
    %while3A_455 = arith.subi %get3A_25, %while3A_454 : i32
    %while3A_456 = arith.addi %while3A_454, %while3A_455 : i32
    %while3A_457 = arith.constant 1 : i32
    %while3A_458 = arith.divsi %while3A_455, %while3A_457 : i32
    %while3A_459 = arith.muli %while3A_458, %while3A_457 : i32
    %while3A_460 = arith.addi %while3A_454, %while3A_459 : i32
    %while3A_461 = arith.constant 1 : i32
    %while3A_462:2 = scf.for %while3A_638 = %while3A_454 to %while3A_460 step %while3A_461 iter_args(%while3A_639 = %broadcast_in_dim3A_451, %while3A_640 = %broadcast_in_dim3A_453) -> (vector<1x512xf32>, vector<1x512xi32>)  : i32 {
      %mul3A_641 = arith.constant 256 : i32
      %mul3A_642 = arith.muli %while3A_638, %mul3A_641 : i32
      %multiple_of3A = tpu.assume_multiple %mul3A_642, 256 : i32
      %add3A_643 = arith.addi %get3A_23, %while3A_638 : i32
      %mul3A_644 = arith.constant 256 : i32
      %mul3A_645 = arith.muli %add3A_643, %mul3A_644 : i32
      %multiple_of3A_646 = tpu.assume_multiple %mul3A_645, 256 : i32
      %add3A_647 = vector.broadcast %multiple_of3A_646 : i32 to vector<256x1xi32>
      %add3A_648 = arith.addi %add3A_647, %iota3A_21 : vector<256x1xi32>
      %get3A_649 = arith.index_cast %multiple_of3A : i32 to index
      %get3A_650 = arith.constant 0 : index
      %get3A_651 = vector.load %arg8[%get3A_649, %get3A_650] : memref<10240x512xf32, #tpu.memory_space<vmem>>, vector<256x512xf32>
      %lt3A_652 = vector.broadcast %while3A_433#0 : vector<1x512xf32> to vector<256x512xf32>
      %lt3A_653 = arith.cmpf olt, %get3A_651, %lt3A_652 : vector<256x512xf32>
      %eq3A_654 = vector.broadcast %while3A_433#0 : vector<1x512xf32> to vector<256x512xf32>
      %eq3A_655 = arith.cmpf oeq, %get3A_651, %eq3A_654 : vector<256x512xf32>
      %le3A = vector.broadcast %add3A_648 : vector<256x1xi32> to vector<256x512xi32>
      %le3A_656 = vector.broadcast %while3A_433#1 : vector<1x512xi32> to vector<256x512xi32>
      %le3A_657 = arith.cmpi sle, %le3A, %le3A_656 : vector<256x512xi32>
      %and3A = arith.andi %eq3A_655, %le3A_657 : vector<256x512xi1>
      %or3A = arith.ori %lt3A_653, %and3A : vector<256x512xi1>
      %jit3A = arith.constant 1.000000e+30 : f32
      %broadcast_in_dim3A_658 = vector.broadcast %jit3A : f32 to vector<256x512xf32>
      %select_n3A_659 = arith.select %or3A, %broadcast_in_dim3A_658, %get3A_651 : vector<256x512xi1>, vector<256x512xf32>
      %reduce_min3A = arith.constant dense<0x7F800000> : vector<512xf32>
      %reduce_min3A_660 = vector.multi_reduction <minimumf>, %select_n3A_659, %reduce_min3A [0] : vector<256x512xf32> to vector<512xf32>
      %broadcast_in_dim3A_661 = vector.shape_cast %reduce_min3A_660 : vector<512xf32> to vector<1x512xf32>
      %eq3A_662 = vector.broadcast %broadcast_in_dim3A_661 : vector<1x512xf32> to vector<256x512xf32>
      %eq3A_663 = arith.cmpf oeq, %select_n3A_659, %eq3A_662 : vector<256x512xf32>
      %jit3A_664 = arith.constant 1073741824 : i32
      %broadcast_in_dim3A_665 = vector.shape_cast %add3A_648 : vector<256x1xi32> to vector<256x1xi32>
      %broadcast_in_dim3A_666 = vector.broadcast %broadcast_in_dim3A_665 : vector<256x1xi32> to vector<256x512xi32>
      %broadcast_in_dim3A_667 = vector.broadcast %jit3A_664 : i32 to vector<256x512xi32>
      %select_n3A_668 = arith.select %eq3A_663, %broadcast_in_dim3A_666, %broadcast_in_dim3A_667 : vector<256x512xi1>, vector<256x512xi32>
      %reduce_min3A_669 = arith.constant dense<2147483647> : vector<512xi32>
      %reduce_min3A_670 = vector.multi_reduction <minsi>, %select_n3A_668, %reduce_min3A_669 [0] : vector<256x512xi32> to vector<512xi32>
      %broadcast_in_dim3A_671 = vector.shape_cast %reduce_min3A_670 : vector<512xi32> to vector<1x512xi32>
      %lt3A_672 = arith.cmpf olt, %broadcast_in_dim3A_661, %while3A_639 : vector<1x512xf32>
      %eq3A_673 = arith.cmpf oeq, %broadcast_in_dim3A_661, %while3A_639 : vector<1x512xf32>
      %lt3A_674 = arith.cmpi slt, %broadcast_in_dim3A_671, %while3A_640 : vector<1x512xi32>
      %and3A_675 = arith.andi %eq3A_673, %lt3A_674 : vector<1x512xi1>
      %or3A_676 = arith.ori %lt3A_672, %and3A_675 : vector<1x512xi1>
      %select_n3A_677 = arith.select %or3A_676, %broadcast_in_dim3A_661, %while3A_639 : vector<1x512xi1>, vector<1x512xf32>
      %select_n3A_678 = arith.select %or3A_676, %broadcast_in_dim3A_671, %while3A_640 : vector<1x512xi1>, vector<1x512xi32>
      scf.yield %select_n3A_677, %select_n3A_678 : vector<1x512xf32>, vector<1x512xi32>
    }
    %while3A_463 = arith.constant 1 : i32
    %while3A_464:2 = scf.for %while3A_638 = %while3A_460 to %while3A_456 step %while3A_463 iter_args(%while3A_639 = %while3A_462#0, %while3A_640 = %while3A_462#1) -> (vector<1x512xf32>, vector<1x512xi32>)  : i32 {
      %mul3A_641 = arith.constant 256 : i32
      %mul3A_642 = arith.muli %while3A_638, %mul3A_641 : i32
      %multiple_of3A = tpu.assume_multiple %mul3A_642, 256 : i32
      %add3A_643 = arith.addi %get3A_23, %while3A_638 : i32
      %mul3A_644 = arith.constant 256 : i32
      %mul3A_645 = arith.muli %add3A_643, %mul3A_644 : i32
      %multiple_of3A_646 = tpu.assume_multiple %mul3A_645, 256 : i32
      %add3A_647 = vector.broadcast %multiple_of3A_646 : i32 to vector<256x1xi32>
      %add3A_648 = arith.addi %add3A_647, %iota3A_21 : vector<256x1xi32>
      %get3A_649 = arith.index_cast %multiple_of3A : i32 to index
      %get3A_650 = arith.constant 0 : index
      %get3A_651 = vector.load %arg8[%get3A_649, %get3A_650] : memref<10240x512xf32, #tpu.memory_space<vmem>>, vector<256x512xf32>
      %lt3A_652 = vector.broadcast %while3A_433#0 : vector<1x512xf32> to vector<256x512xf32>
      %lt3A_653 = arith.cmpf olt, %get3A_651, %lt3A_652 : vector<256x512xf32>
      %eq3A_654 = vector.broadcast %while3A_433#0 : vector<1x512xf32> to vector<256x512xf32>
      %eq3A_655 = arith.cmpf oeq, %get3A_651, %eq3A_654 : vector<256x512xf32>
      %le3A = vector.broadcast %add3A_648 : vector<256x1xi32> to vector<256x512xi32>
      %le3A_656 = vector.broadcast %while3A_433#1 : vector<1x512xi32> to vector<256x512xi32>
      %le3A_657 = arith.cmpi sle, %le3A, %le3A_656 : vector<256x512xi32>
      %and3A = arith.andi %eq3A_655, %le3A_657 : vector<256x512xi1>
      %or3A = arith.ori %lt3A_653, %and3A : vector<256x512xi1>
      %jit3A = arith.constant 1.000000e+30 : f32
      %broadcast_in_dim3A_658 = vector.broadcast %jit3A : f32 to vector<256x512xf32>
      %select_n3A_659 = arith.select %or3A, %broadcast_in_dim3A_658, %get3A_651 : vector<256x512xi1>, vector<256x512xf32>
      %reduce_min3A = arith.constant dense<0x7F800000> : vector<512xf32>
      %reduce_min3A_660 = vector.multi_reduction <minimumf>, %select_n3A_659, %reduce_min3A [0] : vector<256x512xf32> to vector<512xf32>
      %broadcast_in_dim3A_661 = vector.shape_cast %reduce_min3A_660 : vector<512xf32> to vector<1x512xf32>
      %eq3A_662 = vector.broadcast %broadcast_in_dim3A_661 : vector<1x512xf32> to vector<256x512xf32>
      %eq3A_663 = arith.cmpf oeq, %select_n3A_659, %eq3A_662 : vector<256x512xf32>
      %jit3A_664 = arith.constant 1073741824 : i32
      %broadcast_in_dim3A_665 = vector.shape_cast %add3A_648 : vector<256x1xi32> to vector<256x1xi32>
      %broadcast_in_dim3A_666 = vector.broadcast %broadcast_in_dim3A_665 : vector<256x1xi32> to vector<256x512xi32>
      %broadcast_in_dim3A_667 = vector.broadcast %jit3A_664 : i32 to vector<256x512xi32>
      %select_n3A_668 = arith.select %eq3A_663, %broadcast_in_dim3A_666, %broadcast_in_dim3A_667 : vector<256x512xi1>, vector<256x512xi32>
      %reduce_min3A_669 = arith.constant dense<2147483647> : vector<512xi32>
      %reduce_min3A_670 = vector.multi_reduction <minsi>, %select_n3A_668, %reduce_min3A_669 [0] : vector<256x512xi32> to vector<512xi32>
      %broadcast_in_dim3A_671 = vector.shape_cast %reduce_min3A_670 : vector<512xi32> to vector<1x512xi32>
      %lt3A_672 = arith.cmpf olt, %broadcast_in_dim3A_661, %while3A_639 : vector<1x512xf32>
      %eq3A_673 = arith.cmpf oeq, %broadcast_in_dim3A_661, %while3A_639 : vector<1x512xf32>
      %lt3A_674 = arith.cmpi slt, %broadcast_in_dim3A_671, %while3A_640 : vector<1x512xi32>
      %and3A_675 = arith.andi %eq3A_673, %lt3A_674 : vector<1x512xi1>
      %or3A_676 = arith.ori %lt3A_672, %and3A_675 : vector<1x512xi1>
      %select_n3A_677 = arith.select %or3A_676, %broadcast_in_dim3A_661, %while3A_639 : vector<1x512xi1>, vector<1x512xf32>
      %select_n3A_678 = arith.select %or3A_676, %broadcast_in_dim3A_671, %while3A_640 : vector<1x512xi1>, vector<1x512xi32>
      scf.yield %select_n3A_677, %select_n3A_678 : vector<1x512xf32>, vector<1x512xi32>
    }
    %sub3A_465 = arith.constant 10 : i32
    %sub3A_466 = vector.broadcast %sub3A_465 : i32 to vector<1x512xi32>
    %sub3A_467 = arith.subi %sub3A_466, %sub3A_137 : vector<1x512xi32>
    %lt3A_468 = arith.cmpi slt, %sub3A_467, %select_n3A_130 : vector<1x512xi32>
    %eq3A_469 = arith.cmpi eq, %sub3A_467, %select_n3A_130 : vector<1x512xi32>
    %add3A_470 = arith.addi %select_n3A_134, %sub3A_467 : vector<1x512xi32>
    %sub3A_471 = arith.subi %add3A_470, %select_n3A_130 : vector<1x512xi32>
    %sub3A_472 = arith.constant 1 : i32
    %sub3A_473 = vector.broadcast %sub3A_472 : i32 to vector<1x512xi32>
    %sub3A_474 = arith.subi %sub3A_471, %sub3A_473 : vector<1x512xi32>
    %select_n3A_475 = arith.select %eq3A_469, %add3A_20, %sub3A_474 : vector<1x512xi1>, vector<1x512xi32>
    %select_n3A_476 = arith.select %lt3A_468, %sub3A_467, %select_n3A_475 : vector<1x512xi1>, vector<1x512xi32>
    %gt3A_477 = arith.constant 10 : i32
    %gt3A_478 = vector.broadcast %gt3A_477 : i32 to vector<1x512xi32>
    %gt3A_479 = arith.cmpi sgt, %sub3A_137, %gt3A_478 : vector<1x512xi32>
    %select_n3A_480 = arith.select %gt3A_479, %while3A_464#1, %select_n3A_476 : vector<1x512xi1>, vector<1x512xi32>
    %broadcast_in_dim3A_481 = arith.constant 1.000000e+30 : f32
    %broadcast_in_dim3A_482 = vector.broadcast %broadcast_in_dim3A_481 : f32 to vector<1x512xf32>
    %broadcast_in_dim3A_483 = arith.constant 1073741824 : i32
    %broadcast_in_dim3A_484 = vector.broadcast %broadcast_in_dim3A_483 : i32 to vector<1x512xi32>
    %while3A_485 = arith.constant 0 : i32
    %while3A_486 = arith.subi %get3A_25, %while3A_485 : i32
    %while3A_487 = arith.addi %while3A_485, %while3A_486 : i32
    %while3A_488 = arith.constant 1 : i32
    %while3A_489 = arith.divsi %while3A_486, %while3A_488 : i32
    %while3A_490 = arith.muli %while3A_489, %while3A_488 : i32
    %while3A_491 = arith.addi %while3A_485, %while3A_490 : i32
    %while3A_492 = arith.constant 1 : i32
    %while3A_493:2 = scf.for %while3A_638 = %while3A_485 to %while3A_491 step %while3A_492 iter_args(%while3A_639 = %broadcast_in_dim3A_482, %while3A_640 = %broadcast_in_dim3A_484) -> (vector<1x512xf32>, vector<1x512xi32>)  : i32 {
      %mul3A_641 = arith.constant 256 : i32
      %mul3A_642 = arith.muli %while3A_638, %mul3A_641 : i32
      %multiple_of3A = tpu.assume_multiple %mul3A_642, 256 : i32
      %add3A_643 = arith.addi %get3A_23, %while3A_638 : i32
      %mul3A_644 = arith.constant 256 : i32
      %mul3A_645 = arith.muli %add3A_643, %mul3A_644 : i32
      %multiple_of3A_646 = tpu.assume_multiple %mul3A_645, 256 : i32
      %add3A_647 = vector.broadcast %multiple_of3A_646 : i32 to vector<256x1xi32>
      %add3A_648 = arith.addi %add3A_647, %iota3A_21 : vector<256x1xi32>
      %get3A_649 = arith.index_cast %multiple_of3A : i32 to index
      %get3A_650 = arith.constant 0 : index
      %get3A_651 = vector.load %arg8[%get3A_649, %get3A_650] : memref<10240x512xf32, #tpu.memory_space<vmem>>, vector<256x512xf32>
      %lt3A_652 = vector.broadcast %while3A_464#0 : vector<1x512xf32> to vector<256x512xf32>
      %lt3A_653 = arith.cmpf olt, %get3A_651, %lt3A_652 : vector<256x512xf32>
      %eq3A_654 = vector.broadcast %while3A_464#0 : vector<1x512xf32> to vector<256x512xf32>
      %eq3A_655 = arith.cmpf oeq, %get3A_651, %eq3A_654 : vector<256x512xf32>
      %le3A = vector.broadcast %add3A_648 : vector<256x1xi32> to vector<256x512xi32>
      %le3A_656 = vector.broadcast %while3A_464#1 : vector<1x512xi32> to vector<256x512xi32>
      %le3A_657 = arith.cmpi sle, %le3A, %le3A_656 : vector<256x512xi32>
      %and3A = arith.andi %eq3A_655, %le3A_657 : vector<256x512xi1>
      %or3A = arith.ori %lt3A_653, %and3A : vector<256x512xi1>
      %jit3A = arith.constant 1.000000e+30 : f32
      %broadcast_in_dim3A_658 = vector.broadcast %jit3A : f32 to vector<256x512xf32>
      %select_n3A_659 = arith.select %or3A, %broadcast_in_dim3A_658, %get3A_651 : vector<256x512xi1>, vector<256x512xf32>
      %reduce_min3A = arith.constant dense<0x7F800000> : vector<512xf32>
      %reduce_min3A_660 = vector.multi_reduction <minimumf>, %select_n3A_659, %reduce_min3A [0] : vector<256x512xf32> to vector<512xf32>
      %broadcast_in_dim3A_661 = vector.shape_cast %reduce_min3A_660 : vector<512xf32> to vector<1x512xf32>
      %eq3A_662 = vector.broadcast %broadcast_in_dim3A_661 : vector<1x512xf32> to vector<256x512xf32>
      %eq3A_663 = arith.cmpf oeq, %select_n3A_659, %eq3A_662 : vector<256x512xf32>
      %jit3A_664 = arith.constant 1073741824 : i32
      %broadcast_in_dim3A_665 = vector.shape_cast %add3A_648 : vector<256x1xi32> to vector<256x1xi32>
      %broadcast_in_dim3A_666 = vector.broadcast %broadcast_in_dim3A_665 : vector<256x1xi32> to vector<256x512xi32>
      %broadcast_in_dim3A_667 = vector.broadcast %jit3A_664 : i32 to vector<256x512xi32>
      %select_n3A_668 = arith.select %eq3A_663, %broadcast_in_dim3A_666, %broadcast_in_dim3A_667 : vector<256x512xi1>, vector<256x512xi32>
      %reduce_min3A_669 = arith.constant dense<2147483647> : vector<512xi32>
      %reduce_min3A_670 = vector.multi_reduction <minsi>, %select_n3A_668, %reduce_min3A_669 [0] : vector<256x512xi32> to vector<512xi32>
      %broadcast_in_dim3A_671 = vector.shape_cast %reduce_min3A_670 : vector<512xi32> to vector<1x512xi32>
      %lt3A_672 = arith.cmpf olt, %broadcast_in_dim3A_661, %while3A_639 : vector<1x512xf32>
      %eq3A_673 = arith.cmpf oeq, %broadcast_in_dim3A_661, %while3A_639 : vector<1x512xf32>
      %lt3A_674 = arith.cmpi slt, %broadcast_in_dim3A_671, %while3A_640 : vector<1x512xi32>
      %and3A_675 = arith.andi %eq3A_673, %lt3A_674 : vector<1x512xi1>
      %or3A_676 = arith.ori %lt3A_672, %and3A_675 : vector<1x512xi1>
      %select_n3A_677 = arith.select %or3A_676, %broadcast_in_dim3A_661, %while3A_639 : vector<1x512xi1>, vector<1x512xf32>
      %select_n3A_678 = arith.select %or3A_676, %broadcast_in_dim3A_671, %while3A_640 : vector<1x512xi1>, vector<1x512xi32>
      scf.yield %select_n3A_677, %select_n3A_678 : vector<1x512xf32>, vector<1x512xi32>
    }
    %while3A_494 = arith.constant 1 : i32
    %while3A_495:2 = scf.for %while3A_638 = %while3A_491 to %while3A_487 step %while3A_494 iter_args(%while3A_639 = %while3A_493#0, %while3A_640 = %while3A_493#1) -> (vector<1x512xf32>, vector<1x512xi32>)  : i32 {
      %mul3A_641 = arith.constant 256 : i32
      %mul3A_642 = arith.muli %while3A_638, %mul3A_641 : i32
      %multiple_of3A = tpu.assume_multiple %mul3A_642, 256 : i32
      %add3A_643 = arith.addi %get3A_23, %while3A_638 : i32
      %mul3A_644 = arith.constant 256 : i32
      %mul3A_645 = arith.muli %add3A_643, %mul3A_644 : i32
      %multiple_of3A_646 = tpu.assume_multiple %mul3A_645, 256 : i32
      %add3A_647 = vector.broadcast %multiple_of3A_646 : i32 to vector<256x1xi32>
      %add3A_648 = arith.addi %add3A_647, %iota3A_21 : vector<256x1xi32>
      %get3A_649 = arith.index_cast %multiple_of3A : i32 to index
      %get3A_650 = arith.constant 0 : index
      %get3A_651 = vector.load %arg8[%get3A_649, %get3A_650] : memref<10240x512xf32, #tpu.memory_space<vmem>>, vector<256x512xf32>
      %lt3A_652 = vector.broadcast %while3A_464#0 : vector<1x512xf32> to vector<256x512xf32>
      %lt3A_653 = arith.cmpf olt, %get3A_651, %lt3A_652 : vector<256x512xf32>
      %eq3A_654 = vector.broadcast %while3A_464#0 : vector<1x512xf32> to vector<256x512xf32>
      %eq3A_655 = arith.cmpf oeq, %get3A_651, %eq3A_654 : vector<256x512xf32>
      %le3A = vector.broadcast %add3A_648 : vector<256x1xi32> to vector<256x512xi32>
      %le3A_656 = vector.broadcast %while3A_464#1 : vector<1x512xi32> to vector<256x512xi32>
      %le3A_657 = arith.cmpi sle, %le3A, %le3A_656 : vector<256x512xi32>
      %and3A = arith.andi %eq3A_655, %le3A_657 : vector<256x512xi1>
      %or3A = arith.ori %lt3A_653, %and3A : vector<256x512xi1>
      %jit3A = arith.constant 1.000000e+30 : f32
      %broadcast_in_dim3A_658 = vector.broadcast %jit3A : f32 to vector<256x512xf32>
      %select_n3A_659 = arith.select %or3A, %broadcast_in_dim3A_658, %get3A_651 : vector<256x512xi1>, vector<256x512xf32>
      %reduce_min3A = arith.constant dense<0x7F800000> : vector<512xf32>
      %reduce_min3A_660 = vector.multi_reduction <minimumf>, %select_n3A_659, %reduce_min3A [0] : vector<256x512xf32> to vector<512xf32>
      %broadcast_in_dim3A_661 = vector.shape_cast %reduce_min3A_660 : vector<512xf32> to vector<1x512xf32>
      %eq3A_662 = vector.broadcast %broadcast_in_dim3A_661 : vector<1x512xf32> to vector<256x512xf32>
      %eq3A_663 = arith.cmpf oeq, %select_n3A_659, %eq3A_662 : vector<256x512xf32>
      %jit3A_664 = arith.constant 1073741824 : i32
      %broadcast_in_dim3A_665 = vector.shape_cast %add3A_648 : vector<256x1xi32> to vector<256x1xi32>
      %broadcast_in_dim3A_666 = vector.broadcast %broadcast_in_dim3A_665 : vector<256x1xi32> to vector<256x512xi32>
      %broadcast_in_dim3A_667 = vector.broadcast %jit3A_664 : i32 to vector<256x512xi32>
      %select_n3A_668 = arith.select %eq3A_663, %broadcast_in_dim3A_666, %broadcast_in_dim3A_667 : vector<256x512xi1>, vector<256x512xi32>
      %reduce_min3A_669 = arith.constant dense<2147483647> : vector<512xi32>
      %reduce_min3A_670 = vector.multi_reduction <minsi>, %select_n3A_668, %reduce_min3A_669 [0] : vector<256x512xi32> to vector<512xi32>
      %broadcast_in_dim3A_671 = vector.shape_cast %reduce_min3A_670 : vector<512xi32> to vector<1x512xi32>
      %lt3A_672 = arith.cmpf olt, %broadcast_in_dim3A_661, %while3A_639 : vector<1x512xf32>
      %eq3A_673 = arith.cmpf oeq, %broadcast_in_dim3A_661, %while3A_639 : vector<1x512xf32>
      %lt3A_674 = arith.cmpi slt, %broadcast_in_dim3A_671, %while3A_640 : vector<1x512xi32>
      %and3A_675 = arith.andi %eq3A_673, %lt3A_674 : vector<1x512xi1>
      %or3A_676 = arith.ori %lt3A_672, %and3A_675 : vector<1x512xi1>
      %select_n3A_677 = arith.select %or3A_676, %broadcast_in_dim3A_661, %while3A_639 : vector<1x512xi1>, vector<1x512xf32>
      %select_n3A_678 = arith.select %or3A_676, %broadcast_in_dim3A_671, %while3A_640 : vector<1x512xi1>, vector<1x512xi32>
      scf.yield %select_n3A_677, %select_n3A_678 : vector<1x512xf32>, vector<1x512xi32>
    }
    %sub3A_496 = arith.constant 11 : i32
    %sub3A_497 = vector.broadcast %sub3A_496 : i32 to vector<1x512xi32>
    %sub3A_498 = arith.subi %sub3A_497, %sub3A_137 : vector<1x512xi32>
    %lt3A_499 = arith.cmpi slt, %sub3A_498, %select_n3A_130 : vector<1x512xi32>
    %eq3A_500 = arith.cmpi eq, %sub3A_498, %select_n3A_130 : vector<1x512xi32>
    %add3A_501 = arith.addi %select_n3A_134, %sub3A_498 : vector<1x512xi32>
    %sub3A_502 = arith.subi %add3A_501, %select_n3A_130 : vector<1x512xi32>
    %sub3A_503 = arith.constant 1 : i32
    %sub3A_504 = vector.broadcast %sub3A_503 : i32 to vector<1x512xi32>
    %sub3A_505 = arith.subi %sub3A_502, %sub3A_504 : vector<1x512xi32>
    %select_n3A_506 = arith.select %eq3A_500, %add3A_20, %sub3A_505 : vector<1x512xi1>, vector<1x512xi32>
    %select_n3A_507 = arith.select %lt3A_499, %sub3A_498, %select_n3A_506 : vector<1x512xi1>, vector<1x512xi32>
    %gt3A_508 = arith.constant 11 : i32
    %gt3A_509 = vector.broadcast %gt3A_508 : i32 to vector<1x512xi32>
    %gt3A_510 = arith.cmpi sgt, %sub3A_137, %gt3A_509 : vector<1x512xi32>
    %select_n3A_511 = arith.select %gt3A_510, %while3A_495#1, %select_n3A_507 : vector<1x512xi1>, vector<1x512xi32>
    %broadcast_in_dim3A_512 = arith.constant 1.000000e+30 : f32
    %broadcast_in_dim3A_513 = vector.broadcast %broadcast_in_dim3A_512 : f32 to vector<1x512xf32>
    %broadcast_in_dim3A_514 = arith.constant 1073741824 : i32
    %broadcast_in_dim3A_515 = vector.broadcast %broadcast_in_dim3A_514 : i32 to vector<1x512xi32>
    %while3A_516 = arith.constant 0 : i32
    %while3A_517 = arith.subi %get3A_25, %while3A_516 : i32
    %while3A_518 = arith.addi %while3A_516, %while3A_517 : i32
    %while3A_519 = arith.constant 1 : i32
    %while3A_520 = arith.divsi %while3A_517, %while3A_519 : i32
    %while3A_521 = arith.muli %while3A_520, %while3A_519 : i32
    %while3A_522 = arith.addi %while3A_516, %while3A_521 : i32
    %while3A_523 = arith.constant 1 : i32
    %while3A_524:2 = scf.for %while3A_638 = %while3A_516 to %while3A_522 step %while3A_523 iter_args(%while3A_639 = %broadcast_in_dim3A_513, %while3A_640 = %broadcast_in_dim3A_515) -> (vector<1x512xf32>, vector<1x512xi32>)  : i32 {
      %mul3A_641 = arith.constant 256 : i32
      %mul3A_642 = arith.muli %while3A_638, %mul3A_641 : i32
      %multiple_of3A = tpu.assume_multiple %mul3A_642, 256 : i32
      %add3A_643 = arith.addi %get3A_23, %while3A_638 : i32
      %mul3A_644 = arith.constant 256 : i32
      %mul3A_645 = arith.muli %add3A_643, %mul3A_644 : i32
      %multiple_of3A_646 = tpu.assume_multiple %mul3A_645, 256 : i32
      %add3A_647 = vector.broadcast %multiple_of3A_646 : i32 to vector<256x1xi32>
      %add3A_648 = arith.addi %add3A_647, %iota3A_21 : vector<256x1xi32>
      %get3A_649 = arith.index_cast %multiple_of3A : i32 to index
      %get3A_650 = arith.constant 0 : index
      %get3A_651 = vector.load %arg8[%get3A_649, %get3A_650] : memref<10240x512xf32, #tpu.memory_space<vmem>>, vector<256x512xf32>
      %lt3A_652 = vector.broadcast %while3A_495#0 : vector<1x512xf32> to vector<256x512xf32>
      %lt3A_653 = arith.cmpf olt, %get3A_651, %lt3A_652 : vector<256x512xf32>
      %eq3A_654 = vector.broadcast %while3A_495#0 : vector<1x512xf32> to vector<256x512xf32>
      %eq3A_655 = arith.cmpf oeq, %get3A_651, %eq3A_654 : vector<256x512xf32>
      %le3A = vector.broadcast %add3A_648 : vector<256x1xi32> to vector<256x512xi32>
      %le3A_656 = vector.broadcast %while3A_495#1 : vector<1x512xi32> to vector<256x512xi32>
      %le3A_657 = arith.cmpi sle, %le3A, %le3A_656 : vector<256x512xi32>
      %and3A = arith.andi %eq3A_655, %le3A_657 : vector<256x512xi1>
      %or3A = arith.ori %lt3A_653, %and3A : vector<256x512xi1>
      %jit3A = arith.constant 1.000000e+30 : f32
      %broadcast_in_dim3A_658 = vector.broadcast %jit3A : f32 to vector<256x512xf32>
      %select_n3A_659 = arith.select %or3A, %broadcast_in_dim3A_658, %get3A_651 : vector<256x512xi1>, vector<256x512xf32>
      %reduce_min3A = arith.constant dense<0x7F800000> : vector<512xf32>
      %reduce_min3A_660 = vector.multi_reduction <minimumf>, %select_n3A_659, %reduce_min3A [0] : vector<256x512xf32> to vector<512xf32>
      %broadcast_in_dim3A_661 = vector.shape_cast %reduce_min3A_660 : vector<512xf32> to vector<1x512xf32>
      %eq3A_662 = vector.broadcast %broadcast_in_dim3A_661 : vector<1x512xf32> to vector<256x512xf32>
      %eq3A_663 = arith.cmpf oeq, %select_n3A_659, %eq3A_662 : vector<256x512xf32>
      %jit3A_664 = arith.constant 1073741824 : i32
      %broadcast_in_dim3A_665 = vector.shape_cast %add3A_648 : vector<256x1xi32> to vector<256x1xi32>
      %broadcast_in_dim3A_666 = vector.broadcast %broadcast_in_dim3A_665 : vector<256x1xi32> to vector<256x512xi32>
      %broadcast_in_dim3A_667 = vector.broadcast %jit3A_664 : i32 to vector<256x512xi32>
      %select_n3A_668 = arith.select %eq3A_663, %broadcast_in_dim3A_666, %broadcast_in_dim3A_667 : vector<256x512xi1>, vector<256x512xi32>
      %reduce_min3A_669 = arith.constant dense<2147483647> : vector<512xi32>
      %reduce_min3A_670 = vector.multi_reduction <minsi>, %select_n3A_668, %reduce_min3A_669 [0] : vector<256x512xi32> to vector<512xi32>
      %broadcast_in_dim3A_671 = vector.shape_cast %reduce_min3A_670 : vector<512xi32> to vector<1x512xi32>
      %lt3A_672 = arith.cmpf olt, %broadcast_in_dim3A_661, %while3A_639 : vector<1x512xf32>
      %eq3A_673 = arith.cmpf oeq, %broadcast_in_dim3A_661, %while3A_639 : vector<1x512xf32>
      %lt3A_674 = arith.cmpi slt, %broadcast_in_dim3A_671, %while3A_640 : vector<1x512xi32>
      %and3A_675 = arith.andi %eq3A_673, %lt3A_674 : vector<1x512xi1>
      %or3A_676 = arith.ori %lt3A_672, %and3A_675 : vector<1x512xi1>
      %select_n3A_677 = arith.select %or3A_676, %broadcast_in_dim3A_661, %while3A_639 : vector<1x512xi1>, vector<1x512xf32>
      %select_n3A_678 = arith.select %or3A_676, %broadcast_in_dim3A_671, %while3A_640 : vector<1x512xi1>, vector<1x512xi32>
      scf.yield %select_n3A_677, %select_n3A_678 : vector<1x512xf32>, vector<1x512xi32>
    }
    %while3A_525 = arith.constant 1 : i32
    %while3A_526:2 = scf.for %while3A_638 = %while3A_522 to %while3A_518 step %while3A_525 iter_args(%while3A_639 = %while3A_524#0, %while3A_640 = %while3A_524#1) -> (vector<1x512xf32>, vector<1x512xi32>)  : i32 {
      %mul3A_641 = arith.constant 256 : i32
      %mul3A_642 = arith.muli %while3A_638, %mul3A_641 : i32
      %multiple_of3A = tpu.assume_multiple %mul3A_642, 256 : i32
      %add3A_643 = arith.addi %get3A_23, %while3A_638 : i32
      %mul3A_644 = arith.constant 256 : i32
      %mul3A_645 = arith.muli %add3A_643, %mul3A_644 : i32
      %multiple_of3A_646 = tpu.assume_multiple %mul3A_645, 256 : i32
      %add3A_647 = vector.broadcast %multiple_of3A_646 : i32 to vector<256x1xi32>
      %add3A_648 = arith.addi %add3A_647, %iota3A_21 : vector<256x1xi32>
      %get3A_649 = arith.index_cast %multiple_of3A : i32 to index
      %get3A_650 = arith.constant 0 : index
      %get3A_651 = vector.load %arg8[%get3A_649, %get3A_650] : memref<10240x512xf32, #tpu.memory_space<vmem>>, vector<256x512xf32>
      %lt3A_652 = vector.broadcast %while3A_495#0 : vector<1x512xf32> to vector<256x512xf32>
      %lt3A_653 = arith.cmpf olt, %get3A_651, %lt3A_652 : vector<256x512xf32>
      %eq3A_654 = vector.broadcast %while3A_495#0 : vector<1x512xf32> to vector<256x512xf32>
      %eq3A_655 = arith.cmpf oeq, %get3A_651, %eq3A_654 : vector<256x512xf32>
      %le3A = vector.broadcast %add3A_648 : vector<256x1xi32> to vector<256x512xi32>
      %le3A_656 = vector.broadcast %while3A_495#1 : vector<1x512xi32> to vector<256x512xi32>
      %le3A_657 = arith.cmpi sle, %le3A, %le3A_656 : vector<256x512xi32>
      %and3A = arith.andi %eq3A_655, %le3A_657 : vector<256x512xi1>
      %or3A = arith.ori %lt3A_653, %and3A : vector<256x512xi1>
      %jit3A = arith.constant 1.000000e+30 : f32
      %broadcast_in_dim3A_658 = vector.broadcast %jit3A : f32 to vector<256x512xf32>
      %select_n3A_659 = arith.select %or3A, %broadcast_in_dim3A_658, %get3A_651 : vector<256x512xi1>, vector<256x512xf32>
      %reduce_min3A = arith.constant dense<0x7F800000> : vector<512xf32>
      %reduce_min3A_660 = vector.multi_reduction <minimumf>, %select_n3A_659, %reduce_min3A [0] : vector<256x512xf32> to vector<512xf32>
      %broadcast_in_dim3A_661 = vector.shape_cast %reduce_min3A_660 : vector<512xf32> to vector<1x512xf32>
      %eq3A_662 = vector.broadcast %broadcast_in_dim3A_661 : vector<1x512xf32> to vector<256x512xf32>
      %eq3A_663 = arith.cmpf oeq, %select_n3A_659, %eq3A_662 : vector<256x512xf32>
      %jit3A_664 = arith.constant 1073741824 : i32
      %broadcast_in_dim3A_665 = vector.shape_cast %add3A_648 : vector<256x1xi32> to vector<256x1xi32>
      %broadcast_in_dim3A_666 = vector.broadcast %broadcast_in_dim3A_665 : vector<256x1xi32> to vector<256x512xi32>
      %broadcast_in_dim3A_667 = vector.broadcast %jit3A_664 : i32 to vector<256x512xi32>
      %select_n3A_668 = arith.select %eq3A_663, %broadcast_in_dim3A_666, %broadcast_in_dim3A_667 : vector<256x512xi1>, vector<256x512xi32>
      %reduce_min3A_669 = arith.constant dense<2147483647> : vector<512xi32>
      %reduce_min3A_670 = vector.multi_reduction <minsi>, %select_n3A_668, %reduce_min3A_669 [0] : vector<256x512xi32> to vector<512xi32>
      %broadcast_in_dim3A_671 = vector.shape_cast %reduce_min3A_670 : vector<512xi32> to vector<1x512xi32>
      %lt3A_672 = arith.cmpf olt, %broadcast_in_dim3A_661, %while3A_639 : vector<1x512xf32>
      %eq3A_673 = arith.cmpf oeq, %broadcast_in_dim3A_661, %while3A_639 : vector<1x512xf32>
      %lt3A_674 = arith.cmpi slt, %broadcast_in_dim3A_671, %while3A_640 : vector<1x512xi32>
      %and3A_675 = arith.andi %eq3A_673, %lt3A_674 : vector<1x512xi1>
      %or3A_676 = arith.ori %lt3A_672, %and3A_675 : vector<1x512xi1>
      %select_n3A_677 = arith.select %or3A_676, %broadcast_in_dim3A_661, %while3A_639 : vector<1x512xi1>, vector<1x512xf32>
      %select_n3A_678 = arith.select %or3A_676, %broadcast_in_dim3A_671, %while3A_640 : vector<1x512xi1>, vector<1x512xi32>
      scf.yield %select_n3A_677, %select_n3A_678 : vector<1x512xf32>, vector<1x512xi32>
    }
    %sub3A_527 = arith.constant 12 : i32
    %sub3A_528 = vector.broadcast %sub3A_527 : i32 to vector<1x512xi32>
    %sub3A_529 = arith.subi %sub3A_528, %sub3A_137 : vector<1x512xi32>
    %lt3A_530 = arith.cmpi slt, %sub3A_529, %select_n3A_130 : vector<1x512xi32>
    %eq3A_531 = arith.cmpi eq, %sub3A_529, %select_n3A_130 : vector<1x512xi32>
    %add3A_532 = arith.addi %select_n3A_134, %sub3A_529 : vector<1x512xi32>
    %sub3A_533 = arith.subi %add3A_532, %select_n3A_130 : vector<1x512xi32>
    %sub3A_534 = arith.constant 1 : i32
    %sub3A_535 = vector.broadcast %sub3A_534 : i32 to vector<1x512xi32>
    %sub3A_536 = arith.subi %sub3A_533, %sub3A_535 : vector<1x512xi32>
    %select_n3A_537 = arith.select %eq3A_531, %add3A_20, %sub3A_536 : vector<1x512xi1>, vector<1x512xi32>
    %select_n3A_538 = arith.select %lt3A_530, %sub3A_529, %select_n3A_537 : vector<1x512xi1>, vector<1x512xi32>
    %gt3A_539 = arith.constant 12 : i32
    %gt3A_540 = vector.broadcast %gt3A_539 : i32 to vector<1x512xi32>
    %gt3A_541 = arith.cmpi sgt, %sub3A_137, %gt3A_540 : vector<1x512xi32>
    %select_n3A_542 = arith.select %gt3A_541, %while3A_526#1, %select_n3A_538 : vector<1x512xi1>, vector<1x512xi32>
    %broadcast_in_dim3A_543 = arith.constant 1.000000e+30 : f32
    %broadcast_in_dim3A_544 = vector.broadcast %broadcast_in_dim3A_543 : f32 to vector<1x512xf32>
    %broadcast_in_dim3A_545 = arith.constant 1073741824 : i32
    %broadcast_in_dim3A_546 = vector.broadcast %broadcast_in_dim3A_545 : i32 to vector<1x512xi32>
    %while3A_547 = arith.constant 0 : i32
    %while3A_548 = arith.subi %get3A_25, %while3A_547 : i32
    %while3A_549 = arith.addi %while3A_547, %while3A_548 : i32
    %while3A_550 = arith.constant 1 : i32
    %while3A_551 = arith.divsi %while3A_548, %while3A_550 : i32
    %while3A_552 = arith.muli %while3A_551, %while3A_550 : i32
    %while3A_553 = arith.addi %while3A_547, %while3A_552 : i32
    %while3A_554 = arith.constant 1 : i32
    %while3A_555:2 = scf.for %while3A_638 = %while3A_547 to %while3A_553 step %while3A_554 iter_args(%while3A_639 = %broadcast_in_dim3A_544, %while3A_640 = %broadcast_in_dim3A_546) -> (vector<1x512xf32>, vector<1x512xi32>)  : i32 {
      %mul3A_641 = arith.constant 256 : i32
      %mul3A_642 = arith.muli %while3A_638, %mul3A_641 : i32
      %multiple_of3A = tpu.assume_multiple %mul3A_642, 256 : i32
      %add3A_643 = arith.addi %get3A_23, %while3A_638 : i32
      %mul3A_644 = arith.constant 256 : i32
      %mul3A_645 = arith.muli %add3A_643, %mul3A_644 : i32
      %multiple_of3A_646 = tpu.assume_multiple %mul3A_645, 256 : i32
      %add3A_647 = vector.broadcast %multiple_of3A_646 : i32 to vector<256x1xi32>
      %add3A_648 = arith.addi %add3A_647, %iota3A_21 : vector<256x1xi32>
      %get3A_649 = arith.index_cast %multiple_of3A : i32 to index
      %get3A_650 = arith.constant 0 : index
      %get3A_651 = vector.load %arg8[%get3A_649, %get3A_650] : memref<10240x512xf32, #tpu.memory_space<vmem>>, vector<256x512xf32>
      %lt3A_652 = vector.broadcast %while3A_526#0 : vector<1x512xf32> to vector<256x512xf32>
      %lt3A_653 = arith.cmpf olt, %get3A_651, %lt3A_652 : vector<256x512xf32>
      %eq3A_654 = vector.broadcast %while3A_526#0 : vector<1x512xf32> to vector<256x512xf32>
      %eq3A_655 = arith.cmpf oeq, %get3A_651, %eq3A_654 : vector<256x512xf32>
      %le3A = vector.broadcast %add3A_648 : vector<256x1xi32> to vector<256x512xi32>
      %le3A_656 = vector.broadcast %while3A_526#1 : vector<1x512xi32> to vector<256x512xi32>
      %le3A_657 = arith.cmpi sle, %le3A, %le3A_656 : vector<256x512xi32>
      %and3A = arith.andi %eq3A_655, %le3A_657 : vector<256x512xi1>
      %or3A = arith.ori %lt3A_653, %and3A : vector<256x512xi1>
      %jit3A = arith.constant 1.000000e+30 : f32
      %broadcast_in_dim3A_658 = vector.broadcast %jit3A : f32 to vector<256x512xf32>
      %select_n3A_659 = arith.select %or3A, %broadcast_in_dim3A_658, %get3A_651 : vector<256x512xi1>, vector<256x512xf32>
      %reduce_min3A = arith.constant dense<0x7F800000> : vector<512xf32>
      %reduce_min3A_660 = vector.multi_reduction <minimumf>, %select_n3A_659, %reduce_min3A [0] : vector<256x512xf32> to vector<512xf32>
      %broadcast_in_dim3A_661 = vector.shape_cast %reduce_min3A_660 : vector<512xf32> to vector<1x512xf32>
      %eq3A_662 = vector.broadcast %broadcast_in_dim3A_661 : vector<1x512xf32> to vector<256x512xf32>
      %eq3A_663 = arith.cmpf oeq, %select_n3A_659, %eq3A_662 : vector<256x512xf32>
      %jit3A_664 = arith.constant 1073741824 : i32
      %broadcast_in_dim3A_665 = vector.shape_cast %add3A_648 : vector<256x1xi32> to vector<256x1xi32>
      %broadcast_in_dim3A_666 = vector.broadcast %broadcast_in_dim3A_665 : vector<256x1xi32> to vector<256x512xi32>
      %broadcast_in_dim3A_667 = vector.broadcast %jit3A_664 : i32 to vector<256x512xi32>
      %select_n3A_668 = arith.select %eq3A_663, %broadcast_in_dim3A_666, %broadcast_in_dim3A_667 : vector<256x512xi1>, vector<256x512xi32>
      %reduce_min3A_669 = arith.constant dense<2147483647> : vector<512xi32>
      %reduce_min3A_670 = vector.multi_reduction <minsi>, %select_n3A_668, %reduce_min3A_669 [0] : vector<256x512xi32> to vector<512xi32>
      %broadcast_in_dim3A_671 = vector.shape_cast %reduce_min3A_670 : vector<512xi32> to vector<1x512xi32>
      %lt3A_672 = arith.cmpf olt, %broadcast_in_dim3A_661, %while3A_639 : vector<1x512xf32>
      %eq3A_673 = arith.cmpf oeq, %broadcast_in_dim3A_661, %while3A_639 : vector<1x512xf32>
      %lt3A_674 = arith.cmpi slt, %broadcast_in_dim3A_671, %while3A_640 : vector<1x512xi32>
      %and3A_675 = arith.andi %eq3A_673, %lt3A_674 : vector<1x512xi1>
      %or3A_676 = arith.ori %lt3A_672, %and3A_675 : vector<1x512xi1>
      %select_n3A_677 = arith.select %or3A_676, %broadcast_in_dim3A_661, %while3A_639 : vector<1x512xi1>, vector<1x512xf32>
      %select_n3A_678 = arith.select %or3A_676, %broadcast_in_dim3A_671, %while3A_640 : vector<1x512xi1>, vector<1x512xi32>
      scf.yield %select_n3A_677, %select_n3A_678 : vector<1x512xf32>, vector<1x512xi32>
    }
    %while3A_556 = arith.constant 1 : i32
    %while3A_557:2 = scf.for %while3A_638 = %while3A_553 to %while3A_549 step %while3A_556 iter_args(%while3A_639 = %while3A_555#0, %while3A_640 = %while3A_555#1) -> (vector<1x512xf32>, vector<1x512xi32>)  : i32 {
      %mul3A_641 = arith.constant 256 : i32
      %mul3A_642 = arith.muli %while3A_638, %mul3A_641 : i32
      %multiple_of3A = tpu.assume_multiple %mul3A_642, 256 : i32
      %add3A_643 = arith.addi %get3A_23, %while3A_638 : i32
      %mul3A_644 = arith.constant 256 : i32
      %mul3A_645 = arith.muli %add3A_643, %mul3A_644 : i32
      %multiple_of3A_646 = tpu.assume_multiple %mul3A_645, 256 : i32
      %add3A_647 = vector.broadcast %multiple_of3A_646 : i32 to vector<256x1xi32>
      %add3A_648 = arith.addi %add3A_647, %iota3A_21 : vector<256x1xi32>
      %get3A_649 = arith.index_cast %multiple_of3A : i32 to index
      %get3A_650 = arith.constant 0 : index
      %get3A_651 = vector.load %arg8[%get3A_649, %get3A_650] : memref<10240x512xf32, #tpu.memory_space<vmem>>, vector<256x512xf32>
      %lt3A_652 = vector.broadcast %while3A_526#0 : vector<1x512xf32> to vector<256x512xf32>
      %lt3A_653 = arith.cmpf olt, %get3A_651, %lt3A_652 : vector<256x512xf32>
      %eq3A_654 = vector.broadcast %while3A_526#0 : vector<1x512xf32> to vector<256x512xf32>
      %eq3A_655 = arith.cmpf oeq, %get3A_651, %eq3A_654 : vector<256x512xf32>
      %le3A = vector.broadcast %add3A_648 : vector<256x1xi32> to vector<256x512xi32>
      %le3A_656 = vector.broadcast %while3A_526#1 : vector<1x512xi32> to vector<256x512xi32>
      %le3A_657 = arith.cmpi sle, %le3A, %le3A_656 : vector<256x512xi32>
      %and3A = arith.andi %eq3A_655, %le3A_657 : vector<256x512xi1>
      %or3A = arith.ori %lt3A_653, %and3A : vector<256x512xi1>
      %jit3A = arith.constant 1.000000e+30 : f32
      %broadcast_in_dim3A_658 = vector.broadcast %jit3A : f32 to vector<256x512xf32>
      %select_n3A_659 = arith.select %or3A, %broadcast_in_dim3A_658, %get3A_651 : vector<256x512xi1>, vector<256x512xf32>
      %reduce_min3A = arith.constant dense<0x7F800000> : vector<512xf32>
      %reduce_min3A_660 = vector.multi_reduction <minimumf>, %select_n3A_659, %reduce_min3A [0] : vector<256x512xf32> to vector<512xf32>
      %broadcast_in_dim3A_661 = vector.shape_cast %reduce_min3A_660 : vector<512xf32> to vector<1x512xf32>
      %eq3A_662 = vector.broadcast %broadcast_in_dim3A_661 : vector<1x512xf32> to vector<256x512xf32>
      %eq3A_663 = arith.cmpf oeq, %select_n3A_659, %eq3A_662 : vector<256x512xf32>
      %jit3A_664 = arith.constant 1073741824 : i32
      %broadcast_in_dim3A_665 = vector.shape_cast %add3A_648 : vector<256x1xi32> to vector<256x1xi32>
      %broadcast_in_dim3A_666 = vector.broadcast %broadcast_in_dim3A_665 : vector<256x1xi32> to vector<256x512xi32>
      %broadcast_in_dim3A_667 = vector.broadcast %jit3A_664 : i32 to vector<256x512xi32>
      %select_n3A_668 = arith.select %eq3A_663, %broadcast_in_dim3A_666, %broadcast_in_dim3A_667 : vector<256x512xi1>, vector<256x512xi32>
      %reduce_min3A_669 = arith.constant dense<2147483647> : vector<512xi32>
      %reduce_min3A_670 = vector.multi_reduction <minsi>, %select_n3A_668, %reduce_min3A_669 [0] : vector<256x512xi32> to vector<512xi32>
      %broadcast_in_dim3A_671 = vector.shape_cast %reduce_min3A_670 : vector<512xi32> to vector<1x512xi32>
      %lt3A_672 = arith.cmpf olt, %broadcast_in_dim3A_661, %while3A_639 : vector<1x512xf32>
      %eq3A_673 = arith.cmpf oeq, %broadcast_in_dim3A_661, %while3A_639 : vector<1x512xf32>
      %lt3A_674 = arith.cmpi slt, %broadcast_in_dim3A_671, %while3A_640 : vector<1x512xi32>
      %and3A_675 = arith.andi %eq3A_673, %lt3A_674 : vector<1x512xi1>
      %or3A_676 = arith.ori %lt3A_672, %and3A_675 : vector<1x512xi1>
      %select_n3A_677 = arith.select %or3A_676, %broadcast_in_dim3A_661, %while3A_639 : vector<1x512xi1>, vector<1x512xf32>
      %select_n3A_678 = arith.select %or3A_676, %broadcast_in_dim3A_671, %while3A_640 : vector<1x512xi1>, vector<1x512xi32>
      scf.yield %select_n3A_677, %select_n3A_678 : vector<1x512xf32>, vector<1x512xi32>
    }
    %sub3A_558 = arith.constant 13 : i32
    %sub3A_559 = vector.broadcast %sub3A_558 : i32 to vector<1x512xi32>
    %sub3A_560 = arith.subi %sub3A_559, %sub3A_137 : vector<1x512xi32>
    %lt3A_561 = arith.cmpi slt, %sub3A_560, %select_n3A_130 : vector<1x512xi32>
    %eq3A_562 = arith.cmpi eq, %sub3A_560, %select_n3A_130 : vector<1x512xi32>
    %add3A_563 = arith.addi %select_n3A_134, %sub3A_560 : vector<1x512xi32>
    %sub3A_564 = arith.subi %add3A_563, %select_n3A_130 : vector<1x512xi32>
    %sub3A_565 = arith.constant 1 : i32
    %sub3A_566 = vector.broadcast %sub3A_565 : i32 to vector<1x512xi32>
    %sub3A_567 = arith.subi %sub3A_564, %sub3A_566 : vector<1x512xi32>
    %select_n3A_568 = arith.select %eq3A_562, %add3A_20, %sub3A_567 : vector<1x512xi1>, vector<1x512xi32>
    %select_n3A_569 = arith.select %lt3A_561, %sub3A_560, %select_n3A_568 : vector<1x512xi1>, vector<1x512xi32>
    %gt3A_570 = arith.constant 13 : i32
    %gt3A_571 = vector.broadcast %gt3A_570 : i32 to vector<1x512xi32>
    %gt3A_572 = arith.cmpi sgt, %sub3A_137, %gt3A_571 : vector<1x512xi32>
    %select_n3A_573 = arith.select %gt3A_572, %while3A_557#1, %select_n3A_569 : vector<1x512xi1>, vector<1x512xi32>
    %broadcast_in_dim3A_574 = arith.constant 1.000000e+30 : f32
    %broadcast_in_dim3A_575 = vector.broadcast %broadcast_in_dim3A_574 : f32 to vector<1x512xf32>
    %broadcast_in_dim3A_576 = arith.constant 1073741824 : i32
    %broadcast_in_dim3A_577 = vector.broadcast %broadcast_in_dim3A_576 : i32 to vector<1x512xi32>
    %while3A_578 = arith.constant 0 : i32
    %while3A_579 = arith.subi %get3A_25, %while3A_578 : i32
    %while3A_580 = arith.addi %while3A_578, %while3A_579 : i32
    %while3A_581 = arith.constant 1 : i32
    %while3A_582 = arith.divsi %while3A_579, %while3A_581 : i32
    %while3A_583 = arith.muli %while3A_582, %while3A_581 : i32
    %while3A_584 = arith.addi %while3A_578, %while3A_583 : i32
    %while3A_585 = arith.constant 1 : i32
    %while3A_586:2 = scf.for %while3A_638 = %while3A_578 to %while3A_584 step %while3A_585 iter_args(%while3A_639 = %broadcast_in_dim3A_575, %while3A_640 = %broadcast_in_dim3A_577) -> (vector<1x512xf32>, vector<1x512xi32>)  : i32 {
      %mul3A_641 = arith.constant 256 : i32
      %mul3A_642 = arith.muli %while3A_638, %mul3A_641 : i32
      %multiple_of3A = tpu.assume_multiple %mul3A_642, 256 : i32
      %add3A_643 = arith.addi %get3A_23, %while3A_638 : i32
      %mul3A_644 = arith.constant 256 : i32
      %mul3A_645 = arith.muli %add3A_643, %mul3A_644 : i32
      %multiple_of3A_646 = tpu.assume_multiple %mul3A_645, 256 : i32
      %add3A_647 = vector.broadcast %multiple_of3A_646 : i32 to vector<256x1xi32>
      %add3A_648 = arith.addi %add3A_647, %iota3A_21 : vector<256x1xi32>
      %get3A_649 = arith.index_cast %multiple_of3A : i32 to index
      %get3A_650 = arith.constant 0 : index
      %get3A_651 = vector.load %arg8[%get3A_649, %get3A_650] : memref<10240x512xf32, #tpu.memory_space<vmem>>, vector<256x512xf32>
      %lt3A_652 = vector.broadcast %while3A_557#0 : vector<1x512xf32> to vector<256x512xf32>
      %lt3A_653 = arith.cmpf olt, %get3A_651, %lt3A_652 : vector<256x512xf32>
      %eq3A_654 = vector.broadcast %while3A_557#0 : vector<1x512xf32> to vector<256x512xf32>
      %eq3A_655 = arith.cmpf oeq, %get3A_651, %eq3A_654 : vector<256x512xf32>
      %le3A = vector.broadcast %add3A_648 : vector<256x1xi32> to vector<256x512xi32>
      %le3A_656 = vector.broadcast %while3A_557#1 : vector<1x512xi32> to vector<256x512xi32>
      %le3A_657 = arith.cmpi sle, %le3A, %le3A_656 : vector<256x512xi32>
      %and3A = arith.andi %eq3A_655, %le3A_657 : vector<256x512xi1>
      %or3A = arith.ori %lt3A_653, %and3A : vector<256x512xi1>
      %jit3A = arith.constant 1.000000e+30 : f32
      %broadcast_in_dim3A_658 = vector.broadcast %jit3A : f32 to vector<256x512xf32>
      %select_n3A_659 = arith.select %or3A, %broadcast_in_dim3A_658, %get3A_651 : vector<256x512xi1>, vector<256x512xf32>
      %reduce_min3A = arith.constant dense<0x7F800000> : vector<512xf32>
      %reduce_min3A_660 = vector.multi_reduction <minimumf>, %select_n3A_659, %reduce_min3A [0] : vector<256x512xf32> to vector<512xf32>
      %broadcast_in_dim3A_661 = vector.shape_cast %reduce_min3A_660 : vector<512xf32> to vector<1x512xf32>
      %eq3A_662 = vector.broadcast %broadcast_in_dim3A_661 : vector<1x512xf32> to vector<256x512xf32>
      %eq3A_663 = arith.cmpf oeq, %select_n3A_659, %eq3A_662 : vector<256x512xf32>
      %jit3A_664 = arith.constant 1073741824 : i32
      %broadcast_in_dim3A_665 = vector.shape_cast %add3A_648 : vector<256x1xi32> to vector<256x1xi32>
      %broadcast_in_dim3A_666 = vector.broadcast %broadcast_in_dim3A_665 : vector<256x1xi32> to vector<256x512xi32>
      %broadcast_in_dim3A_667 = vector.broadcast %jit3A_664 : i32 to vector<256x512xi32>
      %select_n3A_668 = arith.select %eq3A_663, %broadcast_in_dim3A_666, %broadcast_in_dim3A_667 : vector<256x512xi1>, vector<256x512xi32>
      %reduce_min3A_669 = arith.constant dense<2147483647> : vector<512xi32>
      %reduce_min3A_670 = vector.multi_reduction <minsi>, %select_n3A_668, %reduce_min3A_669 [0] : vector<256x512xi32> to vector<512xi32>
      %broadcast_in_dim3A_671 = vector.shape_cast %reduce_min3A_670 : vector<512xi32> to vector<1x512xi32>
      %lt3A_672 = arith.cmpf olt, %broadcast_in_dim3A_661, %while3A_639 : vector<1x512xf32>
      %eq3A_673 = arith.cmpf oeq, %broadcast_in_dim3A_661, %while3A_639 : vector<1x512xf32>
      %lt3A_674 = arith.cmpi slt, %broadcast_in_dim3A_671, %while3A_640 : vector<1x512xi32>
      %and3A_675 = arith.andi %eq3A_673, %lt3A_674 : vector<1x512xi1>
      %or3A_676 = arith.ori %lt3A_672, %and3A_675 : vector<1x512xi1>
      %select_n3A_677 = arith.select %or3A_676, %broadcast_in_dim3A_661, %while3A_639 : vector<1x512xi1>, vector<1x512xf32>
      %select_n3A_678 = arith.select %or3A_676, %broadcast_in_dim3A_671, %while3A_640 : vector<1x512xi1>, vector<1x512xi32>
      scf.yield %select_n3A_677, %select_n3A_678 : vector<1x512xf32>, vector<1x512xi32>
    }
    %while3A_587 = arith.constant 1 : i32
    %while3A_588:2 = scf.for %while3A_638 = %while3A_584 to %while3A_580 step %while3A_587 iter_args(%while3A_639 = %while3A_586#0, %while3A_640 = %while3A_586#1) -> (vector<1x512xf32>, vector<1x512xi32>)  : i32 {
      %mul3A_641 = arith.constant 256 : i32
      %mul3A_642 = arith.muli %while3A_638, %mul3A_641 : i32
      %multiple_of3A = tpu.assume_multiple %mul3A_642, 256 : i32
      %add3A_643 = arith.addi %get3A_23, %while3A_638 : i32
      %mul3A_644 = arith.constant 256 : i32
      %mul3A_645 = arith.muli %add3A_643, %mul3A_644 : i32
      %multiple_of3A_646 = tpu.assume_multiple %mul3A_645, 256 : i32
      %add3A_647 = vector.broadcast %multiple_of3A_646 : i32 to vector<256x1xi32>
      %add3A_648 = arith.addi %add3A_647, %iota3A_21 : vector<256x1xi32>
      %get3A_649 = arith.index_cast %multiple_of3A : i32 to index
      %get3A_650 = arith.constant 0 : index
      %get3A_651 = vector.load %arg8[%get3A_649, %get3A_650] : memref<10240x512xf32, #tpu.memory_space<vmem>>, vector<256x512xf32>
      %lt3A_652 = vector.broadcast %while3A_557#0 : vector<1x512xf32> to vector<256x512xf32>
      %lt3A_653 = arith.cmpf olt, %get3A_651, %lt3A_652 : vector<256x512xf32>
      %eq3A_654 = vector.broadcast %while3A_557#0 : vector<1x512xf32> to vector<256x512xf32>
      %eq3A_655 = arith.cmpf oeq, %get3A_651, %eq3A_654 : vector<256x512xf32>
      %le3A = vector.broadcast %add3A_648 : vector<256x1xi32> to vector<256x512xi32>
      %le3A_656 = vector.broadcast %while3A_557#1 : vector<1x512xi32> to vector<256x512xi32>
      %le3A_657 = arith.cmpi sle, %le3A, %le3A_656 : vector<256x512xi32>
      %and3A = arith.andi %eq3A_655, %le3A_657 : vector<256x512xi1>
      %or3A = arith.ori %lt3A_653, %and3A : vector<256x512xi1>
      %jit3A = arith.constant 1.000000e+30 : f32
      %broadcast_in_dim3A_658 = vector.broadcast %jit3A : f32 to vector<256x512xf32>
      %select_n3A_659 = arith.select %or3A, %broadcast_in_dim3A_658, %get3A_651 : vector<256x512xi1>, vector<256x512xf32>
      %reduce_min3A = arith.constant dense<0x7F800000> : vector<512xf32>
      %reduce_min3A_660 = vector.multi_reduction <minimumf>, %select_n3A_659, %reduce_min3A [0] : vector<256x512xf32> to vector<512xf32>
      %broadcast_in_dim3A_661 = vector.shape_cast %reduce_min3A_660 : vector<512xf32> to vector<1x512xf32>
      %eq3A_662 = vector.broadcast %broadcast_in_dim3A_661 : vector<1x512xf32> to vector<256x512xf32>
      %eq3A_663 = arith.cmpf oeq, %select_n3A_659, %eq3A_662 : vector<256x512xf32>
      %jit3A_664 = arith.constant 1073741824 : i32
      %broadcast_in_dim3A_665 = vector.shape_cast %add3A_648 : vector<256x1xi32> to vector<256x1xi32>
      %broadcast_in_dim3A_666 = vector.broadcast %broadcast_in_dim3A_665 : vector<256x1xi32> to vector<256x512xi32>
      %broadcast_in_dim3A_667 = vector.broadcast %jit3A_664 : i32 to vector<256x512xi32>
      %select_n3A_668 = arith.select %eq3A_663, %broadcast_in_dim3A_666, %broadcast_in_dim3A_667 : vector<256x512xi1>, vector<256x512xi32>
      %reduce_min3A_669 = arith.constant dense<2147483647> : vector<512xi32>
      %reduce_min3A_670 = vector.multi_reduction <minsi>, %select_n3A_668, %reduce_min3A_669 [0] : vector<256x512xi32> to vector<512xi32>
      %broadcast_in_dim3A_671 = vector.shape_cast %reduce_min3A_670 : vector<512xi32> to vector<1x512xi32>
      %lt3A_672 = arith.cmpf olt, %broadcast_in_dim3A_661, %while3A_639 : vector<1x512xf32>
      %eq3A_673 = arith.cmpf oeq, %broadcast_in_dim3A_661, %while3A_639 : vector<1x512xf32>
      %lt3A_674 = arith.cmpi slt, %broadcast_in_dim3A_671, %while3A_640 : vector<1x512xi32>
      %and3A_675 = arith.andi %eq3A_673, %lt3A_674 : vector<1x512xi1>
      %or3A_676 = arith.ori %lt3A_672, %and3A_675 : vector<1x512xi1>
      %select_n3A_677 = arith.select %or3A_676, %broadcast_in_dim3A_661, %while3A_639 : vector<1x512xi1>, vector<1x512xf32>
      %select_n3A_678 = arith.select %or3A_676, %broadcast_in_dim3A_671, %while3A_640 : vector<1x512xi1>, vector<1x512xi32>
      scf.yield %select_n3A_677, %select_n3A_678 : vector<1x512xf32>, vector<1x512xi32>
    }
    %sub3A_589 = arith.constant 14 : i32
    %sub3A_590 = vector.broadcast %sub3A_589 : i32 to vector<1x512xi32>
    %sub3A_591 = arith.subi %sub3A_590, %sub3A_137 : vector<1x512xi32>
    %lt3A_592 = arith.cmpi slt, %sub3A_591, %select_n3A_130 : vector<1x512xi32>
    %eq3A_593 = arith.cmpi eq, %sub3A_591, %select_n3A_130 : vector<1x512xi32>
    %add3A_594 = arith.addi %select_n3A_134, %sub3A_591 : vector<1x512xi32>
    %sub3A_595 = arith.subi %add3A_594, %select_n3A_130 : vector<1x512xi32>
    %sub3A_596 = arith.constant 1 : i32
    %sub3A_597 = vector.broadcast %sub3A_596 : i32 to vector<1x512xi32>
    %sub3A_598 = arith.subi %sub3A_595, %sub3A_597 : vector<1x512xi32>
    %select_n3A_599 = arith.select %eq3A_593, %add3A_20, %sub3A_598 : vector<1x512xi1>, vector<1x512xi32>
    %select_n3A_600 = arith.select %lt3A_592, %sub3A_591, %select_n3A_599 : vector<1x512xi1>, vector<1x512xi32>
    %gt3A_601 = arith.constant 14 : i32
    %gt3A_602 = vector.broadcast %gt3A_601 : i32 to vector<1x512xi32>
    %gt3A_603 = arith.cmpi sgt, %sub3A_137, %gt3A_602 : vector<1x512xi32>
    %select_n3A_604 = arith.select %gt3A_603, %while3A_588#1, %select_n3A_600 : vector<1x512xi1>, vector<1x512xi32>
    %broadcast_in_dim3A_605 = arith.constant 1.000000e+30 : f32
    %broadcast_in_dim3A_606 = vector.broadcast %broadcast_in_dim3A_605 : f32 to vector<1x512xf32>
    %broadcast_in_dim3A_607 = arith.constant 1073741824 : i32
    %broadcast_in_dim3A_608 = vector.broadcast %broadcast_in_dim3A_607 : i32 to vector<1x512xi32>
    %while3A_609 = arith.constant 0 : i32
    %while3A_610 = arith.subi %get3A_25, %while3A_609 : i32
    %while3A_611 = arith.addi %while3A_609, %while3A_610 : i32
    %while3A_612 = arith.constant 1 : i32
    %while3A_613 = arith.divsi %while3A_610, %while3A_612 : i32
    %while3A_614 = arith.muli %while3A_613, %while3A_612 : i32
    %while3A_615 = arith.addi %while3A_609, %while3A_614 : i32
    %while3A_616 = arith.constant 1 : i32
    %while3A_617:2 = scf.for %while3A_638 = %while3A_609 to %while3A_615 step %while3A_616 iter_args(%while3A_639 = %broadcast_in_dim3A_606, %while3A_640 = %broadcast_in_dim3A_608) -> (vector<1x512xf32>, vector<1x512xi32>)  : i32 {
      %mul3A_641 = arith.constant 256 : i32
      %mul3A_642 = arith.muli %while3A_638, %mul3A_641 : i32
      %multiple_of3A = tpu.assume_multiple %mul3A_642, 256 : i32
      %add3A_643 = arith.addi %get3A_23, %while3A_638 : i32
      %mul3A_644 = arith.constant 256 : i32
      %mul3A_645 = arith.muli %add3A_643, %mul3A_644 : i32
      %multiple_of3A_646 = tpu.assume_multiple %mul3A_645, 256 : i32
      %add3A_647 = vector.broadcast %multiple_of3A_646 : i32 to vector<256x1xi32>
      %add3A_648 = arith.addi %add3A_647, %iota3A_21 : vector<256x1xi32>
      %get3A_649 = arith.index_cast %multiple_of3A : i32 to index
      %get3A_650 = arith.constant 0 : index
      %get3A_651 = vector.load %arg8[%get3A_649, %get3A_650] : memref<10240x512xf32, #tpu.memory_space<vmem>>, vector<256x512xf32>
      %lt3A_652 = vector.broadcast %while3A_588#0 : vector<1x512xf32> to vector<256x512xf32>
      %lt3A_653 = arith.cmpf olt, %get3A_651, %lt3A_652 : vector<256x512xf32>
      %eq3A_654 = vector.broadcast %while3A_588#0 : vector<1x512xf32> to vector<256x512xf32>
      %eq3A_655 = arith.cmpf oeq, %get3A_651, %eq3A_654 : vector<256x512xf32>
      %le3A = vector.broadcast %add3A_648 : vector<256x1xi32> to vector<256x512xi32>
      %le3A_656 = vector.broadcast %while3A_588#1 : vector<1x512xi32> to vector<256x512xi32>
      %le3A_657 = arith.cmpi sle, %le3A, %le3A_656 : vector<256x512xi32>
      %and3A = arith.andi %eq3A_655, %le3A_657 : vector<256x512xi1>
      %or3A = arith.ori %lt3A_653, %and3A : vector<256x512xi1>
      %jit3A = arith.constant 1.000000e+30 : f32
      %broadcast_in_dim3A_658 = vector.broadcast %jit3A : f32 to vector<256x512xf32>
      %select_n3A_659 = arith.select %or3A, %broadcast_in_dim3A_658, %get3A_651 : vector<256x512xi1>, vector<256x512xf32>
      %reduce_min3A = arith.constant dense<0x7F800000> : vector<512xf32>
      %reduce_min3A_660 = vector.multi_reduction <minimumf>, %select_n3A_659, %reduce_min3A [0] : vector<256x512xf32> to vector<512xf32>
      %broadcast_in_dim3A_661 = vector.shape_cast %reduce_min3A_660 : vector<512xf32> to vector<1x512xf32>
      %eq3A_662 = vector.broadcast %broadcast_in_dim3A_661 : vector<1x512xf32> to vector<256x512xf32>
      %eq3A_663 = arith.cmpf oeq, %select_n3A_659, %eq3A_662 : vector<256x512xf32>
      %jit3A_664 = arith.constant 1073741824 : i32
      %broadcast_in_dim3A_665 = vector.shape_cast %add3A_648 : vector<256x1xi32> to vector<256x1xi32>
      %broadcast_in_dim3A_666 = vector.broadcast %broadcast_in_dim3A_665 : vector<256x1xi32> to vector<256x512xi32>
      %broadcast_in_dim3A_667 = vector.broadcast %jit3A_664 : i32 to vector<256x512xi32>
      %select_n3A_668 = arith.select %eq3A_663, %broadcast_in_dim3A_666, %broadcast_in_dim3A_667 : vector<256x512xi1>, vector<256x512xi32>
      %reduce_min3A_669 = arith.constant dense<2147483647> : vector<512xi32>
      %reduce_min3A_670 = vector.multi_reduction <minsi>, %select_n3A_668, %reduce_min3A_669 [0] : vector<256x512xi32> to vector<512xi32>
      %broadcast_in_dim3A_671 = vector.shape_cast %reduce_min3A_670 : vector<512xi32> to vector<1x512xi32>
      %lt3A_672 = arith.cmpf olt, %broadcast_in_dim3A_661, %while3A_639 : vector<1x512xf32>
      %eq3A_673 = arith.cmpf oeq, %broadcast_in_dim3A_661, %while3A_639 : vector<1x512xf32>
      %lt3A_674 = arith.cmpi slt, %broadcast_in_dim3A_671, %while3A_640 : vector<1x512xi32>
      %and3A_675 = arith.andi %eq3A_673, %lt3A_674 : vector<1x512xi1>
      %or3A_676 = arith.ori %lt3A_672, %and3A_675 : vector<1x512xi1>
      %select_n3A_677 = arith.select %or3A_676, %broadcast_in_dim3A_661, %while3A_639 : vector<1x512xi1>, vector<1x512xf32>
      %select_n3A_678 = arith.select %or3A_676, %broadcast_in_dim3A_671, %while3A_640 : vector<1x512xi1>, vector<1x512xi32>
      scf.yield %select_n3A_677, %select_n3A_678 : vector<1x512xf32>, vector<1x512xi32>
    }
    %while3A_618 = arith.constant 1 : i32
    %while3A_619:2 = scf.for %while3A_638 = %while3A_615 to %while3A_611 step %while3A_618 iter_args(%while3A_639 = %while3A_617#0, %while3A_640 = %while3A_617#1) -> (vector<1x512xf32>, vector<1x512xi32>)  : i32 {
      %mul3A_641 = arith.constant 256 : i32
      %mul3A_642 = arith.muli %while3A_638, %mul3A_641 : i32
      %multiple_of3A = tpu.assume_multiple %mul3A_642, 256 : i32
      %add3A_643 = arith.addi %get3A_23, %while3A_638 : i32
      %mul3A_644 = arith.constant 256 : i32
      %mul3A_645 = arith.muli %add3A_643, %mul3A_644 : i32
      %multiple_of3A_646 = tpu.assume_multiple %mul3A_645, 256 : i32
      %add3A_647 = vector.broadcast %multiple_of3A_646 : i32 to vector<256x1xi32>
      %add3A_648 = arith.addi %add3A_647, %iota3A_21 : vector<256x1xi32>
      %get3A_649 = arith.index_cast %multiple_of3A : i32 to index
      %get3A_650 = arith.constant 0 : index
      %get3A_651 = vector.load %arg8[%get3A_649, %get3A_650] : memref<10240x512xf32, #tpu.memory_space<vmem>>, vector<256x512xf32>
      %lt3A_652 = vector.broadcast %while3A_588#0 : vector<1x512xf32> to vector<256x512xf32>
      %lt3A_653 = arith.cmpf olt, %get3A_651, %lt3A_652 : vector<256x512xf32>
      %eq3A_654 = vector.broadcast %while3A_588#0 : vector<1x512xf32> to vector<256x512xf32>
      %eq3A_655 = arith.cmpf oeq, %get3A_651, %eq3A_654 : vector<256x512xf32>
      %le3A = vector.broadcast %add3A_648 : vector<256x1xi32> to vector<256x512xi32>
      %le3A_656 = vector.broadcast %while3A_588#1 : vector<1x512xi32> to vector<256x512xi32>
      %le3A_657 = arith.cmpi sle, %le3A, %le3A_656 : vector<256x512xi32>
      %and3A = arith.andi %eq3A_655, %le3A_657 : vector<256x512xi1>
      %or3A = arith.ori %lt3A_653, %and3A : vector<256x512xi1>
      %jit3A = arith.constant 1.000000e+30 : f32
      %broadcast_in_dim3A_658 = vector.broadcast %jit3A : f32 to vector<256x512xf32>
      %select_n3A_659 = arith.select %or3A, %broadcast_in_dim3A_658, %get3A_651 : vector<256x512xi1>, vector<256x512xf32>
      %reduce_min3A = arith.constant dense<0x7F800000> : vector<512xf32>
      %reduce_min3A_660 = vector.multi_reduction <minimumf>, %select_n3A_659, %reduce_min3A [0] : vector<256x512xf32> to vector<512xf32>
      %broadcast_in_dim3A_661 = vector.shape_cast %reduce_min3A_660 : vector<512xf32> to vector<1x512xf32>
      %eq3A_662 = vector.broadcast %broadcast_in_dim3A_661 : vector<1x512xf32> to vector<256x512xf32>
      %eq3A_663 = arith.cmpf oeq, %select_n3A_659, %eq3A_662 : vector<256x512xf32>
      %jit3A_664 = arith.constant 1073741824 : i32
      %broadcast_in_dim3A_665 = vector.shape_cast %add3A_648 : vector<256x1xi32> to vector<256x1xi32>
      %broadcast_in_dim3A_666 = vector.broadcast %broadcast_in_dim3A_665 : vector<256x1xi32> to vector<256x512xi32>
      %broadcast_in_dim3A_667 = vector.broadcast %jit3A_664 : i32 to vector<256x512xi32>
      %select_n3A_668 = arith.select %eq3A_663, %broadcast_in_dim3A_666, %broadcast_in_dim3A_667 : vector<256x512xi1>, vector<256x512xi32>
      %reduce_min3A_669 = arith.constant dense<2147483647> : vector<512xi32>
      %reduce_min3A_670 = vector.multi_reduction <minsi>, %select_n3A_668, %reduce_min3A_669 [0] : vector<256x512xi32> to vector<512xi32>
      %broadcast_in_dim3A_671 = vector.shape_cast %reduce_min3A_670 : vector<512xi32> to vector<1x512xi32>
      %lt3A_672 = arith.cmpf olt, %broadcast_in_dim3A_661, %while3A_639 : vector<1x512xf32>
      %eq3A_673 = arith.cmpf oeq, %broadcast_in_dim3A_661, %while3A_639 : vector<1x512xf32>
      %lt3A_674 = arith.cmpi slt, %broadcast_in_dim3A_671, %while3A_640 : vector<1x512xi32>
      %and3A_675 = arith.andi %eq3A_673, %lt3A_674 : vector<1x512xi1>
      %or3A_676 = arith.ori %lt3A_672, %and3A_675 : vector<1x512xi1>
      %select_n3A_677 = arith.select %or3A_676, %broadcast_in_dim3A_661, %while3A_639 : vector<1x512xi1>, vector<1x512xf32>
      %select_n3A_678 = arith.select %or3A_676, %broadcast_in_dim3A_671, %while3A_640 : vector<1x512xi1>, vector<1x512xi32>
      scf.yield %select_n3A_677, %select_n3A_678 : vector<1x512xf32>, vector<1x512xi32>
    }
    %sub3A_620 = arith.constant 15 : i32
    %sub3A_621 = vector.broadcast %sub3A_620 : i32 to vector<1x512xi32>
    %sub3A_622 = arith.subi %sub3A_621, %sub3A_137 : vector<1x512xi32>
    %lt3A_623 = arith.cmpi slt, %sub3A_622, %select_n3A_130 : vector<1x512xi32>
    %eq3A_624 = arith.cmpi eq, %sub3A_622, %select_n3A_130 : vector<1x512xi32>
    %add3A_625 = arith.addi %select_n3A_134, %sub3A_622 : vector<1x512xi32>
    %sub3A_626 = arith.subi %add3A_625, %select_n3A_130 : vector<1x512xi32>
    %sub3A_627 = arith.constant 1 : i32
    %sub3A_628 = vector.broadcast %sub3A_627 : i32 to vector<1x512xi32>
    %sub3A_629 = arith.subi %sub3A_626, %sub3A_628 : vector<1x512xi32>
    %select_n3A_630 = arith.select %eq3A_624, %add3A_20, %sub3A_629 : vector<1x512xi1>, vector<1x512xi32>
    %select_n3A_631 = arith.select %lt3A_623, %sub3A_622, %select_n3A_630 : vector<1x512xi1>, vector<1x512xi32>
    %gt3A_632 = arith.constant 15 : i32
    %gt3A_633 = vector.broadcast %gt3A_632 : i32 to vector<1x512xi32>
    %gt3A_634 = arith.cmpi sgt, %sub3A_137, %gt3A_633 : vector<1x512xi32>
    %select_n3A_635 = arith.select %gt3A_634, %while3A_619#1, %select_n3A_631 : vector<1x512xi1>, vector<1x512xi32>
    %concatenate3A = tpu.concatenate %select_n3A_170, %select_n3A_201, %select_n3A_232, %select_n3A_263, %select_n3A_294, %select_n3A_325, %select_n3A_356, %select_n3A_387, %select_n3A_418, %select_n3A_449, %select_n3A_480, %select_n3A_511, %select_n3A_542, %select_n3A_573, %select_n3A_604, %select_n3A_635 in 0 : vector<1x512xi32>, vector<1x512xi32>, vector<1x512xi32>, vector<1x512xi32>, vector<1x512xi32>, vector<1x512xi32>, vector<1x512xi32>, vector<1x512xi32>, vector<1x512xi32>, vector<1x512xi32>, vector<1x512xi32>, vector<1x512xi32>, vector<1x512xi32>, vector<1x512xi32>, vector<1x512xi32>, vector<1x512xi32> -> vector<16x512xi32>
    %swap3A = arith.constant 0 : index
    %swap3A_636 = arith.constant 0 : index
    %swap3A_637 = vector.load %arg7[%swap3A, %swap3A_636] : memref<16x512xi32, #tpu.memory_space<vmem>>, vector<16x512xi32>
    tpu.vector_store %arg7[%swap3A, %swap3A_636], %concatenate3A {strides = array<i32>} : memref<16x512xi32, #tpu.memory_space<vmem>>, vector<16x512xi32>,
    return
  }
  func.func @transform_0(%arg0: i32, %arg1: memref<20xi32, #tpu.memory_space<smem>>, %arg2: memref<20xi32, #tpu.memory_space<smem>>, %arg3: memref<10xi32, #tpu.memory_space<smem>>) -> (i32, i32) {
    %c0_i32 = arith.constant 0 : i32
    %c0_i32_0 = arith.constant 0 : i32
    %c0_i32_1 = arith.constant 0 : i32
    return %c0_i32, %c0_i32_0 : i32, i32
  }
  func.func @transform_1(%arg0: i32, %arg1: memref<20xi32, #tpu.memory_space<smem>>, %arg2: memref<20xi32, #tpu.memory_space<smem>>, %arg3: memref<10xi32, #tpu.memory_space<smem>>) -> (i32, i32) {
    %c0_i32 = arith.constant 0 : i32
    %c0_i32_0 = arith.constant 0 : i32
    %c0_i32_1 = arith.constant 0 : i32
    return %c0_i32, %c0_i32_0 : i32, i32
  }
  func.func @transform_2(%arg0: i32, %arg1: memref<20xi32, #tpu.memory_space<smem>>, %arg2: memref<20xi32, #tpu.memory_space<smem>>, %arg3: memref<10xi32, #tpu.memory_space<smem>>) -> (i32, i32) {
    %c0_i32 = arith.constant 0 : i32
    %c0_i32_0 = arith.constant 0 : i32
    %c0_i32_1 = arith.constant 0 : i32
    return %c0_i32, %c0_i32_0 : i32, i32
  }
  func.func @transform_3(%arg0: i32, %arg1: memref<20xi32, #tpu.memory_space<smem>>, %arg2: memref<20xi32, #tpu.memory_space<smem>>, %arg3: memref<10xi32, #tpu.memory_space<smem>>) -> (i32, i32) {
    %c0_i32 = arith.constant 0 : i32
    %c0_i32_0 = arith.constant 0 : i32
    return %c0_i32, %arg0 : i32, i32
  }
}

module attributes {stable_mosaic.version = 14 : i64} {
  func.func @_prep_body(%arg0: i32, %arg1: memref<512x3xf32, #tpu.memory_space<vmem>>, %arg2: memref<512x3xf32, #tpu.memory_space<vmem>>, %arg3: memref<6x32xf32, #tpu.memory_space<vmem>>, %arg4: memref<512x32xf32, #tpu.memory_space<vmem>>, %arg5: memref<512x32xf32, #tpu.memory_space<vmem>>) attributes {dimension_semantics = [#tpu.dimension_semantics<arbitrary>], iteration_bounds = array<i64: 20>, scalar_prefetch = 0 : i64, scratch_operands = 0 : i64, tpu.core_type = #tpu.core_type<tc>, window_params = [{transform_indices = @transform_0, window_bounds = array<i64: 512, 3>}, {transform_indices = @transform_1, window_bounds = array<i64: 512, 3>}, {pipeline_mode = #tpu.pipeline_mode<synchronous>, transform_indices = @transform_2, window_bounds = array<i64: 6, 32>}, {transform_indices = @transform_3, window_bounds = array<i64: 512, 32>}, {transform_indices = @transform_4, window_bounds = array<i64: 512, 32>}]} {
    %broadcast_in_dim3A = arith.constant 0.000000e+00 : f32
    %broadcast_in_dim3A_0 = vector.broadcast %broadcast_in_dim3A : f32 to vector<512x32xf32>
    %broadcast_in_dim3A_1 = arith.constant 0.000000e+00 : f32
    %broadcast_in_dim3A_2 = vector.broadcast %broadcast_in_dim3A_1 : f32 to vector<512x32xf32>
    %get3A = arith.constant 0 : index
    %get3A_3 = arith.constant 0 : index
    %get3A_4 = vector.load %arg1[%get3A, %get3A_3] : memref<512x3xf32, #tpu.memory_space<vmem>>, vector<512x1xf32>
    %get3A_5 = arith.constant 3 : index
    %get3A_6 = arith.constant 0 : index
    %get3A_7 = vector.load %arg3[%get3A_5, %get3A_6] : memref<6x32xf32, #tpu.memory_space<vmem>>, vector<1x32xf32>
    %mul3A = vector.broadcast %get3A_4 : vector<512x1xf32> to vector<512x32xf32>
    %mul3A_8 = vector.broadcast %get3A_7 : vector<1x32xf32> to vector<512x32xf32>
    %mul3A_9 = arith.mulf %mul3A, %mul3A_8 : vector<512x32xf32>
    %add3A = arith.addf %broadcast_in_dim3A_0, %mul3A_9 : vector<512x32xf32>
    %get3A_10 = arith.constant 0 : index
    %get3A_11 = arith.constant 0 : index
    %get3A_12 = vector.load %arg2[%get3A_10, %get3A_11] : memref<512x3xf32, #tpu.memory_space<vmem>>, vector<512x1xf32>
    %get3A_13 = arith.constant 0 : index
    %get3A_14 = arith.constant 0 : index
    %get3A_15 = vector.load %arg3[%get3A_13, %get3A_14] : memref<6x32xf32, #tpu.memory_space<vmem>>, vector<1x32xf32>
    %mul3A_16 = vector.broadcast %get3A_12 : vector<512x1xf32> to vector<512x32xf32>
    %mul3A_17 = vector.broadcast %get3A_15 : vector<1x32xf32> to vector<512x32xf32>
    %mul3A_18 = arith.mulf %mul3A_16, %mul3A_17 : vector<512x32xf32>
    %add3A_19 = arith.addf %broadcast_in_dim3A_2, %mul3A_18 : vector<512x32xf32>
    %get3A_20 = arith.constant 0 : index
    %get3A_21 = arith.constant 1 : index
    %get3A_22 = vector.load %arg1[%get3A_20, %get3A_21] : memref<512x3xf32, #tpu.memory_space<vmem>>, vector<512x1xf32>
    %get3A_23 = arith.constant 4 : index
    %get3A_24 = arith.constant 0 : index
    %get3A_25 = vector.load %arg3[%get3A_23, %get3A_24] : memref<6x32xf32, #tpu.memory_space<vmem>>, vector<1x32xf32>
    %mul3A_26 = vector.broadcast %get3A_22 : vector<512x1xf32> to vector<512x32xf32>
    %mul3A_27 = vector.broadcast %get3A_25 : vector<1x32xf32> to vector<512x32xf32>
    %mul3A_28 = arith.mulf %mul3A_26, %mul3A_27 : vector<512x32xf32>
    %add3A_29 = arith.addf %add3A, %mul3A_28 : vector<512x32xf32>
    %get3A_30 = arith.constant 0 : index
    %get3A_31 = arith.constant 1 : index
    %get3A_32 = vector.load %arg2[%get3A_30, %get3A_31] : memref<512x3xf32, #tpu.memory_space<vmem>>, vector<512x1xf32>
    %get3A_33 = arith.constant 1 : index
    %get3A_34 = arith.constant 0 : index
    %get3A_35 = vector.load %arg3[%get3A_33, %get3A_34] : memref<6x32xf32, #tpu.memory_space<vmem>>, vector<1x32xf32>
    %mul3A_36 = vector.broadcast %get3A_32 : vector<512x1xf32> to vector<512x32xf32>
    %mul3A_37 = vector.broadcast %get3A_35 : vector<1x32xf32> to vector<512x32xf32>
    %mul3A_38 = arith.mulf %mul3A_36, %mul3A_37 : vector<512x32xf32>
    %add3A_39 = arith.addf %add3A_19, %mul3A_38 : vector<512x32xf32>
    %get3A_40 = arith.constant 0 : index
    %get3A_41 = arith.constant 2 : index
    %get3A_42 = vector.load %arg1[%get3A_40, %get3A_41] : memref<512x3xf32, #tpu.memory_space<vmem>>, vector<512x1xf32>
    %get3A_43 = arith.constant 5 : index
    %get3A_44 = arith.constant 0 : index
    %get3A_45 = vector.load %arg3[%get3A_43, %get3A_44] : memref<6x32xf32, #tpu.memory_space<vmem>>, vector<1x32xf32>
    %mul3A_46 = vector.broadcast %get3A_42 : vector<512x1xf32> to vector<512x32xf32>
    %mul3A_47 = vector.broadcast %get3A_45 : vector<1x32xf32> to vector<512x32xf32>
    %mul3A_48 = arith.mulf %mul3A_46, %mul3A_47 : vector<512x32xf32>
    %add3A_49 = arith.addf %add3A_29, %mul3A_48 : vector<512x32xf32>
    %get3A_50 = arith.constant 0 : index
    %get3A_51 = arith.constant 2 : index
    %get3A_52 = vector.load %arg2[%get3A_50, %get3A_51] : memref<512x3xf32, #tpu.memory_space<vmem>>, vector<512x1xf32>
    %get3A_53 = arith.constant 2 : index
    %get3A_54 = arith.constant 0 : index
    %get3A_55 = vector.load %arg3[%get3A_53, %get3A_54] : memref<6x32xf32, #tpu.memory_space<vmem>>, vector<1x32xf32>
    %mul3A_56 = vector.broadcast %get3A_52 : vector<512x1xf32> to vector<512x32xf32>
    %mul3A_57 = vector.broadcast %get3A_55 : vector<1x32xf32> to vector<512x32xf32>
    %mul3A_58 = arith.mulf %mul3A_56, %mul3A_57 : vector<512x32xf32>
    %add3A_59 = arith.addf %add3A_39, %mul3A_58 : vector<512x32xf32>
    %swap3A = arith.constant 0 : index
    %swap3A_60 = arith.constant 0 : index
    %swap3A_61 = vector.load %arg5[%swap3A, %swap3A_60] : memref<512x32xf32, #tpu.memory_space<vmem>>, vector<512x32xf32>
    tpu.vector_store %arg5[%swap3A, %swap3A_60], %add3A_49 {strides = array<i32>} : memref<512x32xf32, #tpu.memory_space<vmem>>, vector<512x32xf32>,
    %add3A_62 = arith.addf %add3A_59, %add3A_49 : vector<512x32xf32>
    %swap3A_63 = arith.constant 0 : index
    %swap3A_64 = arith.constant 0 : index
    %swap3A_65 = vector.load %arg4[%swap3A_63, %swap3A_64] : memref<512x32xf32, #tpu.memory_space<vmem>>, vector<512x32xf32>
    tpu.vector_store %arg4[%swap3A_63, %swap3A_64], %add3A_62 {strides = array<i32>} : memref<512x32xf32, #tpu.memory_space<vmem>>, vector<512x32xf32>,
    return
  }
  func.func @transform_0(%arg0: i32) -> (i32, i32) {
    %c0_i32 = arith.constant 0 : i32
    %c0_i32_0 = arith.constant 0 : i32
    return %arg0, %c0_i32 : i32, i32
  }
  func.func @transform_1(%arg0: i32) -> (i32, i32) {
    %c0_i32 = arith.constant 0 : i32
    %c0_i32_0 = arith.constant 0 : i32
    return %arg0, %c0_i32 : i32, i32
  }
  func.func @transform_2(%arg0: i32) -> (i32, i32) {
    %c0_i32 = arith.constant 0 : i32
    %c0_i32_0 = arith.constant 0 : i32
    %c0_i32_1 = arith.constant 0 : i32
    return %c0_i32, %c0_i32_0 : i32, i32
  }
  func.func @transform_3(%arg0: i32) -> (i32, i32) {
    %c0_i32 = arith.constant 0 : i32
    %c0_i32_0 = arith.constant 0 : i32
    return %arg0, %c0_i32 : i32, i32
  }
  func.func @transform_4(%arg0: i32) -> (i32, i32) {
    %c0_i32 = arith.constant 0 : i32
    %c0_i32_0 = arith.constant 0 : i32
    return %arg0, %c0_i32 : i32, i32
  }
}

module attributes {stable_mosaic.version = 14 : i64} {
  func.func @_conv1_body(%arg0: i32, %arg1: memref<16x512x32xf32, #tpu.memory_space<vmem>>, %arg2: memref<512x32xf32, #tpu.memory_space<vmem>>, %arg3: memref<512x3xf32, #tpu.memory_space<vmem>>, %arg4: memref<32x32xf32, #tpu.memory_space<vmem>>, %arg5: memref<1x32xf32, #tpu.memory_space<vmem>>, %arg6: memref<1x32xf32, #tpu.memory_space<vmem>>, %arg7: memref<32x32xf32, #tpu.memory_space<vmem>>, %arg8: memref<3x32xf32, #tpu.memory_space<vmem>>, %arg9: memref<512x32xf32, #tpu.memory_space<vmem>>, %arg10: memref<512x32xf32, #tpu.memory_space<vmem>>) attributes {dimension_semantics = [#tpu.dimension_semantics<arbitrary>], iteration_bounds = array<i64: 20>, scalar_prefetch = 0 : i64, scratch_operands = 0 : i64, tpu.core_type = #tpu.core_type<tc>, window_params = [{transform_indices = @transform_0, window_bounds = array<i64: 16, 512, 32>}, {transform_indices = @transform_1, window_bounds = array<i64: 512, 32>}, {transform_indices = @transform_2, window_bounds = array<i64: 512, 3>}, {pipeline_mode = #tpu.pipeline_mode<synchronous>, transform_indices = @transform_3, window_bounds = array<i64: 32, 32>}, {pipeline_mode = #tpu.pipeline_mode<synchronous>, transform_indices = @transform_4, window_bounds = array<i64: 1, 32>}, {pipeline_mode = #tpu.pipeline_mode<synchronous>, transform_indices = @transform_5, window_bounds = array<i64: 1, 32>}, {pipeline_mode = #tpu.pipeline_mode<synchronous>, transform_indices = @transform_6, window_bounds = array<i64: 32, 32>}, {pipeline_mode = #tpu.pipeline_mode<synchronous>, transform_indices = @transform_7, window_bounds = array<i64: 3, 32>}, {transform_indices = @transform_8, window_bounds = array<i64: 512, 32>}, {transform_indices = @transform_9, window_bounds = array<i64: 512, 32>}]} {
    %get3A = arith.constant 0 : index
    %get3A_0 = arith.constant 0 : index
    %get3A_1 = vector.load %arg2[%get3A, %get3A_0] : memref<512x32xf32, #tpu.memory_space<vmem>>, vector<512x32xf32>
    %broadcast_in_dim3A = arith.constant -1.000000e+30 : f32
    %broadcast_in_dim3A_2 = vector.broadcast %broadcast_in_dim3A : f32 to vector<512x32xf32>
    %get3A_3 = arith.constant 0 : index
    %get3A_4 = arith.constant 0 : index
    %get3A_5 = arith.constant 0 : index
    %get3A_6 = vector.load %arg1[%get3A_3, %get3A_4, %get3A_5] : memref<16x512x32xf32, #tpu.memory_space<vmem>>, vector<1x512x32xf32>
    %get3A_7 = vector.shape_cast %get3A_6 : vector<1x512x32xf32> to vector<512x32xf32>
    %sub3A = arith.subf %get3A_7, %get3A_1 : vector<512x32xf32>
    %get3A_8 = arith.constant 0 : index
    %get3A_9 = arith.constant 0 : index
    %get3A_10 = vector.load %arg5[%get3A_8, %get3A_9] : memref<1x32xf32, #tpu.memory_space<vmem>>, vector<1x32xf32>
    %add3A = vector.broadcast %get3A_10 : vector<1x32xf32> to vector<512x32xf32>
    %add3A_11 = arith.addf %sub3A, %add3A : vector<512x32xf32>
    %max3A = arith.constant 0.000000e+00 : f32
    %max3A_12 = vector.broadcast %max3A : f32 to vector<512x32xf32>
    %max3A_13 = arith.maximumf %add3A_11, %max3A_12 : vector<512x32xf32>
    %get3A_14 = arith.constant 0 : index
    %get3A_15 = arith.constant 0 : index
    %get3A_16 = vector.load %arg4[%get3A_14, %get3A_15] : memref<32x32xf32, #tpu.memory_space<vmem>>, vector<32x32xf32>
    %dot_general3A = arith.constant dense<0.000000e+00> : vector<512x32xf32>
    %dot_general3A_17 = tpu.matmul %max3A_13, %get3A_16, %dot_general3A {dimension_numbers = #tpu.dot_dimension_numbers<[1], [0], [0], [1], [0, 0, 1, 1], [], []>, transpose_lhs_hint = false} : vector<512x32xf32>, vector<32x32xf32>, vector<512x32xf32> -> vector<512x32xf32>
    %max3A_18 = arith.maximumf %broadcast_in_dim3A_2, %dot_general3A_17 : vector<512x32xf32>
    %get3A_19 = arith.constant 1 : index
    %get3A_20 = arith.constant 0 : index
    %get3A_21 = arith.constant 0 : index
    %get3A_22 = vector.load %arg1[%get3A_19, %get3A_20, %get3A_21] : memref<16x512x32xf32, #tpu.memory_space<vmem>>, vector<1x512x32xf32>
    %get3A_23 = vector.shape_cast %get3A_22 : vector<1x512x32xf32> to vector<512x32xf32>
    %sub3A_24 = arith.subf %get3A_23, %get3A_1 : vector<512x32xf32>
    %get3A_25 = arith.constant 0 : index
    %get3A_26 = arith.constant 0 : index
    %get3A_27 = vector.load %arg5[%get3A_25, %get3A_26] : memref<1x32xf32, #tpu.memory_space<vmem>>, vector<1x32xf32>
    %add3A_28 = vector.broadcast %get3A_27 : vector<1x32xf32> to vector<512x32xf32>
    %add3A_29 = arith.addf %sub3A_24, %add3A_28 : vector<512x32xf32>
    %max3A_30 = arith.constant 0.000000e+00 : f32
    %max3A_31 = vector.broadcast %max3A_30 : f32 to vector<512x32xf32>
    %max3A_32 = arith.maximumf %add3A_29, %max3A_31 : vector<512x32xf32>
    %get3A_33 = arith.constant 0 : index
    %get3A_34 = arith.constant 0 : index
    %get3A_35 = vector.load %arg4[%get3A_33, %get3A_34] : memref<32x32xf32, #tpu.memory_space<vmem>>, vector<32x32xf32>
    %dot_general3A_36 = arith.constant dense<0.000000e+00> : vector<512x32xf32>
    %dot_general3A_37 = tpu.matmul %max3A_32, %get3A_35, %dot_general3A_36 {dimension_numbers = #tpu.dot_dimension_numbers<[1], [0], [0], [1], [0, 0, 1, 1], [], []>, transpose_lhs_hint = false} : vector<512x32xf32>, vector<32x32xf32>, vector<512x32xf32> -> vector<512x32xf32>
    %max3A_38 = arith.maximumf %max3A_18, %dot_general3A_37 : vector<512x32xf32>
    %get3A_39 = arith.constant 2 : index
    %get3A_40 = arith.constant 0 : index
    %get3A_41 = arith.constant 0 : index
    %get3A_42 = vector.load %arg1[%get3A_39, %get3A_40, %get3A_41] : memref<16x512x32xf32, #tpu.memory_space<vmem>>, vector<1x512x32xf32>
    %get3A_43 = vector.shape_cast %get3A_42 : vector<1x512x32xf32> to vector<512x32xf32>
    %sub3A_44 = arith.subf %get3A_43, %get3A_1 : vector<512x32xf32>
    %get3A_45 = arith.constant 0 : index
    %get3A_46 = arith.constant 0 : index
    %get3A_47 = vector.load %arg5[%get3A_45, %get3A_46] : memref<1x32xf32, #tpu.memory_space<vmem>>, vector<1x32xf32>
    %add3A_48 = vector.broadcast %get3A_47 : vector<1x32xf32> to vector<512x32xf32>
    %add3A_49 = arith.addf %sub3A_44, %add3A_48 : vector<512x32xf32>
    %max3A_50 = arith.constant 0.000000e+00 : f32
    %max3A_51 = vector.broadcast %max3A_50 : f32 to vector<512x32xf32>
    %max3A_52 = arith.maximumf %add3A_49, %max3A_51 : vector<512x32xf32>
    %get3A_53 = arith.constant 0 : index
    %get3A_54 = arith.constant 0 : index
    %get3A_55 = vector.load %arg4[%get3A_53, %get3A_54] : memref<32x32xf32, #tpu.memory_space<vmem>>, vector<32x32xf32>
    %dot_general3A_56 = arith.constant dense<0.000000e+00> : vector<512x32xf32>
    %dot_general3A_57 = tpu.matmul %max3A_52, %get3A_55, %dot_general3A_56 {dimension_numbers = #tpu.dot_dimension_numbers<[1], [0], [0], [1], [0, 0, 1, 1], [], []>, transpose_lhs_hint = false} : vector<512x32xf32>, vector<32x32xf32>, vector<512x32xf32> -> vector<512x32xf32>
    %max3A_58 = arith.maximumf %max3A_38, %dot_general3A_57 : vector<512x32xf32>
    %get3A_59 = arith.constant 3 : index
    %get3A_60 = arith.constant 0 : index
    %get3A_61 = arith.constant 0 : index
    %get3A_62 = vector.load %arg1[%get3A_59, %get3A_60, %get3A_61] : memref<16x512x32xf32, #tpu.memory_space<vmem>>, vector<1x512x32xf32>
    %get3A_63 = vector.shape_cast %get3A_62 : vector<1x512x32xf32> to vector<512x32xf32>
    %sub3A_64 = arith.subf %get3A_63, %get3A_1 : vector<512x32xf32>
    %get3A_65 = arith.constant 0 : index
    %get3A_66 = arith.constant 0 : index
    %get3A_67 = vector.load %arg5[%get3A_65, %get3A_66] : memref<1x32xf32, #tpu.memory_space<vmem>>, vector<1x32xf32>
    %add3A_68 = vector.broadcast %get3A_67 : vector<1x32xf32> to vector<512x32xf32>
    %add3A_69 = arith.addf %sub3A_64, %add3A_68 : vector<512x32xf32>
    %max3A_70 = arith.constant 0.000000e+00 : f32
    %max3A_71 = vector.broadcast %max3A_70 : f32 to vector<512x32xf32>
    %max3A_72 = arith.maximumf %add3A_69, %max3A_71 : vector<512x32xf32>
    %get3A_73 = arith.constant 0 : index
    %get3A_74 = arith.constant 0 : index
    %get3A_75 = vector.load %arg4[%get3A_73, %get3A_74] : memref<32x32xf32, #tpu.memory_space<vmem>>, vector<32x32xf32>
    %dot_general3A_76 = arith.constant dense<0.000000e+00> : vector<512x32xf32>
    %dot_general3A_77 = tpu.matmul %max3A_72, %get3A_75, %dot_general3A_76 {dimension_numbers = #tpu.dot_dimension_numbers<[1], [0], [0], [1], [0, 0, 1, 1], [], []>, transpose_lhs_hint = false} : vector<512x32xf32>, vector<32x32xf32>, vector<512x32xf32> -> vector<512x32xf32>
    %max3A_78 = arith.maximumf %max3A_58, %dot_general3A_77 : vector<512x32xf32>
    %get3A_79 = arith.constant 4 : index
    %get3A_80 = arith.constant 0 : index
    %get3A_81 = arith.constant 0 : index
    %get3A_82 = vector.load %arg1[%get3A_79, %get3A_80, %get3A_81] : memref<16x512x32xf32, #tpu.memory_space<vmem>>, vector<1x512x32xf32>
    %get3A_83 = vector.shape_cast %get3A_82 : vector<1x512x32xf32> to vector<512x32xf32>
    %sub3A_84 = arith.subf %get3A_83, %get3A_1 : vector<512x32xf32>
    %get3A_85 = arith.constant 0 : index
    %get3A_86 = arith.constant 0 : index
    %get3A_87 = vector.load %arg5[%get3A_85, %get3A_86] : memref<1x32xf32, #tpu.memory_space<vmem>>, vector<1x32xf32>
    %add3A_88 = vector.broadcast %get3A_87 : vector<1x32xf32> to vector<512x32xf32>
    %add3A_89 = arith.addf %sub3A_84, %add3A_88 : vector<512x32xf32>
    %max3A_90 = arith.constant 0.000000e+00 : f32
    %max3A_91 = vector.broadcast %max3A_90 : f32 to vector<512x32xf32>
    %max3A_92 = arith.maximumf %add3A_89, %max3A_91 : vector<512x32xf32>
    %get3A_93 = arith.constant 0 : index
    %get3A_94 = arith.constant 0 : index
    %get3A_95 = vector.load %arg4[%get3A_93, %get3A_94] : memref<32x32xf32, #tpu.memory_space<vmem>>, vector<32x32xf32>
    %dot_general3A_96 = arith.constant dense<0.000000e+00> : vector<512x32xf32>
    %dot_general3A_97 = tpu.matmul %max3A_92, %get3A_95, %dot_general3A_96 {dimension_numbers = #tpu.dot_dimension_numbers<[1], [0], [0], [1], [0, 0, 1, 1], [], []>, transpose_lhs_hint = false} : vector<512x32xf32>, vector<32x32xf32>, vector<512x32xf32> -> vector<512x32xf32>
    %max3A_98 = arith.maximumf %max3A_78, %dot_general3A_97 : vector<512x32xf32>
    %get3A_99 = arith.constant 5 : index
    %get3A_100 = arith.constant 0 : index
    %get3A_101 = arith.constant 0 : index
    %get3A_102 = vector.load %arg1[%get3A_99, %get3A_100, %get3A_101] : memref<16x512x32xf32, #tpu.memory_space<vmem>>, vector<1x512x32xf32>
    %get3A_103 = vector.shape_cast %get3A_102 : vector<1x512x32xf32> to vector<512x32xf32>
    %sub3A_104 = arith.subf %get3A_103, %get3A_1 : vector<512x32xf32>
    %get3A_105 = arith.constant 0 : index
    %get3A_106 = arith.constant 0 : index
    %get3A_107 = vector.load %arg5[%get3A_105, %get3A_106] : memref<1x32xf32, #tpu.memory_space<vmem>>, vector<1x32xf32>
    %add3A_108 = vector.broadcast %get3A_107 : vector<1x32xf32> to vector<512x32xf32>
    %add3A_109 = arith.addf %sub3A_104, %add3A_108 : vector<512x32xf32>
    %max3A_110 = arith.constant 0.000000e+00 : f32
    %max3A_111 = vector.broadcast %max3A_110 : f32 to vector<512x32xf32>
    %max3A_112 = arith.maximumf %add3A_109, %max3A_111 : vector<512x32xf32>
    %get3A_113 = arith.constant 0 : index
    %get3A_114 = arith.constant 0 : index
    %get3A_115 = vector.load %arg4[%get3A_113, %get3A_114] : memref<32x32xf32, #tpu.memory_space<vmem>>, vector<32x32xf32>
    %dot_general3A_116 = arith.constant dense<0.000000e+00> : vector<512x32xf32>
    %dot_general3A_117 = tpu.matmul %max3A_112, %get3A_115, %dot_general3A_116 {dimension_numbers = #tpu.dot_dimension_numbers<[1], [0], [0], [1], [0, 0, 1, 1], [], []>, transpose_lhs_hint = false} : vector<512x32xf32>, vector<32x32xf32>, vector<512x32xf32> -> vector<512x32xf32>
    %max3A_118 = arith.maximumf %max3A_98, %dot_general3A_117 : vector<512x32xf32>
    %get3A_119 = arith.constant 6 : index
    %get3A_120 = arith.constant 0 : index
    %get3A_121 = arith.constant 0 : index
    %get3A_122 = vector.load %arg1[%get3A_119, %get3A_120, %get3A_121] : memref<16x512x32xf32, #tpu.memory_space<vmem>>, vector<1x512x32xf32>
    %get3A_123 = vector.shape_cast %get3A_122 : vector<1x512x32xf32> to vector<512x32xf32>
    %sub3A_124 = arith.subf %get3A_123, %get3A_1 : vector<512x32xf32>
    %get3A_125 = arith.constant 0 : index
    %get3A_126 = arith.constant 0 : index
    %get3A_127 = vector.load %arg5[%get3A_125, %get3A_126] : memref<1x32xf32, #tpu.memory_space<vmem>>, vector<1x32xf32>
    %add3A_128 = vector.broadcast %get3A_127 : vector<1x32xf32> to vector<512x32xf32>
    %add3A_129 = arith.addf %sub3A_124, %add3A_128 : vector<512x32xf32>
    %max3A_130 = arith.constant 0.000000e+00 : f32
    %max3A_131 = vector.broadcast %max3A_130 : f32 to vector<512x32xf32>
    %max3A_132 = arith.maximumf %add3A_129, %max3A_131 : vector<512x32xf32>
    %get3A_133 = arith.constant 0 : index
    %get3A_134 = arith.constant 0 : index
    %get3A_135 = vector.load %arg4[%get3A_133, %get3A_134] : memref<32x32xf32, #tpu.memory_space<vmem>>, vector<32x32xf32>
    %dot_general3A_136 = arith.constant dense<0.000000e+00> : vector<512x32xf32>
    %dot_general3A_137 = tpu.matmul %max3A_132, %get3A_135, %dot_general3A_136 {dimension_numbers = #tpu.dot_dimension_numbers<[1], [0], [0], [1], [0, 0, 1, 1], [], []>, transpose_lhs_hint = false} : vector<512x32xf32>, vector<32x32xf32>, vector<512x32xf32> -> vector<512x32xf32>
    %max3A_138 = arith.maximumf %max3A_118, %dot_general3A_137 : vector<512x32xf32>
    %get3A_139 = arith.constant 7 : index
    %get3A_140 = arith.constant 0 : index
    %get3A_141 = arith.constant 0 : index
    %get3A_142 = vector.load %arg1[%get3A_139, %get3A_140, %get3A_141] : memref<16x512x32xf32, #tpu.memory_space<vmem>>, vector<1x512x32xf32>
    %get3A_143 = vector.shape_cast %get3A_142 : vector<1x512x32xf32> to vector<512x32xf32>
    %sub3A_144 = arith.subf %get3A_143, %get3A_1 : vector<512x32xf32>
    %get3A_145 = arith.constant 0 : index
    %get3A_146 = arith.constant 0 : index
    %get3A_147 = vector.load %arg5[%get3A_145, %get3A_146] : memref<1x32xf32, #tpu.memory_space<vmem>>, vector<1x32xf32>
    %add3A_148 = vector.broadcast %get3A_147 : vector<1x32xf32> to vector<512x32xf32>
    %add3A_149 = arith.addf %sub3A_144, %add3A_148 : vector<512x32xf32>
    %max3A_150 = arith.constant 0.000000e+00 : f32
    %max3A_151 = vector.broadcast %max3A_150 : f32 to vector<512x32xf32>
    %max3A_152 = arith.maximumf %add3A_149, %max3A_151 : vector<512x32xf32>
    %get3A_153 = arith.constant 0 : index
    %get3A_154 = arith.constant 0 : index
    %get3A_155 = vector.load %arg4[%get3A_153, %get3A_154] : memref<32x32xf32, #tpu.memory_space<vmem>>, vector<32x32xf32>
    %dot_general3A_156 = arith.constant dense<0.000000e+00> : vector<512x32xf32>
    %dot_general3A_157 = tpu.matmul %max3A_152, %get3A_155, %dot_general3A_156 {dimension_numbers = #tpu.dot_dimension_numbers<[1], [0], [0], [1], [0, 0, 1, 1], [], []>, transpose_lhs_hint = false} : vector<512x32xf32>, vector<32x32xf32>, vector<512x32xf32> -> vector<512x32xf32>
    %max3A_158 = arith.maximumf %max3A_138, %dot_general3A_157 : vector<512x32xf32>
    %get3A_159 = arith.constant 8 : index
    %get3A_160 = arith.constant 0 : index
    %get3A_161 = arith.constant 0 : index
    %get3A_162 = vector.load %arg1[%get3A_159, %get3A_160, %get3A_161] : memref<16x512x32xf32, #tpu.memory_space<vmem>>, vector<1x512x32xf32>
    %get3A_163 = vector.shape_cast %get3A_162 : vector<1x512x32xf32> to vector<512x32xf32>
    %sub3A_164 = arith.subf %get3A_163, %get3A_1 : vector<512x32xf32>
    %get3A_165 = arith.constant 0 : index
    %get3A_166 = arith.constant 0 : index
    %get3A_167 = vector.load %arg5[%get3A_165, %get3A_166] : memref<1x32xf32, #tpu.memory_space<vmem>>, vector<1x32xf32>
    %add3A_168 = vector.broadcast %get3A_167 : vector<1x32xf32> to vector<512x32xf32>
    %add3A_169 = arith.addf %sub3A_164, %add3A_168 : vector<512x32xf32>
    %max3A_170 = arith.constant 0.000000e+00 : f32
    %max3A_171 = vector.broadcast %max3A_170 : f32 to vector<512x32xf32>
    %max3A_172 = arith.maximumf %add3A_169, %max3A_171 : vector<512x32xf32>
    %get3A_173 = arith.constant 0 : index
    %get3A_174 = arith.constant 0 : index
    %get3A_175 = vector.load %arg4[%get3A_173, %get3A_174] : memref<32x32xf32, #tpu.memory_space<vmem>>, vector<32x32xf32>
    %dot_general3A_176 = arith.constant dense<0.000000e+00> : vector<512x32xf32>
    %dot_general3A_177 = tpu.matmul %max3A_172, %get3A_175, %dot_general3A_176 {dimension_numbers = #tpu.dot_dimension_numbers<[1], [0], [0], [1], [0, 0, 1, 1], [], []>, transpose_lhs_hint = false} : vector<512x32xf32>, vector<32x32xf32>, vector<512x32xf32> -> vector<512x32xf32>
    %max3A_178 = arith.maximumf %max3A_158, %dot_general3A_177 : vector<512x32xf32>
    %get3A_179 = arith.constant 9 : index
    %get3A_180 = arith.constant 0 : index
    %get3A_181 = arith.constant 0 : index
    %get3A_182 = vector.load %arg1[%get3A_179, %get3A_180, %get3A_181] : memref<16x512x32xf32, #tpu.memory_space<vmem>>, vector<1x512x32xf32>
    %get3A_183 = vector.shape_cast %get3A_182 : vector<1x512x32xf32> to vector<512x32xf32>
    %sub3A_184 = arith.subf %get3A_183, %get3A_1 : vector<512x32xf32>
    %get3A_185 = arith.constant 0 : index
    %get3A_186 = arith.constant 0 : index
    %get3A_187 = vector.load %arg5[%get3A_185, %get3A_186] : memref<1x32xf32, #tpu.memory_space<vmem>>, vector<1x32xf32>
    %add3A_188 = vector.broadcast %get3A_187 : vector<1x32xf32> to vector<512x32xf32>
    %add3A_189 = arith.addf %sub3A_184, %add3A_188 : vector<512x32xf32>
    %max3A_190 = arith.constant 0.000000e+00 : f32
    %max3A_191 = vector.broadcast %max3A_190 : f32 to vector<512x32xf32>
    %max3A_192 = arith.maximumf %add3A_189, %max3A_191 : vector<512x32xf32>
    %get3A_193 = arith.constant 0 : index
    %get3A_194 = arith.constant 0 : index
    %get3A_195 = vector.load %arg4[%get3A_193, %get3A_194] : memref<32x32xf32, #tpu.memory_space<vmem>>, vector<32x32xf32>
    %dot_general3A_196 = arith.constant dense<0.000000e+00> : vector<512x32xf32>
    %dot_general3A_197 = tpu.matmul %max3A_192, %get3A_195, %dot_general3A_196 {dimension_numbers = #tpu.dot_dimension_numbers<[1], [0], [0], [1], [0, 0, 1, 1], [], []>, transpose_lhs_hint = false} : vector<512x32xf32>, vector<32x32xf32>, vector<512x32xf32> -> vector<512x32xf32>
    %max3A_198 = arith.maximumf %max3A_178, %dot_general3A_197 : vector<512x32xf32>
    %get3A_199 = arith.constant 10 : index
    %get3A_200 = arith.constant 0 : index
    %get3A_201 = arith.constant 0 : index
    %get3A_202 = vector.load %arg1[%get3A_199, %get3A_200, %get3A_201] : memref<16x512x32xf32, #tpu.memory_space<vmem>>, vector<1x512x32xf32>
    %get3A_203 = vector.shape_cast %get3A_202 : vector<1x512x32xf32> to vector<512x32xf32>
    %sub3A_204 = arith.subf %get3A_203, %get3A_1 : vector<512x32xf32>
    %get3A_205 = arith.constant 0 : index
    %get3A_206 = arith.constant 0 : index
    %get3A_207 = vector.load %arg5[%get3A_205, %get3A_206] : memref<1x32xf32, #tpu.memory_space<vmem>>, vector<1x32xf32>
    %add3A_208 = vector.broadcast %get3A_207 : vector<1x32xf32> to vector<512x32xf32>
    %add3A_209 = arith.addf %sub3A_204, %add3A_208 : vector<512x32xf32>
    %max3A_210 = arith.constant 0.000000e+00 : f32
    %max3A_211 = vector.broadcast %max3A_210 : f32 to vector<512x32xf32>
    %max3A_212 = arith.maximumf %add3A_209, %max3A_211 : vector<512x32xf32>
    %get3A_213 = arith.constant 0 : index
    %get3A_214 = arith.constant 0 : index
    %get3A_215 = vector.load %arg4[%get3A_213, %get3A_214] : memref<32x32xf32, #tpu.memory_space<vmem>>, vector<32x32xf32>
    %dot_general3A_216 = arith.constant dense<0.000000e+00> : vector<512x32xf32>
    %dot_general3A_217 = tpu.matmul %max3A_212, %get3A_215, %dot_general3A_216 {dimension_numbers = #tpu.dot_dimension_numbers<[1], [0], [0], [1], [0, 0, 1, 1], [], []>, transpose_lhs_hint = false} : vector<512x32xf32>, vector<32x32xf32>, vector<512x32xf32> -> vector<512x32xf32>
    %max3A_218 = arith.maximumf %max3A_198, %dot_general3A_217 : vector<512x32xf32>
    %get3A_219 = arith.constant 11 : index
    %get3A_220 = arith.constant 0 : index
    %get3A_221 = arith.constant 0 : index
    %get3A_222 = vector.load %arg1[%get3A_219, %get3A_220, %get3A_221] : memref<16x512x32xf32, #tpu.memory_space<vmem>>, vector<1x512x32xf32>
    %get3A_223 = vector.shape_cast %get3A_222 : vector<1x512x32xf32> to vector<512x32xf32>
    %sub3A_224 = arith.subf %get3A_223, %get3A_1 : vector<512x32xf32>
    %get3A_225 = arith.constant 0 : index
    %get3A_226 = arith.constant 0 : index
    %get3A_227 = vector.load %arg5[%get3A_225, %get3A_226] : memref<1x32xf32, #tpu.memory_space<vmem>>, vector<1x32xf32>
    %add3A_228 = vector.broadcast %get3A_227 : vector<1x32xf32> to vector<512x32xf32>
    %add3A_229 = arith.addf %sub3A_224, %add3A_228 : vector<512x32xf32>
    %max3A_230 = arith.constant 0.000000e+00 : f32
    %max3A_231 = vector.broadcast %max3A_230 : f32 to vector<512x32xf32>
    %max3A_232 = arith.maximumf %add3A_229, %max3A_231 : vector<512x32xf32>
    %get3A_233 = arith.constant 0 : index
    %get3A_234 = arith.constant 0 : index
    %get3A_235 = vector.load %arg4[%get3A_233, %get3A_234] : memref<32x32xf32, #tpu.memory_space<vmem>>, vector<32x32xf32>
    %dot_general3A_236 = arith.constant dense<0.000000e+00> : vector<512x32xf32>
    %dot_general3A_237 = tpu.matmul %max3A_232, %get3A_235, %dot_general3A_236 {dimension_numbers = #tpu.dot_dimension_numbers<[1], [0], [0], [1], [0, 0, 1, 1], [], []>, transpose_lhs_hint = false} : vector<512x32xf32>, vector<32x32xf32>, vector<512x32xf32> -> vector<512x32xf32>
    %max3A_238 = arith.maximumf %max3A_218, %dot_general3A_237 : vector<512x32xf32>
    %get3A_239 = arith.constant 12 : index
    %get3A_240 = arith.constant 0 : index
    %get3A_241 = arith.constant 0 : index
    %get3A_242 = vector.load %arg1[%get3A_239, %get3A_240, %get3A_241] : memref<16x512x32xf32, #tpu.memory_space<vmem>>, vector<1x512x32xf32>
    %get3A_243 = vector.shape_cast %get3A_242 : vector<1x512x32xf32> to vector<512x32xf32>
    %sub3A_244 = arith.subf %get3A_243, %get3A_1 : vector<512x32xf32>
    %get3A_245 = arith.constant 0 : index
    %get3A_246 = arith.constant 0 : index
    %get3A_247 = vector.load %arg5[%get3A_245, %get3A_246] : memref<1x32xf32, #tpu.memory_space<vmem>>, vector<1x32xf32>
    %add3A_248 = vector.broadcast %get3A_247 : vector<1x32xf32> to vector<512x32xf32>
    %add3A_249 = arith.addf %sub3A_244, %add3A_248 : vector<512x32xf32>
    %max3A_250 = arith.constant 0.000000e+00 : f32
    %max3A_251 = vector.broadcast %max3A_250 : f32 to vector<512x32xf32>
    %max3A_252 = arith.maximumf %add3A_249, %max3A_251 : vector<512x32xf32>
    %get3A_253 = arith.constant 0 : index
    %get3A_254 = arith.constant 0 : index
    %get3A_255 = vector.load %arg4[%get3A_253, %get3A_254] : memref<32x32xf32, #tpu.memory_space<vmem>>, vector<32x32xf32>
    %dot_general3A_256 = arith.constant dense<0.000000e+00> : vector<512x32xf32>
    %dot_general3A_257 = tpu.matmul %max3A_252, %get3A_255, %dot_general3A_256 {dimension_numbers = #tpu.dot_dimension_numbers<[1], [0], [0], [1], [0, 0, 1, 1], [], []>, transpose_lhs_hint = false} : vector<512x32xf32>, vector<32x32xf32>, vector<512x32xf32> -> vector<512x32xf32>
    %max3A_258 = arith.maximumf %max3A_238, %dot_general3A_257 : vector<512x32xf32>
    %get3A_259 = arith.constant 13 : index
    %get3A_260 = arith.constant 0 : index
    %get3A_261 = arith.constant 0 : index
    %get3A_262 = vector.load %arg1[%get3A_259, %get3A_260, %get3A_261] : memref<16x512x32xf32, #tpu.memory_space<vmem>>, vector<1x512x32xf32>
    %get3A_263 = vector.shape_cast %get3A_262 : vector<1x512x32xf32> to vector<512x32xf32>
    %sub3A_264 = arith.subf %get3A_263, %get3A_1 : vector<512x32xf32>
    %get3A_265 = arith.constant 0 : index
    %get3A_266 = arith.constant 0 : index
    %get3A_267 = vector.load %arg5[%get3A_265, %get3A_266] : memref<1x32xf32, #tpu.memory_space<vmem>>, vector<1x32xf32>
    %add3A_268 = vector.broadcast %get3A_267 : vector<1x32xf32> to vector<512x32xf32>
    %add3A_269 = arith.addf %sub3A_264, %add3A_268 : vector<512x32xf32>
    %max3A_270 = arith.constant 0.000000e+00 : f32
    %max3A_271 = vector.broadcast %max3A_270 : f32 to vector<512x32xf32>
    %max3A_272 = arith.maximumf %add3A_269, %max3A_271 : vector<512x32xf32>
    %get3A_273 = arith.constant 0 : index
    %get3A_274 = arith.constant 0 : index
    %get3A_275 = vector.load %arg4[%get3A_273, %get3A_274] : memref<32x32xf32, #tpu.memory_space<vmem>>, vector<32x32xf32>
    %dot_general3A_276 = arith.constant dense<0.000000e+00> : vector<512x32xf32>
    %dot_general3A_277 = tpu.matmul %max3A_272, %get3A_275, %dot_general3A_276 {dimension_numbers = #tpu.dot_dimension_numbers<[1], [0], [0], [1], [0, 0, 1, 1], [], []>, transpose_lhs_hint = false} : vector<512x32xf32>, vector<32x32xf32>, vector<512x32xf32> -> vector<512x32xf32>
    %max3A_278 = arith.maximumf %max3A_258, %dot_general3A_277 : vector<512x32xf32>
    %get3A_279 = arith.constant 14 : index
    %get3A_280 = arith.constant 0 : index
    %get3A_281 = arith.constant 0 : index
    %get3A_282 = vector.load %arg1[%get3A_279, %get3A_280, %get3A_281] : memref<16x512x32xf32, #tpu.memory_space<vmem>>, vector<1x512x32xf32>
    %get3A_283 = vector.shape_cast %get3A_282 : vector<1x512x32xf32> to vector<512x32xf32>
    %sub3A_284 = arith.subf %get3A_283, %get3A_1 : vector<512x32xf32>
    %get3A_285 = arith.constant 0 : index
    %get3A_286 = arith.constant 0 : index
    %get3A_287 = vector.load %arg5[%get3A_285, %get3A_286] : memref<1x32xf32, #tpu.memory_space<vmem>>, vector<1x32xf32>
    %add3A_288 = vector.broadcast %get3A_287 : vector<1x32xf32> to vector<512x32xf32>
    %add3A_289 = arith.addf %sub3A_284, %add3A_288 : vector<512x32xf32>
    %max3A_290 = arith.constant 0.000000e+00 : f32
    %max3A_291 = vector.broadcast %max3A_290 : f32 to vector<512x32xf32>
    %max3A_292 = arith.maximumf %add3A_289, %max3A_291 : vector<512x32xf32>
    %get3A_293 = arith.constant 0 : index
    %get3A_294 = arith.constant 0 : index
    %get3A_295 = vector.load %arg4[%get3A_293, %get3A_294] : memref<32x32xf32, #tpu.memory_space<vmem>>, vector<32x32xf32>
    %dot_general3A_296 = arith.constant dense<0.000000e+00> : vector<512x32xf32>
    %dot_general3A_297 = tpu.matmul %max3A_292, %get3A_295, %dot_general3A_296 {dimension_numbers = #tpu.dot_dimension_numbers<[1], [0], [0], [1], [0, 0, 1, 1], [], []>, transpose_lhs_hint = false} : vector<512x32xf32>, vector<32x32xf32>, vector<512x32xf32> -> vector<512x32xf32>
    %max3A_298 = arith.maximumf %max3A_278, %dot_general3A_297 : vector<512x32xf32>
    %get3A_299 = arith.constant 15 : index
    %get3A_300 = arith.constant 0 : index
    %get3A_301 = arith.constant 0 : index
    %get3A_302 = vector.load %arg1[%get3A_299, %get3A_300, %get3A_301] : memref<16x512x32xf32, #tpu.memory_space<vmem>>, vector<1x512x32xf32>
    %get3A_303 = vector.shape_cast %get3A_302 : vector<1x512x32xf32> to vector<512x32xf32>
    %sub3A_304 = arith.subf %get3A_303, %get3A_1 : vector<512x32xf32>
    %get3A_305 = arith.constant 0 : index
    %get3A_306 = arith.constant 0 : index
    %get3A_307 = vector.load %arg5[%get3A_305, %get3A_306] : memref<1x32xf32, #tpu.memory_space<vmem>>, vector<1x32xf32>
    %add3A_308 = vector.broadcast %get3A_307 : vector<1x32xf32> to vector<512x32xf32>
    %add3A_309 = arith.addf %sub3A_304, %add3A_308 : vector<512x32xf32>
    %max3A_310 = arith.constant 0.000000e+00 : f32
    %max3A_311 = vector.broadcast %max3A_310 : f32 to vector<512x32xf32>
    %max3A_312 = arith.maximumf %add3A_309, %max3A_311 : vector<512x32xf32>
    %get3A_313 = arith.constant 0 : index
    %get3A_314 = arith.constant 0 : index
    %get3A_315 = vector.load %arg4[%get3A_313, %get3A_314] : memref<32x32xf32, #tpu.memory_space<vmem>>, vector<32x32xf32>
    %dot_general3A_316 = arith.constant dense<0.000000e+00> : vector<512x32xf32>
    %dot_general3A_317 = tpu.matmul %max3A_312, %get3A_315, %dot_general3A_316 {dimension_numbers = #tpu.dot_dimension_numbers<[1], [0], [0], [1], [0, 0, 1, 1], [], []>, transpose_lhs_hint = false} : vector<512x32xf32>, vector<32x32xf32>, vector<512x32xf32> -> vector<512x32xf32>
    %max3A_318 = arith.maximumf %max3A_298, %dot_general3A_317 : vector<512x32xf32>
    %get3A_319 = arith.constant 0 : index
    %get3A_320 = arith.constant 0 : index
    %get3A_321 = vector.load %arg6[%get3A_319, %get3A_320] : memref<1x32xf32, #tpu.memory_space<vmem>>, vector<1x32xf32>
    %add3A_322 = vector.broadcast %get3A_321 : vector<1x32xf32> to vector<512x32xf32>
    %add3A_323 = arith.addf %max3A_318, %add3A_322 : vector<512x32xf32>
    %max3A_324 = arith.constant 0.000000e+00 : f32
    %max3A_325 = vector.broadcast %max3A_324 : f32 to vector<512x32xf32>
    %max3A_326 = arith.maximumf %add3A_323, %max3A_325 : vector<512x32xf32>
    %broadcast_in_dim3A_327 = arith.constant 0.000000e+00 : f32
    %broadcast_in_dim3A_328 = vector.broadcast %broadcast_in_dim3A_327 : f32 to vector<512x32xf32>
    %get3A_329 = arith.constant 0 : index
    %get3A_330 = arith.constant 0 : index
    %get3A_331 = vector.load %arg3[%get3A_329, %get3A_330] : memref<512x3xf32, #tpu.memory_space<vmem>>, vector<512x1xf32>
    %get3A_332 = arith.constant 0 : index
    %get3A_333 = arith.constant 0 : index
    %get3A_334 = vector.load %arg8[%get3A_332, %get3A_333] : memref<3x32xf32, #tpu.memory_space<vmem>>, vector<1x32xf32>
    %mul3A = vector.broadcast %get3A_331 : vector<512x1xf32> to vector<512x32xf32>
    %mul3A_335 = vector.broadcast %get3A_334 : vector<1x32xf32> to vector<512x32xf32>
    %mul3A_336 = arith.mulf %mul3A, %mul3A_335 : vector<512x32xf32>
    %add3A_337 = arith.addf %broadcast_in_dim3A_328, %mul3A_336 : vector<512x32xf32>
    %get3A_338 = arith.constant 0 : index
    %get3A_339 = arith.constant 1 : index
    %get3A_340 = vector.load %arg3[%get3A_338, %get3A_339] : memref<512x3xf32, #tpu.memory_space<vmem>>, vector<512x1xf32>
    %get3A_341 = arith.constant 1 : index
    %get3A_342 = arith.constant 0 : index
    %get3A_343 = vector.load %arg8[%get3A_341, %get3A_342] : memref<3x32xf32, #tpu.memory_space<vmem>>, vector<1x32xf32>
    %mul3A_344 = vector.broadcast %get3A_340 : vector<512x1xf32> to vector<512x32xf32>
    %mul3A_345 = vector.broadcast %get3A_343 : vector<1x32xf32> to vector<512x32xf32>
    %mul3A_346 = arith.mulf %mul3A_344, %mul3A_345 : vector<512x32xf32>
    %add3A_347 = arith.addf %add3A_337, %mul3A_346 : vector<512x32xf32>
    %get3A_348 = arith.constant 0 : index
    %get3A_349 = arith.constant 2 : index
    %get3A_350 = vector.load %arg3[%get3A_348, %get3A_349] : memref<512x3xf32, #tpu.memory_space<vmem>>, vector<512x1xf32>
    %get3A_351 = arith.constant 2 : index
    %get3A_352 = arith.constant 0 : index
    %get3A_353 = vector.load %arg8[%get3A_351, %get3A_352] : memref<3x32xf32, #tpu.memory_space<vmem>>, vector<1x32xf32>
    %mul3A_354 = vector.broadcast %get3A_350 : vector<512x1xf32> to vector<512x32xf32>
    %mul3A_355 = vector.broadcast %get3A_353 : vector<1x32xf32> to vector<512x32xf32>
    %mul3A_356 = arith.mulf %mul3A_354, %mul3A_355 : vector<512x32xf32>
    %add3A_357 = arith.addf %add3A_347, %mul3A_356 : vector<512x32xf32>
    %get3A_358 = arith.constant 0 : index
    %get3A_359 = arith.constant 0 : index
    %get3A_360 = vector.load %arg7[%get3A_358, %get3A_359] : memref<32x32xf32, #tpu.memory_space<vmem>>, vector<32x32xf32>
    %dot_general3A_361 = arith.constant dense<0.000000e+00> : vector<512x32xf32>
    %dot_general3A_362 = tpu.matmul %max3A_326, %get3A_360, %dot_general3A_361 {dimension_numbers = #tpu.dot_dimension_numbers<[1], [0], [0], [1], [0, 0, 1, 1], [], []>, transpose_lhs_hint = false} : vector<512x32xf32>, vector<32x32xf32>, vector<512x32xf32> -> vector<512x32xf32>
    %add3A_363 = arith.addf %dot_general3A_362, %add3A_357 : vector<512x32xf32>
    %swap3A = arith.constant 0 : index
    %swap3A_364 = arith.constant 0 : index
    %swap3A_365 = vector.load %arg9[%swap3A, %swap3A_364] : memref<512x32xf32, #tpu.memory_space<vmem>>, vector<512x32xf32>
    tpu.vector_store %arg9[%swap3A, %swap3A_364], %add3A_363 {strides = array<i32>} : memref<512x32xf32, #tpu.memory_space<vmem>>, vector<512x32xf32>,
    %swap3A_366 = arith.constant 0 : index
    %swap3A_367 = arith.constant 0 : index
    %swap3A_368 = vector.load %arg10[%swap3A_366, %swap3A_367] : memref<512x32xf32, #tpu.memory_space<vmem>>, vector<512x32xf32>
    tpu.vector_store %arg10[%swap3A_366, %swap3A_367], %add3A_357 {strides = array<i32>} : memref<512x32xf32, #tpu.memory_space<vmem>>, vector<512x32xf32>,
    return
  }
  func.func @transform_0(%arg0: i32) -> (i32, i32, i32) {
    %c0_i32 = arith.constant 0 : i32
    %c0_i32_0 = arith.constant 0 : i32
    %c0_i32_1 = arith.constant 0 : i32
    return %c0_i32, %arg0, %c0_i32_0 : i32, i32, i32
  }
  func.func @transform_1(%arg0: i32) -> (i32, i32) {
    %c0_i32 = arith.constant 0 : i32
    %c0_i32_0 = arith.constant 0 : i32
    return %arg0, %c0_i32 : i32, i32
  }
  func.func @transform_2(%arg0: i32) -> (i32, i32) {
    %c0_i32 = arith.constant 0 : i32
    %c0_i32_0 = arith.constant 0 : i32
    return %arg0, %c0_i32 : i32, i32
  }
  func.func @transform_3(%arg0: i32) -> (i32, i32) {
    %c0_i32 = arith.constant 0 : i32
    %c0_i32_0 = arith.constant 0 : i32
    %c0_i32_1 = arith.constant 0 : i32
    return %c0_i32, %c0_i32_0 : i32, i32
  }
  func.func @transform_4(%arg0: i32) -> (i32, i32) {
    %c0_i32 = arith.constant 0 : i32
    %c0_i32_0 = arith.constant 0 : i32
    %c0_i32_1 = arith.constant 0 : i32
    return %c0_i32, %c0_i32_0 : i32, i32
  }
  func.func @transform_5(%arg0: i32) -> (i32, i32) {
    %c0_i32 = arith.constant 0 : i32
    %c0_i32_0 = arith.constant 0 : i32
    %c0_i32_1 = arith.constant 0 : i32
    return %c0_i32, %c0_i32_0 : i32, i32
  }
  func.func @transform_6(%arg0: i32) -> (i32, i32) {
    %c0_i32 = arith.constant 0 : i32
    %c0_i32_0 = arith.constant 0 : i32
    %c0_i32_1 = arith.constant 0 : i32
    return %c0_i32, %c0_i32_0 : i32, i32
  }
  func.func @transform_7(%arg0: i32) -> (i32, i32) {
    %c0_i32 = arith.constant 0 : i32
    %c0_i32_0 = arith.constant 0 : i32
    %c0_i32_1 = arith.constant 0 : i32
    return %c0_i32, %c0_i32_0 : i32, i32
  }
  func.func @transform_8(%arg0: i32) -> (i32, i32) {
    %c0_i32 = arith.constant 0 : i32
    %c0_i32_0 = arith.constant 0 : i32
    return %arg0, %c0_i32 : i32, i32
  }
  func.func @transform_9(%arg0: i32) -> (i32, i32) {
    %c0_i32 = arith.constant 0 : i32
    %c0_i32_0 = arith.constant 0 : i32
    return %arg0, %c0_i32 : i32, i32
  }
}

module attributes {stable_mosaic.version = 14 : i64} {
  func.func @_conv2_body(%arg0: i32, %arg1: memref<16x512x32xf32, #tpu.memory_space<vmem>>, %arg2: memref<512x32xf32, #tpu.memory_space<vmem>>, %arg3: memref<512x1xi32, #tpu.memory_space<vmem>>, %arg4: memref<32x32xf32, #tpu.memory_space<vmem>>, %arg5: memref<1x32xf32, #tpu.memory_space<vmem>>, %arg6: memref<1x32xf32, #tpu.memory_space<vmem>>, %arg7: memref<32x40xf32, #tpu.memory_space<vmem>>, %arg8: memref<1x40xf32, #tpu.memory_space<vmem>>, %arg9: memref<8x40xf32, #tpu.memory_space<vmem>>, %arg10: memref<8x32xf32, #tpu.memory_space<vmem>>) attributes {dimension_semantics = [#tpu.dimension_semantics<arbitrary>], iteration_bounds = array<i64: 20>, scalar_prefetch = 0 : i64, scratch_operands = 1 : i64, tpu.core_type = #tpu.core_type<tc>, window_params = [{transform_indices = @transform_0, window_bounds = array<i64: 16, 512, 32>}, {transform_indices = @transform_1, window_bounds = array<i64: 512, 32>}, {transform_indices = @transform_2, window_bounds = array<i64: 512, 1>}, {pipeline_mode = #tpu.pipeline_mode<synchronous>, transform_indices = @transform_3, window_bounds = array<i64: 32, 32>}, {pipeline_mode = #tpu.pipeline_mode<synchronous>, transform_indices = @transform_4, window_bounds = array<i64: 1, 32>}, {pipeline_mode = #tpu.pipeline_mode<synchronous>, transform_indices = @transform_5, window_bounds = array<i64: 1, 32>}, {pipeline_mode = #tpu.pipeline_mode<synchronous>, transform_indices = @transform_6, window_bounds = array<i64: 32, 40>}, {pipeline_mode = #tpu.pipeline_mode<synchronous>, transform_indices = @transform_7, window_bounds = array<i64: 1, 40>}, {pipeline_mode = #tpu.pipeline_mode<synchronous>, transform_indices = @transform_8, window_bounds = array<i64: 8, 40>}]} {
    %get3A = arith.constant 0 : index
    %get3A_0 = arith.constant 0 : index
    %get3A_1 = vector.load %arg2[%get3A, %get3A_0] : memref<512x32xf32, #tpu.memory_space<vmem>>, vector<512x32xf32>
    %broadcast_in_dim3A = arith.constant -1.000000e+30 : f32
    %broadcast_in_dim3A_2 = vector.broadcast %broadcast_in_dim3A : f32 to vector<512x32xf32>
    %get3A_3 = arith.constant 0 : index
    %get3A_4 = arith.constant 0 : index
    %get3A_5 = arith.constant 0 : index
    %get3A_6 = vector.load %arg1[%get3A_3, %get3A_4, %get3A_5] : memref<16x512x32xf32, #tpu.memory_space<vmem>>, vector<1x512x32xf32>
    %get3A_7 = vector.shape_cast %get3A_6 : vector<1x512x32xf32> to vector<512x32xf32>
    %sub3A = arith.subf %get3A_7, %get3A_1 : vector<512x32xf32>
    %get3A_8 = arith.constant 0 : index
    %get3A_9 = arith.constant 0 : index
    %get3A_10 = vector.load %arg5[%get3A_8, %get3A_9] : memref<1x32xf32, #tpu.memory_space<vmem>>, vector<1x32xf32>
    %add3A = vector.broadcast %get3A_10 : vector<1x32xf32> to vector<512x32xf32>
    %add3A_11 = arith.addf %sub3A, %add3A : vector<512x32xf32>
    %max3A = arith.constant 0.000000e+00 : f32
    %max3A_12 = vector.broadcast %max3A : f32 to vector<512x32xf32>
    %max3A_13 = arith.maximumf %add3A_11, %max3A_12 : vector<512x32xf32>
    %get3A_14 = arith.constant 0 : index
    %get3A_15 = arith.constant 0 : index
    %get3A_16 = vector.load %arg4[%get3A_14, %get3A_15] : memref<32x32xf32, #tpu.memory_space<vmem>>, vector<32x32xf32>
    %dot_general3A = arith.constant dense<0.000000e+00> : vector<512x32xf32>
    %dot_general3A_17 = tpu.matmul %max3A_13, %get3A_16, %dot_general3A {dimension_numbers = #tpu.dot_dimension_numbers<[1], [0], [0], [1], [0, 0, 1, 1], [], []>, transpose_lhs_hint = false} : vector<512x32xf32>, vector<32x32xf32>, vector<512x32xf32> -> vector<512x32xf32>
    %max3A_18 = arith.maximumf %broadcast_in_dim3A_2, %dot_general3A_17 : vector<512x32xf32>
    %get3A_19 = arith.constant 1 : index
    %get3A_20 = arith.constant 0 : index
    %get3A_21 = arith.constant 0 : index
    %get3A_22 = vector.load %arg1[%get3A_19, %get3A_20, %get3A_21] : memref<16x512x32xf32, #tpu.memory_space<vmem>>, vector<1x512x32xf32>
    %get3A_23 = vector.shape_cast %get3A_22 : vector<1x512x32xf32> to vector<512x32xf32>
    %sub3A_24 = arith.subf %get3A_23, %get3A_1 : vector<512x32xf32>
    %get3A_25 = arith.constant 0 : index
    %get3A_26 = arith.constant 0 : index
    %get3A_27 = vector.load %arg5[%get3A_25, %get3A_26] : memref<1x32xf32, #tpu.memory_space<vmem>>, vector<1x32xf32>
    %add3A_28 = vector.broadcast %get3A_27 : vector<1x32xf32> to vector<512x32xf32>
    %add3A_29 = arith.addf %sub3A_24, %add3A_28 : vector<512x32xf32>
    %max3A_30 = arith.constant 0.000000e+00 : f32
    %max3A_31 = vector.broadcast %max3A_30 : f32 to vector<512x32xf32>
    %max3A_32 = arith.maximumf %add3A_29, %max3A_31 : vector<512x32xf32>
    %get3A_33 = arith.constant 0 : index
    %get3A_34 = arith.constant 0 : index
    %get3A_35 = vector.load %arg4[%get3A_33, %get3A_34] : memref<32x32xf32, #tpu.memory_space<vmem>>, vector<32x32xf32>
    %dot_general3A_36 = arith.constant dense<0.000000e+00> : vector<512x32xf32>
    %dot_general3A_37 = tpu.matmul %max3A_32, %get3A_35, %dot_general3A_36 {dimension_numbers = #tpu.dot_dimension_numbers<[1], [0], [0], [1], [0, 0, 1, 1], [], []>, transpose_lhs_hint = false} : vector<512x32xf32>, vector<32x32xf32>, vector<512x32xf32> -> vector<512x32xf32>
    %max3A_38 = arith.maximumf %max3A_18, %dot_general3A_37 : vector<512x32xf32>
    %get3A_39 = arith.constant 2 : index
    %get3A_40 = arith.constant 0 : index
    %get3A_41 = arith.constant 0 : index
    %get3A_42 = vector.load %arg1[%get3A_39, %get3A_40, %get3A_41] : memref<16x512x32xf32, #tpu.memory_space<vmem>>, vector<1x512x32xf32>
    %get3A_43 = vector.shape_cast %get3A_42 : vector<1x512x32xf32> to vector<512x32xf32>
    %sub3A_44 = arith.subf %get3A_43, %get3A_1 : vector<512x32xf32>
    %get3A_45 = arith.constant 0 : index
    %get3A_46 = arith.constant 0 : index
    %get3A_47 = vector.load %arg5[%get3A_45, %get3A_46] : memref<1x32xf32, #tpu.memory_space<vmem>>, vector<1x32xf32>
    %add3A_48 = vector.broadcast %get3A_47 : vector<1x32xf32> to vector<512x32xf32>
    %add3A_49 = arith.addf %sub3A_44, %add3A_48 : vector<512x32xf32>
    %max3A_50 = arith.constant 0.000000e+00 : f32
    %max3A_51 = vector.broadcast %max3A_50 : f32 to vector<512x32xf32>
    %max3A_52 = arith.maximumf %add3A_49, %max3A_51 : vector<512x32xf32>
    %get3A_53 = arith.constant 0 : index
    %get3A_54 = arith.constant 0 : index
    %get3A_55 = vector.load %arg4[%get3A_53, %get3A_54] : memref<32x32xf32, #tpu.memory_space<vmem>>, vector<32x32xf32>
    %dot_general3A_56 = arith.constant dense<0.000000e+00> : vector<512x32xf32>
    %dot_general3A_57 = tpu.matmul %max3A_52, %get3A_55, %dot_general3A_56 {dimension_numbers = #tpu.dot_dimension_numbers<[1], [0], [0], [1], [0, 0, 1, 1], [], []>, transpose_lhs_hint = false} : vector<512x32xf32>, vector<32x32xf32>, vector<512x32xf32> -> vector<512x32xf32>
    %max3A_58 = arith.maximumf %max3A_38, %dot_general3A_57 : vector<512x32xf32>
    %get3A_59 = arith.constant 3 : index
    %get3A_60 = arith.constant 0 : index
    %get3A_61 = arith.constant 0 : index
    %get3A_62 = vector.load %arg1[%get3A_59, %get3A_60, %get3A_61] : memref<16x512x32xf32, #tpu.memory_space<vmem>>, vector<1x512x32xf32>
    %get3A_63 = vector.shape_cast %get3A_62 : vector<1x512x32xf32> to vector<512x32xf32>
    %sub3A_64 = arith.subf %get3A_63, %get3A_1 : vector<512x32xf32>
    %get3A_65 = arith.constant 0 : index
    %get3A_66 = arith.constant 0 : index
    %get3A_67 = vector.load %arg5[%get3A_65, %get3A_66] : memref<1x32xf32, #tpu.memory_space<vmem>>, vector<1x32xf32>
    %add3A_68 = vector.broadcast %get3A_67 : vector<1x32xf32> to vector<512x32xf32>
    %add3A_69 = arith.addf %sub3A_64, %add3A_68 : vector<512x32xf32>
    %max3A_70 = arith.constant 0.000000e+00 : f32
    %max3A_71 = vector.broadcast %max3A_70 : f32 to vector<512x32xf32>
    %max3A_72 = arith.maximumf %add3A_69, %max3A_71 : vector<512x32xf32>
    %get3A_73 = arith.constant 0 : index
    %get3A_74 = arith.constant 0 : index
    %get3A_75 = vector.load %arg4[%get3A_73, %get3A_74] : memref<32x32xf32, #tpu.memory_space<vmem>>, vector<32x32xf32>
    %dot_general3A_76 = arith.constant dense<0.000000e+00> : vector<512x32xf32>
    %dot_general3A_77 = tpu.matmul %max3A_72, %get3A_75, %dot_general3A_76 {dimension_numbers = #tpu.dot_dimension_numbers<[1], [0], [0], [1], [0, 0, 1, 1], [], []>, transpose_lhs_hint = false} : vector<512x32xf32>, vector<32x32xf32>, vector<512x32xf32> -> vector<512x32xf32>
    %max3A_78 = arith.maximumf %max3A_58, %dot_general3A_77 : vector<512x32xf32>
    %get3A_79 = arith.constant 4 : index
    %get3A_80 = arith.constant 0 : index
    %get3A_81 = arith.constant 0 : index
    %get3A_82 = vector.load %arg1[%get3A_79, %get3A_80, %get3A_81] : memref<16x512x32xf32, #tpu.memory_space<vmem>>, vector<1x512x32xf32>
    %get3A_83 = vector.shape_cast %get3A_82 : vector<1x512x32xf32> to vector<512x32xf32>
    %sub3A_84 = arith.subf %get3A_83, %get3A_1 : vector<512x32xf32>
    %get3A_85 = arith.constant 0 : index
    %get3A_86 = arith.constant 0 : index
    %get3A_87 = vector.load %arg5[%get3A_85, %get3A_86] : memref<1x32xf32, #tpu.memory_space<vmem>>, vector<1x32xf32>
    %add3A_88 = vector.broadcast %get3A_87 : vector<1x32xf32> to vector<512x32xf32>
    %add3A_89 = arith.addf %sub3A_84, %add3A_88 : vector<512x32xf32>
    %max3A_90 = arith.constant 0.000000e+00 : f32
    %max3A_91 = vector.broadcast %max3A_90 : f32 to vector<512x32xf32>
    %max3A_92 = arith.maximumf %add3A_89, %max3A_91 : vector<512x32xf32>
    %get3A_93 = arith.constant 0 : index
    %get3A_94 = arith.constant 0 : index
    %get3A_95 = vector.load %arg4[%get3A_93, %get3A_94] : memref<32x32xf32, #tpu.memory_space<vmem>>, vector<32x32xf32>
    %dot_general3A_96 = arith.constant dense<0.000000e+00> : vector<512x32xf32>
    %dot_general3A_97 = tpu.matmul %max3A_92, %get3A_95, %dot_general3A_96 {dimension_numbers = #tpu.dot_dimension_numbers<[1], [0], [0], [1], [0, 0, 1, 1], [], []>, transpose_lhs_hint = false} : vector<512x32xf32>, vector<32x32xf32>, vector<512x32xf32> -> vector<512x32xf32>
    %max3A_98 = arith.maximumf %max3A_78, %dot_general3A_97 : vector<512x32xf32>
    %get3A_99 = arith.constant 5 : index
    %get3A_100 = arith.constant 0 : index
    %get3A_101 = arith.constant 0 : index
    %get3A_102 = vector.load %arg1[%get3A_99, %get3A_100, %get3A_101] : memref<16x512x32xf32, #tpu.memory_space<vmem>>, vector<1x512x32xf32>
    %get3A_103 = vector.shape_cast %get3A_102 : vector<1x512x32xf32> to vector<512x32xf32>
    %sub3A_104 = arith.subf %get3A_103, %get3A_1 : vector<512x32xf32>
    %get3A_105 = arith.constant 0 : index
    %get3A_106 = arith.constant 0 : index
    %get3A_107 = vector.load %arg5[%get3A_105, %get3A_106] : memref<1x32xf32, #tpu.memory_space<vmem>>, vector<1x32xf32>
    %add3A_108 = vector.broadcast %get3A_107 : vector<1x32xf32> to vector<512x32xf32>
    %add3A_109 = arith.addf %sub3A_104, %add3A_108 : vector<512x32xf32>
    %max3A_110 = arith.constant 0.000000e+00 : f32
    %max3A_111 = vector.broadcast %max3A_110 : f32 to vector<512x32xf32>
    %max3A_112 = arith.maximumf %add3A_109, %max3A_111 : vector<512x32xf32>
    %get3A_113 = arith.constant 0 : index
    %get3A_114 = arith.constant 0 : index
    %get3A_115 = vector.load %arg4[%get3A_113, %get3A_114] : memref<32x32xf32, #tpu.memory_space<vmem>>, vector<32x32xf32>
    %dot_general3A_116 = arith.constant dense<0.000000e+00> : vector<512x32xf32>
    %dot_general3A_117 = tpu.matmul %max3A_112, %get3A_115, %dot_general3A_116 {dimension_numbers = #tpu.dot_dimension_numbers<[1], [0], [0], [1], [0, 0, 1, 1], [], []>, transpose_lhs_hint = false} : vector<512x32xf32>, vector<32x32xf32>, vector<512x32xf32> -> vector<512x32xf32>
    %max3A_118 = arith.maximumf %max3A_98, %dot_general3A_117 : vector<512x32xf32>
    %get3A_119 = arith.constant 6 : index
    %get3A_120 = arith.constant 0 : index
    %get3A_121 = arith.constant 0 : index
    %get3A_122 = vector.load %arg1[%get3A_119, %get3A_120, %get3A_121] : memref<16x512x32xf32, #tpu.memory_space<vmem>>, vector<1x512x32xf32>
    %get3A_123 = vector.shape_cast %get3A_122 : vector<1x512x32xf32> to vector<512x32xf32>
    %sub3A_124 = arith.subf %get3A_123, %get3A_1 : vector<512x32xf32>
    %get3A_125 = arith.constant 0 : index
    %get3A_126 = arith.constant 0 : index
    %get3A_127 = vector.load %arg5[%get3A_125, %get3A_126] : memref<1x32xf32, #tpu.memory_space<vmem>>, vector<1x32xf32>
    %add3A_128 = vector.broadcast %get3A_127 : vector<1x32xf32> to vector<512x32xf32>
    %add3A_129 = arith.addf %sub3A_124, %add3A_128 : vector<512x32xf32>
    %max3A_130 = arith.constant 0.000000e+00 : f32
    %max3A_131 = vector.broadcast %max3A_130 : f32 to vector<512x32xf32>
    %max3A_132 = arith.maximumf %add3A_129, %max3A_131 : vector<512x32xf32>
    %get3A_133 = arith.constant 0 : index
    %get3A_134 = arith.constant 0 : index
    %get3A_135 = vector.load %arg4[%get3A_133, %get3A_134] : memref<32x32xf32, #tpu.memory_space<vmem>>, vector<32x32xf32>
    %dot_general3A_136 = arith.constant dense<0.000000e+00> : vector<512x32xf32>
    %dot_general3A_137 = tpu.matmul %max3A_132, %get3A_135, %dot_general3A_136 {dimension_numbers = #tpu.dot_dimension_numbers<[1], [0], [0], [1], [0, 0, 1, 1], [], []>, transpose_lhs_hint = false} : vector<512x32xf32>, vector<32x32xf32>, vector<512x32xf32> -> vector<512x32xf32>
    %max3A_138 = arith.maximumf %max3A_118, %dot_general3A_137 : vector<512x32xf32>
    %get3A_139 = arith.constant 7 : index
    %get3A_140 = arith.constant 0 : index
    %get3A_141 = arith.constant 0 : index
    %get3A_142 = vector.load %arg1[%get3A_139, %get3A_140, %get3A_141] : memref<16x512x32xf32, #tpu.memory_space<vmem>>, vector<1x512x32xf32>
    %get3A_143 = vector.shape_cast %get3A_142 : vector<1x512x32xf32> to vector<512x32xf32>
    %sub3A_144 = arith.subf %get3A_143, %get3A_1 : vector<512x32xf32>
    %get3A_145 = arith.constant 0 : index
    %get3A_146 = arith.constant 0 : index
    %get3A_147 = vector.load %arg5[%get3A_145, %get3A_146] : memref<1x32xf32, #tpu.memory_space<vmem>>, vector<1x32xf32>
    %add3A_148 = vector.broadcast %get3A_147 : vector<1x32xf32> to vector<512x32xf32>
    %add3A_149 = arith.addf %sub3A_144, %add3A_148 : vector<512x32xf32>
    %max3A_150 = arith.constant 0.000000e+00 : f32
    %max3A_151 = vector.broadcast %max3A_150 : f32 to vector<512x32xf32>
    %max3A_152 = arith.maximumf %add3A_149, %max3A_151 : vector<512x32xf32>
    %get3A_153 = arith.constant 0 : index
    %get3A_154 = arith.constant 0 : index
    %get3A_155 = vector.load %arg4[%get3A_153, %get3A_154] : memref<32x32xf32, #tpu.memory_space<vmem>>, vector<32x32xf32>
    %dot_general3A_156 = arith.constant dense<0.000000e+00> : vector<512x32xf32>
    %dot_general3A_157 = tpu.matmul %max3A_152, %get3A_155, %dot_general3A_156 {dimension_numbers = #tpu.dot_dimension_numbers<[1], [0], [0], [1], [0, 0, 1, 1], [], []>, transpose_lhs_hint = false} : vector<512x32xf32>, vector<32x32xf32>, vector<512x32xf32> -> vector<512x32xf32>
    %max3A_158 = arith.maximumf %max3A_138, %dot_general3A_157 : vector<512x32xf32>
    %get3A_159 = arith.constant 8 : index
    %get3A_160 = arith.constant 0 : index
    %get3A_161 = arith.constant 0 : index
    %get3A_162 = vector.load %arg1[%get3A_159, %get3A_160, %get3A_161] : memref<16x512x32xf32, #tpu.memory_space<vmem>>, vector<1x512x32xf32>
    %get3A_163 = vector.shape_cast %get3A_162 : vector<1x512x32xf32> to vector<512x32xf32>
    %sub3A_164 = arith.subf %get3A_163, %get3A_1 : vector<512x32xf32>
    %get3A_165 = arith.constant 0 : index
    %get3A_166 = arith.constant 0 : index
    %get3A_167 = vector.load %arg5[%get3A_165, %get3A_166] : memref<1x32xf32, #tpu.memory_space<vmem>>, vector<1x32xf32>
    %add3A_168 = vector.broadcast %get3A_167 : vector<1x32xf32> to vector<512x32xf32>
    %add3A_169 = arith.addf %sub3A_164, %add3A_168 : vector<512x32xf32>
    %max3A_170 = arith.constant 0.000000e+00 : f32
    %max3A_171 = vector.broadcast %max3A_170 : f32 to vector<512x32xf32>
    %max3A_172 = arith.maximumf %add3A_169, %max3A_171 : vector<512x32xf32>
    %get3A_173 = arith.constant 0 : index
    %get3A_174 = arith.constant 0 : index
    %get3A_175 = vector.load %arg4[%get3A_173, %get3A_174] : memref<32x32xf32, #tpu.memory_space<vmem>>, vector<32x32xf32>
    %dot_general3A_176 = arith.constant dense<0.000000e+00> : vector<512x32xf32>
    %dot_general3A_177 = tpu.matmul %max3A_172, %get3A_175, %dot_general3A_176 {dimension_numbers = #tpu.dot_dimension_numbers<[1], [0], [0], [1], [0, 0, 1, 1], [], []>, transpose_lhs_hint = false} : vector<512x32xf32>, vector<32x32xf32>, vector<512x32xf32> -> vector<512x32xf32>
    %max3A_178 = arith.maximumf %max3A_158, %dot_general3A_177 : vector<512x32xf32>
    %get3A_179 = arith.constant 9 : index
    %get3A_180 = arith.constant 0 : index
    %get3A_181 = arith.constant 0 : index
    %get3A_182 = vector.load %arg1[%get3A_179, %get3A_180, %get3A_181] : memref<16x512x32xf32, #tpu.memory_space<vmem>>, vector<1x512x32xf32>
    %get3A_183 = vector.shape_cast %get3A_182 : vector<1x512x32xf32> to vector<512x32xf32>
    %sub3A_184 = arith.subf %get3A_183, %get3A_1 : vector<512x32xf32>
    %get3A_185 = arith.constant 0 : index
    %get3A_186 = arith.constant 0 : index
    %get3A_187 = vector.load %arg5[%get3A_185, %get3A_186] : memref<1x32xf32, #tpu.memory_space<vmem>>, vector<1x32xf32>
    %add3A_188 = vector.broadcast %get3A_187 : vector<1x32xf32> to vector<512x32xf32>
    %add3A_189 = arith.addf %sub3A_184, %add3A_188 : vector<512x32xf32>
    %max3A_190 = arith.constant 0.000000e+00 : f32
    %max3A_191 = vector.broadcast %max3A_190 : f32 to vector<512x32xf32>
    %max3A_192 = arith.maximumf %add3A_189, %max3A_191 : vector<512x32xf32>
    %get3A_193 = arith.constant 0 : index
    %get3A_194 = arith.constant 0 : index
    %get3A_195 = vector.load %arg4[%get3A_193, %get3A_194] : memref<32x32xf32, #tpu.memory_space<vmem>>, vector<32x32xf32>
    %dot_general3A_196 = arith.constant dense<0.000000e+00> : vector<512x32xf32>
    %dot_general3A_197 = tpu.matmul %max3A_192, %get3A_195, %dot_general3A_196 {dimension_numbers = #tpu.dot_dimension_numbers<[1], [0], [0], [1], [0, 0, 1, 1], [], []>, transpose_lhs_hint = false} : vector<512x32xf32>, vector<32x32xf32>, vector<512x32xf32> -> vector<512x32xf32>
    %max3A_198 = arith.maximumf %max3A_178, %dot_general3A_197 : vector<512x32xf32>
    %get3A_199 = arith.constant 10 : index
    %get3A_200 = arith.constant 0 : index
    %get3A_201 = arith.constant 0 : index
    %get3A_202 = vector.load %arg1[%get3A_199, %get3A_200, %get3A_201] : memref<16x512x32xf32, #tpu.memory_space<vmem>>, vector<1x512x32xf32>
    %get3A_203 = vector.shape_cast %get3A_202 : vector<1x512x32xf32> to vector<512x32xf32>
    %sub3A_204 = arith.subf %get3A_203, %get3A_1 : vector<512x32xf32>
    %get3A_205 = arith.constant 0 : index
    %get3A_206 = arith.constant 0 : index
    %get3A_207 = vector.load %arg5[%get3A_205, %get3A_206] : memref<1x32xf32, #tpu.memory_space<vmem>>, vector<1x32xf32>
    %add3A_208 = vector.broadcast %get3A_207 : vector<1x32xf32> to vector<512x32xf32>
    %add3A_209 = arith.addf %sub3A_204, %add3A_208 : vector<512x32xf32>
    %max3A_210 = arith.constant 0.000000e+00 : f32
    %max3A_211 = vector.broadcast %max3A_210 : f32 to vector<512x32xf32>
    %max3A_212 = arith.maximumf %add3A_209, %max3A_211 : vector<512x32xf32>
    %get3A_213 = arith.constant 0 : index
    %get3A_214 = arith.constant 0 : index
    %get3A_215 = vector.load %arg4[%get3A_213, %get3A_214] : memref<32x32xf32, #tpu.memory_space<vmem>>, vector<32x32xf32>
    %dot_general3A_216 = arith.constant dense<0.000000e+00> : vector<512x32xf32>
    %dot_general3A_217 = tpu.matmul %max3A_212, %get3A_215, %dot_general3A_216 {dimension_numbers = #tpu.dot_dimension_numbers<[1], [0], [0], [1], [0, 0, 1, 1], [], []>, transpose_lhs_hint = false} : vector<512x32xf32>, vector<32x32xf32>, vector<512x32xf32> -> vector<512x32xf32>
    %max3A_218 = arith.maximumf %max3A_198, %dot_general3A_217 : vector<512x32xf32>
    %get3A_219 = arith.constant 11 : index
    %get3A_220 = arith.constant 0 : index
    %get3A_221 = arith.constant 0 : index
    %get3A_222 = vector.load %arg1[%get3A_219, %get3A_220, %get3A_221] : memref<16x512x32xf32, #tpu.memory_space<vmem>>, vector<1x512x32xf32>
    %get3A_223 = vector.shape_cast %get3A_222 : vector<1x512x32xf32> to vector<512x32xf32>
    %sub3A_224 = arith.subf %get3A_223, %get3A_1 : vector<512x32xf32>
    %get3A_225 = arith.constant 0 : index
    %get3A_226 = arith.constant 0 : index
    %get3A_227 = vector.load %arg5[%get3A_225, %get3A_226] : memref<1x32xf32, #tpu.memory_space<vmem>>, vector<1x32xf32>
    %add3A_228 = vector.broadcast %get3A_227 : vector<1x32xf32> to vector<512x32xf32>
    %add3A_229 = arith.addf %sub3A_224, %add3A_228 : vector<512x32xf32>
    %max3A_230 = arith.constant 0.000000e+00 : f32
    %max3A_231 = vector.broadcast %max3A_230 : f32 to vector<512x32xf32>
    %max3A_232 = arith.maximumf %add3A_229, %max3A_231 : vector<512x32xf32>
    %get3A_233 = arith.constant 0 : index
    %get3A_234 = arith.constant 0 : index
    %get3A_235 = vector.load %arg4[%get3A_233, %get3A_234] : memref<32x32xf32, #tpu.memory_space<vmem>>, vector<32x32xf32>
    %dot_general3A_236 = arith.constant dense<0.000000e+00> : vector<512x32xf32>
    %dot_general3A_237 = tpu.matmul %max3A_232, %get3A_235, %dot_general3A_236 {dimension_numbers = #tpu.dot_dimension_numbers<[1], [0], [0], [1], [0, 0, 1, 1], [], []>, transpose_lhs_hint = false} : vector<512x32xf32>, vector<32x32xf32>, vector<512x32xf32> -> vector<512x32xf32>
    %max3A_238 = arith.maximumf %max3A_218, %dot_general3A_237 : vector<512x32xf32>
    %get3A_239 = arith.constant 12 : index
    %get3A_240 = arith.constant 0 : index
    %get3A_241 = arith.constant 0 : index
    %get3A_242 = vector.load %arg1[%get3A_239, %get3A_240, %get3A_241] : memref<16x512x32xf32, #tpu.memory_space<vmem>>, vector<1x512x32xf32>
    %get3A_243 = vector.shape_cast %get3A_242 : vector<1x512x32xf32> to vector<512x32xf32>
    %sub3A_244 = arith.subf %get3A_243, %get3A_1 : vector<512x32xf32>
    %get3A_245 = arith.constant 0 : index
    %get3A_246 = arith.constant 0 : index
    %get3A_247 = vector.load %arg5[%get3A_245, %get3A_246] : memref<1x32xf32, #tpu.memory_space<vmem>>, vector<1x32xf32>
    %add3A_248 = vector.broadcast %get3A_247 : vector<1x32xf32> to vector<512x32xf32>
    %add3A_249 = arith.addf %sub3A_244, %add3A_248 : vector<512x32xf32>
    %max3A_250 = arith.constant 0.000000e+00 : f32
    %max3A_251 = vector.broadcast %max3A_250 : f32 to vector<512x32xf32>
    %max3A_252 = arith.maximumf %add3A_249, %max3A_251 : vector<512x32xf32>
    %get3A_253 = arith.constant 0 : index
    %get3A_254 = arith.constant 0 : index
    %get3A_255 = vector.load %arg4[%get3A_253, %get3A_254] : memref<32x32xf32, #tpu.memory_space<vmem>>, vector<32x32xf32>
    %dot_general3A_256 = arith.constant dense<0.000000e+00> : vector<512x32xf32>
    %dot_general3A_257 = tpu.matmul %max3A_252, %get3A_255, %dot_general3A_256 {dimension_numbers = #tpu.dot_dimension_numbers<[1], [0], [0], [1], [0, 0, 1, 1], [], []>, transpose_lhs_hint = false} : vector<512x32xf32>, vector<32x32xf32>, vector<512x32xf32> -> vector<512x32xf32>
    %max3A_258 = arith.maximumf %max3A_238, %dot_general3A_257 : vector<512x32xf32>
    %get3A_259 = arith.constant 13 : index
    %get3A_260 = arith.constant 0 : index
    %get3A_261 = arith.constant 0 : index
    %get3A_262 = vector.load %arg1[%get3A_259, %get3A_260, %get3A_261] : memref<16x512x32xf32, #tpu.memory_space<vmem>>, vector<1x512x32xf32>
    %get3A_263 = vector.shape_cast %get3A_262 : vector<1x512x32xf32> to vector<512x32xf32>
    %sub3A_264 = arith.subf %get3A_263, %get3A_1 : vector<512x32xf32>
    %get3A_265 = arith.constant 0 : index
    %get3A_266 = arith.constant 0 : index
    %get3A_267 = vector.load %arg5[%get3A_265, %get3A_266] : memref<1x32xf32, #tpu.memory_space<vmem>>, vector<1x32xf32>
    %add3A_268 = vector.broadcast %get3A_267 : vector<1x32xf32> to vector<512x32xf32>
    %add3A_269 = arith.addf %sub3A_264, %add3A_268 : vector<512x32xf32>
    %max3A_270 = arith.constant 0.000000e+00 : f32
    %max3A_271 = vector.broadcast %max3A_270 : f32 to vector<512x32xf32>
    %max3A_272 = arith.maximumf %add3A_269, %max3A_271 : vector<512x32xf32>
    %get3A_273 = arith.constant 0 : index
    %get3A_274 = arith.constant 0 : index
    %get3A_275 = vector.load %arg4[%get3A_273, %get3A_274] : memref<32x32xf32, #tpu.memory_space<vmem>>, vector<32x32xf32>
    %dot_general3A_276 = arith.constant dense<0.000000e+00> : vector<512x32xf32>
    %dot_general3A_277 = tpu.matmul %max3A_272, %get3A_275, %dot_general3A_276 {dimension_numbers = #tpu.dot_dimension_numbers<[1], [0], [0], [1], [0, 0, 1, 1], [], []>, transpose_lhs_hint = false} : vector<512x32xf32>, vector<32x32xf32>, vector<512x32xf32> -> vector<512x32xf32>
    %max3A_278 = arith.maximumf %max3A_258, %dot_general3A_277 : vector<512x32xf32>
    %get3A_279 = arith.constant 14 : index
    %get3A_280 = arith.constant 0 : index
    %get3A_281 = arith.constant 0 : index
    %get3A_282 = vector.load %arg1[%get3A_279, %get3A_280, %get3A_281] : memref<16x512x32xf32, #tpu.memory_space<vmem>>, vector<1x512x32xf32>
    %get3A_283 = vector.shape_cast %get3A_282 : vector<1x512x32xf32> to vector<512x32xf32>
    %sub3A_284 = arith.subf %get3A_283, %get3A_1 : vector<512x32xf32>
    %get3A_285 = arith.constant 0 : index
    %get3A_286 = arith.constant 0 : index
    %get3A_287 = vector.load %arg5[%get3A_285, %get3A_286] : memref<1x32xf32, #tpu.memory_space<vmem>>, vector<1x32xf32>
    %add3A_288 = vector.broadcast %get3A_287 : vector<1x32xf32> to vector<512x32xf32>
    %add3A_289 = arith.addf %sub3A_284, %add3A_288 : vector<512x32xf32>
    %max3A_290 = arith.constant 0.000000e+00 : f32
    %max3A_291 = vector.broadcast %max3A_290 : f32 to vector<512x32xf32>
    %max3A_292 = arith.maximumf %add3A_289, %max3A_291 : vector<512x32xf32>
    %get3A_293 = arith.constant 0 : index
    %get3A_294 = arith.constant 0 : index
    %get3A_295 = vector.load %arg4[%get3A_293, %get3A_294] : memref<32x32xf32, #tpu.memory_space<vmem>>, vector<32x32xf32>
    %dot_general3A_296 = arith.constant dense<0.000000e+00> : vector<512x32xf32>
    %dot_general3A_297 = tpu.matmul %max3A_292, %get3A_295, %dot_general3A_296 {dimension_numbers = #tpu.dot_dimension_numbers<[1], [0], [0], [1], [0, 0, 1, 1], [], []>, transpose_lhs_hint = false} : vector<512x32xf32>, vector<32x32xf32>, vector<512x32xf32> -> vector<512x32xf32>
    %max3A_298 = arith.maximumf %max3A_278, %dot_general3A_297 : vector<512x32xf32>
    %get3A_299 = arith.constant 15 : index
    %get3A_300 = arith.constant 0 : index
    %get3A_301 = arith.constant 0 : index
    %get3A_302 = vector.load %arg1[%get3A_299, %get3A_300, %get3A_301] : memref<16x512x32xf32, #tpu.memory_space<vmem>>, vector<1x512x32xf32>
    %get3A_303 = vector.shape_cast %get3A_302 : vector<1x512x32xf32> to vector<512x32xf32>
    %sub3A_304 = arith.subf %get3A_303, %get3A_1 : vector<512x32xf32>
    %get3A_305 = arith.constant 0 : index
    %get3A_306 = arith.constant 0 : index
    %get3A_307 = vector.load %arg5[%get3A_305, %get3A_306] : memref<1x32xf32, #tpu.memory_space<vmem>>, vector<1x32xf32>
    %add3A_308 = vector.broadcast %get3A_307 : vector<1x32xf32> to vector<512x32xf32>
    %add3A_309 = arith.addf %sub3A_304, %add3A_308 : vector<512x32xf32>
    %max3A_310 = arith.constant 0.000000e+00 : f32
    %max3A_311 = vector.broadcast %max3A_310 : f32 to vector<512x32xf32>
    %max3A_312 = arith.maximumf %add3A_309, %max3A_311 : vector<512x32xf32>
    %get3A_313 = arith.constant 0 : index
    %get3A_314 = arith.constant 0 : index
    %get3A_315 = vector.load %arg4[%get3A_313, %get3A_314] : memref<32x32xf32, #tpu.memory_space<vmem>>, vector<32x32xf32>
    %dot_general3A_316 = arith.constant dense<0.000000e+00> : vector<512x32xf32>
    %dot_general3A_317 = tpu.matmul %max3A_312, %get3A_315, %dot_general3A_316 {dimension_numbers = #tpu.dot_dimension_numbers<[1], [0], [0], [1], [0, 0, 1, 1], [], []>, transpose_lhs_hint = false} : vector<512x32xf32>, vector<32x32xf32>, vector<512x32xf32> -> vector<512x32xf32>
    %max3A_318 = arith.maximumf %max3A_298, %dot_general3A_317 : vector<512x32xf32>
    %get3A_319 = arith.constant 0 : index
    %get3A_320 = arith.constant 0 : index
    %get3A_321 = vector.load %arg6[%get3A_319, %get3A_320] : memref<1x32xf32, #tpu.memory_space<vmem>>, vector<1x32xf32>
    %add3A_322 = vector.broadcast %get3A_321 : vector<1x32xf32> to vector<512x32xf32>
    %add3A_323 = arith.addf %max3A_318, %add3A_322 : vector<512x32xf32>
    %max3A_324 = arith.constant 0.000000e+00 : f32
    %max3A_325 = vector.broadcast %max3A_324 : f32 to vector<512x32xf32>
    %max3A_326 = arith.maximumf %add3A_323, %max3A_325 : vector<512x32xf32>
    %eq3A = arith.constant 0 : i32
    %eq3A_327 = arith.cmpi eq, %arg0, %eq3A : i32
    %convert_element_type3A = arith.extui %eq3A_327 : i1 to i32
    %cond3A = arith.constant 0 : i32
    %cond3A_328 = arith.cmpi ne, %convert_element_type3A, %cond3A : i32
    scf.if %cond3A_328 {
      %broadcast_in_dim3A_477 = arith.constant -1.000000e+30 : f32
      %broadcast_in_dim3A_478 = vector.broadcast %broadcast_in_dim3A_477 : f32 to vector<8x32xf32>
      %swap3A_479 = arith.constant 0 : index
      %swap3A_480 = arith.constant 0 : index
      %swap3A_481 = vector.load %arg10[%swap3A_479, %swap3A_480] : memref<8x32xf32, #tpu.memory_space<vmem>>, vector<8x32xf32>
      tpu.vector_store %arg10[%swap3A_479, %swap3A_480], %broadcast_in_dim3A_478 {strides = array<i32>} : memref<8x32xf32, #tpu.memory_space<vmem>>, vector<8x32xf32>,
    } else {
    }
    %get3A_329 = arith.constant 0 : index
    %get3A_330 = arith.constant 0 : index
    %get3A_331 = vector.load %arg3[%get3A_329, %get3A_330] : memref<512x1xi32, #tpu.memory_space<vmem>>, vector<512x1xi32>
    %eq3A_332 = arith.constant 0 : i32
    %eq3A_333 = vector.broadcast %eq3A_332 : i32 to vector<512x1xi32>
    %eq3A_334 = arith.cmpi eq, %get3A_331, %eq3A_333 : vector<512x1xi32>
    %jit3A = arith.constant -1.000000e+30 : f32
    %broadcast_in_dim3A_335 = vector.shape_cast %eq3A_334 : vector<512x1xi1> to vector<512x1xi1>
    %broadcast_in_dim3A_336 = vector.broadcast %broadcast_in_dim3A_335 : vector<512x1xi1> to vector<512x32xi1>
    %broadcast_in_dim3A_337 = vector.broadcast %jit3A : f32 to vector<512x32xf32>
    %select_n3A = arith.select %broadcast_in_dim3A_336, %max3A_326, %broadcast_in_dim3A_337 : vector<512x32xi1>, vector<512x32xf32>
    %reduce_max3A = arith.constant dense<0xFF800000> : vector<32xf32>
    %reduce_max3A_338 = vector.multi_reduction <maximumf>, %select_n3A, %reduce_max3A [0] : vector<512x32xf32> to vector<32xf32>
    %broadcast_in_dim3A_339 = vector.shape_cast %reduce_max3A_338 : vector<32xf32> to vector<1x32xf32>
    %get3A_340 = arith.constant 0 : index
    %get3A_341 = arith.constant 0 : index
    %get3A_342 = vector.load %arg10[%get3A_340, %get3A_341] : memref<8x32xf32, #tpu.memory_space<vmem>>, vector<1x32xf32>
    %max3A_343 = arith.maximumf %get3A_342, %broadcast_in_dim3A_339 : vector<1x32xf32>
    %swap3A = arith.constant 0 : index
    %swap3A_344 = arith.constant 0 : index
    %swap3A_345 = vector.load %arg10[%swap3A, %swap3A_344] : memref<8x32xf32, #tpu.memory_space<vmem>>, vector<1x32xf32>
    tpu.vector_store %arg10[%swap3A, %swap3A_344], %max3A_343 {strides = array<i32>} : memref<8x32xf32, #tpu.memory_space<vmem>>, vector<1x32xf32>,
    %eq3A_346 = arith.constant 1 : i32
    %eq3A_347 = vector.broadcast %eq3A_346 : i32 to vector<512x1xi32>
    %eq3A_348 = arith.cmpi eq, %get3A_331, %eq3A_347 : vector<512x1xi32>
    %jit3A_349 = arith.constant -1.000000e+30 : f32
    %broadcast_in_dim3A_350 = vector.shape_cast %eq3A_348 : vector<512x1xi1> to vector<512x1xi1>
    %broadcast_in_dim3A_351 = vector.broadcast %broadcast_in_dim3A_350 : vector<512x1xi1> to vector<512x32xi1>
    %broadcast_in_dim3A_352 = vector.broadcast %jit3A_349 : f32 to vector<512x32xf32>
    %select_n3A_353 = arith.select %broadcast_in_dim3A_351, %max3A_326, %broadcast_in_dim3A_352 : vector<512x32xi1>, vector<512x32xf32>
    %reduce_max3A_354 = arith.constant dense<0xFF800000> : vector<32xf32>
    %reduce_max3A_355 = vector.multi_reduction <maximumf>, %select_n3A_353, %reduce_max3A_354 [0] : vector<512x32xf32> to vector<32xf32>
    %broadcast_in_dim3A_356 = vector.shape_cast %reduce_max3A_355 : vector<32xf32> to vector<1x32xf32>
    %get3A_357 = arith.constant 1 : index
    %get3A_358 = arith.constant 0 : index
    %get3A_359 = vector.load %arg10[%get3A_357, %get3A_358] : memref<8x32xf32, #tpu.memory_space<vmem>>, vector<1x32xf32>
    %max3A_360 = arith.maximumf %get3A_359, %broadcast_in_dim3A_356 : vector<1x32xf32>
    %swap3A_361 = arith.constant 1 : index
    %swap3A_362 = arith.constant 0 : index
    %swap3A_363 = vector.load %arg10[%swap3A_361, %swap3A_362] : memref<8x32xf32, #tpu.memory_space<vmem>>, vector<1x32xf32>
    tpu.vector_store %arg10[%swap3A_361, %swap3A_362], %max3A_360 {strides = array<i32>} : memref<8x32xf32, #tpu.memory_space<vmem>>, vector<1x32xf32>,
    %eq3A_364 = arith.constant 2 : i32
    %eq3A_365 = vector.broadcast %eq3A_364 : i32 to vector<512x1xi32>
    %eq3A_366 = arith.cmpi eq, %get3A_331, %eq3A_365 : vector<512x1xi32>
    %jit3A_367 = arith.constant -1.000000e+30 : f32
    %broadcast_in_dim3A_368 = vector.shape_cast %eq3A_366 : vector<512x1xi1> to vector<512x1xi1>
    %broadcast_in_dim3A_369 = vector.broadcast %broadcast_in_dim3A_368 : vector<512x1xi1> to vector<512x32xi1>
    %broadcast_in_dim3A_370 = vector.broadcast %jit3A_367 : f32 to vector<512x32xf32>
    %select_n3A_371 = arith.select %broadcast_in_dim3A_369, %max3A_326, %broadcast_in_dim3A_370 : vector<512x32xi1>, vector<512x32xf32>
    %reduce_max3A_372 = arith.constant dense<0xFF800000> : vector<32xf32>
    %reduce_max3A_373 = vector.multi_reduction <maximumf>, %select_n3A_371, %reduce_max3A_372 [0] : vector<512x32xf32> to vector<32xf32>
    %broadcast_in_dim3A_374 = vector.shape_cast %reduce_max3A_373 : vector<32xf32> to vector<1x32xf32>
    %get3A_375 = arith.constant 2 : index
    %get3A_376 = arith.constant 0 : index
    %get3A_377 = vector.load %arg10[%get3A_375, %get3A_376] : memref<8x32xf32, #tpu.memory_space<vmem>>, vector<1x32xf32>
    %max3A_378 = arith.maximumf %get3A_377, %broadcast_in_dim3A_374 : vector<1x32xf32>
    %swap3A_379 = arith.constant 2 : index
    %swap3A_380 = arith.constant 0 : index
    %swap3A_381 = vector.load %arg10[%swap3A_379, %swap3A_380] : memref<8x32xf32, #tpu.memory_space<vmem>>, vector<1x32xf32>
    tpu.vector_store %arg10[%swap3A_379, %swap3A_380], %max3A_378 {strides = array<i32>} : memref<8x32xf32, #tpu.memory_space<vmem>>, vector<1x32xf32>,
    %eq3A_382 = arith.constant 3 : i32
    %eq3A_383 = vector.broadcast %eq3A_382 : i32 to vector<512x1xi32>
    %eq3A_384 = arith.cmpi eq, %get3A_331, %eq3A_383 : vector<512x1xi32>
    %jit3A_385 = arith.constant -1.000000e+30 : f32
    %broadcast_in_dim3A_386 = vector.shape_cast %eq3A_384 : vector<512x1xi1> to vector<512x1xi1>
    %broadcast_in_dim3A_387 = vector.broadcast %broadcast_in_dim3A_386 : vector<512x1xi1> to vector<512x32xi1>
    %broadcast_in_dim3A_388 = vector.broadcast %jit3A_385 : f32 to vector<512x32xf32>
    %select_n3A_389 = arith.select %broadcast_in_dim3A_387, %max3A_326, %broadcast_in_dim3A_388 : vector<512x32xi1>, vector<512x32xf32>
    %reduce_max3A_390 = arith.constant dense<0xFF800000> : vector<32xf32>
    %reduce_max3A_391 = vector.multi_reduction <maximumf>, %select_n3A_389, %reduce_max3A_390 [0] : vector<512x32xf32> to vector<32xf32>
    %broadcast_in_dim3A_392 = vector.shape_cast %reduce_max3A_391 : vector<32xf32> to vector<1x32xf32>
    %get3A_393 = arith.constant 3 : index
    %get3A_394 = arith.constant 0 : index
    %get3A_395 = vector.load %arg10[%get3A_393, %get3A_394] : memref<8x32xf32, #tpu.memory_space<vmem>>, vector<1x32xf32>
    %max3A_396 = arith.maximumf %get3A_395, %broadcast_in_dim3A_392 : vector<1x32xf32>
    %swap3A_397 = arith.constant 3 : index
    %swap3A_398 = arith.constant 0 : index
    %swap3A_399 = vector.load %arg10[%swap3A_397, %swap3A_398] : memref<8x32xf32, #tpu.memory_space<vmem>>, vector<1x32xf32>
    tpu.vector_store %arg10[%swap3A_397, %swap3A_398], %max3A_396 {strides = array<i32>} : memref<8x32xf32, #tpu.memory_space<vmem>>, vector<1x32xf32>,
    %eq3A_400 = arith.constant 4 : i32
    %eq3A_401 = vector.broadcast %eq3A_400 : i32 to vector<512x1xi32>
    %eq3A_402 = arith.cmpi eq, %get3A_331, %eq3A_401 : vector<512x1xi32>
    %jit3A_403 = arith.constant -1.000000e+30 : f32
    %broadcast_in_dim3A_404 = vector.shape_cast %eq3A_402 : vector<512x1xi1> to vector<512x1xi1>
    %broadcast_in_dim3A_405 = vector.broadcast %broadcast_in_dim3A_404 : vector<512x1xi1> to vector<512x32xi1>
    %broadcast_in_dim3A_406 = vector.broadcast %jit3A_403 : f32 to vector<512x32xf32>
    %select_n3A_407 = arith.select %broadcast_in_dim3A_405, %max3A_326, %broadcast_in_dim3A_406 : vector<512x32xi1>, vector<512x32xf32>
    %reduce_max3A_408 = arith.constant dense<0xFF800000> : vector<32xf32>
    %reduce_max3A_409 = vector.multi_reduction <maximumf>, %select_n3A_407, %reduce_max3A_408 [0] : vector<512x32xf32> to vector<32xf32>
    %broadcast_in_dim3A_410 = vector.shape_cast %reduce_max3A_409 : vector<32xf32> to vector<1x32xf32>
    %get3A_411 = arith.constant 4 : index
    %get3A_412 = arith.constant 0 : index
    %get3A_413 = vector.load %arg10[%get3A_411, %get3A_412] : memref<8x32xf32, #tpu.memory_space<vmem>>, vector<1x32xf32>
    %max3A_414 = arith.maximumf %get3A_413, %broadcast_in_dim3A_410 : vector<1x32xf32>
    %swap3A_415 = arith.constant 4 : index
    %swap3A_416 = arith.constant 0 : index
    %swap3A_417 = vector.load %arg10[%swap3A_415, %swap3A_416] : memref<8x32xf32, #tpu.memory_space<vmem>>, vector<1x32xf32>
    tpu.vector_store %arg10[%swap3A_415, %swap3A_416], %max3A_414 {strides = array<i32>} : memref<8x32xf32, #tpu.memory_space<vmem>>, vector<1x32xf32>,
    %eq3A_418 = arith.constant 5 : i32
    %eq3A_419 = vector.broadcast %eq3A_418 : i32 to vector<512x1xi32>
    %eq3A_420 = arith.cmpi eq, %get3A_331, %eq3A_419 : vector<512x1xi32>
    %jit3A_421 = arith.constant -1.000000e+30 : f32
    %broadcast_in_dim3A_422 = vector.shape_cast %eq3A_420 : vector<512x1xi1> to vector<512x1xi1>
    %broadcast_in_dim3A_423 = vector.broadcast %broadcast_in_dim3A_422 : vector<512x1xi1> to vector<512x32xi1>
    %broadcast_in_dim3A_424 = vector.broadcast %jit3A_421 : f32 to vector<512x32xf32>
    %select_n3A_425 = arith.select %broadcast_in_dim3A_423, %max3A_326, %broadcast_in_dim3A_424 : vector<512x32xi1>, vector<512x32xf32>
    %reduce_max3A_426 = arith.constant dense<0xFF800000> : vector<32xf32>
    %reduce_max3A_427 = vector.multi_reduction <maximumf>, %select_n3A_425, %reduce_max3A_426 [0] : vector<512x32xf32> to vector<32xf32>
    %broadcast_in_dim3A_428 = vector.shape_cast %reduce_max3A_427 : vector<32xf32> to vector<1x32xf32>
    %get3A_429 = arith.constant 5 : index
    %get3A_430 = arith.constant 0 : index
    %get3A_431 = vector.load %arg10[%get3A_429, %get3A_430] : memref<8x32xf32, #tpu.memory_space<vmem>>, vector<1x32xf32>
    %max3A_432 = arith.maximumf %get3A_431, %broadcast_in_dim3A_428 : vector<1x32xf32>
    %swap3A_433 = arith.constant 5 : index
    %swap3A_434 = arith.constant 0 : index
    %swap3A_435 = vector.load %arg10[%swap3A_433, %swap3A_434] : memref<8x32xf32, #tpu.memory_space<vmem>>, vector<1x32xf32>
    tpu.vector_store %arg10[%swap3A_433, %swap3A_434], %max3A_432 {strides = array<i32>} : memref<8x32xf32, #tpu.memory_space<vmem>>, vector<1x32xf32>,
    %eq3A_436 = arith.constant 6 : i32
    %eq3A_437 = vector.broadcast %eq3A_436 : i32 to vector<512x1xi32>
    %eq3A_438 = arith.cmpi eq, %get3A_331, %eq3A_437 : vector<512x1xi32>
    %jit3A_439 = arith.constant -1.000000e+30 : f32
    %broadcast_in_dim3A_440 = vector.shape_cast %eq3A_438 : vector<512x1xi1> to vector<512x1xi1>
    %broadcast_in_dim3A_441 = vector.broadcast %broadcast_in_dim3A_440 : vector<512x1xi1> to vector<512x32xi1>
    %broadcast_in_dim3A_442 = vector.broadcast %jit3A_439 : f32 to vector<512x32xf32>
    %select_n3A_443 = arith.select %broadcast_in_dim3A_441, %max3A_326, %broadcast_in_dim3A_442 : vector<512x32xi1>, vector<512x32xf32>
    %reduce_max3A_444 = arith.constant dense<0xFF800000> : vector<32xf32>
    %reduce_max3A_445 = vector.multi_reduction <maximumf>, %select_n3A_443, %reduce_max3A_444 [0] : vector<512x32xf32> to vector<32xf32>
    %broadcast_in_dim3A_446 = vector.shape_cast %reduce_max3A_445 : vector<32xf32> to vector<1x32xf32>
    %get3A_447 = arith.constant 6 : index
    %get3A_448 = arith.constant 0 : index
    %get3A_449 = vector.load %arg10[%get3A_447, %get3A_448] : memref<8x32xf32, #tpu.memory_space<vmem>>, vector<1x32xf32>
    %max3A_450 = arith.maximumf %get3A_449, %broadcast_in_dim3A_446 : vector<1x32xf32>
    %swap3A_451 = arith.constant 6 : index
    %swap3A_452 = arith.constant 0 : index
    %swap3A_453 = vector.load %arg10[%swap3A_451, %swap3A_452] : memref<8x32xf32, #tpu.memory_space<vmem>>, vector<1x32xf32>
    tpu.vector_store %arg10[%swap3A_451, %swap3A_452], %max3A_450 {strides = array<i32>} : memref<8x32xf32, #tpu.memory_space<vmem>>, vector<1x32xf32>,
    %eq3A_454 = arith.constant 7 : i32
    %eq3A_455 = vector.broadcast %eq3A_454 : i32 to vector<512x1xi32>
    %eq3A_456 = arith.cmpi eq, %get3A_331, %eq3A_455 : vector<512x1xi32>
    %jit3A_457 = arith.constant -1.000000e+30 : f32
    %broadcast_in_dim3A_458 = vector.shape_cast %eq3A_456 : vector<512x1xi1> to vector<512x1xi1>
    %broadcast_in_dim3A_459 = vector.broadcast %broadcast_in_dim3A_458 : vector<512x1xi1> to vector<512x32xi1>
    %broadcast_in_dim3A_460 = vector.broadcast %jit3A_457 : f32 to vector<512x32xf32>
    %select_n3A_461 = arith.select %broadcast_in_dim3A_459, %max3A_326, %broadcast_in_dim3A_460 : vector<512x32xi1>, vector<512x32xf32>
    %reduce_max3A_462 = arith.constant dense<0xFF800000> : vector<32xf32>
    %reduce_max3A_463 = vector.multi_reduction <maximumf>, %select_n3A_461, %reduce_max3A_462 [0] : vector<512x32xf32> to vector<32xf32>
    %broadcast_in_dim3A_464 = vector.shape_cast %reduce_max3A_463 : vector<32xf32> to vector<1x32xf32>
    %get3A_465 = arith.constant 7 : index
    %get3A_466 = arith.constant 0 : index
    %get3A_467 = vector.load %arg10[%get3A_465, %get3A_466] : memref<8x32xf32, #tpu.memory_space<vmem>>, vector<1x32xf32>
    %max3A_468 = arith.maximumf %get3A_467, %broadcast_in_dim3A_464 : vector<1x32xf32>
    %swap3A_469 = arith.constant 7 : index
    %swap3A_470 = arith.constant 0 : index
    %swap3A_471 = vector.load %arg10[%swap3A_469, %swap3A_470] : memref<8x32xf32, #tpu.memory_space<vmem>>, vector<1x32xf32>
    tpu.vector_store %arg10[%swap3A_469, %swap3A_470], %max3A_468 {strides = array<i32>} : memref<8x32xf32, #tpu.memory_space<vmem>>, vector<1x32xf32>,
    %eq3A_472 = arith.constant 19 : i32
    %eq3A_473 = arith.cmpi eq, %arg0, %eq3A_472 : i32
    %convert_element_type3A_474 = arith.extui %eq3A_473 : i1 to i32
    %cond3A_475 = arith.constant 0 : i32
    %cond3A_476 = arith.cmpi ne, %convert_element_type3A_474, %cond3A_475 : i32
    scf.if %cond3A_476 {
      %get3A_477 = arith.constant 0 : index
      %get3A_478 = arith.constant 0 : index
      %get3A_479 = vector.load %arg10[%get3A_477, %get3A_478] : memref<8x32xf32, #tpu.memory_space<vmem>>, vector<8x32xf32>
      %max3A_480 = arith.constant 0.000000e+00 : f32
      %max3A_481 = vector.broadcast %max3A_480 : f32 to vector<8x32xf32>
      %max3A_482 = arith.maximumf %get3A_479, %max3A_481 : vector<8x32xf32>
      %get3A_483 = arith.constant 0 : index
      %get3A_484 = arith.constant 0 : index
      %get3A_485 = vector.load %arg7[%get3A_483, %get3A_484] : memref<32x40xf32, #tpu.memory_space<vmem>>, vector<32x40xf32>
      %dot_general3A_486 = arith.constant dense<0.000000e+00> : vector<8x40xf32>
      %dot_general3A_487 = tpu.matmul %max3A_482, %get3A_485, %dot_general3A_486 {dimension_numbers = #tpu.dot_dimension_numbers<[1], [0], [0], [1], [0, 0, 1, 1], [], []>, transpose_lhs_hint = false} : vector<8x32xf32>, vector<32x40xf32>, vector<8x40xf32> -> vector<8x40xf32>
      %get3A_488 = arith.constant 0 : index
      %get3A_489 = arith.constant 0 : index
      %get3A_490 = vector.load %arg8[%get3A_488, %get3A_489] : memref<1x40xf32, #tpu.memory_space<vmem>>, vector<1x40xf32>
      %add3A_491 = vector.broadcast %get3A_490 : vector<1x40xf32> to vector<8x40xf32>
      %add3A_492 = arith.addf %dot_general3A_487, %add3A_491 : vector<8x40xf32>
      %swap3A_493 = arith.constant 0 : index
      %swap3A_494 = arith.constant 0 : index
      %swap3A_495 = vector.load %arg9[%swap3A_493, %swap3A_494] : memref<8x40xf32, #tpu.memory_space<vmem>>, vector<8x40xf32>
      tpu.vector_store %arg9[%swap3A_493, %swap3A_494], %add3A_492 {strides = array<i32>} : memref<8x40xf32, #tpu.memory_space<vmem>>, vector<8x40xf32>,
    } else {
    }
    return
  }
  func.func @transform_0(%arg0: i32) -> (i32, i32, i32) {
    %c0_i32 = arith.constant 0 : i32
    %c0_i32_0 = arith.constant 0 : i32
    %c0_i32_1 = arith.constant 0 : i32
    return %c0_i32, %arg0, %c0_i32_0 : i32, i32, i32
  }
  func.func @transform_1(%arg0: i32) -> (i32, i32) {
    %c0_i32 = arith.constant 0 : i32
    %c0_i32_0 = arith.constant 0 : i32
    return %arg0, %c0_i32 : i32, i32
  }
  func.func @transform_2(%arg0: i32) -> (i32, i32) {
    %c0_i32 = arith.constant 0 : i32
    %c0_i32_0 = arith.constant 0 : i32
    return %arg0, %c0_i32 : i32, i32
  }
  func.func @transform_3(%arg0: i32) -> (i32, i32) {
    %c0_i32 = arith.constant 0 : i32
    %c0_i32_0 = arith.constant 0 : i32
    %c0_i32_1 = arith.constant 0 : i32
    return %c0_i32, %c0_i32_0 : i32, i32
  }
  func.func @transform_4(%arg0: i32) -> (i32, i32) {
    %c0_i32 = arith.constant 0 : i32
    %c0_i32_0 = arith.constant 0 : i32
    %c0_i32_1 = arith.constant 0 : i32
    return %c0_i32, %c0_i32_0 : i32, i32
  }
  func.func @transform_5(%arg0: i32) -> (i32, i32) {
    %c0_i32 = arith.constant 0 : i32
    %c0_i32_0 = arith.constant 0 : i32
    %c0_i32_1 = arith.constant 0 : i32
    return %c0_i32, %c0_i32_0 : i32, i32
  }
  func.func @transform_6(%arg0: i32) -> (i32, i32) {
    %c0_i32 = arith.constant 0 : i32
    %c0_i32_0 = arith.constant 0 : i32
    %c0_i32_1 = arith.constant 0 : i32
    return %c0_i32, %c0_i32_0 : i32, i32
  }
  func.func @transform_7(%arg0: i32) -> (i32, i32) {
    %c0_i32 = arith.constant 0 : i32
    %c0_i32_0 = arith.constant 0 : i32
    %c0_i32_1 = arith.constant 0 : i32
    return %c0_i32, %c0_i32_0 : i32, i32
  }
  func.func @transform_8(%arg0: i32) -> (i32, i32) {
    %c0_i32 = arith.constant 0 : i32
    %c0_i32_0 = arith.constant 0 : i32
    %c0_i32_1 = arith.constant 0 : i32
    return %c0_i32, %c0_i32_0 : i32, i32
  }
}

</mosaic_0001>

<sc_bundles>
// kernel: kernel.11.cloned.1.call-start
scs
__scs_entry_jumppad:
0x0: {  	(pc) =	sbr.rel $0x88, $3  }
0x1: {  	(tag) =	ssettag $0x0;
	lr =	simm.s32 $0x1  }
0x2: {  	[smem:$0x3F94] =	sst lr;
	_ =	strace $0xD0000000  }
0x3: {  	_ = 	snop  }
0x4: {  	_ = 	snop  }
0x5: {  	_ = 	snop  }
0x6: {  	_ = 	snop  }
0x7: {  	_ = 	snop  }
__scs_overlays_trampoline_lowered:
0x8: {  	[smem:$0x3FA3] =	sst s0  }
0x9: {  	[smem:$0x3FA4] =	sst s1  }
0xa: {  	[smem:$0x3FA5] =	sst s2  }
0xb: {  	[smem:$0x3FA6] =	sst s3  }
0xc: {  	[smem:$0x3FA7] =	sst s4  }
0xd: {  	[smem:$0x3FA8] =	sst s5  }
0xe: {  	[smem:$0x3FA9] =	sst s6  }
0xf: {  	[smem:$0x3FAA] =	sst s7  }
0x10: {  	[smem:$0x3FAB] =	sst s8  }
0x11: {  	[smem:$0x3FAC] =	sst s9;
	s0 =	simm.s32 @!p0 $0x0  }
0x12: {  	s1 =	sld [smem:$0x3F92];
	s0 =	simm.s32 @p0 $0x1  }
0x13: {  	[smem:$0x3FAD] =	sst s0;
	s0 =	simm.s32 @!p1 $0x0  }
0x14: {  	s2 =	sld [smem:$0x3F91];
	s0 =	simm.s32 @p1 $0x1  }
0x15: {  	[smem:$0x3FAE] =	sst s0;
	s0 =	simm.s32 @!p2 $0x0  }
0x16: {  	s3 =	sld [smem:$0x3FDB];
	s0 =	simm.s32 @p2 $0x1  }
0x17: {  	s4 =	simm.s32 $0x1BF5;
	[smem:$0x3FB0] =	sst s0  }
0x18: {  	s0 =	sld [smem:$0x3F93];
	_ =	swait.ge [sflag:s4], $0x0  }
0x19: {  	s7 =	sld [smem:$0x3F94]  }
0x1a: {  	s8 =	sadd.s32 $0xFFFFE003, lr  }
0x1b: {  	s9 =	sadd.s32 $0xFFFFFEF7, lr;
	s5 =	simm.s32 $0xFFFFFFFF;
	p2 =	slt.u32 s8, $0xFFFFF086  }
0x1c: {  	p1 =	slt.u32 s9, $0xF7A;
	s5 =	simm.s32 @!p2 $0x0  }
0x1d: {  	s5 =	simm.s32 @p1 $0x1;
	p0 =	seq.s32 s7, s2  }
0x1e: {  	s7 =	smul.u32 @!p0 $0xF7A, s2;
	p2 =	seq.s32 @!p0 s5, $0x0  }
0x1f: {  	s9 =	smul.u32 $0xF7A, s1;
	s8 =	simm.s32 @!p0 $0x1BF5;
	p2 =	por !p2, p0  }
0x20: {  	[sflag:s8] =	ssyncset.s32 @!p0 $0xFFFFF086;
	s6 =	sadd.s32 @!p0 s3, s7;
	s7 =	simm.s32 @!p0 $0x108  }
0x21: {  	s3 =	sadd.s32 s3, s9;
	s6 =	sadd.s32 @!p0 $0x88, s6;
	s7 =	simm.s32 @p2 $0x1082  }
0x22: {  	[simem:s7], [sflag:s8] =	dma.local @!p0 [hbm:s6], $0xF7A  }
0x23: {  	s9 =	sor.u32 $0xD0000000, s2;
	s6 =	simm.s32 $0x108;
	_ =	swait.ge @!p0 [sflag:s8], $0x0  }
0x24: {  	s3 =	sadd.s32 $0x88, s3;
	s6 =	simm.s32 @!p1 $0x1082;
	[sflag:s4] =	ssyncset.s32 $0xFFFFF086  }
0x25: {  	[simem:s6], [sflag:s4] =	dma.local [hbm:s3], $0xF7A  }
0x26: {  	[smem:$0x3F94] =	sst s1;
	(tag) =	ssettag s2;
	_ =	strace s9  }
0x27: {  	s1 =	sld [smem:$0x3FA4]  }
0x28: {  	s2 =	sld [smem:$0x3FA5]  }
0x29: {  	s4 =	sld [smem:$0x3FA7]  }
0x2a: {  	p0 =	seq.s32 s5, $0x0;
	s5 =	sld [smem:$0x3FA8]  }
0x2b: {  	s6 =	sld [smem:$0x3FA9]  }
0x2c: {  	s7 =	sld [smem:$0x3FAA]  }
0x2d: {  	s3 =	simm.s32 $0x108;
	s8 =	sld [smem:$0x3FAB]  }
0x2e: {  	s3 =	simm.s32 @!p0 $0x1082;
	s9 =	sld [smem:$0x3FAC]  }
0x2f: {  	lr =	sadd.s32 s0, s3;
	s0 =	sld [smem:$0x3FA3]  }
0x30: {  	s3 =	sld [smem:$0x3FA6]  }
0x31: {  	[smem:$0x3FAF] =	sst s10  }
0x32: {  	s10 =	sld [smem:$0x3FAD];
	_ =	sdelay $0x3  }
0x33: {  	p0 =	seq.s32 s10, $0x1;
	s10 =	sld [smem:$0x3FAF];
	_ =	sdelay $0x3  }
0x34: {  	[smem:$0x3FAF] =	sst s10  }
0x35: {  	s10 =	sld [smem:$0x3FAE];
	_ =	sdelay $0x3  }
0x36: {  	p1 =	seq.s32 s10, $0x1;
	s10 =	sld [smem:$0x3FAF];
	_ =	sdelay $0x3  }
0x37: {  	[smem:$0x3FAF] =	sst s10  }
0x38: {  	s10 =	sld [smem:$0x3FB0]  }
0x39: {  	_ = 	snop;
	(pc) =	sbr.ind lr, $3  }
0x3a: {  	_ = 	snop  }
0x3b: {  	_ = 	snop  }
0x3c: {  	p2 =	seq.s32 s10, $0x1;
	s10 =	sld [smem:$0x3FAF]  }
0x3d: {  	_ =	shalt  }
0x3e: {  	_ =	shalt  }
0x3f: {  	_ =	shalt  }
0x40: {  	_ =	shalt  }
0x41: {  	_ =	shalt  }
0x42: {  	_ =	shalt  }
0x43: {  	_ =	shalt  }
0x44: {  	_ =	shalt  }
0x45: {  	_ =	shalt  }
0x46: {  	_ =	shalt  }
0x47: {  	_ =	shalt  }
0x48: {  	_ =	shalt  }
0x49: {  	_ =	shalt  }
0x4a: {  	_ =	shalt  }
0x4b: {  	_ =	shalt  }
0x4c: {  	_ =	shalt  }
0x4d: {  	_ =	shalt  }
0x4e: {  	_ =	shalt  }
0x4f: {  	_ =	shalt  }
0x50: {  	_ =	shalt  }
0x51: {  	_ =	shalt  }
0x52: {  	_ =	shalt  }
0x53: {  	_ =	shalt  }
0x54: {  	_ =	shalt  }
0x55: {  	_ =	shalt  }
0x56: {  	_ =	shalt  }
0x57: {  	_ =	shalt  }
0x58: {  	_ =	shalt  }
0x59: {  	_ =	shalt  }
0x5a: {  	_ =	shalt  }
0x5b: {  	_ =	shalt  }
0x5c: {  	_ =	shalt  }
0x5d: {  	_ =	shalt  }
0x5e: {  	_ =	shalt  }
0x5f: {  	_ =	shalt  }
0x60: {  	_ =	shalt  }
0x61: {  	_ =	shalt  }
0x62: {  	_ =	shalt  }
0x63: {  	_ =	shalt  }
0x64: {  	_ =	shalt  }
0x65: {  	_ =	shalt  }
0x66: {  	_ =	shalt  }
0x67: {  	_ =	shalt  }
0x68: {  	_ =	shalt  }
0x69: {  	_ =	shalt  }
0x6a: {  	_ =	shalt  }
0x6b: {  	_ =	shalt  }
0x6c: {  	_ =	shalt  }
0x6d: {  	_ =	shalt  }
0x6e: {  	_ =	shalt  }
0x6f: {  	_ =	shalt  }
0x70: {  	_ =	shalt  }
0x71: {  	_ =	shalt  }
0x72: {  	_ =	shalt  }
0x73: {  	_ =	shalt  }
0x74: {  	_ =	shalt  }
0x75: {  	_ =	shalt  }
0x76: {  	_ =	shalt  }
0x77: {  	_ =	shalt  }
0x78: {  	_ =	shalt  }
0x79: {  	_ =	shalt  }
0x7a: {  	_ =	shalt  }
0x7b: {  	_ =	shalt  }
0x7c: {  	_ =	shalt  }
0x7d: {  	_ =	shalt  }
0x7e: {  	_ =	shalt  }
0x7f: {  	_ =	shalt  }
0x80: {  	_ =	shalt  }
0x81: {  	_ =	shalt  }
0x82: {  	_ =	shalt  }
0x83: {  	_ =	shalt  }
0x84: {  	_ =	shalt  }
0x85: {  	_ =	shalt  }
0x86: {  	_ =	shalt  }
0x87: {  	_ =	shalt  }
.Lfunc_end0:
.L_simem_size_0:
called_computation.1_lowered:
.L_overlay_start_0:
0x88: {  	s2 =	sld [smem:$0x3FD9]  }
0x89: {  	s3 =	sld [smem:$0x3FFE];
	_ =	sdelay $0x1  }
0x8a: {  	s1 =	srdreg.scid  }
0x8b: {  	s0 =	sand.u32 $0x1, s1  }
0x8c: {  	s16 =	sshll.u32 s0, $0xA;
	s2 =	sadd.s32 s3, s2  }
0x8d: {  	s2 =	sadd.s32 s2, s16  }
0x8e: {  	[smem:$0x3FBB] =	sst s2  }
0x8f: {  	_ = 	snop  }
0x90: {  	(tm) =	ssettm $0x1  }
0x91: {  	s17 =	sld [smem:$0x3FFB];
	_ =	sdelay $0x3  }
0x92: {  	_ =	strace s17  }
0x93: {  	s2 =	sld [smem:$0x3FFC];
	_ =	sdelay $0x3  }
0x94: {  	_ =	strace s2  }
0x95: {  	s2 =	sld [smem:$0x3FFD];
	_ =	sdelay $0x3  }
0x96: {  	_ =	strace s2  }
0x97: {  	_ =	strace $0x8FFFFFFF  }
0x98: {  	s18 =	sld [smem:$0x3FDB];
	_ =	sdelay $0x1  }
0x99: {  	s19 =	simm.s32 $_scs_section_size  }
0x9a: {  	s4 =	simm.s32 $_size__tile_overlayer_lowered;
	s5 =	simm.s32 $_tile_overlayer_lowered  }
0x9b: {  	s22 =	simm.s32 $0x1BFF;
	s21 =	sshll.u32 s5, $0x1;
	s2 =	sadd.s32 s19, s18  }
0x9c: {  	s6 =	simm.s32 $0x0;
	s20 =	sshll.u32 s4, $0x1;
	s4 =	sadd.s32 s21, s2  }
0x9d: {  	[timem:s6], [sflag:s22] =	dma.local [hbm:s4], s20  }
0x9e: {  	_ =	swait.ge [sflag:s22], s20  }
0x9f: {  	s3 =	ssub.s32 $0x0, s20;
	[sflag:s22] =	ssyncset.done $0x0  }
0xa0: {  	[sflag:s22] =	ssyncadd.s32 s3;
	_ =	sdelay $0x1  }
0xa1: {  	s23 =	simm.s32 $0x1B8B  }
0xa2: {  	_ =	swait.ge [sflag:s23], $0x1  }
0xa3: {  	[sflag:s23] =	ssyncset.done $0x0  }
0xa4: {  	s25 =	simm.s32 $0x1B8E;
	s24 =	sld [smem:$0x3FFE];
	[sflag:s23] =	ssyncadd.s32 $0xFFFFFFFF  }
0xa5: {  	s26 =	simm.s32 $execute0_lowered;
	[smem:$0x3FD2] =	sst s25  }
0xa6: {  	s4 =	sshll.u32 s26, $0x1;
	_ =	strace $0x80000049;
	[dreg:$0x1] =	wrdreg $0xFFFFFFFF  }
0xa7: {  	s28 =	simm.s32 $_size_execute0_lowered;
	s2 =	sadd.s32 s2, s4;
	[dreg:$0x0] =	wrdreg $0x0  }
0xa8: {  	s4 =	sshll.u32 s28, $0x1;
	[dreg:$0x2] =	wrdreg s2  }
0xa9: {  	[dreg:$0x3] =	wrdreg s4  }
0xaa: {  	[dreg:$0x4] =	wrdreg $0xC0  }
0xab: {  	_ =	task [dreg:s6], $0x5FFFF  }
0xac: {  	[dreg:$0x1] =	wrdreg $0xFFFFFFFF  }
0xad: {  	[dreg:$0x0] =	wrdreg $0x60  }
0xae: {  	[dreg:$0x2] =	wrdreg s24  }
0xaf: {  	[dreg:$0x3] =	wrdreg $0x9  }
0xb0: {  	_ =	task.clear_ibuf [dreg:s6], $0x4FFFF;
	_ =	strace $0x90000049  }
0xb1: {  	s29 =	simm.s32 $0x9;
	_ =	strace $0x8000004B  }
0xb2: {  	_ =	swait.ge [sflag:s29], $0x1  }
0xb3: {  	[sflag:s29] =	ssyncadd.s32 $0xFFFFFFFF  }
0xb4: {  	_ =	strace $0x9000004B  }
0xb5: {  	_ =	sfence  }
0xb6: {  	s30 =	sld [smem:$0x0];
	_ =	sdelay $0x2  }
0xb7: {  	s31 =	sshll.u32 s1, $0xD;
	s1 =	sshrl.u32 s1, $0x2  }
0xb8: {  	s3 =	sand.u32 $0x4000, s31;
	s1 =	sadd.s32 s1, s30  }
0xb9: {  	s0 =	sor.u32 s3, s0;
	s1 =	sshll.u32 s1, $0x11  }
0xba: {  	s0 =	sor.u32 s1, s0  }
0xbb: {  	s0 =	sadd.s32 $0x8F2B, s0  }
0xbc: {  	[sflag:s0] =	ssyncadd.remote.s32 $0x1  }
0xbd: {  	_ =	sfence.sel $0xFFFF  }
0xbe: {  	[dreg:$0x0] =	wrdreg $0xFFFFFFFF;
	(pc) =	sbr.abs _section_cstart, $3  }
0xbf: {  	[dreg:$0x1] =	wrdreg $0xFFFFFFFF  }
0xc0: {  	_ =	task.clear_ibuf [dreg:s6], $0x2FFFF;
	_ =	strace $0x9FFFFFFF  }
0xc1: {  	(tm) =	ssettm $0x7FFFFFFF  }
tec
execute0_lowered:
.L_overlay_start_1:
0x0: {  	(tag) =	ssettag $0x1  }
0x1: {  	s1 =	srdreg.scid  }
0x2: {  	s0 =	stileid.u32;
	s4 =	rddreg [dreg:$0x0];
	s2 =	simm.s32 $0x0  }
0x3: {  	s14 =	simm.s32 $0x2400;
	s15 =	simm.s32 $0x2;
	s10 =	smul.u32 $0x50000, s0  }
0x4: {  	s16 =	simm.s32 $0x1380;
	s5 =	sand.u32 $0x1, s1;
	s25 =	smul.u32 $0x2800, s0  }
0x5: {  	s17 =	simm.s32 $0x0;
	s3 =	sshll.u32 s0, $0x1;
	s12 =	smul.u32 $0x28000, s5  }
0x6: {  	s1 =	rddreg [dreg:$0x1];
	s6 =	sor.u32 s5, s3;
	s28 =	smul.u32 $0x1400, s5  }
0x7: {  	[smem:$0x7FF] =	sst s2;
	s13 =	sadd.s32 $0x11800, s4;
	s7 =	smul.u32 $0x1400, s6  }
0x8: {  	_ =	strace $0x8000004A;
	s9 =	ssub.s32 $0x2, s5;
	s8 =	smul.u32 $0x28000, s6  }
0x9: {  	s3 =	sadd.s32 $0x7800, s4;
	s11 =	sshrl.u32 s9, $0x1;
	s29 =	smul.u32 $0x5000, s6  }
0xa: {  	s9 =	ssub.s32 s9, s11;
	s30 =	sadd.s32 s12, s10;
	s12 =	simm.s32 $0x1400  }
0xb: {  	s7 =	sshrl.u32 s7, $0x3;
	s26 =	sshrl.u32 s8, $0x3;
	s5 =	smax.u32 s9, $0x1  }
0xc: {  	s8 =	sadd.s32 s28, s25;
	s9 =	sadd.s32 s13, s29;
	s10 =	sshrl.u32 s30, $0x3  }
0xd: {  	s7 =	sadd.s32 s7, s4;
	s11 =	sshll.u32 s8, $0x2;
	s8 =	sadd.s32 s10, s13  }
0xe: {  	s10 =	simm.s32 $0x3;
	s4 =	sadd.s32 $0x2800, s7;
	s7 =	sadd.s32 s13, s26  }
0xf: {  	s31 =	sadd.s32 s11, s13;
	s11 =	simm.s32 $0x80;
	s13 =	simm.s32 $0x1  }
0x10: {  	s6 =	sadd.s32 $0x4C00, s7;
	s7 =	sadd.s32 $0x4E00, s9;
	s9 =	sadd.s32 $0x200, s31  }
.LBB2_1:
0x11: {  	[tilespmem:s2], [sflag:$0x3] =	stream.linear.gather [hbm4b:s4+s2], $0x1400, $0x38;
	[tilespmem:$0x3400] =	vst v63  }
0x12: {  	_ =	swait.ge [sflag:s10], $0x1400  }
0x13: {  	[sflag:s10] =	ssyncset.done $0x0  }
0x14: {  	[sflag:s10] =	ssyncadd.s32 $0xFFFFEC00  }
0x15: {  	[tilespmem:s12], [sflag:$0x1] =	stream.indirect.gather [hbm4b:s3+s11], $0x20, s2, s11, $0xb8;
	[tilespmem:$0x3400] =	vst v63  }
0x16: {  	_ =	swait.ge [sflag:s13], $0x1000  }
0x17: {  	[sflag:s13] =	ssyncset.done $0x0  }
0x18: {  	s18 =	simm.s32 $0x80;
	[sflag:s13] =	ssyncadd.s32 $0xFFFFF000  }
0x19: {  	[tilespmem:s14], [sflag:$0x2] =	stream.indirect.gather [hbm4b:s3+s11], $0x20, s18, s11, $0xb8;
	[tilespmem:$0x3400] =	vst v63  }
0x1a: {  	s29 =	sadd.s32 $0x0, s8  }
0x1b: {  	[hbm4b:s29+s2] =	stream.linear.scatter [tilespmem:s12], [sflag:$0x3], $0x1000, $0x38;
	[tilespmem:$0x3400] =	vst v63  }
0x1c: {  	_ =	swait.ge [sflag:s10], $0x1000  }
0x1d: {  	[sflag:s10] =	ssyncset.done $0x0  }
0x1e: {  	[sflag:s10] =	ssyncadd.s32 $0xFFFFF000  }
0x1f: {  	_ =	swait.ge [sflag:s15], $0x1000  }
0x20: {  	[sflag:s15] =	ssyncset.done $0x0  }
0x21: {  	s30 =	simm.s32 $0x100;
	[sflag:s15] =	ssyncadd.s32 $0xFFFFF000  }
0x22: {  	[tilespmem:s12], [sflag:$0x1] =	stream.indirect.gather [hbm4b:s3+s11], $0x20, s30, s11, $0xb8;
	[tilespmem:$0x3400] =	vst v63  }
0x23: {  	s31 =	sadd.s32 $0x0, s9  }
0x24: {  	[hbm4b:s31+s2] =	stream.linear.scatter [tilespmem:s14], [sflag:$0x3], $0x1000, $0x38;
	[tilespmem:$0x3400] =	vst v63  }
0x25: {  	_ =	swait.ge [sflag:s10], $0x1000  }
0x26: {  	s18 =	simm.s32 $0x400;
	[sflag:s10] =	ssyncset.done $0x0  }
.LBB2_2:
0x27: {  	p0 =	sne.s32 s18, $0x4800  }
0x28: {  	[sflag:s10] =	ssyncadd.s32 $0xFFFFF000;
	s19 =	smov.u32 s18;
	s18 =	sadd.s32 $0x400, s18  }
0x29: {  	_ = 	snop  }
0x2a: {  	_ =	swait.ge [sflag:s13], $0x1000  }
0x2b: {  	s20 =	sshra.s32 s19, $0x2;
	[sflag:s13] =	ssyncset.done $0x0  }
0x2c: {  	s21 =	sadd.s32 $0x80, s20;
	[sflag:s13] =	ssyncadd.s32 $0xFFFFF000  }
0x2d: {  	[tilespmem:s14], [sflag:$0x2] =	stream.indirect.gather [hbm4b:s3+s11], $0x20, s21, s11, $0xb8;
	[tilespmem:$0x3400] =	vst v63  }
0x2e: {  	s21 =	sadd.s32 s19, s8  }
0x2f: {  	[hbm4b:s21+s2] =	stream.linear.scatter [tilespmem:s12], [sflag:$0x3], $0x1000, $0x38;
	[tilespmem:$0x3400] =	vst v63  }
0x30: {  	_ =	swait.ge [sflag:s10], $0x1000  }
0x31: {  	[sflag:s10] =	ssyncset.done $0x0  }
0x32: {  	[sflag:s10] =	ssyncadd.s32 $0xFFFFF000  }
0x33: {  	_ =	swait.ge [sflag:s15], $0x1000  }
0x34: {  	[sflag:s15] =	ssyncset.done $0x0  }
0x35: {  	s20 =	sadd.s32 $0x100, s20;
	[sflag:s15] =	ssyncadd.s32 $0xFFFFF000  }
0x36: {  	[tilespmem:s12], [sflag:$0x1] =	stream.indirect.gather [hbm4b:s3+s11], $0x20, s20, s11, $0xb8;
	[tilespmem:$0x3400] =	vst v63  }
.Ltmp0:
0x37: {  	_ = 	snop;
	(pc) =	sbr.rel @p0 .LBB2_2-.Ltmp0, $4  }
0x38: {  	s19 =	sadd.s32 s19, s9  }
0x39: {  	[hbm4b:s19+s2] =	stream.linear.scatter [tilespmem:s14], [sflag:$0x3], $0x1000, $0x38;
	[tilespmem:$0x3400] =	vst v63  }
0x3a: {  	_ =	swait.ge [sflag:s10], $0x1000  }
0x3b: {  	[sflag:s10] =	ssyncset.done $0x0  }
0x3c: {  	[sflag:s10] =	ssyncadd.s32 $0xFFFFF000  }
0x3d: {  	_ =	swait.ge [sflag:s13], $0x1000  }
0x3e: {  	[sflag:s13] =	ssyncset.done $0x0  }
0x3f: {  	[sflag:s13] =	ssyncadd.s32 $0xFFFFF000  }
0x40: {  	[tilespmem:s14], [sflag:$0x2] =	stream.indirect.gather [hbm4b:s3+s11], $0x20, s16, s11, $0xb8;
	[tilespmem:$0x3400] =	vst v63  }
0x41: {  	_ = 	snop  }
0x42: {  	[hbm4b:s6+s2] =	stream.linear.scatter [tilespmem:s12], [sflag:$0x3], $0x1000, $0x38;
	[tilespmem:$0x3400] =	vst v63  }
0x43: {  	_ =	swait.ge [sflag:s10], $0x1000  }
0x44: {  	[sflag:s10] =	ssyncset.done $0x0  }
0x45: {  	[sflag:s10] =	ssyncadd.s32 $0xFFFFF000  }
0x46: {  	s17 =	sadd.s32 $0x1, s17;
	_ =	swait.ge [sflag:s15], $0x1000  }
0x47: {  	p0 =	sne.s32 s17, s5;
	[sflag:s15] =	ssyncset.done $0x0  }
.Ltmp1:
0x48: {  	[sflag:s15] =	ssyncadd.s32 $0xFFFFF000;
	(pc) =	sbr.rel @p0 .LBB2_1-.Ltmp1, $4  }
0x49: {  	[hbm4b:s7+s2] =	stream.linear.scatter [tilespmem:s14], [sflag:$0x3], $0x1000, $0x38;
	[tilespmem:$0x3400] =	vst v63  }
0x4a: {  	_ =	swait.ge [sflag:s10], $0x1000  }
0x4b: {  	[sflag:s10] =	ssyncset.done $0x0  }
0x4c: {  	[sflag:s10] =	ssyncadd.s32 $0xFFFFF000  }
0x4d: {  	_ =	sfence.sel $0x180000  }
0x4e: {  	[bflag:$0x0] =	sbarrier.arrive $0xFFFF  }
0x4f: {  	p0 =	sne.s32 s0, $0x0;
	_ =	strace $0x9000004A  }
0x50: {  	s0 =	sadd.s32 @!p0 $0x100000, s1;
	[bflag:$0x2] =	sbarrier.arrive $0xFFFF  }
0x51: {  	[sflag:s0] =	ssyncadd.tile.s32 @!p0 $0x1;
	_ =	shalt  }
.Lfunc_end2:
_tile_overlayer_lowered:
.L_overlay_start_2:
0x52: {  	(tag) =	ssettag $0x2  }
0x53: {  	s0 =	rddreg [dreg:$0x0];
	s2 =	stileid.u32  }
0x54: {  	s1 =	rddreg [dreg:$0x1];
	p0 =	sne.s32 s2, $0x0  }
0x55: {  	s3 =	rddreg [dreg:$0x2];
	[bflag:$0x3] =	sbarrier.arrive $0xFFFF;
	s2 =	simm.s32 @!p0 $0x1C03  }
0x56: {  	[timem:s3], [sflag:s2] =	dma.local @!p0 [hbm:s0], s1  }
0x57: {  	s0 =	simm.s32 @!p0 $0x3  }
0x58: {  	_ =	swait.ge @!p0 [sflag:s0], s1  }
0x59: {  	s1 =	ssub.s32 @!p0 $0x0, s1;
	[sflag:s0] =	ssyncset.done @!p0 $0x0  }
0x5a: {  	[sflag:s0] =	ssyncadd.s32 @!p0 s1  }
0x5b: {  	[bflag:$0x3] =	sbarrier.arrive $0xFFFF  }
0x5c: {  	_ =	shalt  }

// kernel: kernel.8.cloned.1.call-start
scs
__scs_entry_jumppad:
0x0: {  	(pc) =	sbr.rel $0x88, $3  }
0x1: {  	(tag) =	ssettag $0x0;
	lr =	simm.s32 $0x1  }
0x2: {  	[smem:$0x3F94] =	sst lr;
	_ =	strace $0xD0000000  }
0x3: {  	_ = 	snop  }
0x4: {  	_ = 	snop  }
0x5: {  	_ = 	snop  }
0x6: {  	_ = 	snop  }
0x7: {  	_ = 	snop  }
__scs_overlays_trampoline_lowered:
0x8: {  	[smem:$0x3FA3] =	sst s0  }
0x9: {  	[smem:$0x3FA4] =	sst s1  }
0xa: {  	[smem:$0x3FA5] =	sst s2  }
0xb: {  	[smem:$0x3FA6] =	sst s3  }
0xc: {  	[smem:$0x3FA7] =	sst s4  }
0xd: {  	[smem:$0x3FA8] =	sst s5  }
0xe: {  	[smem:$0x3FA9] =	sst s6  }
0xf: {  	[smem:$0x3FAA] =	sst s7  }
0x10: {  	[smem:$0x3FAB] =	sst s8  }
0x11: {  	[smem:$0x3FAC] =	sst s9;
	s0 =	simm.s32 @!p0 $0x0  }
0x12: {  	s1 =	sld [smem:$0x3F92];
	s0 =	simm.s32 @p0 $0x1  }
0x13: {  	[smem:$0x3FAD] =	sst s0;
	s0 =	simm.s32 @!p1 $0x0  }
0x14: {  	s2 =	sld [smem:$0x3F91];
	s0 =	simm.s32 @p1 $0x1  }
0x15: {  	[smem:$0x3FAE] =	sst s0;
	s0 =	simm.s32 @!p2 $0x0  }
0x16: {  	s3 =	sld [smem:$0x3FDB];
	s0 =	simm.s32 @p2 $0x1  }
0x17: {  	s4 =	simm.s32 $0x1BF5;
	[smem:$0x3FB0] =	sst s0  }
0x18: {  	s0 =	sld [smem:$0x3F93];
	_ =	swait.ge [sflag:s4], $0x0  }
0x19: {  	s7 =	sld [smem:$0x3F94]  }
0x1a: {  	s8 =	sadd.s32 $0xFFFFE003, lr  }
0x1b: {  	s9 =	sadd.s32 $0xFFFFFEF7, lr;
	s5 =	simm.s32 $0xFFFFFFFF;
	p2 =	slt.u32 s8, $0xFFFFF086  }
0x1c: {  	p1 =	slt.u32 s9, $0xF7A;
	s5 =	simm.s32 @!p2 $0x0  }
0x1d: {  	s5 =	simm.s32 @p1 $0x1;
	p0 =	seq.s32 s7, s2  }
0x1e: {  	s7 =	smul.u32 @!p0 $0xF7A, s2;
	p2 =	seq.s32 @!p0 s5, $0x0  }
0x1f: {  	s9 =	smul.u32 $0xF7A, s1;
	s8 =	simm.s32 @!p0 $0x1BF5;
	p2 =	por !p2, p0  }
0x20: {  	[sflag:s8] =	ssyncset.s32 @!p0 $0xFFFFF086;
	s6 =	sadd.s32 @!p0 s3, s7;
	s7 =	simm.s32 @!p0 $0x108  }
0x21: {  	s3 =	sadd.s32 s3, s9;
	s6 =	sadd.s32 @!p0 $0x88, s6;
	s7 =	simm.s32 @p2 $0x1082  }
0x22: {  	[simem:s7], [sflag:s8] =	dma.local @!p0 [hbm:s6], $0xF7A  }
0x23: {  	s9 =	sor.u32 $0xD0000000, s2;
	s6 =	simm.s32 $0x108;
	_ =	swait.ge @!p0 [sflag:s8], $0x0  }
0x24: {  	s3 =	sadd.s32 $0x88, s3;
	s6 =	simm.s32 @!p1 $0x1082;
	[sflag:s4] =	ssyncset.s32 $0xFFFFF086  }
0x25: {  	[simem:s6], [sflag:s4] =	dma.local [hbm:s3], $0xF7A  }
0x26: {  	[smem:$0x3F94] =	sst s1;
	(tag) =	ssettag s2;
	_ =	strace s9  }
0x27: {  	s1 =	sld [smem:$0x3FA4]  }
0x28: {  	s2 =	sld [smem:$0x3FA5]  }
0x29: {  	s4 =	sld [smem:$0x3FA7]  }
0x2a: {  	p0 =	seq.s32 s5, $0x0;
	s5 =	sld [smem:$0x3FA8]  }
0x2b: {  	s6 =	sld [smem:$0x3FA9]  }
0x2c: {  	s7 =	sld [smem:$0x3FAA]  }
0x2d: {  	s3 =	simm.s32 $0x108;
	s8 =	sld [smem:$0x3FAB]  }
0x2e: {  	s3 =	simm.s32 @!p0 $0x1082;
	s9 =	sld [smem:$0x3FAC]  }
0x2f: {  	lr =	sadd.s32 s0, s3;
	s0 =	sld [smem:$0x3FA3]  }
0x30: {  	s3 =	sld [smem:$0x3FA6]  }
0x31: {  	[smem:$0x3FAF] =	sst s10  }
0x32: {  	s10 =	sld [smem:$0x3FAD];
	_ =	sdelay $0x3  }
0x33: {  	p0 =	seq.s32 s10, $0x1;
	s10 =	sld [smem:$0x3FAF];
	_ =	sdelay $0x3  }
0x34: {  	[smem:$0x3FAF] =	sst s10  }
0x35: {  	s10 =	sld [smem:$0x3FAE];
	_ =	sdelay $0x3  }
0x36: {  	p1 =	seq.s32 s10, $0x1;
	s10 =	sld [smem:$0x3FAF];
	_ =	sdelay $0x3  }
0x37: {  	[smem:$0x3FAF] =	sst s10  }
0x38: {  	s10 =	sld [smem:$0x3FB0]  }
0x39: {  	_ = 	snop;
	(pc) =	sbr.ind lr, $3  }
0x3a: {  	_ = 	snop  }
0x3b: {  	_ = 	snop  }
0x3c: {  	p2 =	seq.s32 s10, $0x1;
	s10 =	sld [smem:$0x3FAF]  }
0x3d: {  	_ =	shalt  }
0x3e: {  	_ =	shalt  }
0x3f: {  	_ =	shalt  }
0x40: {  	_ =	shalt  }
0x41: {  	_ =	shalt  }
0x42: {  	_ =	shalt  }
0x43: {  	_ =	shalt  }
0x44: {  	_ =	shalt  }
0x45: {  	_ =	shalt  }
0x46: {  	_ =	shalt  }
0x47: {  	_ =	shalt  }
0x48: {  	_ =	shalt  }
0x49: {  	_ =	shalt  }
0x4a: {  	_ =	shalt  }
0x4b: {  	_ =	shalt  }
0x4c: {  	_ =	shalt  }
0x4d: {  	_ =	shalt  }
0x4e: {  	_ =	shalt  }
0x4f: {  	_ =	shalt  }
0x50: {  	_ =	shalt  }
0x51: {  	_ =	shalt  }
0x52: {  	_ =	shalt  }
0x53: {  	_ =	shalt  }
0x54: {  	_ =	shalt  }
0x55: {  	_ =	shalt  }
0x56: {  	_ =	shalt  }
0x57: {  	_ =	shalt  }
0x58: {  	_ =	shalt  }
0x59: {  	_ =	shalt  }
0x5a: {  	_ =	shalt  }
0x5b: {  	_ =	shalt  }
0x5c: {  	_ =	shalt  }
0x5d: {  	_ =	shalt  }
0x5e: {  	_ =	shalt  }
0x5f: {  	_ =	shalt  }
0x60: {  	_ =	shalt  }
0x61: {  	_ =	shalt  }
0x62: {  	_ =	shalt  }
0x63: {  	_ =	shalt  }
0x64: {  	_ =	shalt  }
0x65: {  	_ =	shalt  }
0x66: {  	_ =	shalt  }
0x67: {  	_ =	shalt  }
0x68: {  	_ =	shalt  }
0x69: {  	_ =	shalt  }
0x6a: {  	_ =	shalt  }
0x6b: {  	_ =	shalt  }
0x6c: {  	_ =	shalt  }
0x6d: {  	_ =	shalt  }
0x6e: {  	_ =	shalt  }
0x6f: {  	_ =	shalt  }
0x70: {  	_ =	shalt  }
0x71: {  	_ =	shalt  }
0x72: {  	_ =	shalt  }
0x73: {  	_ =	shalt  }
0x74: {  	_ =	shalt  }
0x75: {  	_ =	shalt  }
0x76: {  	_ =	shalt  }
0x77: {  	_ =	shalt  }
0x78: {  	_ =	shalt  }
0x79: {  	_ =	shalt  }
0x7a: {  	_ =	shalt  }
0x7b: {  	_ =	shalt  }
0x7c: {  	_ =	shalt  }
0x7d: {  	_ =	shalt  }
0x7e: {  	_ =	shalt  }
0x7f: {  	_ =	shalt  }
0x80: {  	_ =	shalt  }
0x81: {  	_ =	shalt  }
0x82: {  	_ =	shalt  }
0x83: {  	_ =	shalt  }
0x84: {  	_ =	shalt  }
0x85: {  	_ =	shalt  }
0x86: {  	_ =	shalt  }
0x87: {  	_ =	shalt  }
.Lfunc_end0:
.L_simem_size_0:
called_computation_lowered:
.L_overlay_start_0:
0x88: {  	s2 =	sld [smem:$0x3FD9]  }
0x89: {  	s3 =	sld [smem:$0x3FFE];
	_ =	sdelay $0x1  }
0x8a: {  	s1 =	srdreg.scid  }
0x8b: {  	s0 =	sand.u32 $0x1, s1  }
0x8c: {  	s16 =	sshll.u32 s0, $0xA;
	s2 =	sadd.s32 s3, s2  }
0x8d: {  	s2 =	sadd.s32 s2, s16  }
0x8e: {  	[smem:$0x3FBB] =	sst s2  }
0x8f: {  	_ = 	snop  }
0x90: {  	(tm) =	ssettm $0x1  }
0x91: {  	s17 =	sld [smem:$0x3FFB];
	_ =	sdelay $0x3  }
0x92: {  	_ =	strace s17  }
0x93: {  	s2 =	sld [smem:$0x3FFC];
	_ =	sdelay $0x3  }
0x94: {  	_ =	strace s2  }
0x95: {  	s2 =	sld [smem:$0x3FFD];
	_ =	sdelay $0x3  }
0x96: {  	_ =	strace s2  }
0x97: {  	_ =	strace $0x8FFFFFFF  }
0x98: {  	s18 =	sld [smem:$0x3FDB];
	_ =	sdelay $0x1  }
0x99: {  	s19 =	simm.s32 $_scs_section_size  }
0x9a: {  	s4 =	simm.s32 $_size__tile_overlayer_lowered;
	s5 =	simm.s32 $_tile_overlayer_lowered  }
0x9b: {  	s22 =	simm.s32 $0x1BFF;
	s21 =	sshll.u32 s5, $0x1;
	s2 =	sadd.s32 s19, s18  }
0x9c: {  	s6 =	simm.s32 $0x0;
	s20 =	sshll.u32 s4, $0x1;
	s4 =	sadd.s32 s21, s2  }
0x9d: {  	[timem:s6], [sflag:s22] =	dma.local [hbm:s4], s20  }
0x9e: {  	_ =	swait.ge [sflag:s22], s20  }
0x9f: {  	s3 =	ssub.s32 $0x0, s20;
	[sflag:s22] =	ssyncset.done $0x0  }
0xa0: {  	[sflag:s22] =	ssyncadd.s32 s3;
	_ =	sdelay $0x1  }
0xa1: {  	s23 =	simm.s32 $0x1B8B  }
0xa2: {  	_ =	swait.ge [sflag:s23], $0x1  }
0xa3: {  	[sflag:s23] =	ssyncset.done $0x0  }
0xa4: {  	s25 =	simm.s32 $0x1B8E;
	s24 =	sld [smem:$0x3FFE];
	[sflag:s23] =	ssyncadd.s32 $0xFFFFFFFF  }
0xa5: {  	s26 =	simm.s32 $execute0_lowered;
	[smem:$0x3FD2] =	sst s25  }
0xa6: {  	s4 =	sshll.u32 s26, $0x1;
	_ =	strace $0x80000046;
	[dreg:$0x1] =	wrdreg $0xFFFFFFFF  }
0xa7: {  	s28 =	simm.s32 $_size_execute0_lowered;
	s2 =	sadd.s32 s2, s4;
	[dreg:$0x0] =	wrdreg $0x0  }
0xa8: {  	s4 =	sshll.u32 s28, $0x1;
	[dreg:$0x2] =	wrdreg s2  }
0xa9: {  	[dreg:$0x3] =	wrdreg s4  }
0xaa: {  	[dreg:$0x4] =	wrdreg $0xC0  }
0xab: {  	_ =	task [dreg:s6], $0x5FFFF  }
0xac: {  	[dreg:$0x1] =	wrdreg $0xFFFFFFFF  }
0xad: {  	[dreg:$0x0] =	wrdreg $0x60  }
0xae: {  	[dreg:$0x2] =	wrdreg s24  }
0xaf: {  	[dreg:$0x3] =	wrdreg $0x9  }
0xb0: {  	_ =	task.clear_ibuf [dreg:s6], $0x4FFFF;
	_ =	strace $0x90000046  }
0xb1: {  	s29 =	simm.s32 $0x9;
	_ =	strace $0x80000048  }
0xb2: {  	_ =	swait.ge [sflag:s29], $0x1  }
0xb3: {  	[sflag:s29] =	ssyncadd.s32 $0xFFFFFFFF  }
0xb4: {  	_ =	strace $0x90000048  }
0xb5: {  	_ =	sfence  }
0xb6: {  	s30 =	sld [smem:$0x0];
	_ =	sdelay $0x2  }
0xb7: {  	s31 =	sshll.u32 s1, $0xD;
	s1 =	sshrl.u32 s1, $0x2  }
0xb8: {  	s3 =	sand.u32 $0x4000, s31;
	s1 =	sadd.s32 s1, s30  }
0xb9: {  	s0 =	sor.u32 s3, s0;
	s1 =	sshll.u32 s1, $0x11  }
0xba: {  	s0 =	sor.u32 s1, s0  }
0xbb: {  	s0 =	sadd.s32 $0x8F2B, s0  }
0xbc: {  	[sflag:s0] =	ssyncadd.remote.s32 $0x1  }
0xbd: {  	_ =	sfence.sel $0xFFFF  }
0xbe: {  	[dreg:$0x0] =	wrdreg $0xFFFFFFFF;
	(pc) =	sbr.abs _section_cstart, $3  }
0xbf: {  	[dreg:$0x1] =	wrdreg $0xFFFFFFFF  }
0xc0: {  	_ =	task.clear_ibuf [dreg:s6], $0x2FFFF;
	_ =	strace $0x9FFFFFFF  }
0xc1: {  	(tm) =	ssettm $0x7FFFFFFF  }
tec
execute0_lowered:
.L_overlay_start_1:
0x0: {  	(tag) =	ssettag $0x1  }
0x1: {  	s1 =	srdreg.scid  }
0x2: {  	s0 =	stileid.u32;
	s4 =	rddreg [dreg:$0x0];
	s2 =	simm.s32 $0x0  }
0x3: {  	s14 =	simm.s32 $0x2400;
	s15 =	simm.s32 $0x2;
	s10 =	smul.u32 $0x50000, s0  }
0x4: {  	s16 =	simm.s32 $0x1380;
	s5 =	sand.u32 $0x1, s1;
	s25 =	smul.u32 $0x2800, s0  }
0x5: {  	s17 =	simm.s32 $0x0;
	s3 =	sshll.u32 s0, $0x1;
	s12 =	smul.u32 $0x28000, s5  }
0x6: {  	s1 =	rddreg [dreg:$0x1];
	s6 =	sor.u32 s5, s3;
	s28 =	smul.u32 $0x1400, s5  }
0x7: {  	[smem:$0x7FF] =	sst s2;
	s13 =	sadd.s32 $0x11800, s4;
	s7 =	smul.u32 $0x1400, s6  }
0x8: {  	_ =	strace $0x80000047;
	s9 =	ssub.s32 $0x2, s5;
	s8 =	smul.u32 $0x28000, s6  }
0x9: {  	s3 =	sadd.s32 $0x7800, s4;
	s11 =	sshrl.u32 s9, $0x1;
	s29 =	smul.u32 $0x5000, s6  }
0xa: {  	s9 =	ssub.s32 s9, s11;
	s30 =	sadd.s32 s12, s10;
	s12 =	simm.s32 $0x1400  }
0xb: {  	s7 =	sshrl.u32 s7, $0x3;
	s26 =	sshrl.u32 s8, $0x3;
	s5 =	smax.u32 s9, $0x1  }
0xc: {  	s8 =	sadd.s32 s28, s25;
	s9 =	sadd.s32 s13, s29;
	s10 =	sshrl.u32 s30, $0x3  }
0xd: {  	s7 =	sadd.s32 s7, s4;
	s11 =	sshll.u32 s8, $0x2;
	s8 =	sadd.s32 s10, s13  }
0xe: {  	s10 =	simm.s32 $0x3;
	s4 =	sadd.s32 $0x2800, s7;
	s7 =	sadd.s32 s13, s26  }
0xf: {  	s31 =	sadd.s32 s11, s13;
	s11 =	simm.s32 $0x80;
	s13 =	simm.s32 $0x1  }
0x10: {  	s6 =	sadd.s32 $0x4C00, s7;
	s7 =	sadd.s32 $0x4E00, s9;
	s9 =	sadd.s32 $0x200, s31  }
.LBB2_1:
0x11: {  	[tilespmem:s2], [sflag:$0x3] =	stream.linear.gather [hbm4b:s4+s2], $0x1400, $0x38;
	[tilespmem:$0x3400] =	vst v63  }
0x12: {  	_ =	swait.ge [sflag:s10], $0x1400  }
0x13: {  	[sflag:s10] =	ssyncset.done $0x0  }
0x14: {  	[sflag:s10] =	ssyncadd.s32 $0xFFFFEC00  }
0x15: {  	[tilespmem:s12], [sflag:$0x1] =	stream.indirect.gather [hbm4b:s3+s11], $0x20, s2, s11, $0xb8;
	[tilespmem:$0x3400] =	vst v63  }
0x16: {  	_ =	swait.ge [sflag:s13], $0x1000  }
0x17: {  	[sflag:s13] =	ssyncset.done $0x0  }
0x18: {  	s18 =	simm.s32 $0x80;
	[sflag:s13] =	ssyncadd.s32 $0xFFFFF000  }
0x19: {  	[tilespmem:s14], [sflag:$0x2] =	stream.indirect.gather [hbm4b:s3+s11], $0x20, s18, s11, $0xb8;
	[tilespmem:$0x3400] =	vst v63  }
0x1a: {  	s29 =	sadd.s32 $0x0, s8  }
0x1b: {  	[hbm4b:s29+s2] =	stream.linear.scatter [tilespmem:s12], [sflag:$0x3], $0x1000, $0x38;
	[tilespmem:$0x3400] =	vst v63  }
0x1c: {  	_ =	swait.ge [sflag:s10], $0x1000  }
0x1d: {  	[sflag:s10] =	ssyncset.done $0x0  }
0x1e: {  	[sflag:s10] =	ssyncadd.s32 $0xFFFFF000  }
0x1f: {  	_ =	swait.ge [sflag:s15], $0x1000  }
0x20: {  	[sflag:s15] =	ssyncset.done $0x0  }
0x21: {  	s30 =	simm.s32 $0x100;
	[sflag:s15] =	ssyncadd.s32 $0xFFFFF000  }
0x22: {  	[tilespmem:s12], [sflag:$0x1] =	stream.indirect.gather [hbm4b:s3+s11], $0x20, s30, s11, $0xb8;
	[tilespmem:$0x3400] =	vst v63  }
0x23: {  	s31 =	sadd.s32 $0x0, s9  }
0x24: {  	[hbm4b:s31+s2] =	stream.linear.scatter [tilespmem:s14], [sflag:$0x3], $0x1000, $0x38;
	[tilespmem:$0x3400] =	vst v63  }
0x25: {  	_ =	swait.ge [sflag:s10], $0x1000  }
0x26: {  	s18 =	simm.s32 $0x400;
	[sflag:s10] =	ssyncset.done $0x0  }
.LBB2_2:
0x27: {  	p0 =	sne.s32 s18, $0x4800  }
0x28: {  	[sflag:s10] =	ssyncadd.s32 $0xFFFFF000;
	s19 =	smov.u32 s18;
	s18 =	sadd.s32 $0x400, s18  }
0x29: {  	_ = 	snop  }
0x2a: {  	_ =	swait.ge [sflag:s13], $0x1000  }
0x2b: {  	s20 =	sshra.s32 s19, $0x2;
	[sflag:s13] =	ssyncset.done $0x0  }
0x2c: {  	s21 =	sadd.s32 $0x80, s20;
	[sflag:s13] =	ssyncadd.s32 $0xFFFFF000  }
0x2d: {  	[tilespmem:s14], [sflag:$0x2] =	stream.indirect.gather [hbm4b:s3+s11], $0x20, s21, s11, $0xb8;
	[tilespmem:$0x3400] =	vst v63  }
0x2e: {  	s21 =	sadd.s32 s19, s8  }
0x2f: {  	[hbm4b:s21+s2] =	stream.linear.scatter [tilespmem:s12], [sflag:$0x3], $0x1000, $0x38;
	[tilespmem:$0x3400] =	vst v63  }
0x30: {  	_ =	swait.ge [sflag:s10], $0x1000  }
0x31: {  	[sflag:s10] =	ssyncset.done $0x0  }
0x32: {  	[sflag:s10] =	ssyncadd.s32 $0xFFFFF000  }
0x33: {  	_ =	swait.ge [sflag:s15], $0x1000  }
0x34: {  	[sflag:s15] =	ssyncset.done $0x0  }
0x35: {  	s20 =	sadd.s32 $0x100, s20;
	[sflag:s15] =	ssyncadd.s32 $0xFFFFF000  }
0x36: {  	[tilespmem:s12], [sflag:$0x1] =	stream.indirect.gather [hbm4b:s3+s11], $0x20, s20, s11, $0xb8;
	[tilespmem:$0x3400] =	vst v63  }
.Ltmp0:
0x37: {  	_ = 	snop;
	(pc) =	sbr.rel @p0 .LBB2_2-.Ltmp0, $4  }
0x38: {  	s19 =	sadd.s32 s19, s9  }
0x39: {  	[hbm4b:s19+s2] =	stream.linear.scatter [tilespmem:s14], [sflag:$0x3], $0x1000, $0x38;
	[tilespmem:$0x3400] =	vst v63  }
0x3a: {  	_ =	swait.ge [sflag:s10], $0x1000  }
0x3b: {  	[sflag:s10] =	ssyncset.done $0x0  }
0x3c: {  	[sflag:s10] =	ssyncadd.s32 $0xFFFFF000  }
0x3d: {  	_ =	swait.ge [sflag:s13], $0x1000  }
0x3e: {  	[sflag:s13] =	ssyncset.done $0x0  }
0x3f: {  	[sflag:s13] =	ssyncadd.s32 $0xFFFFF000  }
0x40: {  	[tilespmem:s14], [sflag:$0x2] =	stream.indirect.gather [hbm4b:s3+s11], $0x20, s16, s11, $0xb8;
	[tilespmem:$0x3400] =	vst v63  }
0x41: {  	_ = 	snop  }
0x42: {  	[hbm4b:s6+s2] =	stream.linear.scatter [tilespmem:s12], [sflag:$0x3], $0x1000, $0x38;
	[tilespmem:$0x3400] =	vst v63  }
0x43: {  	_ =	swait.ge [sflag:s10], $0x1000  }
0x44: {  	[sflag:s10] =	ssyncset.done $0x0  }
0x45: {  	[sflag:s10] =	ssyncadd.s32 $0xFFFFF000  }
0x46: {  	s17 =	sadd.s32 $0x1, s17;
	_ =	swait.ge [sflag:s15], $0x1000  }
0x47: {  	p0 =	sne.s32 s17, s5;
	[sflag:s15] =	ssyncset.done $0x0  }
.Ltmp1:
0x48: {  	[sflag:s15] =	ssyncadd.s32 $0xFFFFF000;
	(pc) =	sbr.rel @p0 .LBB2_1-.Ltmp1, $4  }
0x49: {  	[hbm4b:s7+s2] =	stream.linear.scatter [tilespmem:s14], [sflag:$0x3], $0x1000, $0x38;
	[tilespmem:$0x3400] =	vst v63  }
0x4a: {  	_ =	swait.ge [sflag:s10], $0x1000  }
0x4b: {  	[sflag:s10] =	ssyncset.done $0x0  }
0x4c: {  	[sflag:s10] =	ssyncadd.s32 $0xFFFFF000  }
0x4d: {  	_ =	sfence.sel $0x180000  }
0x4e: {  	[bflag:$0x0] =	sbarrier.arrive $0xFFFF  }
0x4f: {  	p0 =	sne.s32 s0, $0x0;
	_ =	strace $0x90000047  }
0x50: {  	s0 =	sadd.s32 @!p0 $0x100000, s1;
	[bflag:$0x2] =	sbarrier.arrive $0xFFFF  }
0x51: {  	[sflag:s0] =	ssyncadd.tile.s32 @!p0 $0x1;
	_ =	shalt  }
.Lfunc_end2:
_tile_overlayer_lowered:
.L_overlay_start_2:
0x52: {  	(tag) =	ssettag $0x2  }
0x53: {  	s0 =	rddreg [dreg:$0x0];
	s2 =	stileid.u32  }
0x54: {  	s1 =	rddreg [dreg:$0x1];
	p0 =	sne.s32 s2, $0x0  }
0x55: {  	s3 =	rddreg [dreg:$0x2];
	[bflag:$0x3] =	sbarrier.arrive $0xFFFF;
	s2 =	simm.s32 @!p0 $0x1C03  }
0x56: {  	[timem:s3], [sflag:s2] =	dma.local @!p0 [hbm:s0], s1  }
0x57: {  	s0 =	simm.s32 @!p0 $0x3  }
0x58: {  	_ =	swait.ge @!p0 [sflag:s0], s1  }
0x59: {  	s1 =	ssub.s32 @!p0 $0x0, s1;
	[sflag:s0] =	ssyncset.done @!p0 $0x0  }
0x5a: {  	[sflag:s0] =	ssyncadd.s32 @!p0 s1  }
0x5b: {  	[bflag:$0x3] =	sbarrier.arrive $0xFFFF  }
0x5c: {  	_ =	shalt  }

</sc_bundles>
